<compile_context>
chip_gen: v7x
topology: tpu7x:2x2x1
jax: 0.10.2.dev20260603
libtpu: 0.0.44.dev20260713+nightly
codegen_flags: <defaults>
</compile_context>

<pallas_src>
import functools

import jax
import jax.numpy as jnp
from jax import lax
from jax.experimental import pallas as pl
from jax.experimental.pallas import tpu as pltpu
from jax.experimental.pallas import tpu_sc as plsc

_B, _S, _D = 4, 128, 128
_NB, _E = 32, 64
_C = 3 * _D + _E
_R = 16
_NBUF = 8
_LUT_N = 2048
_LANES = 16


def _bucket_lut(num_identity_buckets=4, num_total_buckets=_NB):
    d = jnp.arange(_LUT_N, dtype=jnp.int32)
    df = d.astype(jnp.float32)
    logspace_idx = jnp.floor(
        jnp.log(jnp.maximum(df, 1.0)) / jnp.log(2.0)).astype(jnp.int32) + 3
    combined = jnp.where(d <= num_identity_buckets, d, logspace_idx)
    return jnp.clip(combined, 0, num_total_buckets - 1)


def _sc_buckets(begin_flat, end_flat, lut):
    n_rows = _B * _S
    info = plsc.get_sparse_core_info()
    nw = info.num_cores * info.num_subcores
    rows_per_w = n_rows // nw

    mesh = plsc.VectorSubcoreMesh(core_axis_name="c", subcore_axis_name="s")

    @functools.partial(
        pl.kernel,
        mesh=mesh,
        out_type=jax.ShapeDtypeStruct((n_rows, _S), jnp.int32),
        compiler_params=pltpu.CompilerParams(needs_layout_passes=False),
        scratch_types=[
            pltpu.VMEM((_S,), jnp.int32),
            pltpu.VMEM((_S,), jnp.int32),
            pltpu.VMEM((_LUT_N,), jnp.int32),
            pltpu.VMEM((rows_per_w, _S), jnp.int32),
        ],
    )
    def k(begin_hbm, end_hbm, lut_hbm, out_hbm, beg_v, end_v, lut_v, rows_v):
        wid = lax.axis_index("s") * info.num_cores + lax.axis_index("c")
        row0 = wid * rows_per_w
        b = row0 // _S
        pltpu.sync_copy(begin_hbm.at[pl.ds(b * _S, _S)], beg_v)
        pltpu.sync_copy(end_hbm.at[pl.ds(b * _S, _S)], end_v)
        pltpu.sync_copy(lut_hbm, lut_v)
        i_base = row0 % _S
        for kk in range(rows_per_w):
            idx_i = jnp.full((_LANES,), i_base + kk, jnp.int32)
            bi = plsc.load_gather(beg_v, [idx_i])
            ei = plsc.load_gather(end_v, [idx_i])
            for jc in range(_S // _LANES):
                bj = beg_v[pl.ds(jc * _LANES, _LANES)]
                ej = end_v[pl.ds(jc * _LANES, _LANES)]
                dd = jnp.maximum(bi - ej, 0) + jnp.maximum(bj - ei, 0)
                dd = jnp.minimum(dd, _LUT_N - 1)
                rows_v[kk, pl.ds(jc * _LANES, _LANES)] = plsc.load_gather(
                    lut_v, [dd])
        pltpu.sync_copy(rows_v, out_hbm.at[pl.ds(row0, rows_per_w)])

    return k(begin_flat, end_flat, lut)


_NCHUNK = 1
_CROWS = _B * _S // _NCHUNK
_CSTEP = _CROWS // _R


def _make_tc_body(row0):
    def body(sv_ref, bk_ref, emb_ref, out_ref, buf, sems):
        step = pl.program_id(0)
        i0 = (row0 + step * _R) % _S
        slot = lax.rem(step, _NBUF)

        @pl.when(step >= _NBUF)
        def _():
            old = step - _NBUF
            pltpu.make_async_copy(
                buf.at[slot], out_ref.at[pl.ds(old * _R, _R)], sems.at[slot]
            ).wait()

        sv = sv_ref[0]
        rows = sv_ref[0, pl.ds(i0, _R), :]
        left = jnp.broadcast_to(rows[:, None, :], (_R, _S, _D))
        right = jnp.broadcast_to(sv[None, :, :], (_R, _S, _D))
        bk = bk_ref[...]
        iot = lax.broadcasted_iota(jnp.int32, (_R, _S, _NB), 2)
        onehot = (bk[:, :, None] == iot).astype(jnp.float32)
        demb = lax.dot_general(
            onehot.reshape(_R * _S, _NB), emb_ref[...],
            (((1,), (0,)), ((), ())),
            preferred_element_type=jnp.float32).reshape(_R, _S, _E)
        buf[slot, :, :, 0:_D] = left
        buf[slot, :, :, _D:2 * _D] = right
        buf[slot, :, :, 2 * _D:3 * _D] = left * right
        buf[slot, :, :, 3 * _D:] = demb
        pltpu.make_async_copy(
            buf.at[slot], out_ref.at[pl.ds(step * _R, _R)], sems.at[slot]
        ).start()

        @pl.when(step == _CSTEP - 1)
        def _():
            for k in range(_NBUF):
                st = _CSTEP - _NBUF + k
                sl = st % _NBUF
                pltpu.make_async_copy(
                    buf.at[sl], out_ref.at[pl.ds(st * _R, _R)], sems.at[sl]
                ).wait()

    return body


def _tc_chunk(span_vecs, buckets, dist_emb, row0):
    return pl.pallas_call(
        _make_tc_body(row0),
        grid=(_CSTEP,),
        in_specs=[
            pl.BlockSpec((1, _S, _D),
                         lambda s, row0=row0: ((row0 + s * _R) // _S, 0, 0)),
            pl.BlockSpec((_R, _S), lambda s, row0=row0: (row0 // _R + s, 0)),
            pl.BlockSpec((_NB, _E), lambda s: (0, 0)),
        ],
        out_specs=pl.BlockSpec(memory_space=pl.ANY),
        out_shape=jax.ShapeDtypeStruct((_CROWS, _S, _C), jnp.float32),
        scratch_shapes=[
            pltpu.VMEM((_NBUF, _R, _S, _C), jnp.float32),
            pltpu.SemaphoreType.DMA((_NBUF,)),
        ],
    )(span_vecs, buckets, dist_emb)


def kernel(span_vecs, span_begin, span_end, dist_emb):
    B, S, _ = span_vecs.shape
    lut = _bucket_lut(num_total_buckets=dist_emb.shape[0])
    bk = _sc_buckets(span_begin.reshape(B * S), span_end.reshape(B * S), lut)
    chunks = [_tc_chunk(span_vecs, bk, dist_emb, c * _CROWS)
              for c in range(_NCHUNK)]
    out = jnp.concatenate(chunks, axis=0) if _NCHUNK > 1 else chunks[0]
    return out.reshape(_B, _S, _S, _C)

# --- scband reference (transcript-rebuilt; emitter-appended) ---
"""Pipeline reference for scband-span-pairs-10050223473143 (READ-ONLY COPY).

The authoritative reference and input builder live on the scoring server;
editing this copy changes nothing except your own understanding.
"""

import jax, jax.numpy as jnp
import numpy as np

NUM_BUCKETS = 32
DIM_DIST_EMB = 64


def bucket_values(distances, num_identity_buckets=4, num_total_buckets=NUM_BUCKETS):
    # Standard log-distance bucketing (AllenNLP / e2e-coref style):
    # identity buckets for small distances, log2-spaced buckets beyond.
    d = distances.astype(jnp.float32)
    logspace_idx = jnp.floor(jnp.log(jnp.maximum(d, 1.0)) / jnp.log(2.0)).astype(jnp.int32) + 3
    use_identity = distances <= num_identity_buckets
    combined = jnp.where(use_identity, distances.astype(jnp.int32), logspace_idx)
    return jnp.clip(combined, 0, num_total_buckets - 1)


def span_distance_tokens(span_begin, span_end):
    b = span_begin.reshape(span_begin.shape[0], -1)
    e = span_end.reshape(span_end.shape[0], -1)
    d = jax.nn.relu(b[:, :, None] - e[:, None, :])
    return d + jnp.transpose(d, (0, 2, 1))


def setup_inputs(seed: int = 0) -> dict:
    key = jax.random.key(seed)
    k1, k2, k3, k4 = jax.random.split(key, 4)
    B, S, D = 4, 128, 128
    span_vecs = jax.random.normal(k1, (B, S, D), dtype=jnp.float32)
    span_begin = jnp.sort(jax.random.randint(k2, (B, S), 0, 2048, dtype=jnp.int32), axis=-1)
    span_end = span_begin + jax.random.randint(k3, (B, S), 0, 16, dtype=jnp.int32)
    dist_emb = jax.random.normal(k4, (NUM_BUCKETS, DIM_DIST_EMB), dtype=jnp.float32) * 0.02
    return {"span_vecs": span_vecs, "span_begin": span_begin, "span_end": span_end, "dist_emb": dist_emb}


def reference(span_vecs, span_begin, span_end, dist_emb):
    B, S, D = span_vecs.shape
    left = jnp.broadcast_to(span_vecs[:, :, None, :], (B, S, S, D))
    right = jnp.broadcast_to(span_vecs[:, None, :, :], (B, S, S, D))
    tmp = [left, right, left * right]
    span_dist = span_distance_tokens(span_begin, span_end)
    buckets = bucket_values(span_dist, num_total_buckets=NUM_BUCKETS)
    tmp.append(jnp.take(dist_emb, buckets, axis=0))
    return jnp.concatenate(tmp, axis=-1)

if __name__ == "__main__":
    import jax
    _d = setup_inputs()
    print(jax.jit(kernel)(*tuple(_d.values())))

</pallas_src>

<mosaic_0001>
#map = affine_map<(d0, d1) -> (0)>
#map1 = affine_map<(d0, d1) -> (0, 0)>
module attributes {stable_mosaic.version = 14 : i64} {
  func.func @k(%arg0: i32, %arg1: i32, %arg2: memref<512xi32, #tpu.memory_space<hbm>>, %arg3: memref<512xi32, #tpu.memory_space<hbm>>, %arg4: memref<2048xi32, #tpu.memory_space<hbm>>, %arg5: memref<512x128xi32, #tpu.memory_space<hbm>>, %arg6: memref<128xi32, #tpu.memory_space<vmem>>, %arg7: memref<128xi32, #tpu.memory_space<vmem>>, %arg8: memref<2048xi32, #tpu.memory_space<vmem>>, %arg9: memref<16x128xi32, #tpu.memory_space<vmem>>) attributes {dimension_semantics = [#tpu.dimension_semantics<core_parallel>, #tpu.dimension_semantics<subcore_parallel>], iteration_bounds = array<i64: 2, 16>, scalar_prefetch = 0 : i64, scratch_operands = 4 : i64, tpu.core_type = #tpu.core_type<sc_vector_subcore>, window_params = [{transform_indices = #map}, {transform_indices = #map}, {transform_indices = #map}, {transform_indices = #map1}]} {
    %mul3A = arith.constant 2 : i32
    %mul3A_0 = arith.muli %arg1, %mul3A : i32
    %add3A = arith.addi %mul3A_0, %arg0 : i32
    %mul3A_1 = arith.constant 16 : i32
    %mul3A_2 = arith.muli %add3A, %mul3A_1 : i32
    %jit3A = arith.constant 128 : i32
    %div3A = arith.divsi %mul3A_2, %jit3A : i32
    %sign3A = arith.constant 0 : i32
    %sign3A_3 = arith.cmpi sgt, %mul3A_2, %sign3A : i32
    %sign3A_4 = arith.extui %sign3A_3 : i1 to i32
    %sign3A_5 = arith.constant 0 : i32
    %sign3A_6 = arith.cmpi slt, %mul3A_2, %sign3A_5 : i32
    %sign3A_7 = arith.extui %sign3A_6 : i1 to i32
    %sign3A_8 = arith.subi %sign3A_4, %sign3A_7 : i32
    %sign3A_9 = arith.constant 0 : i32
    %sign3A_10 = arith.cmpi sgt, %jit3A, %sign3A_9 : i32
    %sign3A_11 = arith.extui %sign3A_10 : i1 to i32
    %sign3A_12 = arith.constant 0 : i32
    %sign3A_13 = arith.cmpi slt, %jit3A, %sign3A_12 : i32
    %sign3A_14 = arith.extui %sign3A_13 : i1 to i32
    %sign3A_15 = arith.subi %sign3A_11, %sign3A_14 : i32
    %ne3A = arith.cmpi ne, %sign3A_8, %sign3A_15 : i32
    %rem3A = arith.remsi %mul3A_2, %jit3A : i32
    %ne3A_16 = arith.constant 0 : i32
    %ne3A_17 = arith.cmpi ne, %rem3A, %ne3A_16 : i32
    %and3A = arith.andi %ne3A, %ne3A_17 : i1
    %sub3A = arith.constant 1 : i32
    %sub3A_18 = arith.subi %div3A, %sub3A : i32
    %select_n3A = arith.select %and3A, %sub3A_18, %div3A : i32
    %mul3A_19 = arith.constant 128 : i32
    %mul3A_20 = arith.muli %select_n3A, %mul3A_19 : i32
    "tpu.region"() ({
      %run_scoped3A = tpu.sem_alloc : memref<!tpu.dma_semaphore, #tpu.memory_space<semaphore_mem>>
      %dma_start3A = tpu.memref_slice %arg2[%mul3A_20] : memref<512xi32, #tpu.memory_space<hbm>> -> memref<128xi32, #tpu.memory_space<hbm>>
      %dma_start3A_2799 = tpu.memref_slice %arg2[%mul3A_20] : memref<512xi32, #tpu.memory_space<hbm>> -> memref<128xi32, #tpu.memory_space<hbm>>
      tpu.enqueue_dma source(%dma_start3A_2799 : memref<128xi32, #tpu.memory_space<hbm>>) target(%arg6 : memref<128xi32, #tpu.memory_space<vmem>>) target_semaphore(%run_scoped3A : memref<!tpu.dma_semaphore, #tpu.memory_space<semaphore_mem>>)
      %dma_wait3A = tpu.memref_slice %arg2[%mul3A_20] : memref<512xi32, #tpu.memory_space<hbm>> -> memref<128xi32, #tpu.memory_space<hbm>>
      %dma_wait3A_2800 = tpu.memref_slice %arg2[%mul3A_20] : memref<512xi32, #tpu.memory_space<hbm>> -> memref<128xi32, #tpu.memory_space<hbm>>
      tpu.wait_dma2 semaphore(%run_scoped3A : memref<!tpu.dma_semaphore, #tpu.memory_space<semaphore_mem>>) src(%dma_wait3A_2800 : memref<128xi32, #tpu.memory_space<hbm>>) dst(%arg6 : memref<128xi32, #tpu.memory_space<vmem>>)
      tpu.yield
    }) : () -> ()
    %mul3A_21 = arith.constant 128 : i32
    %mul3A_22 = arith.muli %select_n3A, %mul3A_21 : i32
    "tpu.region"() ({
      %run_scoped3A = tpu.sem_alloc : memref<!tpu.dma_semaphore, #tpu.memory_space<semaphore_mem>>
      %dma_start3A = tpu.memref_slice %arg3[%mul3A_22] : memref<512xi32, #tpu.memory_space<hbm>> -> memref<128xi32, #tpu.memory_space<hbm>>
      %dma_start3A_2799 = tpu.memref_slice %arg3[%mul3A_22] : memref<512xi32, #tpu.memory_space<hbm>> -> memref<128xi32, #tpu.memory_space<hbm>>
      tpu.enqueue_dma source(%dma_start3A_2799 : memref<128xi32, #tpu.memory_space<hbm>>) target(%arg7 : memref<128xi32, #tpu.memory_space<vmem>>) target_semaphore(%run_scoped3A : memref<!tpu.dma_semaphore, #tpu.memory_space<semaphore_mem>>)
      %dma_wait3A = tpu.memref_slice %arg3[%mul3A_22] : memref<512xi32, #tpu.memory_space<hbm>> -> memref<128xi32, #tpu.memory_space<hbm>>
      %dma_wait3A_2800 = tpu.memref_slice %arg3[%mul3A_22] : memref<512xi32, #tpu.memory_space<hbm>> -> memref<128xi32, #tpu.memory_space<hbm>>
      tpu.wait_dma2 semaphore(%run_scoped3A : memref<!tpu.dma_semaphore, #tpu.memory_space<semaphore_mem>>) src(%dma_wait3A_2800 : memref<128xi32, #tpu.memory_space<hbm>>) dst(%arg7 : memref<128xi32, #tpu.memory_space<vmem>>)
      tpu.yield
    }) : () -> ()
    "tpu.region"() ({
      %run_scoped3A = tpu.sem_alloc : memref<!tpu.dma_semaphore, #tpu.memory_space<semaphore_mem>>
      tpu.enqueue_dma source(%arg4 : memref<2048xi32, #tpu.memory_space<hbm>>) target(%arg8 : memref<2048xi32, #tpu.memory_space<vmem>>) target_semaphore(%run_scoped3A : memref<!tpu.dma_semaphore, #tpu.memory_space<semaphore_mem>>)
      tpu.wait_dma2 semaphore(%run_scoped3A : memref<!tpu.dma_semaphore, #tpu.memory_space<semaphore_mem>>) src(%arg4 : memref<2048xi32, #tpu.memory_space<hbm>>) dst(%arg8 : memref<2048xi32, #tpu.memory_space<vmem>>)
      tpu.yield
    }) : () -> ()
    %jit3A_23 = arith.constant 128 : i32
    %eq3A = arith.constant 0 : i32
    %eq3A_24 = arith.cmpi eq, %jit3A_23, %eq3A : i32
    %jit3A_25 = arith.constant 1 : i32
    %select_n3A_26 = arith.select %eq3A_24, %jit3A_25, %jit3A_23 : i32
    %rem3A_27 = arith.remsi %mul3A_2, %select_n3A_26 : i32
    %ne3A_28 = arith.constant 0 : i32
    %ne3A_29 = arith.cmpi ne, %rem3A_27, %ne3A_28 : i32
    %lt3A = arith.constant 0 : i32
    %lt3A_30 = arith.cmpi slt, %rem3A_27, %lt3A : i32
    %lt3A_31 = arith.constant 0 : i32
    %lt3A_32 = arith.cmpi slt, %select_n3A_26, %lt3A_31 : i32
    %ne3A_33 = arith.xori %lt3A_30, %lt3A_32 : i1
    %and3A_34 = arith.andi %ne3A_33, %ne3A_29 : i1
    %add3A_35 = arith.addi %rem3A_27, %select_n3A_26 : i32
    %select_n3A_36 = arith.select %and3A_34, %add3A_35, %rem3A_27 : i32
    %add3A_37 = arith.constant 0 : i32
    %add3A_38 = arith.addi %select_n3A_36, %add3A_37 : i32
    %broadcast_in_dim3A = vector.broadcast %add3A_38 : i32 to vector<16xi32>
    %gather3A = tpu.vector_load_idx %arg6[%broadcast_in_dim3A] : memref<128xi32, #tpu.memory_space<vmem>>[vector<16xi32>], vector<16xi32>,
    %gather3A_39 = tpu.vector_load_idx %arg7[%broadcast_in_dim3A] : memref<128xi32, #tpu.memory_space<vmem>>[vector<16xi32>], vector<16xi32>,
    %get3A = arith.constant 0 : index
    %get3A_40 = tpu.vector_load %arg6[%get3A] {strides = array<i32>} : memref<128xi32, #tpu.memory_space<vmem>>, vector<16xi32>,
    %get3A_41 = arith.constant 0 : index
    %get3A_42 = tpu.vector_load %arg7[%get3A_41] {strides = array<i32>} : memref<128xi32, #tpu.memory_space<vmem>>, vector<16xi32>,
    %sub3A_43 = arith.subi %gather3A, %get3A_42 : vector<16xi32>
    %max3A = arith.constant 0 : i32
    %max3A_44 = vector.broadcast %max3A : i32 to vector<16xi32>
    %max3A_45 = arith.maxsi %sub3A_43, %max3A_44 : vector<16xi32>
    %sub3A_46 = arith.subi %get3A_40, %gather3A_39 : vector<16xi32>
    %max3A_47 = arith.constant 0 : i32
    %max3A_48 = vector.broadcast %max3A_47 : i32 to vector<16xi32>
    %max3A_49 = arith.maxsi %sub3A_46, %max3A_48 : vector<16xi32>
    %add3A_50 = arith.addi %max3A_45, %max3A_49 : vector<16xi32>
    %min3A = arith.constant 2047 : i32
    %min3A_51 = vector.broadcast %min3A : i32 to vector<16xi32>
    %min3A_52 = arith.minsi %add3A_50, %min3A_51 : vector<16xi32>
    %gather3A_53 = tpu.vector_load_idx %arg8[%min3A_52] : memref<2048xi32, #tpu.memory_space<vmem>>[vector<16xi32>], vector<16xi32>,
    %swap3A = arith.constant 0 : i32
    %swap3A_54 = arith.index_cast %swap3A : i32 to index
    %swap3A_55 = arith.constant 0 : index
    %swap3A_56 = tpu.vector_load %arg9[%swap3A_54, %swap3A_55] {strides = array<i32>} : memref<16x128xi32, #tpu.memory_space<vmem>>, vector<16xi32>,
    tpu.vector_store %arg9[%swap3A_54, %swap3A_55], %gather3A_53 {strides = array<i32>} : memref<16x128xi32, #tpu.memory_space<vmem>>, vector<16xi32>,
    %get3A_57 = arith.constant 16 : index
    %get3A_58 = tpu.vector_load %arg6[%get3A_57] {strides = array<i32>} : memref<128xi32, #tpu.memory_space<vmem>>, vector<16xi32>,
    %get3A_59 = arith.constant 16 : index
    %get3A_60 = tpu.vector_load %arg7[%get3A_59] {strides = array<i32>} : memref<128xi32, #tpu.memory_space<vmem>>, vector<16xi32>,
    %sub3A_61 = arith.subi %gather3A, %get3A_60 : vector<16xi32>
    %max3A_62 = arith.constant 0 : i32
    %max3A_63 = vector.broadcast %max3A_62 : i32 to vector<16xi32>
    %max3A_64 = arith.maxsi %sub3A_61, %max3A_63 : vector<16xi32>
    %sub3A_65 = arith.subi %get3A_58, %gather3A_39 : vector<16xi32>
    %max3A_66 = arith.constant 0 : i32
    %max3A_67 = vector.broadcast %max3A_66 : i32 to vector<16xi32>
    %max3A_68 = arith.maxsi %sub3A_65, %max3A_67 : vector<16xi32>
    %add3A_69 = arith.addi %max3A_64, %max3A_68 : vector<16xi32>
    %min3A_70 = arith.constant 2047 : i32
    %min3A_71 = vector.broadcast %min3A_70 : i32 to vector<16xi32>
    %min3A_72 = arith.minsi %add3A_69, %min3A_71 : vector<16xi32>
    %gather3A_73 = tpu.vector_load_idx %arg8[%min3A_72] : memref<2048xi32, #tpu.memory_space<vmem>>[vector<16xi32>], vector<16xi32>,
    %swap3A_74 = arith.constant 0 : i32
    %swap3A_75 = arith.index_cast %swap3A_74 : i32 to index
    %swap3A_76 = arith.constant 16 : index
    %swap3A_77 = tpu.vector_load %arg9[%swap3A_75, %swap3A_76] {strides = array<i32>} : memref<16x128xi32, #tpu.memory_space<vmem>>, vector<16xi32>,
    tpu.vector_store %arg9[%swap3A_75, %swap3A_76], %gather3A_73 {strides = array<i32>} : memref<16x128xi32, #tpu.memory_space<vmem>>, vector<16xi32>,
    %get3A_78 = arith.constant 32 : index
    %get3A_79 = tpu.vector_load %arg6[%get3A_78] {strides = array<i32>} : memref<128xi32, #tpu.memory_space<vmem>>, vector<16xi32>,
    %get3A_80 = arith.constant 32 : index
    %get3A_81 = tpu.vector_load %arg7[%get3A_80] {strides = array<i32>} : memref<128xi32, #tpu.memory_space<vmem>>, vector<16xi32>,
    %sub3A_82 = arith.subi %gather3A, %get3A_81 : vector<16xi32>
    %max3A_83 = arith.constant 0 : i32
    %max3A_84 = vector.broadcast %max3A_83 : i32 to vector<16xi32>
    %max3A_85 = arith.maxsi %sub3A_82, %max3A_84 : vector<16xi32>
    %sub3A_86 = arith.subi %get3A_79, %gather3A_39 : vector<16xi32>
    %max3A_87 = arith.constant 0 : i32
    %max3A_88 = vector.broadcast %max3A_87 : i32 to vector<16xi32>
    %max3A_89 = arith.maxsi %sub3A_86, %max3A_88 : vector<16xi32>
    %add3A_90 = arith.addi %max3A_85, %max3A_89 : vector<16xi32>
    %min3A_91 = arith.constant 2047 : i32
    %min3A_92 = vector.broadcast %min3A_91 : i32 to vector<16xi32>
    %min3A_93 = arith.minsi %add3A_90, %min3A_92 : vector<16xi32>
    %gather3A_94 = tpu.vector_load_idx %arg8[%min3A_93] : memref<2048xi32, #tpu.memory_space<vmem>>[vector<16xi32>], vector<16xi32>,
    %swap3A_95 = arith.constant 0 : i32
    %swap3A_96 = arith.index_cast %swap3A_95 : i32 to index
    %swap3A_97 = arith.constant 32 : index
    %swap3A_98 = tpu.vector_load %arg9[%swap3A_96, %swap3A_97] {strides = array<i32>} : memref<16x128xi32, #tpu.memory_space<vmem>>, vector<16xi32>,
    tpu.vector_store %arg9[%swap3A_96, %swap3A_97], %gather3A_94 {strides = array<i32>} : memref<16x128xi32, #tpu.memory_space<vmem>>, vector<16xi32>,
    %get3A_99 = arith.constant 48 : index
    %get3A_100 = tpu.vector_load %arg6[%get3A_99] {strides = array<i32>} : memref<128xi32, #tpu.memory_space<vmem>>, vector<16xi32>,
    %get3A_101 = arith.constant 48 : index
    %get3A_102 = tpu.vector_load %arg7[%get3A_101] {strides = array<i32>} : memref<128xi32, #tpu.memory_space<vmem>>, vector<16xi32>,
    %sub3A_103 = arith.subi %gather3A, %get3A_102 : vector<16xi32>
    %max3A_104 = arith.constant 0 : i32
    %max3A_105 = vector.broadcast %max3A_104 : i32 to vector<16xi32>
    %max3A_106 = arith.maxsi %sub3A_103, %max3A_105 : vector<16xi32>
    %sub3A_107 = arith.subi %get3A_100, %gather3A_39 : vector<16xi32>
    %max3A_108 = arith.constant 0 : i32
    %max3A_109 = vector.broadcast %max3A_108 : i32 to vector<16xi32>
    %max3A_110 = arith.maxsi %sub3A_107, %max3A_109 : vector<16xi32>
    %add3A_111 = arith.addi %max3A_106, %max3A_110 : vector<16xi32>
    %min3A_112 = arith.constant 2047 : i32
    %min3A_113 = vector.broadcast %min3A_112 : i32 to vector<16xi32>
    %min3A_114 = arith.minsi %add3A_111, %min3A_113 : vector<16xi32>
    %gather3A_115 = tpu.vector_load_idx %arg8[%min3A_114] : memref<2048xi32, #tpu.memory_space<vmem>>[vector<16xi32>], vector<16xi32>,
    %swap3A_116 = arith.constant 0 : i32
    %swap3A_117 = arith.index_cast %swap3A_116 : i32 to index
    %swap3A_118 = arith.constant 48 : index
    %swap3A_119 = tpu.vector_load %arg9[%swap3A_117, %swap3A_118] {strides = array<i32>} : memref<16x128xi32, #tpu.memory_space<vmem>>, vector<16xi32>,
    tpu.vector_store %arg9[%swap3A_117, %swap3A_118], %gather3A_115 {strides = array<i32>} : memref<16x128xi32, #tpu.memory_space<vmem>>, vector<16xi32>,
    %get3A_120 = arith.constant 64 : index
    %get3A_121 = tpu.vector_load %arg6[%get3A_120] {strides = array<i32>} : memref<128xi32, #tpu.memory_space<vmem>>, vector<16xi32>,
    %get3A_122 = arith.constant 64 : index
    %get3A_123 = tpu.vector_load %arg7[%get3A_122] {strides = array<i32>} : memref<128xi32, #tpu.memory_space<vmem>>, vector<16xi32>,
    %sub3A_124 = arith.subi %gather3A, %get3A_123 : vector<16xi32>
    %max3A_125 = arith.constant 0 : i32
    %max3A_126 = vector.broadcast %max3A_125 : i32 to vector<16xi32>
    %max3A_127 = arith.maxsi %sub3A_124, %max3A_126 : vector<16xi32>
    %sub3A_128 = arith.subi %get3A_121, %gather3A_39 : vector<16xi32>
    %max3A_129 = arith.constant 0 : i32
    %max3A_130 = vector.broadcast %max3A_129 : i32 to vector<16xi32>
    %max3A_131 = arith.maxsi %sub3A_128, %max3A_130 : vector<16xi32>
    %add3A_132 = arith.addi %max3A_127, %max3A_131 : vector<16xi32>
    %min3A_133 = arith.constant 2047 : i32
    %min3A_134 = vector.broadcast %min3A_133 : i32 to vector<16xi32>
    %min3A_135 = arith.minsi %add3A_132, %min3A_134 : vector<16xi32>
    %gather3A_136 = tpu.vector_load_idx %arg8[%min3A_135] : memref<2048xi32, #tpu.memory_space<vmem>>[vector<16xi32>], vector<16xi32>,
    %swap3A_137 = arith.constant 0 : i32
    %swap3A_138 = arith.index_cast %swap3A_137 : i32 to index
    %swap3A_139 = arith.constant 64 : index
    %swap3A_140 = tpu.vector_load %arg9[%swap3A_138, %swap3A_139] {strides = array<i32>} : memref<16x128xi32, #tpu.memory_space<vmem>>, vector<16xi32>,
    tpu.vector_store %arg9[%swap3A_138, %swap3A_139], %gather3A_136 {strides = array<i32>} : memref<16x128xi32, #tpu.memory_space<vmem>>, vector<16xi32>,
    %get3A_141 = arith.constant 80 : index
    %get3A_142 = tpu.vector_load %arg6[%get3A_141] {strides = array<i32>} : memref<128xi32, #tpu.memory_space<vmem>>, vector<16xi32>,
    %get3A_143 = arith.constant 80 : index
    %get3A_144 = tpu.vector_load %arg7[%get3A_143] {strides = array<i32>} : memref<128xi32, #tpu.memory_space<vmem>>, vector<16xi32>,
    %sub3A_145 = arith.subi %gather3A, %get3A_144 : vector<16xi32>
    %max3A_146 = arith.constant 0 : i32
    %max3A_147 = vector.broadcast %max3A_146 : i32 to vector<16xi32>
    %max3A_148 = arith.maxsi %sub3A_145, %max3A_147 : vector<16xi32>
    %sub3A_149 = arith.subi %get3A_142, %gather3A_39 : vector<16xi32>
    %max3A_150 = arith.constant 0 : i32
    %max3A_151 = vector.broadcast %max3A_150 : i32 to vector<16xi32>
    %max3A_152 = arith.maxsi %sub3A_149, %max3A_151 : vector<16xi32>
    %add3A_153 = arith.addi %max3A_148, %max3A_152 : vector<16xi32>
    %min3A_154 = arith.constant 2047 : i32
    %min3A_155 = vector.broadcast %min3A_154 : i32 to vector<16xi32>
    %min3A_156 = arith.minsi %add3A_153, %min3A_155 : vector<16xi32>
    %gather3A_157 = tpu.vector_load_idx %arg8[%min3A_156] : memref<2048xi32, #tpu.memory_space<vmem>>[vector<16xi32>], vector<16xi32>,
    %swap3A_158 = arith.constant 0 : i32
    %swap3A_159 = arith.index_cast %swap3A_158 : i32 to index
    %swap3A_160 = arith.constant 80 : index
    %swap3A_161 = tpu.vector_load %arg9[%swap3A_159, %swap3A_160] {strides = array<i32>} : memref<16x128xi32, #tpu.memory_space<vmem>>, vector<16xi32>,
    tpu.vector_store %arg9[%swap3A_159, %swap3A_160], %gather3A_157 {strides = array<i32>} : memref<16x128xi32, #tpu.memory_space<vmem>>, vector<16xi32>,
    %get3A_162 = arith.constant 96 : index
    %get3A_163 = tpu.vector_load %arg6[%get3A_162] {strides = array<i32>} : memref<128xi32, #tpu.memory_space<vmem>>, vector<16xi32>,
    %get3A_164 = arith.constant 96 : index
    %get3A_165 = tpu.vector_load %arg7[%get3A_164] {strides = array<i32>} : memref<128xi32, #tpu.memory_space<vmem>>, vector<16xi32>,
    %sub3A_166 = arith.subi %gather3A, %get3A_165 : vector<16xi32>
    %max3A_167 = arith.constant 0 : i32
    %max3A_168 = vector.broadcast %max3A_167 : i32 to vector<16xi32>
    %max3A_169 = arith.maxsi %sub3A_166, %max3A_168 : vector<16xi32>
    %sub3A_170 = arith.subi %get3A_163, %gather3A_39 : vector<16xi32>
    %max3A_171 = arith.constant 0 : i32
    %max3A_172 = vector.broadcast %max3A_171 : i32 to vector<16xi32>
    %max3A_173 = arith.maxsi %sub3A_170, %max3A_172 : vector<16xi32>
    %add3A_174 = arith.addi %max3A_169, %max3A_173 : vector<16xi32>
    %min3A_175 = arith.constant 2047 : i32
    %min3A_176 = vector.broadcast %min3A_175 : i32 to vector<16xi32>
    %min3A_177 = arith.minsi %add3A_174, %min3A_176 : vector<16xi32>
    %gather3A_178 = tpu.vector_load_idx %arg8[%min3A_177] : memref<2048xi32, #tpu.memory_space<vmem>>[vector<16xi32>], vector<16xi32>,
    %swap3A_179 = arith.constant 0 : i32
    %swap3A_180 = arith.index_cast %swap3A_179 : i32 to index
    %swap3A_181 = arith.constant 96 : index
    %swap3A_182 = tpu.vector_load %arg9[%swap3A_180, %swap3A_181] {strides = array<i32>} : memref<16x128xi32, #tpu.memory_space<vmem>>, vector<16xi32>,
    tpu.vector_store %arg9[%swap3A_180, %swap3A_181], %gather3A_178 {strides = array<i32>} : memref<16x128xi32, #tpu.memory_space<vmem>>, vector<16xi32>,
    %get3A_183 = arith.constant 112 : index
    %get3A_184 = tpu.vector_load %arg6[%get3A_183] {strides = array<i32>} : memref<128xi32, #tpu.memory_space<vmem>>, vector<16xi32>,
    %get3A_185 = arith.constant 112 : index
    %get3A_186 = tpu.vector_load %arg7[%get3A_185] {strides = array<i32>} : memref<128xi32, #tpu.memory_space<vmem>>, vector<16xi32>,
    %sub3A_187 = arith.subi %gather3A, %get3A_186 : vector<16xi32>
    %max3A_188 = arith.constant 0 : i32
    %max3A_189 = vector.broadcast %max3A_188 : i32 to vector<16xi32>
    %max3A_190 = arith.maxsi %sub3A_187, %max3A_189 : vector<16xi32>
    %sub3A_191 = arith.subi %get3A_184, %gather3A_39 : vector<16xi32>
    %max3A_192 = arith.constant 0 : i32
    %max3A_193 = vector.broadcast %max3A_192 : i32 to vector<16xi32>
    %max3A_194 = arith.maxsi %sub3A_191, %max3A_193 : vector<16xi32>
    %add3A_195 = arith.addi %max3A_190, %max3A_194 : vector<16xi32>
    %min3A_196 = arith.constant 2047 : i32
    %min3A_197 = vector.broadcast %min3A_196 : i32 to vector<16xi32>
    %min3A_198 = arith.minsi %add3A_195, %min3A_197 : vector<16xi32>
    %gather3A_199 = tpu.vector_load_idx %arg8[%min3A_198] : memref<2048xi32, #tpu.memory_space<vmem>>[vector<16xi32>], vector<16xi32>,
    %swap3A_200 = arith.constant 0 : i32
    %swap3A_201 = arith.index_cast %swap3A_200 : i32 to index
    %swap3A_202 = arith.constant 112 : index
    %swap3A_203 = tpu.vector_load %arg9[%swap3A_201, %swap3A_202] {strides = array<i32>} : memref<16x128xi32, #tpu.memory_space<vmem>>, vector<16xi32>,
    tpu.vector_store %arg9[%swap3A_201, %swap3A_202], %gather3A_199 {strides = array<i32>} : memref<16x128xi32, #tpu.memory_space<vmem>>, vector<16xi32>,
    %add3A_204 = arith.constant 1 : i32
    %add3A_205 = arith.addi %select_n3A_36, %add3A_204 : i32
    %broadcast_in_dim3A_206 = vector.broadcast %add3A_205 : i32 to vector<16xi32>
    %gather3A_207 = tpu.vector_load_idx %arg6[%broadcast_in_dim3A_206] : memref<128xi32, #tpu.memory_space<vmem>>[vector<16xi32>], vector<16xi32>,
    %gather3A_208 = tpu.vector_load_idx %arg7[%broadcast_in_dim3A_206] : memref<128xi32, #tpu.memory_space<vmem>>[vector<16xi32>], vector<16xi32>,
    %get3A_209 = arith.constant 0 : index
    %get3A_210 = tpu.vector_load %arg6[%get3A_209] {strides = array<i32>} : memref<128xi32, #tpu.memory_space<vmem>>, vector<16xi32>,
    %get3A_211 = arith.constant 0 : index
    %get3A_212 = tpu.vector_load %arg7[%get3A_211] {strides = array<i32>} : memref<128xi32, #tpu.memory_space<vmem>>, vector<16xi32>,
    %sub3A_213 = arith.subi %gather3A_207, %get3A_212 : vector<16xi32>
    %max3A_214 = arith.constant 0 : i32
    %max3A_215 = vector.broadcast %max3A_214 : i32 to vector<16xi32>
    %max3A_216 = arith.maxsi %sub3A_213, %max3A_215 : vector<16xi32>
    %sub3A_217 = arith.subi %get3A_210, %gather3A_208 : vector<16xi32>
    %max3A_218 = arith.constant 0 : i32
    %max3A_219 = vector.broadcast %max3A_218 : i32 to vector<16xi32>
    %max3A_220 = arith.maxsi %sub3A_217, %max3A_219 : vector<16xi32>
    %add3A_221 = arith.addi %max3A_216, %max3A_220 : vector<16xi32>
    %min3A_222 = arith.constant 2047 : i32
    %min3A_223 = vector.broadcast %min3A_222 : i32 to vector<16xi32>
    %min3A_224 = arith.minsi %add3A_221, %min3A_223 : vector<16xi32>
    %gather3A_225 = tpu.vector_load_idx %arg8[%min3A_224] : memref<2048xi32, #tpu.memory_space<vmem>>[vector<16xi32>], vector<16xi32>,
    %swap3A_226 = arith.constant 1 : i32
    %swap3A_227 = arith.index_cast %swap3A_226 : i32 to index
    %swap3A_228 = arith.constant 0 : index
    %swap3A_229 = tpu.vector_load %arg9[%swap3A_227, %swap3A_228] {strides = array<i32>} : memref<16x128xi32, #tpu.memory_space<vmem>>, vector<16xi32>,
    tpu.vector_store %arg9[%swap3A_227, %swap3A_228], %gather3A_225 {strides = array<i32>} : memref<16x128xi32, #tpu.memory_space<vmem>>, vector<16xi32>,
    %get3A_230 = arith.constant 16 : index
    %get3A_231 = tpu.vector_load %arg6[%get3A_230] {strides = array<i32>} : memref<128xi32, #tpu.memory_space<vmem>>, vector<16xi32>,
    %get3A_232 = arith.constant 16 : index
    %get3A_233 = tpu.vector_load %arg7[%get3A_232] {strides = array<i32>} : memref<128xi32, #tpu.memory_space<vmem>>, vector<16xi32>,
    %sub3A_234 = arith.subi %gather3A_207, %get3A_233 : vector<16xi32>
    %max3A_235 = arith.constant 0 : i32
    %max3A_236 = vector.broadcast %max3A_235 : i32 to vector<16xi32>
    %max3A_237 = arith.maxsi %sub3A_234, %max3A_236 : vector<16xi32>
    %sub3A_238 = arith.subi %get3A_231, %gather3A_208 : vector<16xi32>
    %max3A_239 = arith.constant 0 : i32
    %max3A_240 = vector.broadcast %max3A_239 : i32 to vector<16xi32>
    %max3A_241 = arith.maxsi %sub3A_238, %max3A_240 : vector<16xi32>
    %add3A_242 = arith.addi %max3A_237, %max3A_241 : vector<16xi32>
    %min3A_243 = arith.constant 2047 : i32
    %min3A_244 = vector.broadcast %min3A_243 : i32 to vector<16xi32>
    %min3A_245 = arith.minsi %add3A_242, %min3A_244 : vector<16xi32>
    %gather3A_246 = tpu.vector_load_idx %arg8[%min3A_245] : memref<2048xi32, #tpu.memory_space<vmem>>[vector<16xi32>], vector<16xi32>,
    %swap3A_247 = arith.constant 1 : i32
    %swap3A_248 = arith.index_cast %swap3A_247 : i32 to index
    %swap3A_249 = arith.constant 16 : index
    %swap3A_250 = tpu.vector_load %arg9[%swap3A_248, %swap3A_249] {strides = array<i32>} : memref<16x128xi32, #tpu.memory_space<vmem>>, vector<16xi32>,
    tpu.vector_store %arg9[%swap3A_248, %swap3A_249], %gather3A_246 {strides = array<i32>} : memref<16x128xi32, #tpu.memory_space<vmem>>, vector<16xi32>,
    %get3A_251 = arith.constant 32 : index
    %get3A_252 = tpu.vector_load %arg6[%get3A_251] {strides = array<i32>} : memref<128xi32, #tpu.memory_space<vmem>>, vector<16xi32>,
    %get3A_253 = arith.constant 32 : index
    %get3A_254 = tpu.vector_load %arg7[%get3A_253] {strides = array<i32>} : memref<128xi32, #tpu.memory_space<vmem>>, vector<16xi32>,
    %sub3A_255 = arith.subi %gather3A_207, %get3A_254 : vector<16xi32>
    %max3A_256 = arith.constant 0 : i32
    %max3A_257 = vector.broadcast %max3A_256 : i32 to vector<16xi32>
    %max3A_258 = arith.maxsi %sub3A_255, %max3A_257 : vector<16xi32>
    %sub3A_259 = arith.subi %get3A_252, %gather3A_208 : vector<16xi32>
    %max3A_260 = arith.constant 0 : i32
    %max3A_261 = vector.broadcast %max3A_260 : i32 to vector<16xi32>
    %max3A_262 = arith.maxsi %sub3A_259, %max3A_261 : vector<16xi32>
    %add3A_263 = arith.addi %max3A_258, %max3A_262 : vector<16xi32>
    %min3A_264 = arith.constant 2047 : i32
    %min3A_265 = vector.broadcast %min3A_264 : i32 to vector<16xi32>
    %min3A_266 = arith.minsi %add3A_263, %min3A_265 : vector<16xi32>
    %gather3A_267 = tpu.vector_load_idx %arg8[%min3A_266] : memref<2048xi32, #tpu.memory_space<vmem>>[vector<16xi32>], vector<16xi32>,
    %swap3A_268 = arith.constant 1 : i32
    %swap3A_269 = arith.index_cast %swap3A_268 : i32 to index
    %swap3A_270 = arith.constant 32 : index
    %swap3A_271 = tpu.vector_load %arg9[%swap3A_269, %swap3A_270] {strides = array<i32>} : memref<16x128xi32, #tpu.memory_space<vmem>>, vector<16xi32>,
    tpu.vector_store %arg9[%swap3A_269, %swap3A_270], %gather3A_267 {strides = array<i32>} : memref<16x128xi32, #tpu.memory_space<vmem>>, vector<16xi32>,
    %get3A_272 = arith.constant 48 : index
    %get3A_273 = tpu.vector_load %arg6[%get3A_272] {strides = array<i32>} : memref<128xi32, #tpu.memory_space<vmem>>, vector<16xi32>,
    %get3A_274 = arith.constant 48 : index
    %get3A_275 = tpu.vector_load %arg7[%get3A_274] {strides = array<i32>} : memref<128xi32, #tpu.memory_space<vmem>>, vector<16xi32>,
    %sub3A_276 = arith.subi %gather3A_207, %get3A_275 : vector<16xi32>
    %max3A_277 = arith.constant 0 : i32
    %max3A_278 = vector.broadcast %max3A_277 : i32 to vector<16xi32>
    %max3A_279 = arith.maxsi %sub3A_276, %max3A_278 : vector<16xi32>
    %sub3A_280 = arith.subi %get3A_273, %gather3A_208 : vector<16xi32>
    %max3A_281 = arith.constant 0 : i32
    %max3A_282 = vector.broadcast %max3A_281 : i32 to vector<16xi32>
    %max3A_283 = arith.maxsi %sub3A_280, %max3A_282 : vector<16xi32>
    %add3A_284 = arith.addi %max3A_279, %max3A_283 : vector<16xi32>
    %min3A_285 = arith.constant 2047 : i32
    %min3A_286 = vector.broadcast %min3A_285 : i32 to vector<16xi32>
    %min3A_287 = arith.minsi %add3A_284, %min3A_286 : vector<16xi32>
    %gather3A_288 = tpu.vector_load_idx %arg8[%min3A_287] : memref<2048xi32, #tpu.memory_space<vmem>>[vector<16xi32>], vector<16xi32>,
    %swap3A_289 = arith.constant 1 : i32
    %swap3A_290 = arith.index_cast %swap3A_289 : i32 to index
    %swap3A_291 = arith.constant 48 : index
    %swap3A_292 = tpu.vector_load %arg9[%swap3A_290, %swap3A_291] {strides = array<i32>} : memref<16x128xi32, #tpu.memory_space<vmem>>, vector<16xi32>,
    tpu.vector_store %arg9[%swap3A_290, %swap3A_291], %gather3A_288 {strides = array<i32>} : memref<16x128xi32, #tpu.memory_space<vmem>>, vector<16xi32>,
    %get3A_293 = arith.constant 64 : index
    %get3A_294 = tpu.vector_load %arg6[%get3A_293] {strides = array<i32>} : memref<128xi32, #tpu.memory_space<vmem>>, vector<16xi32>,
    %get3A_295 = arith.constant 64 : index
    %get3A_296 = tpu.vector_load %arg7[%get3A_295] {strides = array<i32>} : memref<128xi32, #tpu.memory_space<vmem>>, vector<16xi32>,
    %sub3A_297 = arith.subi %gather3A_207, %get3A_296 : vector<16xi32>
    %max3A_298 = arith.constant 0 : i32
    %max3A_299 = vector.broadcast %max3A_298 : i32 to vector<16xi32>
    %max3A_300 = arith.maxsi %sub3A_297, %max3A_299 : vector<16xi32>
    %sub3A_301 = arith.subi %get3A_294, %gather3A_208 : vector<16xi32>
    %max3A_302 = arith.constant 0 : i32
    %max3A_303 = vector.broadcast %max3A_302 : i32 to vector<16xi32>
    %max3A_304 = arith.maxsi %sub3A_301, %max3A_303 : vector<16xi32>
    %add3A_305 = arith.addi %max3A_300, %max3A_304 : vector<16xi32>
    %min3A_306 = arith.constant 2047 : i32
    %min3A_307 = vector.broadcast %min3A_306 : i32 to vector<16xi32>
    %min3A_308 = arith.minsi %add3A_305, %min3A_307 : vector<16xi32>
    %gather3A_309 = tpu.vector_load_idx %arg8[%min3A_308] : memref<2048xi32, #tpu.memory_space<vmem>>[vector<16xi32>], vector<16xi32>,
    %swap3A_310 = arith.constant 1 : i32
    %swap3A_311 = arith.index_cast %swap3A_310 : i32 to index
    %swap3A_312 = arith.constant 64 : index
    %swap3A_313 = tpu.vector_load %arg9[%swap3A_311, %swap3A_312] {strides = array<i32>} : memref<16x128xi32, #tpu.memory_space<vmem>>, vector<16xi32>,
    tpu.vector_store %arg9[%swap3A_311, %swap3A_312], %gather3A_309 {strides = array<i32>} : memref<16x128xi32, #tpu.memory_space<vmem>>, vector<16xi32>,
    %get3A_314 = arith.constant 80 : index
    %get3A_315 = tpu.vector_load %arg6[%get3A_314] {strides = array<i32>} : memref<128xi32, #tpu.memory_space<vmem>>, vector<16xi32>,
    %get3A_316 = arith.constant 80 : index
    %get3A_317 = tpu.vector_load %arg7[%get3A_316] {strides = array<i32>} : memref<128xi32, #tpu.memory_space<vmem>>, vector<16xi32>,
    %sub3A_318 = arith.subi %gather3A_207, %get3A_317 : vector<16xi32>
    %max3A_319 = arith.constant 0 : i32
    %max3A_320 = vector.broadcast %max3A_319 : i32 to vector<16xi32>
    %max3A_321 = arith.maxsi %sub3A_318, %max3A_320 : vector<16xi32>
    %sub3A_322 = arith.subi %get3A_315, %gather3A_208 : vector<16xi32>
    %max3A_323 = arith.constant 0 : i32
    %max3A_324 = vector.broadcast %max3A_323 : i32 to vector<16xi32>
    %max3A_325 = arith.maxsi %sub3A_322, %max3A_324 : vector<16xi32>
    %add3A_326 = arith.addi %max3A_321, %max3A_325 : vector<16xi32>
    %min3A_327 = arith.constant 2047 : i32
    %min3A_328 = vector.broadcast %min3A_327 : i32 to vector<16xi32>
    %min3A_329 = arith.minsi %add3A_326, %min3A_328 : vector<16xi32>
    %gather3A_330 = tpu.vector_load_idx %arg8[%min3A_329] : memref<2048xi32, #tpu.memory_space<vmem>>[vector<16xi32>], vector<16xi32>,
    %swap3A_331 = arith.constant 1 : i32
    %swap3A_332 = arith.index_cast %swap3A_331 : i32 to index
    %swap3A_333 = arith.constant 80 : index
    %swap3A_334 = tpu.vector_load %arg9[%swap3A_332, %swap3A_333] {strides = array<i32>} : memref<16x128xi32, #tpu.memory_space<vmem>>, vector<16xi32>,
    tpu.vector_store %arg9[%swap3A_332, %swap3A_333], %gather3A_330 {strides = array<i32>} : memref<16x128xi32, #tpu.memory_space<vmem>>, vector<16xi32>,
    %get3A_335 = arith.constant 96 : index
    %get3A_336 = tpu.vector_load %arg6[%get3A_335] {strides = array<i32>} : memref<128xi32, #tpu.memory_space<vmem>>, vector<16xi32>,
    %get3A_337 = arith.constant 96 : index
    %get3A_338 = tpu.vector_load %arg7[%get3A_337] {strides = array<i32>} : memref<128xi32, #tpu.memory_space<vmem>>, vector<16xi32>,
    %sub3A_339 = arith.subi %gather3A_207, %get3A_338 : vector<16xi32>
    %max3A_340 = arith.constant 0 : i32
    %max3A_341 = vector.broadcast %max3A_340 : i32 to vector<16xi32>
    %max3A_342 = arith.maxsi %sub3A_339, %max3A_341 : vector<16xi32>
    %sub3A_343 = arith.subi %get3A_336, %gather3A_208 : vector<16xi32>
    %max3A_344 = arith.constant 0 : i32
    %max3A_345 = vector.broadcast %max3A_344 : i32 to vector<16xi32>
    %max3A_346 = arith.maxsi %sub3A_343, %max3A_345 : vector<16xi32>
    %add3A_347 = arith.addi %max3A_342, %max3A_346 : vector<16xi32>
    %min3A_348 = arith.constant 2047 : i32
    %min3A_349 = vector.broadcast %min3A_348 : i32 to vector<16xi32>
    %min3A_350 = arith.minsi %add3A_347, %min3A_349 : vector<16xi32>
    %gather3A_351 = tpu.vector_load_idx %arg8[%min3A_350] : memref<2048xi32, #tpu.memory_space<vmem>>[vector<16xi32>], vector<16xi32>,
    %swap3A_352 = arith.constant 1 : i32
    %swap3A_353 = arith.index_cast %swap3A_352 : i32 to index
    %swap3A_354 = arith.constant 96 : index
    %swap3A_355 = tpu.vector_load %arg9[%swap3A_353, %swap3A_354] {strides = array<i32>} : memref<16x128xi32, #tpu.memory_space<vmem>>, vector<16xi32>,
    tpu.vector_store %arg9[%swap3A_353, %swap3A_354], %gather3A_351 {strides = array<i32>} : memref<16x128xi32, #tpu.memory_space<vmem>>, vector<16xi32>,
    %get3A_356 = arith.constant 112 : index
    %get3A_357 = tpu.vector_load %arg6[%get3A_356] {strides = array<i32>} : memref<128xi32, #tpu.memory_space<vmem>>, vector<16xi32>,
    %get3A_358 = arith.constant 112 : index
    %get3A_359 = tpu.vector_load %arg7[%get3A_358] {strides = array<i32>} : memref<128xi32, #tpu.memory_space<vmem>>, vector<16xi32>,
    %sub3A_360 = arith.subi %gather3A_207, %get3A_359 : vector<16xi32>
    %max3A_361 = arith.constant 0 : i32
    %max3A_362 = vector.broadcast %max3A_361 : i32 to vector<16xi32>
    %max3A_363 = arith.maxsi %sub3A_360, %max3A_362 : vector<16xi32>
    %sub3A_364 = arith.subi %get3A_357, %gather3A_208 : vector<16xi32>
    %max3A_365 = arith.constant 0 : i32
    %max3A_366 = vector.broadcast %max3A_365 : i32 to vector<16xi32>
    %max3A_367 = arith.maxsi %sub3A_364, %max3A_366 : vector<16xi32>
    %add3A_368 = arith.addi %max3A_363, %max3A_367 : vector<16xi32>
    %min3A_369 = arith.constant 2047 : i32
    %min3A_370 = vector.broadcast %min3A_369 : i32 to vector<16xi32>
    %min3A_371 = arith.minsi %add3A_368, %min3A_370 : vector<16xi32>
    %gather3A_372 = tpu.vector_load_idx %arg8[%min3A_371] : memref<2048xi32, #tpu.memory_space<vmem>>[vector<16xi32>], vector<16xi32>,
    %swap3A_373 = arith.constant 1 : i32
    %swap3A_374 = arith.index_cast %swap3A_373 : i32 to index
    %swap3A_375 = arith.constant 112 : index
    %swap3A_376 = tpu.vector_load %arg9[%swap3A_374, %swap3A_375] {strides = array<i32>} : memref<16x128xi32, #tpu.memory_space<vmem>>, vector<16xi32>,
    tpu.vector_store %arg9[%swap3A_374, %swap3A_375], %gather3A_372 {strides = array<i32>} : memref<16x128xi32, #tpu.memory_space<vmem>>, vector<16xi32>,
    %add3A_377 = arith.constant 2 : i32
    %add3A_378 = arith.addi %select_n3A_36, %add3A_377 : i32
    %broadcast_in_dim3A_379 = vector.broadcast %add3A_378 : i32 to vector<16xi32>
    %gather3A_380 = tpu.vector_load_idx %arg6[%broadcast_in_dim3A_379] : memref<128xi32, #tpu.memory_space<vmem>>[vector<16xi32>], vector<16xi32>,
    %gather3A_381 = tpu.vector_load_idx %arg7[%broadcast_in_dim3A_379] : memref<128xi32, #tpu.memory_space<vmem>>[vector<16xi32>], vector<16xi32>,
    %get3A_382 = arith.constant 0 : index
    %get3A_383 = tpu.vector_load %arg6[%get3A_382] {strides = array<i32>} : memref<128xi32, #tpu.memory_space<vmem>>, vector<16xi32>,
    %get3A_384 = arith.constant 0 : index
    %get3A_385 = tpu.vector_load %arg7[%get3A_384] {strides = array<i32>} : memref<128xi32, #tpu.memory_space<vmem>>, vector<16xi32>,
    %sub3A_386 = arith.subi %gather3A_380, %get3A_385 : vector<16xi32>
    %max3A_387 = arith.constant 0 : i32
    %max3A_388 = vector.broadcast %max3A_387 : i32 to vector<16xi32>
    %max3A_389 = arith.maxsi %sub3A_386, %max3A_388 : vector<16xi32>
    %sub3A_390 = arith.subi %get3A_383, %gather3A_381 : vector<16xi32>
    %max3A_391 = arith.constant 0 : i32
    %max3A_392 = vector.broadcast %max3A_391 : i32 to vector<16xi32>
    %max3A_393 = arith.maxsi %sub3A_390, %max3A_392 : vector<16xi32>
    %add3A_394 = arith.addi %max3A_389, %max3A_393 : vector<16xi32>
    %min3A_395 = arith.constant 2047 : i32
    %min3A_396 = vector.broadcast %min3A_395 : i32 to vector<16xi32>
    %min3A_397 = arith.minsi %add3A_394, %min3A_396 : vector<16xi32>
    %gather3A_398 = tpu.vector_load_idx %arg8[%min3A_397] : memref<2048xi32, #tpu.memory_space<vmem>>[vector<16xi32>], vector<16xi32>,
    %swap3A_399 = arith.constant 2 : i32
    %swap3A_400 = arith.index_cast %swap3A_399 : i32 to index
    %swap3A_401 = arith.constant 0 : index
    %swap3A_402 = tpu.vector_load %arg9[%swap3A_400, %swap3A_401] {strides = array<i32>} : memref<16x128xi32, #tpu.memory_space<vmem>>, vector<16xi32>,
    tpu.vector_store %arg9[%swap3A_400, %swap3A_401], %gather3A_398 {strides = array<i32>} : memref<16x128xi32, #tpu.memory_space<vmem>>, vector<16xi32>,
    %get3A_403 = arith.constant 16 : index
    %get3A_404 = tpu.vector_load %arg6[%get3A_403] {strides = array<i32>} : memref<128xi32, #tpu.memory_space<vmem>>, vector<16xi32>,
    %get3A_405 = arith.constant 16 : index
    %get3A_406 = tpu.vector_load %arg7[%get3A_405] {strides = array<i32>} : memref<128xi32, #tpu.memory_space<vmem>>, vector<16xi32>,
    %sub3A_407 = arith.subi %gather3A_380, %get3A_406 : vector<16xi32>
    %max3A_408 = arith.constant 0 : i32
    %max3A_409 = vector.broadcast %max3A_408 : i32 to vector<16xi32>
    %max3A_410 = arith.maxsi %sub3A_407, %max3A_409 : vector<16xi32>
    %sub3A_411 = arith.subi %get3A_404, %gather3A_381 : vector<16xi32>
    %max3A_412 = arith.constant 0 : i32
    %max3A_413 = vector.broadcast %max3A_412 : i32 to vector<16xi32>
    %max3A_414 = arith.maxsi %sub3A_411, %max3A_413 : vector<16xi32>
    %add3A_415 = arith.addi %max3A_410, %max3A_414 : vector<16xi32>
    %min3A_416 = arith.constant 2047 : i32
    %min3A_417 = vector.broadcast %min3A_416 : i32 to vector<16xi32>
    %min3A_418 = arith.minsi %add3A_415, %min3A_417 : vector<16xi32>
    %gather3A_419 = tpu.vector_load_idx %arg8[%min3A_418] : memref<2048xi32, #tpu.memory_space<vmem>>[vector<16xi32>], vector<16xi32>,
    %swap3A_420 = arith.constant 2 : i32
    %swap3A_421 = arith.index_cast %swap3A_420 : i32 to index
    %swap3A_422 = arith.constant 16 : index
    %swap3A_423 = tpu.vector_load %arg9[%swap3A_421, %swap3A_422] {strides = array<i32>} : memref<16x128xi32, #tpu.memory_space<vmem>>, vector<16xi32>,
    tpu.vector_store %arg9[%swap3A_421, %swap3A_422], %gather3A_419 {strides = array<i32>} : memref<16x128xi32, #tpu.memory_space<vmem>>, vector<16xi32>,
    %get3A_424 = arith.constant 32 : index
    %get3A_425 = tpu.vector_load %arg6[%get3A_424] {strides = array<i32>} : memref<128xi32, #tpu.memory_space<vmem>>, vector<16xi32>,
    %get3A_426 = arith.constant 32 : index
    %get3A_427 = tpu.vector_load %arg7[%get3A_426] {strides = array<i32>} : memref<128xi32, #tpu.memory_space<vmem>>, vector<16xi32>,
    %sub3A_428 = arith.subi %gather3A_380, %get3A_427 : vector<16xi32>
    %max3A_429 = arith.constant 0 : i32
    %max3A_430 = vector.broadcast %max3A_429 : i32 to vector<16xi32>
    %max3A_431 = arith.maxsi %sub3A_428, %max3A_430 : vector<16xi32>
    %sub3A_432 = arith.subi %get3A_425, %gather3A_381 : vector<16xi32>
    %max3A_433 = arith.constant 0 : i32
    %max3A_434 = vector.broadcast %max3A_433 : i32 to vector<16xi32>
    %max3A_435 = arith.maxsi %sub3A_432, %max3A_434 : vector<16xi32>
    %add3A_436 = arith.addi %max3A_431, %max3A_435 : vector<16xi32>
    %min3A_437 = arith.constant 2047 : i32
    %min3A_438 = vector.broadcast %min3A_437 : i32 to vector<16xi32>
    %min3A_439 = arith.minsi %add3A_436, %min3A_438 : vector<16xi32>
    %gather3A_440 = tpu.vector_load_idx %arg8[%min3A_439] : memref<2048xi32, #tpu.memory_space<vmem>>[vector<16xi32>], vector<16xi32>,
    %swap3A_441 = arith.constant 2 : i32
    %swap3A_442 = arith.index_cast %swap3A_441 : i32 to index
    %swap3A_443 = arith.constant 32 : index
    %swap3A_444 = tpu.vector_load %arg9[%swap3A_442, %swap3A_443] {strides = array<i32>} : memref<16x128xi32, #tpu.memory_space<vmem>>, vector<16xi32>,
    tpu.vector_store %arg9[%swap3A_442, %swap3A_443], %gather3A_440 {strides = array<i32>} : memref<16x128xi32, #tpu.memory_space<vmem>>, vector<16xi32>,
    %get3A_445 = arith.constant 48 : index
    %get3A_446 = tpu.vector_load %arg6[%get3A_445] {strides = array<i32>} : memref<128xi32, #tpu.memory_space<vmem>>, vector<16xi32>,
    %get3A_447 = arith.constant 48 : index
    %get3A_448 = tpu.vector_load %arg7[%get3A_447] {strides = array<i32>} : memref<128xi32, #tpu.memory_space<vmem>>, vector<16xi32>,
    %sub3A_449 = arith.subi %gather3A_380, %get3A_448 : vector<16xi32>
    %max3A_450 = arith.constant 0 : i32
    %max3A_451 = vector.broadcast %max3A_450 : i32 to vector<16xi32>
    %max3A_452 = arith.maxsi %sub3A_449, %max3A_451 : vector<16xi32>
    %sub3A_453 = arith.subi %get3A_446, %gather3A_381 : vector<16xi32>
    %max3A_454 = arith.constant 0 : i32
    %max3A_455 = vector.broadcast %max3A_454 : i32 to vector<16xi32>
    %max3A_456 = arith.maxsi %sub3A_453, %max3A_455 : vector<16xi32>
    %add3A_457 = arith.addi %max3A_452, %max3A_456 : vector<16xi32>
    %min3A_458 = arith.constant 2047 : i32
    %min3A_459 = vector.broadcast %min3A_458 : i32 to vector<16xi32>
    %min3A_460 = arith.minsi %add3A_457, %min3A_459 : vector<16xi32>
    %gather3A_461 = tpu.vector_load_idx %arg8[%min3A_460] : memref<2048xi32, #tpu.memory_space<vmem>>[vector<16xi32>], vector<16xi32>,
    %swap3A_462 = arith.constant 2 : i32
    %swap3A_463 = arith.index_cast %swap3A_462 : i32 to index
    %swap3A_464 = arith.constant 48 : index
    %swap3A_465 = tpu.vector_load %arg9[%swap3A_463, %swap3A_464] {strides = array<i32>} : memref<16x128xi32, #tpu.memory_space<vmem>>, vector<16xi32>,
    tpu.vector_store %arg9[%swap3A_463, %swap3A_464], %gather3A_461 {strides = array<i32>} : memref<16x128xi32, #tpu.memory_space<vmem>>, vector<16xi32>,
    %get3A_466 = arith.constant 64 : index
    %get3A_467 = tpu.vector_load %arg6[%get3A_466] {strides = array<i32>} : memref<128xi32, #tpu.memory_space<vmem>>, vector<16xi32>,
    %get3A_468 = arith.constant 64 : index
    %get3A_469 = tpu.vector_load %arg7[%get3A_468] {strides = array<i32>} : memref<128xi32, #tpu.memory_space<vmem>>, vector<16xi32>,
    %sub3A_470 = arith.subi %gather3A_380, %get3A_469 : vector<16xi32>
    %max3A_471 = arith.constant 0 : i32
    %max3A_472 = vector.broadcast %max3A_471 : i32 to vector<16xi32>
    %max3A_473 = arith.maxsi %sub3A_470, %max3A_472 : vector<16xi32>
    %sub3A_474 = arith.subi %get3A_467, %gather3A_381 : vector<16xi32>
    %max3A_475 = arith.constant 0 : i32
    %max3A_476 = vector.broadcast %max3A_475 : i32 to vector<16xi32>
    %max3A_477 = arith.maxsi %sub3A_474, %max3A_476 : vector<16xi32>
    %add3A_478 = arith.addi %max3A_473, %max3A_477 : vector<16xi32>
    %min3A_479 = arith.constant 2047 : i32
    %min3A_480 = vector.broadcast %min3A_479 : i32 to vector<16xi32>
    %min3A_481 = arith.minsi %add3A_478, %min3A_480 : vector<16xi32>
    %gather3A_482 = tpu.vector_load_idx %arg8[%min3A_481] : memref<2048xi32, #tpu.memory_space<vmem>>[vector<16xi32>], vector<16xi32>,
    %swap3A_483 = arith.constant 2 : i32
    %swap3A_484 = arith.index_cast %swap3A_483 : i32 to index
    %swap3A_485 = arith.constant 64 : index
    %swap3A_486 = tpu.vector_load %arg9[%swap3A_484, %swap3A_485] {strides = array<i32>} : memref<16x128xi32, #tpu.memory_space<vmem>>, vector<16xi32>,
    tpu.vector_store %arg9[%swap3A_484, %swap3A_485], %gather3A_482 {strides = array<i32>} : memref<16x128xi32, #tpu.memory_space<vmem>>, vector<16xi32>,
    %get3A_487 = arith.constant 80 : index
    %get3A_488 = tpu.vector_load %arg6[%get3A_487] {strides = array<i32>} : memref<128xi32, #tpu.memory_space<vmem>>, vector<16xi32>,
    %get3A_489 = arith.constant 80 : index
    %get3A_490 = tpu.vector_load %arg7[%get3A_489] {strides = array<i32>} : memref<128xi32, #tpu.memory_space<vmem>>, vector<16xi32>,
    %sub3A_491 = arith.subi %gather3A_380, %get3A_490 : vector<16xi32>
    %max3A_492 = arith.constant 0 : i32
    %max3A_493 = vector.broadcast %max3A_492 : i32 to vector<16xi32>
    %max3A_494 = arith.maxsi %sub3A_491, %max3A_493 : vector<16xi32>
    %sub3A_495 = arith.subi %get3A_488, %gather3A_381 : vector<16xi32>
    %max3A_496 = arith.constant 0 : i32
    %max3A_497 = vector.broadcast %max3A_496 : i32 to vector<16xi32>
    %max3A_498 = arith.maxsi %sub3A_495, %max3A_497 : vector<16xi32>
    %add3A_499 = arith.addi %max3A_494, %max3A_498 : vector<16xi32>
    %min3A_500 = arith.constant 2047 : i32
    %min3A_501 = vector.broadcast %min3A_500 : i32 to vector<16xi32>
    %min3A_502 = arith.minsi %add3A_499, %min3A_501 : vector<16xi32>
    %gather3A_503 = tpu.vector_load_idx %arg8[%min3A_502] : memref<2048xi32, #tpu.memory_space<vmem>>[vector<16xi32>], vector<16xi32>,
    %swap3A_504 = arith.constant 2 : i32
    %swap3A_505 = arith.index_cast %swap3A_504 : i32 to index
    %swap3A_506 = arith.constant 80 : index
    %swap3A_507 = tpu.vector_load %arg9[%swap3A_505, %swap3A_506] {strides = array<i32>} : memref<16x128xi32, #tpu.memory_space<vmem>>, vector<16xi32>,
    tpu.vector_store %arg9[%swap3A_505, %swap3A_506], %gather3A_503 {strides = array<i32>} : memref<16x128xi32, #tpu.memory_space<vmem>>, vector<16xi32>,
    %get3A_508 = arith.constant 96 : index
    %get3A_509 = tpu.vector_load %arg6[%get3A_508] {strides = array<i32>} : memref<128xi32, #tpu.memory_space<vmem>>, vector<16xi32>,
    %get3A_510 = arith.constant 96 : index
    %get3A_511 = tpu.vector_load %arg7[%get3A_510] {strides = array<i32>} : memref<128xi32, #tpu.memory_space<vmem>>, vector<16xi32>,
    %sub3A_512 = arith.subi %gather3A_380, %get3A_511 : vector<16xi32>
    %max3A_513 = arith.constant 0 : i32
    %max3A_514 = vector.broadcast %max3A_513 : i32 to vector<16xi32>
    %max3A_515 = arith.maxsi %sub3A_512, %max3A_514 : vector<16xi32>
    %sub3A_516 = arith.subi %get3A_509, %gather3A_381 : vector<16xi32>
    %max3A_517 = arith.constant 0 : i32
    %max3A_518 = vector.broadcast %max3A_517 : i32 to vector<16xi32>
    %max3A_519 = arith.maxsi %sub3A_516, %max3A_518 : vector<16xi32>
    %add3A_520 = arith.addi %max3A_515, %max3A_519 : vector<16xi32>
    %min3A_521 = arith.constant 2047 : i32
    %min3A_522 = vector.broadcast %min3A_521 : i32 to vector<16xi32>
    %min3A_523 = arith.minsi %add3A_520, %min3A_522 : vector<16xi32>
    %gather3A_524 = tpu.vector_load_idx %arg8[%min3A_523] : memref<2048xi32, #tpu.memory_space<vmem>>[vector<16xi32>], vector<16xi32>,
    %swap3A_525 = arith.constant 2 : i32
    %swap3A_526 = arith.index_cast %swap3A_525 : i32 to index
    %swap3A_527 = arith.constant 96 : index
    %swap3A_528 = tpu.vector_load %arg9[%swap3A_526, %swap3A_527] {strides = array<i32>} : memref<16x128xi32, #tpu.memory_space<vmem>>, vector<16xi32>,
    tpu.vector_store %arg9[%swap3A_526, %swap3A_527], %gather3A_524 {strides = array<i32>} : memref<16x128xi32, #tpu.memory_space<vmem>>, vector<16xi32>,
    %get3A_529 = arith.constant 112 : index
    %get3A_530 = tpu.vector_load %arg6[%get3A_529] {strides = array<i32>} : memref<128xi32, #tpu.memory_space<vmem>>, vector<16xi32>,
    %get3A_531 = arith.constant 112 : index
    %get3A_532 = tpu.vector_load %arg7[%get3A_531] {strides = array<i32>} : memref<128xi32, #tpu.memory_space<vmem>>, vector<16xi32>,
    %sub3A_533 = arith.subi %gather3A_380, %get3A_532 : vector<16xi32>
    %max3A_534 = arith.constant 0 : i32
    %max3A_535 = vector.broadcast %max3A_534 : i32 to vector<16xi32>
    %max3A_536 = arith.maxsi %sub3A_533, %max3A_535 : vector<16xi32>
    %sub3A_537 = arith.subi %get3A_530, %gather3A_381 : vector<16xi32>
    %max3A_538 = arith.constant 0 : i32
    %max3A_539 = vector.broadcast %max3A_538 : i32 to vector<16xi32>
    %max3A_540 = arith.maxsi %sub3A_537, %max3A_539 : vector<16xi32>
    %add3A_541 = arith.addi %max3A_536, %max3A_540 : vector<16xi32>
    %min3A_542 = arith.constant 2047 : i32
    %min3A_543 = vector.broadcast %min3A_542 : i32 to vector<16xi32>
    %min3A_544 = arith.minsi %add3A_541, %min3A_543 : vector<16xi32>
    %gather3A_545 = tpu.vector_load_idx %arg8[%min3A_544] : memref<2048xi32, #tpu.memory_space<vmem>>[vector<16xi32>], vector<16xi32>,
    %swap3A_546 = arith.constant 2 : i32
    %swap3A_547 = arith.index_cast %swap3A_546 : i32 to index
    %swap3A_548 = arith.constant 112 : index
    %swap3A_549 = tpu.vector_load %arg9[%swap3A_547, %swap3A_548] {strides = array<i32>} : memref<16x128xi32, #tpu.memory_space<vmem>>, vector<16xi32>,
    tpu.vector_store %arg9[%swap3A_547, %swap3A_548], %gather3A_545 {strides = array<i32>} : memref<16x128xi32, #tpu.memory_space<vmem>>, vector<16xi32>,
    %add3A_550 = arith.constant 3 : i32
    %add3A_551 = arith.addi %select_n3A_36, %add3A_550 : i32
    %broadcast_in_dim3A_552 = vector.broadcast %add3A_551 : i32 to vector<16xi32>
    %gather3A_553 = tpu.vector_load_idx %arg6[%broadcast_in_dim3A_552] : memref<128xi32, #tpu.memory_space<vmem>>[vector<16xi32>], vector<16xi32>,
    %gather3A_554 = tpu.vector_load_idx %arg7[%broadcast_in_dim3A_552] : memref<128xi32, #tpu.memory_space<vmem>>[vector<16xi32>], vector<16xi32>,
    %get3A_555 = arith.constant 0 : index
    %get3A_556 = tpu.vector_load %arg6[%get3A_555] {strides = array<i32>} : memref<128xi32, #tpu.memory_space<vmem>>, vector<16xi32>,
    %get3A_557 = arith.constant 0 : index
    %get3A_558 = tpu.vector_load %arg7[%get3A_557] {strides = array<i32>} : memref<128xi32, #tpu.memory_space<vmem>>, vector<16xi32>,
    %sub3A_559 = arith.subi %gather3A_553, %get3A_558 : vector<16xi32>
    %max3A_560 = arith.constant 0 : i32
    %max3A_561 = vector.broadcast %max3A_560 : i32 to vector<16xi32>
    %max3A_562 = arith.maxsi %sub3A_559, %max3A_561 : vector<16xi32>
    %sub3A_563 = arith.subi %get3A_556, %gather3A_554 : vector<16xi32>
    %max3A_564 = arith.constant 0 : i32
    %max3A_565 = vector.broadcast %max3A_564 : i32 to vector<16xi32>
    %max3A_566 = arith.maxsi %sub3A_563, %max3A_565 : vector<16xi32>
    %add3A_567 = arith.addi %max3A_562, %max3A_566 : vector<16xi32>
    %min3A_568 = arith.constant 2047 : i32
    %min3A_569 = vector.broadcast %min3A_568 : i32 to vector<16xi32>
    %min3A_570 = arith.minsi %add3A_567, %min3A_569 : vector<16xi32>
    %gather3A_571 = tpu.vector_load_idx %arg8[%min3A_570] : memref<2048xi32, #tpu.memory_space<vmem>>[vector<16xi32>], vector<16xi32>,
    %swap3A_572 = arith.constant 3 : i32
    %swap3A_573 = arith.index_cast %swap3A_572 : i32 to index
    %swap3A_574 = arith.constant 0 : index
    %swap3A_575 = tpu.vector_load %arg9[%swap3A_573, %swap3A_574] {strides = array<i32>} : memref<16x128xi32, #tpu.memory_space<vmem>>, vector<16xi32>,
    tpu.vector_store %arg9[%swap3A_573, %swap3A_574], %gather3A_571 {strides = array<i32>} : memref<16x128xi32, #tpu.memory_space<vmem>>, vector<16xi32>,
    %get3A_576 = arith.constant 16 : index
    %get3A_577 = tpu.vector_load %arg6[%get3A_576] {strides = array<i32>} : memref<128xi32, #tpu.memory_space<vmem>>, vector<16xi32>,
    %get3A_578 = arith.constant 16 : index
    %get3A_579 = tpu.vector_load %arg7[%get3A_578] {strides = array<i32>} : memref<128xi32, #tpu.memory_space<vmem>>, vector<16xi32>,
    %sub3A_580 = arith.subi %gather3A_553, %get3A_579 : vector<16xi32>
    %max3A_581 = arith.constant 0 : i32
    %max3A_582 = vector.broadcast %max3A_581 : i32 to vector<16xi32>
    %max3A_583 = arith.maxsi %sub3A_580, %max3A_582 : vector<16xi32>
    %sub3A_584 = arith.subi %get3A_577, %gather3A_554 : vector<16xi32>
    %max3A_585 = arith.constant 0 : i32
    %max3A_586 = vector.broadcast %max3A_585 : i32 to vector<16xi32>
    %max3A_587 = arith.maxsi %sub3A_584, %max3A_586 : vector<16xi32>
    %add3A_588 = arith.addi %max3A_583, %max3A_587 : vector<16xi32>
    %min3A_589 = arith.constant 2047 : i32
    %min3A_590 = vector.broadcast %min3A_589 : i32 to vector<16xi32>
    %min3A_591 = arith.minsi %add3A_588, %min3A_590 : vector<16xi32>
    %gather3A_592 = tpu.vector_load_idx %arg8[%min3A_591] : memref<2048xi32, #tpu.memory_space<vmem>>[vector<16xi32>], vector<16xi32>,
    %swap3A_593 = arith.constant 3 : i32
    %swap3A_594 = arith.index_cast %swap3A_593 : i32 to index
    %swap3A_595 = arith.constant 16 : index
    %swap3A_596 = tpu.vector_load %arg9[%swap3A_594, %swap3A_595] {strides = array<i32>} : memref<16x128xi32, #tpu.memory_space<vmem>>, vector<16xi32>,
    tpu.vector_store %arg9[%swap3A_594, %swap3A_595], %gather3A_592 {strides = array<i32>} : memref<16x128xi32, #tpu.memory_space<vmem>>, vector<16xi32>,
    %get3A_597 = arith.constant 32 : index
    %get3A_598 = tpu.vector_load %arg6[%get3A_597] {strides = array<i32>} : memref<128xi32, #tpu.memory_space<vmem>>, vector<16xi32>,
    %get3A_599 = arith.constant 32 : index
    %get3A_600 = tpu.vector_load %arg7[%get3A_599] {strides = array<i32>} : memref<128xi32, #tpu.memory_space<vmem>>, vector<16xi32>,
    %sub3A_601 = arith.subi %gather3A_553, %get3A_600 : vector<16xi32>
    %max3A_602 = arith.constant 0 : i32
    %max3A_603 = vector.broadcast %max3A_602 : i32 to vector<16xi32>
    %max3A_604 = arith.maxsi %sub3A_601, %max3A_603 : vector<16xi32>
    %sub3A_605 = arith.subi %get3A_598, %gather3A_554 : vector<16xi32>
    %max3A_606 = arith.constant 0 : i32
    %max3A_607 = vector.broadcast %max3A_606 : i32 to vector<16xi32>
    %max3A_608 = arith.maxsi %sub3A_605, %max3A_607 : vector<16xi32>
    %add3A_609 = arith.addi %max3A_604, %max3A_608 : vector<16xi32>
    %min3A_610 = arith.constant 2047 : i32
    %min3A_611 = vector.broadcast %min3A_610 : i32 to vector<16xi32>
    %min3A_612 = arith.minsi %add3A_609, %min3A_611 : vector<16xi32>
    %gather3A_613 = tpu.vector_load_idx %arg8[%min3A_612] : memref<2048xi32, #tpu.memory_space<vmem>>[vector<16xi32>], vector<16xi32>,
    %swap3A_614 = arith.constant 3 : i32
    %swap3A_615 = arith.index_cast %swap3A_614 : i32 to index
    %swap3A_616 = arith.constant 32 : index
    %swap3A_617 = tpu.vector_load %arg9[%swap3A_615, %swap3A_616] {strides = array<i32>} : memref<16x128xi32, #tpu.memory_space<vmem>>, vector<16xi32>,
    tpu.vector_store %arg9[%swap3A_615, %swap3A_616], %gather3A_613 {strides = array<i32>} : memref<16x128xi32, #tpu.memory_space<vmem>>, vector<16xi32>,
    %get3A_618 = arith.constant 48 : index
    %get3A_619 = tpu.vector_load %arg6[%get3A_618] {strides = array<i32>} : memref<128xi32, #tpu.memory_space<vmem>>, vector<16xi32>,
    %get3A_620 = arith.constant 48 : index
    %get3A_621 = tpu.vector_load %arg7[%get3A_620] {strides = array<i32>} : memref<128xi32, #tpu.memory_space<vmem>>, vector<16xi32>,
    %sub3A_622 = arith.subi %gather3A_553, %get3A_621 : vector<16xi32>
    %max3A_623 = arith.constant 0 : i32
    %max3A_624 = vector.broadcast %max3A_623 : i32 to vector<16xi32>
    %max3A_625 = arith.maxsi %sub3A_622, %max3A_624 : vector<16xi32>
    %sub3A_626 = arith.subi %get3A_619, %gather3A_554 : vector<16xi32>
    %max3A_627 = arith.constant 0 : i32
    %max3A_628 = vector.broadcast %max3A_627 : i32 to vector<16xi32>
    %max3A_629 = arith.maxsi %sub3A_626, %max3A_628 : vector<16xi32>
    %add3A_630 = arith.addi %max3A_625, %max3A_629 : vector<16xi32>
    %min3A_631 = arith.constant 2047 : i32
    %min3A_632 = vector.broadcast %min3A_631 : i32 to vector<16xi32>
    %min3A_633 = arith.minsi %add3A_630, %min3A_632 : vector<16xi32>
    %gather3A_634 = tpu.vector_load_idx %arg8[%min3A_633] : memref<2048xi32, #tpu.memory_space<vmem>>[vector<16xi32>], vector<16xi32>,
    %swap3A_635 = arith.constant 3 : i32
    %swap3A_636 = arith.index_cast %swap3A_635 : i32 to index
    %swap3A_637 = arith.constant 48 : index
    %swap3A_638 = tpu.vector_load %arg9[%swap3A_636, %swap3A_637] {strides = array<i32>} : memref<16x128xi32, #tpu.memory_space<vmem>>, vector<16xi32>,
    tpu.vector_store %arg9[%swap3A_636, %swap3A_637], %gather3A_634 {strides = array<i32>} : memref<16x128xi32, #tpu.memory_space<vmem>>, vector<16xi32>,
    %get3A_639 = arith.constant 64 : index
    %get3A_640 = tpu.vector_load %arg6[%get3A_639] {strides = array<i32>} : memref<128xi32, #tpu.memory_space<vmem>>, vector<16xi32>,
    %get3A_641 = arith.constant 64 : index
    %get3A_642 = tpu.vector_load %arg7[%get3A_641] {strides = array<i32>} : memref<128xi32, #tpu.memory_space<vmem>>, vector<16xi32>,
    %sub3A_643 = arith.subi %gather3A_553, %get3A_642 : vector<16xi32>
    %max3A_644 = arith.constant 0 : i32
    %max3A_645 = vector.broadcast %max3A_644 : i32 to vector<16xi32>
    %max3A_646 = arith.maxsi %sub3A_643, %max3A_645 : vector<16xi32>
    %sub3A_647 = arith.subi %get3A_640, %gather3A_554 : vector<16xi32>
    %max3A_648 = arith.constant 0 : i32
    %max3A_649 = vector.broadcast %max3A_648 : i32 to vector<16xi32>
    %max3A_650 = arith.maxsi %sub3A_647, %max3A_649 : vector<16xi32>
    %add3A_651 = arith.addi %max3A_646, %max3A_650 : vector<16xi32>
    %min3A_652 = arith.constant 2047 : i32
    %min3A_653 = vector.broadcast %min3A_652 : i32 to vector<16xi32>
    %min3A_654 = arith.minsi %add3A_651, %min3A_653 : vector<16xi32>
    %gather3A_655 = tpu.vector_load_idx %arg8[%min3A_654] : memref<2048xi32, #tpu.memory_space<vmem>>[vector<16xi32>], vector<16xi32>,
    %swap3A_656 = arith.constant 3 : i32
    %swap3A_657 = arith.index_cast %swap3A_656 : i32 to index
    %swap3A_658 = arith.constant 64 : index
    %swap3A_659 = tpu.vector_load %arg9[%swap3A_657, %swap3A_658] {strides = array<i32>} : memref<16x128xi32, #tpu.memory_space<vmem>>, vector<16xi32>,
    tpu.vector_store %arg9[%swap3A_657, %swap3A_658], %gather3A_655 {strides = array<i32>} : memref<16x128xi32, #tpu.memory_space<vmem>>, vector<16xi32>,
    %get3A_660 = arith.constant 80 : index
    %get3A_661 = tpu.vector_load %arg6[%get3A_660] {strides = array<i32>} : memref<128xi32, #tpu.memory_space<vmem>>, vector<16xi32>,
    %get3A_662 = arith.constant 80 : index
    %get3A_663 = tpu.vector_load %arg7[%get3A_662] {strides = array<i32>} : memref<128xi32, #tpu.memory_space<vmem>>, vector<16xi32>,
    %sub3A_664 = arith.subi %gather3A_553, %get3A_663 : vector<16xi32>
    %max3A_665 = arith.constant 0 : i32
    %max3A_666 = vector.broadcast %max3A_665 : i32 to vector<16xi32>
    %max3A_667 = arith.maxsi %sub3A_664, %max3A_666 : vector<16xi32>
    %sub3A_668 = arith.subi %get3A_661, %gather3A_554 : vector<16xi32>
    %max3A_669 = arith.constant 0 : i32
    %max3A_670 = vector.broadcast %max3A_669 : i32 to vector<16xi32>
    %max3A_671 = arith.maxsi %sub3A_668, %max3A_670 : vector<16xi32>
    %add3A_672 = arith.addi %max3A_667, %max3A_671 : vector<16xi32>
    %min3A_673 = arith.constant 2047 : i32
    %min3A_674 = vector.broadcast %min3A_673 : i32 to vector<16xi32>
    %min3A_675 = arith.minsi %add3A_672, %min3A_674 : vector<16xi32>
    %gather3A_676 = tpu.vector_load_idx %arg8[%min3A_675] : memref<2048xi32, #tpu.memory_space<vmem>>[vector<16xi32>], vector<16xi32>,
    %swap3A_677 = arith.constant 3 : i32
    %swap3A_678 = arith.index_cast %swap3A_677 : i32 to index
    %swap3A_679 = arith.constant 80 : index
    %swap3A_680 = tpu.vector_load %arg9[%swap3A_678, %swap3A_679] {strides = array<i32>} : memref<16x128xi32, #tpu.memory_space<vmem>>, vector<16xi32>,
    tpu.vector_store %arg9[%swap3A_678, %swap3A_679], %gather3A_676 {strides = array<i32>} : memref<16x128xi32, #tpu.memory_space<vmem>>, vector<16xi32>,
    %get3A_681 = arith.constant 96 : index
    %get3A_682 = tpu.vector_load %arg6[%get3A_681] {strides = array<i32>} : memref<128xi32, #tpu.memory_space<vmem>>, vector<16xi32>,
    %get3A_683 = arith.constant 96 : index
    %get3A_684 = tpu.vector_load %arg7[%get3A_683] {strides = array<i32>} : memref<128xi32, #tpu.memory_space<vmem>>, vector<16xi32>,
    %sub3A_685 = arith.subi %gather3A_553, %get3A_684 : vector<16xi32>
    %max3A_686 = arith.constant 0 : i32
    %max3A_687 = vector.broadcast %max3A_686 : i32 to vector<16xi32>
    %max3A_688 = arith.maxsi %sub3A_685, %max3A_687 : vector<16xi32>
    %sub3A_689 = arith.subi %get3A_682, %gather3A_554 : vector<16xi32>
    %max3A_690 = arith.constant 0 : i32
    %max3A_691 = vector.broadcast %max3A_690 : i32 to vector<16xi32>
    %max3A_692 = arith.maxsi %sub3A_689, %max3A_691 : vector<16xi32>
    %add3A_693 = arith.addi %max3A_688, %max3A_692 : vector<16xi32>
    %min3A_694 = arith.constant 2047 : i32
    %min3A_695 = vector.broadcast %min3A_694 : i32 to vector<16xi32>
    %min3A_696 = arith.minsi %add3A_693, %min3A_695 : vector<16xi32>
    %gather3A_697 = tpu.vector_load_idx %arg8[%min3A_696] : memref<2048xi32, #tpu.memory_space<vmem>>[vector<16xi32>], vector<16xi32>,
    %swap3A_698 = arith.constant 3 : i32
    %swap3A_699 = arith.index_cast %swap3A_698 : i32 to index
    %swap3A_700 = arith.constant 96 : index
    %swap3A_701 = tpu.vector_load %arg9[%swap3A_699, %swap3A_700] {strides = array<i32>} : memref<16x128xi32, #tpu.memory_space<vmem>>, vector<16xi32>,
    tpu.vector_store %arg9[%swap3A_699, %swap3A_700], %gather3A_697 {strides = array<i32>} : memref<16x128xi32, #tpu.memory_space<vmem>>, vector<16xi32>,
    %get3A_702 = arith.constant 112 : index
    %get3A_703 = tpu.vector_load %arg6[%get3A_702] {strides = array<i32>} : memref<128xi32, #tpu.memory_space<vmem>>, vector<16xi32>,
    %get3A_704 = arith.constant 112 : index
    %get3A_705 = tpu.vector_load %arg7[%get3A_704] {strides = array<i32>} : memref<128xi32, #tpu.memory_space<vmem>>, vector<16xi32>,
    %sub3A_706 = arith.subi %gather3A_553, %get3A_705 : vector<16xi32>
    %max3A_707 = arith.constant 0 : i32
    %max3A_708 = vector.broadcast %max3A_707 : i32 to vector<16xi32>
    %max3A_709 = arith.maxsi %sub3A_706, %max3A_708 : vector<16xi32>
    %sub3A_710 = arith.subi %get3A_703, %gather3A_554 : vector<16xi32>
    %max3A_711 = arith.constant 0 : i32
    %max3A_712 = vector.broadcast %max3A_711 : i32 to vector<16xi32>
    %max3A_713 = arith.maxsi %sub3A_710, %max3A_712 : vector<16xi32>
    %add3A_714 = arith.addi %max3A_709, %max3A_713 : vector<16xi32>
    %min3A_715 = arith.constant 2047 : i32
    %min3A_716 = vector.broadcast %min3A_715 : i32 to vector<16xi32>
    %min3A_717 = arith.minsi %add3A_714, %min3A_716 : vector<16xi32>
    %gather3A_718 = tpu.vector_load_idx %arg8[%min3A_717] : memref<2048xi32, #tpu.memory_space<vmem>>[vector<16xi32>], vector<16xi32>,
    %swap3A_719 = arith.constant 3 : i32
    %swap3A_720 = arith.index_cast %swap3A_719 : i32 to index
    %swap3A_721 = arith.constant 112 : index
    %swap3A_722 = tpu.vector_load %arg9[%swap3A_720, %swap3A_721] {strides = array<i32>} : memref<16x128xi32, #tpu.memory_space<vmem>>, vector<16xi32>,
    tpu.vector_store %arg9[%swap3A_720, %swap3A_721], %gather3A_718 {strides = array<i32>} : memref<16x128xi32, #tpu.memory_space<vmem>>, vector<16xi32>,
    %add3A_723 = arith.constant 4 : i32
    %add3A_724 = arith.addi %select_n3A_36, %add3A_723 : i32
    %broadcast_in_dim3A_725 = vector.broadcast %add3A_724 : i32 to vector<16xi32>
    %gather3A_726 = tpu.vector_load_idx %arg6[%broadcast_in_dim3A_725] : memref<128xi32, #tpu.memory_space<vmem>>[vector<16xi32>], vector<16xi32>,
    %gather3A_727 = tpu.vector_load_idx %arg7[%broadcast_in_dim3A_725] : memref<128xi32, #tpu.memory_space<vmem>>[vector<16xi32>], vector<16xi32>,
    %get3A_728 = arith.constant 0 : index
    %get3A_729 = tpu.vector_load %arg6[%get3A_728] {strides = array<i32>} : memref<128xi32, #tpu.memory_space<vmem>>, vector<16xi32>,
    %get3A_730 = arith.constant 0 : index
    %get3A_731 = tpu.vector_load %arg7[%get3A_730] {strides = array<i32>} : memref<128xi32, #tpu.memory_space<vmem>>, vector<16xi32>,
    %sub3A_732 = arith.subi %gather3A_726, %get3A_731 : vector<16xi32>
    %max3A_733 = arith.constant 0 : i32
    %max3A_734 = vector.broadcast %max3A_733 : i32 to vector<16xi32>
    %max3A_735 = arith.maxsi %sub3A_732, %max3A_734 : vector<16xi32>
    %sub3A_736 = arith.subi %get3A_729, %gather3A_727 : vector<16xi32>
    %max3A_737 = arith.constant 0 : i32
    %max3A_738 = vector.broadcast %max3A_737 : i32 to vector<16xi32>
    %max3A_739 = arith.maxsi %sub3A_736, %max3A_738 : vector<16xi32>
    %add3A_740 = arith.addi %max3A_735, %max3A_739 : vector<16xi32>
    %min3A_741 = arith.constant 2047 : i32
    %min3A_742 = vector.broadcast %min3A_741 : i32 to vector<16xi32>
    %min3A_743 = arith.minsi %add3A_740, %min3A_742 : vector<16xi32>
    %gather3A_744 = tpu.vector_load_idx %arg8[%min3A_743] : memref<2048xi32, #tpu.memory_space<vmem>>[vector<16xi32>], vector<16xi32>,
    %swap3A_745 = arith.constant 4 : i32
    %swap3A_746 = arith.index_cast %swap3A_745 : i32 to index
    %swap3A_747 = arith.constant 0 : index
    %swap3A_748 = tpu.vector_load %arg9[%swap3A_746, %swap3A_747] {strides = array<i32>} : memref<16x128xi32, #tpu.memory_space<vmem>>, vector<16xi32>,
    tpu.vector_store %arg9[%swap3A_746, %swap3A_747], %gather3A_744 {strides = array<i32>} : memref<16x128xi32, #tpu.memory_space<vmem>>, vector<16xi32>,
    %get3A_749 = arith.constant 16 : index
    %get3A_750 = tpu.vector_load %arg6[%get3A_749] {strides = array<i32>} : memref<128xi32, #tpu.memory_space<vmem>>, vector<16xi32>,
    %get3A_751 = arith.constant 16 : index
    %get3A_752 = tpu.vector_load %arg7[%get3A_751] {strides = array<i32>} : memref<128xi32, #tpu.memory_space<vmem>>, vector<16xi32>,
    %sub3A_753 = arith.subi %gather3A_726, %get3A_752 : vector<16xi32>
    %max3A_754 = arith.constant 0 : i32
    %max3A_755 = vector.broadcast %max3A_754 : i32 to vector<16xi32>
    %max3A_756 = arith.maxsi %sub3A_753, %max3A_755 : vector<16xi32>
    %sub3A_757 = arith.subi %get3A_750, %gather3A_727 : vector<16xi32>
    %max3A_758 = arith.constant 0 : i32
    %max3A_759 = vector.broadcast %max3A_758 : i32 to vector<16xi32>
    %max3A_760 = arith.maxsi %sub3A_757, %max3A_759 : vector<16xi32>
    %add3A_761 = arith.addi %max3A_756, %max3A_760 : vector<16xi32>
    %min3A_762 = arith.constant 2047 : i32
    %min3A_763 = vector.broadcast %min3A_762 : i32 to vector<16xi32>
    %min3A_764 = arith.minsi %add3A_761, %min3A_763 : vector<16xi32>
    %gather3A_765 = tpu.vector_load_idx %arg8[%min3A_764] : memref<2048xi32, #tpu.memory_space<vmem>>[vector<16xi32>], vector<16xi32>,
    %swap3A_766 = arith.constant 4 : i32
    %swap3A_767 = arith.index_cast %swap3A_766 : i32 to index
    %swap3A_768 = arith.constant 16 : index
    %swap3A_769 = tpu.vector_load %arg9[%swap3A_767, %swap3A_768] {strides = array<i32>} : memref<16x128xi32, #tpu.memory_space<vmem>>, vector<16xi32>,
    tpu.vector_store %arg9[%swap3A_767, %swap3A_768], %gather3A_765 {strides = array<i32>} : memref<16x128xi32, #tpu.memory_space<vmem>>, vector<16xi32>,
    %get3A_770 = arith.constant 32 : index
    %get3A_771 = tpu.vector_load %arg6[%get3A_770] {strides = array<i32>} : memref<128xi32, #tpu.memory_space<vmem>>, vector<16xi32>,
    %get3A_772 = arith.constant 32 : index
    %get3A_773 = tpu.vector_load %arg7[%get3A_772] {strides = array<i32>} : memref<128xi32, #tpu.memory_space<vmem>>, vector<16xi32>,
    %sub3A_774 = arith.subi %gather3A_726, %get3A_773 : vector<16xi32>
    %max3A_775 = arith.constant 0 : i32
    %max3A_776 = vector.broadcast %max3A_775 : i32 to vector<16xi32>
    %max3A_777 = arith.maxsi %sub3A_774, %max3A_776 : vector<16xi32>
    %sub3A_778 = arith.subi %get3A_771, %gather3A_727 : vector<16xi32>
    %max3A_779 = arith.constant 0 : i32
    %max3A_780 = vector.broadcast %max3A_779 : i32 to vector<16xi32>
    %max3A_781 = arith.maxsi %sub3A_778, %max3A_780 : vector<16xi32>
    %add3A_782 = arith.addi %max3A_777, %max3A_781 : vector<16xi32>
    %min3A_783 = arith.constant 2047 : i32
    %min3A_784 = vector.broadcast %min3A_783 : i32 to vector<16xi32>
    %min3A_785 = arith.minsi %add3A_782, %min3A_784 : vector<16xi32>
    %gather3A_786 = tpu.vector_load_idx %arg8[%min3A_785] : memref<2048xi32, #tpu.memory_space<vmem>>[vector<16xi32>], vector<16xi32>,
    %swap3A_787 = arith.constant 4 : i32
    %swap3A_788 = arith.index_cast %swap3A_787 : i32 to index
    %swap3A_789 = arith.constant 32 : index
    %swap3A_790 = tpu.vector_load %arg9[%swap3A_788, %swap3A_789] {strides = array<i32>} : memref<16x128xi32, #tpu.memory_space<vmem>>, vector<16xi32>,
    tpu.vector_store %arg9[%swap3A_788, %swap3A_789], %gather3A_786 {strides = array<i32>} : memref<16x128xi32, #tpu.memory_space<vmem>>, vector<16xi32>,
    %get3A_791 = arith.constant 48 : index
    %get3A_792 = tpu.vector_load %arg6[%get3A_791] {strides = array<i32>} : memref<128xi32, #tpu.memory_space<vmem>>, vector<16xi32>,
    %get3A_793 = arith.constant 48 : index
    %get3A_794 = tpu.vector_load %arg7[%get3A_793] {strides = array<i32>} : memref<128xi32, #tpu.memory_space<vmem>>, vector<16xi32>,
    %sub3A_795 = arith.subi %gather3A_726, %get3A_794 : vector<16xi32>
    %max3A_796 = arith.constant 0 : i32
    %max3A_797 = vector.broadcast %max3A_796 : i32 to vector<16xi32>
    %max3A_798 = arith.maxsi %sub3A_795, %max3A_797 : vector<16xi32>
    %sub3A_799 = arith.subi %get3A_792, %gather3A_727 : vector<16xi32>
    %max3A_800 = arith.constant 0 : i32
    %max3A_801 = vector.broadcast %max3A_800 : i32 to vector<16xi32>
    %max3A_802 = arith.maxsi %sub3A_799, %max3A_801 : vector<16xi32>
    %add3A_803 = arith.addi %max3A_798, %max3A_802 : vector<16xi32>
    %min3A_804 = arith.constant 2047 : i32
    %min3A_805 = vector.broadcast %min3A_804 : i32 to vector<16xi32>
    %min3A_806 = arith.minsi %add3A_803, %min3A_805 : vector<16xi32>
    %gather3A_807 = tpu.vector_load_idx %arg8[%min3A_806] : memref<2048xi32, #tpu.memory_space<vmem>>[vector<16xi32>], vector<16xi32>,
    %swap3A_808 = arith.constant 4 : i32
    %swap3A_809 = arith.index_cast %swap3A_808 : i32 to index
    %swap3A_810 = arith.constant 48 : index
    %swap3A_811 = tpu.vector_load %arg9[%swap3A_809, %swap3A_810] {strides = array<i32>} : memref<16x128xi32, #tpu.memory_space<vmem>>, vector<16xi32>,
    tpu.vector_store %arg9[%swap3A_809, %swap3A_810], %gather3A_807 {strides = array<i32>} : memref<16x128xi32, #tpu.memory_space<vmem>>, vector<16xi32>,
    %get3A_812 = arith.constant 64 : index
    %get3A_813 = tpu.vector_load %arg6[%get3A_812] {strides = array<i32>} : memref<128xi32, #tpu.memory_space<vmem>>, vector<16xi32>,
    %get3A_814 = arith.constant 64 : index
    %get3A_815 = tpu.vector_load %arg7[%get3A_814] {strides = array<i32>} : memref<128xi32, #tpu.memory_space<vmem>>, vector<16xi32>,
    %sub3A_816 = arith.subi %gather3A_726, %get3A_815 : vector<16xi32>
    %max3A_817 = arith.constant 0 : i32
    %max3A_818 = vector.broadcast %max3A_817 : i32 to vector<16xi32>
    %max3A_819 = arith.maxsi %sub3A_816, %max3A_818 : vector<16xi32>
    %sub3A_820 = arith.subi %get3A_813, %gather3A_727 : vector<16xi32>
    %max3A_821 = arith.constant 0 : i32
    %max3A_822 = vector.broadcast %max3A_821 : i32 to vector<16xi32>
    %max3A_823 = arith.maxsi %sub3A_820, %max3A_822 : vector<16xi32>
    %add3A_824 = arith.addi %max3A_819, %max3A_823 : vector<16xi32>
    %min3A_825 = arith.constant 2047 : i32
    %min3A_826 = vector.broadcast %min3A_825 : i32 to vector<16xi32>
    %min3A_827 = arith.minsi %add3A_824, %min3A_826 : vector<16xi32>
    %gather3A_828 = tpu.vector_load_idx %arg8[%min3A_827] : memref<2048xi32, #tpu.memory_space<vmem>>[vector<16xi32>], vector<16xi32>,
    %swap3A_829 = arith.constant 4 : i32
    %swap3A_830 = arith.index_cast %swap3A_829 : i32 to index
    %swap3A_831 = arith.constant 64 : index
    %swap3A_832 = tpu.vector_load %arg9[%swap3A_830, %swap3A_831] {strides = array<i32>} : memref<16x128xi32, #tpu.memory_space<vmem>>, vector<16xi32>,
    tpu.vector_store %arg9[%swap3A_830, %swap3A_831], %gather3A_828 {strides = array<i32>} : memref<16x128xi32, #tpu.memory_space<vmem>>, vector<16xi32>,
    %get3A_833 = arith.constant 80 : index
    %get3A_834 = tpu.vector_load %arg6[%get3A_833] {strides = array<i32>} : memref<128xi32, #tpu.memory_space<vmem>>, vector<16xi32>,
    %get3A_835 = arith.constant 80 : index
    %get3A_836 = tpu.vector_load %arg7[%get3A_835] {strides = array<i32>} : memref<128xi32, #tpu.memory_space<vmem>>, vector<16xi32>,
    %sub3A_837 = arith.subi %gather3A_726, %get3A_836 : vector<16xi32>
    %max3A_838 = arith.constant 0 : i32
    %max3A_839 = vector.broadcast %max3A_838 : i32 to vector<16xi32>
    %max3A_840 = arith.maxsi %sub3A_837, %max3A_839 : vector<16xi32>
    %sub3A_841 = arith.subi %get3A_834, %gather3A_727 : vector<16xi32>
    %max3A_842 = arith.constant 0 : i32
    %max3A_843 = vector.broadcast %max3A_842 : i32 to vector<16xi32>
    %max3A_844 = arith.maxsi %sub3A_841, %max3A_843 : vector<16xi32>
    %add3A_845 = arith.addi %max3A_840, %max3A_844 : vector<16xi32>
    %min3A_846 = arith.constant 2047 : i32
    %min3A_847 = vector.broadcast %min3A_846 : i32 to vector<16xi32>
    %min3A_848 = arith.minsi %add3A_845, %min3A_847 : vector<16xi32>
    %gather3A_849 = tpu.vector_load_idx %arg8[%min3A_848] : memref<2048xi32, #tpu.memory_space<vmem>>[vector<16xi32>], vector<16xi32>,
    %swap3A_850 = arith.constant 4 : i32
    %swap3A_851 = arith.index_cast %swap3A_850 : i32 to index
    %swap3A_852 = arith.constant 80 : index
    %swap3A_853 = tpu.vector_load %arg9[%swap3A_851, %swap3A_852] {strides = array<i32>} : memref<16x128xi32, #tpu.memory_space<vmem>>, vector<16xi32>,
    tpu.vector_store %arg9[%swap3A_851, %swap3A_852], %gather3A_849 {strides = array<i32>} : memref<16x128xi32, #tpu.memory_space<vmem>>, vector<16xi32>,
    %get3A_854 = arith.constant 96 : index
    %get3A_855 = tpu.vector_load %arg6[%get3A_854] {strides = array<i32>} : memref<128xi32, #tpu.memory_space<vmem>>, vector<16xi32>,
    %get3A_856 = arith.constant 96 : index
    %get3A_857 = tpu.vector_load %arg7[%get3A_856] {strides = array<i32>} : memref<128xi32, #tpu.memory_space<vmem>>, vector<16xi32>,
    %sub3A_858 = arith.subi %gather3A_726, %get3A_857 : vector<16xi32>
    %max3A_859 = arith.constant 0 : i32
    %max3A_860 = vector.broadcast %max3A_859 : i32 to vector<16xi32>
    %max3A_861 = arith.maxsi %sub3A_858, %max3A_860 : vector<16xi32>
    %sub3A_862 = arith.subi %get3A_855, %gather3A_727 : vector<16xi32>
    %max3A_863 = arith.constant 0 : i32
    %max3A_864 = vector.broadcast %max3A_863 : i32 to vector<16xi32>
    %max3A_865 = arith.maxsi %sub3A_862, %max3A_864 : vector<16xi32>
    %add3A_866 = arith.addi %max3A_861, %max3A_865 : vector<16xi32>
    %min3A_867 = arith.constant 2047 : i32
    %min3A_868 = vector.broadcast %min3A_867 : i32 to vector<16xi32>
    %min3A_869 = arith.minsi %add3A_866, %min3A_868 : vector<16xi32>
    %gather3A_870 = tpu.vector_load_idx %arg8[%min3A_869] : memref<2048xi32, #tpu.memory_space<vmem>>[vector<16xi32>], vector<16xi32>,
    %swap3A_871 = arith.constant 4 : i32
    %swap3A_872 = arith.index_cast %swap3A_871 : i32 to index
    %swap3A_873 = arith.constant 96 : index
    %swap3A_874 = tpu.vector_load %arg9[%swap3A_872, %swap3A_873] {strides = array<i32>} : memref<16x128xi32, #tpu.memory_space<vmem>>, vector<16xi32>,
    tpu.vector_store %arg9[%swap3A_872, %swap3A_873], %gather3A_870 {strides = array<i32>} : memref<16x128xi32, #tpu.memory_space<vmem>>, vector<16xi32>,
    %get3A_875 = arith.constant 112 : index
    %get3A_876 = tpu.vector_load %arg6[%get3A_875] {strides = array<i32>} : memref<128xi32, #tpu.memory_space<vmem>>, vector<16xi32>,
    %get3A_877 = arith.constant 112 : index
    %get3A_878 = tpu.vector_load %arg7[%get3A_877] {strides = array<i32>} : memref<128xi32, #tpu.memory_space<vmem>>, vector<16xi32>,
    %sub3A_879 = arith.subi %gather3A_726, %get3A_878 : vector<16xi32>
    %max3A_880 = arith.constant 0 : i32
    %max3A_881 = vector.broadcast %max3A_880 : i32 to vector<16xi32>
    %max3A_882 = arith.maxsi %sub3A_879, %max3A_881 : vector<16xi32>
    %sub3A_883 = arith.subi %get3A_876, %gather3A_727 : vector<16xi32>
    %max3A_884 = arith.constant 0 : i32
    %max3A_885 = vector.broadcast %max3A_884 : i32 to vector<16xi32>
    %max3A_886 = arith.maxsi %sub3A_883, %max3A_885 : vector<16xi32>
    %add3A_887 = arith.addi %max3A_882, %max3A_886 : vector<16xi32>
    %min3A_888 = arith.constant 2047 : i32
    %min3A_889 = vector.broadcast %min3A_888 : i32 to vector<16xi32>
    %min3A_890 = arith.minsi %add3A_887, %min3A_889 : vector<16xi32>
    %gather3A_891 = tpu.vector_load_idx %arg8[%min3A_890] : memref<2048xi32, #tpu.memory_space<vmem>>[vector<16xi32>], vector<16xi32>,
    %swap3A_892 = arith.constant 4 : i32
    %swap3A_893 = arith.index_cast %swap3A_892 : i32 to index
    %swap3A_894 = arith.constant 112 : index
    %swap3A_895 = tpu.vector_load %arg9[%swap3A_893, %swap3A_894] {strides = array<i32>} : memref<16x128xi32, #tpu.memory_space<vmem>>, vector<16xi32>,
    tpu.vector_store %arg9[%swap3A_893, %swap3A_894], %gather3A_891 {strides = array<i32>} : memref<16x128xi32, #tpu.memory_space<vmem>>, vector<16xi32>,
    %add3A_896 = arith.constant 5 : i32
    %add3A_897 = arith.addi %select_n3A_36, %add3A_896 : i32
    %broadcast_in_dim3A_898 = vector.broadcast %add3A_897 : i32 to vector<16xi32>
    %gather3A_899 = tpu.vector_load_idx %arg6[%broadcast_in_dim3A_898] : memref<128xi32, #tpu.memory_space<vmem>>[vector<16xi32>], vector<16xi32>,
    %gather3A_900 = tpu.vector_load_idx %arg7[%broadcast_in_dim3A_898] : memref<128xi32, #tpu.memory_space<vmem>>[vector<16xi32>], vector<16xi32>,
    %get3A_901 = arith.constant 0 : index
    %get3A_902 = tpu.vector_load %arg6[%get3A_901] {strides = array<i32>} : memref<128xi32, #tpu.memory_space<vmem>>, vector<16xi32>,
    %get3A_903 = arith.constant 0 : index
    %get3A_904 = tpu.vector_load %arg7[%get3A_903] {strides = array<i32>} : memref<128xi32, #tpu.memory_space<vmem>>, vector<16xi32>,
    %sub3A_905 = arith.subi %gather3A_899, %get3A_904 : vector<16xi32>
    %max3A_906 = arith.constant 0 : i32
    %max3A_907 = vector.broadcast %max3A_906 : i32 to vector<16xi32>
    %max3A_908 = arith.maxsi %sub3A_905, %max3A_907 : vector<16xi32>
    %sub3A_909 = arith.subi %get3A_902, %gather3A_900 : vector<16xi32>
    %max3A_910 = arith.constant 0 : i32
    %max3A_911 = vector.broadcast %max3A_910 : i32 to vector<16xi32>
    %max3A_912 = arith.maxsi %sub3A_909, %max3A_911 : vector<16xi32>
    %add3A_913 = arith.addi %max3A_908, %max3A_912 : vector<16xi32>
    %min3A_914 = arith.constant 2047 : i32
    %min3A_915 = vector.broadcast %min3A_914 : i32 to vector<16xi32>
    %min3A_916 = arith.minsi %add3A_913, %min3A_915 : vector<16xi32>
    %gather3A_917 = tpu.vector_load_idx %arg8[%min3A_916] : memref<2048xi32, #tpu.memory_space<vmem>>[vector<16xi32>], vector<16xi32>,
    %swap3A_918 = arith.constant 5 : i32
    %swap3A_919 = arith.index_cast %swap3A_918 : i32 to index
    %swap3A_920 = arith.constant 0 : index
    %swap3A_921 = tpu.vector_load %arg9[%swap3A_919, %swap3A_920] {strides = array<i32>} : memref<16x128xi32, #tpu.memory_space<vmem>>, vector<16xi32>,
    tpu.vector_store %arg9[%swap3A_919, %swap3A_920], %gather3A_917 {strides = array<i32>} : memref<16x128xi32, #tpu.memory_space<vmem>>, vector<16xi32>,
    %get3A_922 = arith.constant 16 : index
    %get3A_923 = tpu.vector_load %arg6[%get3A_922] {strides = array<i32>} : memref<128xi32, #tpu.memory_space<vmem>>, vector<16xi32>,
    %get3A_924 = arith.constant 16 : index
    %get3A_925 = tpu.vector_load %arg7[%get3A_924] {strides = array<i32>} : memref<128xi32, #tpu.memory_space<vmem>>, vector<16xi32>,
    %sub3A_926 = arith.subi %gather3A_899, %get3A_925 : vector<16xi32>
    %max3A_927 = arith.constant 0 : i32
    %max3A_928 = vector.broadcast %max3A_927 : i32 to vector<16xi32>
    %max3A_929 = arith.maxsi %sub3A_926, %max3A_928 : vector<16xi32>
    %sub3A_930 = arith.subi %get3A_923, %gather3A_900 : vector<16xi32>
    %max3A_931 = arith.constant 0 : i32
    %max3A_932 = vector.broadcast %max3A_931 : i32 to vector<16xi32>
    %max3A_933 = arith.maxsi %sub3A_930, %max3A_932 : vector<16xi32>
    %add3A_934 = arith.addi %max3A_929, %max3A_933 : vector<16xi32>
    %min3A_935 = arith.constant 2047 : i32
    %min3A_936 = vector.broadcast %min3A_935 : i32 to vector<16xi32>
    %min3A_937 = arith.minsi %add3A_934, %min3A_936 : vector<16xi32>
    %gather3A_938 = tpu.vector_load_idx %arg8[%min3A_937] : memref<2048xi32, #tpu.memory_space<vmem>>[vector<16xi32>], vector<16xi32>,
    %swap3A_939 = arith.constant 5 : i32
    %swap3A_940 = arith.index_cast %swap3A_939 : i32 to index
    %swap3A_941 = arith.constant 16 : index
    %swap3A_942 = tpu.vector_load %arg9[%swap3A_940, %swap3A_941] {strides = array<i32>} : memref<16x128xi32, #tpu.memory_space<vmem>>, vector<16xi32>,
    tpu.vector_store %arg9[%swap3A_940, %swap3A_941], %gather3A_938 {strides = array<i32>} : memref<16x128xi32, #tpu.memory_space<vmem>>, vector<16xi32>,
    %get3A_943 = arith.constant 32 : index
    %get3A_944 = tpu.vector_load %arg6[%get3A_943] {strides = array<i32>} : memref<128xi32, #tpu.memory_space<vmem>>, vector<16xi32>,
    %get3A_945 = arith.constant 32 : index
    %get3A_946 = tpu.vector_load %arg7[%get3A_945] {strides = array<i32>} : memref<128xi32, #tpu.memory_space<vmem>>, vector<16xi32>,
    %sub3A_947 = arith.subi %gather3A_899, %get3A_946 : vector<16xi32>
    %max3A_948 = arith.constant 0 : i32
    %max3A_949 = vector.broadcast %max3A_948 : i32 to vector<16xi32>
    %max3A_950 = arith.maxsi %sub3A_947, %max3A_949 : vector<16xi32>
    %sub3A_951 = arith.subi %get3A_944, %gather3A_900 : vector<16xi32>
    %max3A_952 = arith.constant 0 : i32
    %max3A_953 = vector.broadcast %max3A_952 : i32 to vector<16xi32>
    %max3A_954 = arith.maxsi %sub3A_951, %max3A_953 : vector<16xi32>
    %add3A_955 = arith.addi %max3A_950, %max3A_954 : vector<16xi32>
    %min3A_956 = arith.constant 2047 : i32
    %min3A_957 = vector.broadcast %min3A_956 : i32 to vector<16xi32>
    %min3A_958 = arith.minsi %add3A_955, %min3A_957 : vector<16xi32>
    %gather3A_959 = tpu.vector_load_idx %arg8[%min3A_958] : memref<2048xi32, #tpu.memory_space<vmem>>[vector<16xi32>], vector<16xi32>,
    %swap3A_960 = arith.constant 5 : i32
    %swap3A_961 = arith.index_cast %swap3A_960 : i32 to index
    %swap3A_962 = arith.constant 32 : index
    %swap3A_963 = tpu.vector_load %arg9[%swap3A_961, %swap3A_962] {strides = array<i32>} : memref<16x128xi32, #tpu.memory_space<vmem>>, vector<16xi32>,
    tpu.vector_store %arg9[%swap3A_961, %swap3A_962], %gather3A_959 {strides = array<i32>} : memref<16x128xi32, #tpu.memory_space<vmem>>, vector<16xi32>,
    %get3A_964 = arith.constant 48 : index
    %get3A_965 = tpu.vector_load %arg6[%get3A_964] {strides = array<i32>} : memref<128xi32, #tpu.memory_space<vmem>>, vector<16xi32>,
    %get3A_966 = arith.constant 48 : index
    %get3A_967 = tpu.vector_load %arg7[%get3A_966] {strides = array<i32>} : memref<128xi32, #tpu.memory_space<vmem>>, vector<16xi32>,
    %sub3A_968 = arith.subi %gather3A_899, %get3A_967 : vector<16xi32>
    %max3A_969 = arith.constant 0 : i32
    %max3A_970 = vector.broadcast %max3A_969 : i32 to vector<16xi32>
    %max3A_971 = arith.maxsi %sub3A_968, %max3A_970 : vector<16xi32>
    %sub3A_972 = arith.subi %get3A_965, %gather3A_900 : vector<16xi32>
    %max3A_973 = arith.constant 0 : i32
    %max3A_974 = vector.broadcast %max3A_973 : i32 to vector<16xi32>
    %max3A_975 = arith.maxsi %sub3A_972, %max3A_974 : vector<16xi32>
    %add3A_976 = arith.addi %max3A_971, %max3A_975 : vector<16xi32>
    %min3A_977 = arith.constant 2047 : i32
    %min3A_978 = vector.broadcast %min3A_977 : i32 to vector<16xi32>
    %min3A_979 = arith.minsi %add3A_976, %min3A_978 : vector<16xi32>
    %gather3A_980 = tpu.vector_load_idx %arg8[%min3A_979] : memref<2048xi32, #tpu.memory_space<vmem>>[vector<16xi32>], vector<16xi32>,
    %swap3A_981 = arith.constant 5 : i32
    %swap3A_982 = arith.index_cast %swap3A_981 : i32 to index
    %swap3A_983 = arith.constant 48 : index
    %swap3A_984 = tpu.vector_load %arg9[%swap3A_982, %swap3A_983] {strides = array<i32>} : memref<16x128xi32, #tpu.memory_space<vmem>>, vector<16xi32>,
    tpu.vector_store %arg9[%swap3A_982, %swap3A_983], %gather3A_980 {strides = array<i32>} : memref<16x128xi32, #tpu.memory_space<vmem>>, vector<16xi32>,
    %get3A_985 = arith.constant 64 : index
    %get3A_986 = tpu.vector_load %arg6[%get3A_985] {strides = array<i32>} : memref<128xi32, #tpu.memory_space<vmem>>, vector<16xi32>,
    %get3A_987 = arith.constant 64 : index
    %get3A_988 = tpu.vector_load %arg7[%get3A_987] {strides = array<i32>} : memref<128xi32, #tpu.memory_space<vmem>>, vector<16xi32>,
    %sub3A_989 = arith.subi %gather3A_899, %get3A_988 : vector<16xi32>
    %max3A_990 = arith.constant 0 : i32
    %max3A_991 = vector.broadcast %max3A_990 : i32 to vector<16xi32>
    %max3A_992 = arith.maxsi %sub3A_989, %max3A_991 : vector<16xi32>
    %sub3A_993 = arith.subi %get3A_986, %gather3A_900 : vector<16xi32>
    %max3A_994 = arith.constant 0 : i32
    %max3A_995 = vector.broadcast %max3A_994 : i32 to vector<16xi32>
    %max3A_996 = arith.maxsi %sub3A_993, %max3A_995 : vector<16xi32>
    %add3A_997 = arith.addi %max3A_992, %max3A_996 : vector<16xi32>
    %min3A_998 = arith.constant 2047 : i32
    %min3A_999 = vector.broadcast %min3A_998 : i32 to vector<16xi32>
    %min3A_1000 = arith.minsi %add3A_997, %min3A_999 : vector<16xi32>
    %gather3A_1001 = tpu.vector_load_idx %arg8[%min3A_1000] : memref<2048xi32, #tpu.memory_space<vmem>>[vector<16xi32>], vector<16xi32>,
    %swap3A_1002 = arith.constant 5 : i32
    %swap3A_1003 = arith.index_cast %swap3A_1002 : i32 to index
    %swap3A_1004 = arith.constant 64 : index
    %swap3A_1005 = tpu.vector_load %arg9[%swap3A_1003, %swap3A_1004] {strides = array<i32>} : memref<16x128xi32, #tpu.memory_space<vmem>>, vector<16xi32>,
    tpu.vector_store %arg9[%swap3A_1003, %swap3A_1004], %gather3A_1001 {strides = array<i32>} : memref<16x128xi32, #tpu.memory_space<vmem>>, vector<16xi32>,
    %get3A_1006 = arith.constant 80 : index
    %get3A_1007 = tpu.vector_load %arg6[%get3A_1006] {strides = array<i32>} : memref<128xi32, #tpu.memory_space<vmem>>, vector<16xi32>,
    %get3A_1008 = arith.constant 80 : index
    %get3A_1009 = tpu.vector_load %arg7[%get3A_1008] {strides = array<i32>} : memref<128xi32, #tpu.memory_space<vmem>>, vector<16xi32>,
    %sub3A_1010 = arith.subi %gather3A_899, %get3A_1009 : vector<16xi32>
    %max3A_1011 = arith.constant 0 : i32
    %max3A_1012 = vector.broadcast %max3A_1011 : i32 to vector<16xi32>
    %max3A_1013 = arith.maxsi %sub3A_1010, %max3A_1012 : vector<16xi32>
    %sub3A_1014 = arith.subi %get3A_1007, %gather3A_900 : vector<16xi32>
    %max3A_1015 = arith.constant 0 : i32
    %max3A_1016 = vector.broadcast %max3A_1015 : i32 to vector<16xi32>
    %max3A_1017 = arith.maxsi %sub3A_1014, %max3A_1016 : vector<16xi32>
    %add3A_1018 = arith.addi %max3A_1013, %max3A_1017 : vector<16xi32>
    %min3A_1019 = arith.constant 2047 : i32
    %min3A_1020 = vector.broadcast %min3A_1019 : i32 to vector<16xi32>
    %min3A_1021 = arith.minsi %add3A_1018, %min3A_1020 : vector<16xi32>
    %gather3A_1022 = tpu.vector_load_idx %arg8[%min3A_1021] : memref<2048xi32, #tpu.memory_space<vmem>>[vector<16xi32>], vector<16xi32>,
    %swap3A_1023 = arith.constant 5 : i32
    %swap3A_1024 = arith.index_cast %swap3A_1023 : i32 to index
    %swap3A_1025 = arith.constant 80 : index
    %swap3A_1026 = tpu.vector_load %arg9[%swap3A_1024, %swap3A_1025] {strides = array<i32>} : memref<16x128xi32, #tpu.memory_space<vmem>>, vector<16xi32>,
    tpu.vector_store %arg9[%swap3A_1024, %swap3A_1025], %gather3A_1022 {strides = array<i32>} : memref<16x128xi32, #tpu.memory_space<vmem>>, vector<16xi32>,
    %get3A_1027 = arith.constant 96 : index
    %get3A_1028 = tpu.vector_load %arg6[%get3A_1027] {strides = array<i32>} : memref<128xi32, #tpu.memory_space<vmem>>, vector<16xi32>,
    %get3A_1029 = arith.constant 96 : index
    %get3A_1030 = tpu.vector_load %arg7[%get3A_1029] {strides = array<i32>} : memref<128xi32, #tpu.memory_space<vmem>>, vector<16xi32>,
    %sub3A_1031 = arith.subi %gather3A_899, %get3A_1030 : vector<16xi32>
    %max3A_1032 = arith.constant 0 : i32
    %max3A_1033 = vector.broadcast %max3A_1032 : i32 to vector<16xi32>
    %max3A_1034 = arith.maxsi %sub3A_1031, %max3A_1033 : vector<16xi32>
    %sub3A_1035 = arith.subi %get3A_1028, %gather3A_900 : vector<16xi32>
    %max3A_1036 = arith.constant 0 : i32
    %max3A_1037 = vector.broadcast %max3A_1036 : i32 to vector<16xi32>
    %max3A_1038 = arith.maxsi %sub3A_1035, %max3A_1037 : vector<16xi32>
    %add3A_1039 = arith.addi %max3A_1034, %max3A_1038 : vector<16xi32>
    %min3A_1040 = arith.constant 2047 : i32
    %min3A_1041 = vector.broadcast %min3A_1040 : i32 to vector<16xi32>
    %min3A_1042 = arith.minsi %add3A_1039, %min3A_1041 : vector<16xi32>
    %gather3A_1043 = tpu.vector_load_idx %arg8[%min3A_1042] : memref<2048xi32, #tpu.memory_space<vmem>>[vector<16xi32>], vector<16xi32>,
    %swap3A_1044 = arith.constant 5 : i32
    %swap3A_1045 = arith.index_cast %swap3A_1044 : i32 to index
    %swap3A_1046 = arith.constant 96 : index
    %swap3A_1047 = tpu.vector_load %arg9[%swap3A_1045, %swap3A_1046] {strides = array<i32>} : memref<16x128xi32, #tpu.memory_space<vmem>>, vector<16xi32>,
    tpu.vector_store %arg9[%swap3A_1045, %swap3A_1046], %gather3A_1043 {strides = array<i32>} : memref<16x128xi32, #tpu.memory_space<vmem>>, vector<16xi32>,
    %get3A_1048 = arith.constant 112 : index
    %get3A_1049 = tpu.vector_load %arg6[%get3A_1048] {strides = array<i32>} : memref<128xi32, #tpu.memory_space<vmem>>, vector<16xi32>,
    %get3A_1050 = arith.constant 112 : index
    %get3A_1051 = tpu.vector_load %arg7[%get3A_1050] {strides = array<i32>} : memref<128xi32, #tpu.memory_space<vmem>>, vector<16xi32>,
    %sub3A_1052 = arith.subi %gather3A_899, %get3A_1051 : vector<16xi32>
    %max3A_1053 = arith.constant 0 : i32
    %max3A_1054 = vector.broadcast %max3A_1053 : i32 to vector<16xi32>
    %max3A_1055 = arith.maxsi %sub3A_1052, %max3A_1054 : vector<16xi32>
    %sub3A_1056 = arith.subi %get3A_1049, %gather3A_900 : vector<16xi32>
    %max3A_1057 = arith.constant 0 : i32
    %max3A_1058 = vector.broadcast %max3A_1057 : i32 to vector<16xi32>
    %max3A_1059 = arith.maxsi %sub3A_1056, %max3A_1058 : vector<16xi32>
    %add3A_1060 = arith.addi %max3A_1055, %max3A_1059 : vector<16xi32>
    %min3A_1061 = arith.constant 2047 : i32
    %min3A_1062 = vector.broadcast %min3A_1061 : i32 to vector<16xi32>
    %min3A_1063 = arith.minsi %add3A_1060, %min3A_1062 : vector<16xi32>
    %gather3A_1064 = tpu.vector_load_idx %arg8[%min3A_1063] : memref<2048xi32, #tpu.memory_space<vmem>>[vector<16xi32>], vector<16xi32>,
    %swap3A_1065 = arith.constant 5 : i32
    %swap3A_1066 = arith.index_cast %swap3A_1065 : i32 to index
    %swap3A_1067 = arith.constant 112 : index
    %swap3A_1068 = tpu.vector_load %arg9[%swap3A_1066, %swap3A_1067] {strides = array<i32>} : memref<16x128xi32, #tpu.memory_space<vmem>>, vector<16xi32>,
    tpu.vector_store %arg9[%swap3A_1066, %swap3A_1067], %gather3A_1064 {strides = array<i32>} : memref<16x128xi32, #tpu.memory_space<vmem>>, vector<16xi32>,
    %add3A_1069 = arith.constant 6 : i32
    %add3A_1070 = arith.addi %select_n3A_36, %add3A_1069 : i32
    %broadcast_in_dim3A_1071 = vector.broadcast %add3A_1070 : i32 to vector<16xi32>
    %gather3A_1072 = tpu.vector_load_idx %arg6[%broadcast_in_dim3A_1071] : memref<128xi32, #tpu.memory_space<vmem>>[vector<16xi32>], vector<16xi32>,
    %gather3A_1073 = tpu.vector_load_idx %arg7[%broadcast_in_dim3A_1071] : memref<128xi32, #tpu.memory_space<vmem>>[vector<16xi32>], vector<16xi32>,
    %get3A_1074 = arith.constant 0 : index
    %get3A_1075 = tpu.vector_load %arg6[%get3A_1074] {strides = array<i32>} : memref<128xi32, #tpu.memory_space<vmem>>, vector<16xi32>,
    %get3A_1076 = arith.constant 0 : index
    %get3A_1077 = tpu.vector_load %arg7[%get3A_1076] {strides = array<i32>} : memref<128xi32, #tpu.memory_space<vmem>>, vector<16xi32>,
    %sub3A_1078 = arith.subi %gather3A_1072, %get3A_1077 : vector<16xi32>
    %max3A_1079 = arith.constant 0 : i32
    %max3A_1080 = vector.broadcast %max3A_1079 : i32 to vector<16xi32>
    %max3A_1081 = arith.maxsi %sub3A_1078, %max3A_1080 : vector<16xi32>
    %sub3A_1082 = arith.subi %get3A_1075, %gather3A_1073 : vector<16xi32>
    %max3A_1083 = arith.constant 0 : i32
    %max3A_1084 = vector.broadcast %max3A_1083 : i32 to vector<16xi32>
    %max3A_1085 = arith.maxsi %sub3A_1082, %max3A_1084 : vector<16xi32>
    %add3A_1086 = arith.addi %max3A_1081, %max3A_1085 : vector<16xi32>
    %min3A_1087 = arith.constant 2047 : i32
    %min3A_1088 = vector.broadcast %min3A_1087 : i32 to vector<16xi32>
    %min3A_1089 = arith.minsi %add3A_1086, %min3A_1088 : vector<16xi32>
    %gather3A_1090 = tpu.vector_load_idx %arg8[%min3A_1089] : memref<2048xi32, #tpu.memory_space<vmem>>[vector<16xi32>], vector<16xi32>,
    %swap3A_1091 = arith.constant 6 : i32
    %swap3A_1092 = arith.index_cast %swap3A_1091 : i32 to index
    %swap3A_1093 = arith.constant 0 : index
    %swap3A_1094 = tpu.vector_load %arg9[%swap3A_1092, %swap3A_1093] {strides = array<i32>} : memref<16x128xi32, #tpu.memory_space<vmem>>, vector<16xi32>,
    tpu.vector_store %arg9[%swap3A_1092, %swap3A_1093], %gather3A_1090 {strides = array<i32>} : memref<16x128xi32, #tpu.memory_space<vmem>>, vector<16xi32>,
    %get3A_1095 = arith.constant 16 : index
    %get3A_1096 = tpu.vector_load %arg6[%get3A_1095] {strides = array<i32>} : memref<128xi32, #tpu.memory_space<vmem>>, vector<16xi32>,
    %get3A_1097 = arith.constant 16 : index
    %get3A_1098 = tpu.vector_load %arg7[%get3A_1097] {strides = array<i32>} : memref<128xi32, #tpu.memory_space<vmem>>, vector<16xi32>,
    %sub3A_1099 = arith.subi %gather3A_1072, %get3A_1098 : vector<16xi32>
    %max3A_1100 = arith.constant 0 : i32
    %max3A_1101 = vector.broadcast %max3A_1100 : i32 to vector<16xi32>
    %max3A_1102 = arith.maxsi %sub3A_1099, %max3A_1101 : vector<16xi32>
    %sub3A_1103 = arith.subi %get3A_1096, %gather3A_1073 : vector<16xi32>
    %max3A_1104 = arith.constant 0 : i32
    %max3A_1105 = vector.broadcast %max3A_1104 : i32 to vector<16xi32>
    %max3A_1106 = arith.maxsi %sub3A_1103, %max3A_1105 : vector<16xi32>
    %add3A_1107 = arith.addi %max3A_1102, %max3A_1106 : vector<16xi32>
    %min3A_1108 = arith.constant 2047 : i32
    %min3A_1109 = vector.broadcast %min3A_1108 : i32 to vector<16xi32>
    %min3A_1110 = arith.minsi %add3A_1107, %min3A_1109 : vector<16xi32>
    %gather3A_1111 = tpu.vector_load_idx %arg8[%min3A_1110] : memref<2048xi32, #tpu.memory_space<vmem>>[vector<16xi32>], vector<16xi32>,
    %swap3A_1112 = arith.constant 6 : i32
    %swap3A_1113 = arith.index_cast %swap3A_1112 : i32 to index
    %swap3A_1114 = arith.constant 16 : index
    %swap3A_1115 = tpu.vector_load %arg9[%swap3A_1113, %swap3A_1114] {strides = array<i32>} : memref<16x128xi32, #tpu.memory_space<vmem>>, vector<16xi32>,
    tpu.vector_store %arg9[%swap3A_1113, %swap3A_1114], %gather3A_1111 {strides = array<i32>} : memref<16x128xi32, #tpu.memory_space<vmem>>, vector<16xi32>,
    %get3A_1116 = arith.constant 32 : index
    %get3A_1117 = tpu.vector_load %arg6[%get3A_1116] {strides = array<i32>} : memref<128xi32, #tpu.memory_space<vmem>>, vector<16xi32>,
    %get3A_1118 = arith.constant 32 : index
    %get3A_1119 = tpu.vector_load %arg7[%get3A_1118] {strides = array<i32>} : memref<128xi32, #tpu.memory_space<vmem>>, vector<16xi32>,
    %sub3A_1120 = arith.subi %gather3A_1072, %get3A_1119 : vector<16xi32>
    %max3A_1121 = arith.constant 0 : i32
    %max3A_1122 = vector.broadcast %max3A_1121 : i32 to vector<16xi32>
    %max3A_1123 = arith.maxsi %sub3A_1120, %max3A_1122 : vector<16xi32>
    %sub3A_1124 = arith.subi %get3A_1117, %gather3A_1073 : vector<16xi32>
    %max3A_1125 = arith.constant 0 : i32
    %max3A_1126 = vector.broadcast %max3A_1125 : i32 to vector<16xi32>
    %max3A_1127 = arith.maxsi %sub3A_1124, %max3A_1126 : vector<16xi32>
    %add3A_1128 = arith.addi %max3A_1123, %max3A_1127 : vector<16xi32>
    %min3A_1129 = arith.constant 2047 : i32
    %min3A_1130 = vector.broadcast %min3A_1129 : i32 to vector<16xi32>
    %min3A_1131 = arith.minsi %add3A_1128, %min3A_1130 : vector<16xi32>
    %gather3A_1132 = tpu.vector_load_idx %arg8[%min3A_1131] : memref<2048xi32, #tpu.memory_space<vmem>>[vector<16xi32>], vector<16xi32>,
    %swap3A_1133 = arith.constant 6 : i32
    %swap3A_1134 = arith.index_cast %swap3A_1133 : i32 to index
    %swap3A_1135 = arith.constant 32 : index
    %swap3A_1136 = tpu.vector_load %arg9[%swap3A_1134, %swap3A_1135] {strides = array<i32>} : memref<16x128xi32, #tpu.memory_space<vmem>>, vector<16xi32>,
    tpu.vector_store %arg9[%swap3A_1134, %swap3A_1135], %gather3A_1132 {strides = array<i32>} : memref<16x128xi32, #tpu.memory_space<vmem>>, vector<16xi32>,
    %get3A_1137 = arith.constant 48 : index
    %get3A_1138 = tpu.vector_load %arg6[%get3A_1137] {strides = array<i32>} : memref<128xi32, #tpu.memory_space<vmem>>, vector<16xi32>,
    %get3A_1139 = arith.constant 48 : index
    %get3A_1140 = tpu.vector_load %arg7[%get3A_1139] {strides = array<i32>} : memref<128xi32, #tpu.memory_space<vmem>>, vector<16xi32>,
    %sub3A_1141 = arith.subi %gather3A_1072, %get3A_1140 : vector<16xi32>
    %max3A_1142 = arith.constant 0 : i32
    %max3A_1143 = vector.broadcast %max3A_1142 : i32 to vector<16xi32>
    %max3A_1144 = arith.maxsi %sub3A_1141, %max3A_1143 : vector<16xi32>
    %sub3A_1145 = arith.subi %get3A_1138, %gather3A_1073 : vector<16xi32>
    %max3A_1146 = arith.constant 0 : i32
    %max3A_1147 = vector.broadcast %max3A_1146 : i32 to vector<16xi32>
    %max3A_1148 = arith.maxsi %sub3A_1145, %max3A_1147 : vector<16xi32>
    %add3A_1149 = arith.addi %max3A_1144, %max3A_1148 : vector<16xi32>
    %min3A_1150 = arith.constant 2047 : i32
    %min3A_1151 = vector.broadcast %min3A_1150 : i32 to vector<16xi32>
    %min3A_1152 = arith.minsi %add3A_1149, %min3A_1151 : vector<16xi32>
    %gather3A_1153 = tpu.vector_load_idx %arg8[%min3A_1152] : memref<2048xi32, #tpu.memory_space<vmem>>[vector<16xi32>], vector<16xi32>,
    %swap3A_1154 = arith.constant 6 : i32
    %swap3A_1155 = arith.index_cast %swap3A_1154 : i32 to index
    %swap3A_1156 = arith.constant 48 : index
    %swap3A_1157 = tpu.vector_load %arg9[%swap3A_1155, %swap3A_1156] {strides = array<i32>} : memref<16x128xi32, #tpu.memory_space<vmem>>, vector<16xi32>,
    tpu.vector_store %arg9[%swap3A_1155, %swap3A_1156], %gather3A_1153 {strides = array<i32>} : memref<16x128xi32, #tpu.memory_space<vmem>>, vector<16xi32>,
    %get3A_1158 = arith.constant 64 : index
    %get3A_1159 = tpu.vector_load %arg6[%get3A_1158] {strides = array<i32>} : memref<128xi32, #tpu.memory_space<vmem>>, vector<16xi32>,
    %get3A_1160 = arith.constant 64 : index
    %get3A_1161 = tpu.vector_load %arg7[%get3A_1160] {strides = array<i32>} : memref<128xi32, #tpu.memory_space<vmem>>, vector<16xi32>,
    %sub3A_1162 = arith.subi %gather3A_1072, %get3A_1161 : vector<16xi32>
    %max3A_1163 = arith.constant 0 : i32
    %max3A_1164 = vector.broadcast %max3A_1163 : i32 to vector<16xi32>
    %max3A_1165 = arith.maxsi %sub3A_1162, %max3A_1164 : vector<16xi32>
    %sub3A_1166 = arith.subi %get3A_1159, %gather3A_1073 : vector<16xi32>
    %max3A_1167 = arith.constant 0 : i32
    %max3A_1168 = vector.broadcast %max3A_1167 : i32 to vector<16xi32>
    %max3A_1169 = arith.maxsi %sub3A_1166, %max3A_1168 : vector<16xi32>
    %add3A_1170 = arith.addi %max3A_1165, %max3A_1169 : vector<16xi32>
    %min3A_1171 = arith.constant 2047 : i32
    %min3A_1172 = vector.broadcast %min3A_1171 : i32 to vector<16xi32>
    %min3A_1173 = arith.minsi %add3A_1170, %min3A_1172 : vector<16xi32>
    %gather3A_1174 = tpu.vector_load_idx %arg8[%min3A_1173] : memref<2048xi32, #tpu.memory_space<vmem>>[vector<16xi32>], vector<16xi32>,
    %swap3A_1175 = arith.constant 6 : i32
    %swap3A_1176 = arith.index_cast %swap3A_1175 : i32 to index
    %swap3A_1177 = arith.constant 64 : index
    %swap3A_1178 = tpu.vector_load %arg9[%swap3A_1176, %swap3A_1177] {strides = array<i32>} : memref<16x128xi32, #tpu.memory_space<vmem>>, vector<16xi32>,
    tpu.vector_store %arg9[%swap3A_1176, %swap3A_1177], %gather3A_1174 {strides = array<i32>} : memref<16x128xi32, #tpu.memory_space<vmem>>, vector<16xi32>,
    %get3A_1179 = arith.constant 80 : index
    %get3A_1180 = tpu.vector_load %arg6[%get3A_1179] {strides = array<i32>} : memref<128xi32, #tpu.memory_space<vmem>>, vector<16xi32>,
    %get3A_1181 = arith.constant 80 : index
    %get3A_1182 = tpu.vector_load %arg7[%get3A_1181] {strides = array<i32>} : memref<128xi32, #tpu.memory_space<vmem>>, vector<16xi32>,
    %sub3A_1183 = arith.subi %gather3A_1072, %get3A_1182 : vector<16xi32>
    %max3A_1184 = arith.constant 0 : i32
    %max3A_1185 = vector.broadcast %max3A_1184 : i32 to vector<16xi32>
    %max3A_1186 = arith.maxsi %sub3A_1183, %max3A_1185 : vector<16xi32>
    %sub3A_1187 = arith.subi %get3A_1180, %gather3A_1073 : vector<16xi32>
    %max3A_1188 = arith.constant 0 : i32
    %max3A_1189 = vector.broadcast %max3A_1188 : i32 to vector<16xi32>
    %max3A_1190 = arith.maxsi %sub3A_1187, %max3A_1189 : vector<16xi32>
    %add3A_1191 = arith.addi %max3A_1186, %max3A_1190 : vector<16xi32>
    %min3A_1192 = arith.constant 2047 : i32
    %min3A_1193 = vector.broadcast %min3A_1192 : i32 to vector<16xi32>
    %min3A_1194 = arith.minsi %add3A_1191, %min3A_1193 : vector<16xi32>
    %gather3A_1195 = tpu.vector_load_idx %arg8[%min3A_1194] : memref<2048xi32, #tpu.memory_space<vmem>>[vector<16xi32>], vector<16xi32>,
    %swap3A_1196 = arith.constant 6 : i32
    %swap3A_1197 = arith.index_cast %swap3A_1196 : i32 to index
    %swap3A_1198 = arith.constant 80 : index
    %swap3A_1199 = tpu.vector_load %arg9[%swap3A_1197, %swap3A_1198] {strides = array<i32>} : memref<16x128xi32, #tpu.memory_space<vmem>>, vector<16xi32>,
    tpu.vector_store %arg9[%swap3A_1197, %swap3A_1198], %gather3A_1195 {strides = array<i32>} : memref<16x128xi32, #tpu.memory_space<vmem>>, vector<16xi32>,
    %get3A_1200 = arith.constant 96 : index
    %get3A_1201 = tpu.vector_load %arg6[%get3A_1200] {strides = array<i32>} : memref<128xi32, #tpu.memory_space<vmem>>, vector<16xi32>,
    %get3A_1202 = arith.constant 96 : index
    %get3A_1203 = tpu.vector_load %arg7[%get3A_1202] {strides = array<i32>} : memref<128xi32, #tpu.memory_space<vmem>>, vector<16xi32>,
    %sub3A_1204 = arith.subi %gather3A_1072, %get3A_1203 : vector<16xi32>
    %max3A_1205 = arith.constant 0 : i32
    %max3A_1206 = vector.broadcast %max3A_1205 : i32 to vector<16xi32>
    %max3A_1207 = arith.maxsi %sub3A_1204, %max3A_1206 : vector<16xi32>
    %sub3A_1208 = arith.subi %get3A_1201, %gather3A_1073 : vector<16xi32>
    %max3A_1209 = arith.constant 0 : i32
    %max3A_1210 = vector.broadcast %max3A_1209 : i32 to vector<16xi32>
    %max3A_1211 = arith.maxsi %sub3A_1208, %max3A_1210 : vector<16xi32>
    %add3A_1212 = arith.addi %max3A_1207, %max3A_1211 : vector<16xi32>
    %min3A_1213 = arith.constant 2047 : i32
    %min3A_1214 = vector.broadcast %min3A_1213 : i32 to vector<16xi32>
    %min3A_1215 = arith.minsi %add3A_1212, %min3A_1214 : vector<16xi32>
    %gather3A_1216 = tpu.vector_load_idx %arg8[%min3A_1215] : memref<2048xi32, #tpu.memory_space<vmem>>[vector<16xi32>], vector<16xi32>,
    %swap3A_1217 = arith.constant 6 : i32
    %swap3A_1218 = arith.index_cast %swap3A_1217 : i32 to index
    %swap3A_1219 = arith.constant 96 : index
    %swap3A_1220 = tpu.vector_load %arg9[%swap3A_1218, %swap3A_1219] {strides = array<i32>} : memref<16x128xi32, #tpu.memory_space<vmem>>, vector<16xi32>,
    tpu.vector_store %arg9[%swap3A_1218, %swap3A_1219], %gather3A_1216 {strides = array<i32>} : memref<16x128xi32, #tpu.memory_space<vmem>>, vector<16xi32>,
    %get3A_1221 = arith.constant 112 : index
    %get3A_1222 = tpu.vector_load %arg6[%get3A_1221] {strides = array<i32>} : memref<128xi32, #tpu.memory_space<vmem>>, vector<16xi32>,
    %get3A_1223 = arith.constant 112 : index
    %get3A_1224 = tpu.vector_load %arg7[%get3A_1223] {strides = array<i32>} : memref<128xi32, #tpu.memory_space<vmem>>, vector<16xi32>,
    %sub3A_1225 = arith.subi %gather3A_1072, %get3A_1224 : vector<16xi32>
    %max3A_1226 = arith.constant 0 : i32
    %max3A_1227 = vector.broadcast %max3A_1226 : i32 to vector<16xi32>
    %max3A_1228 = arith.maxsi %sub3A_1225, %max3A_1227 : vector<16xi32>
    %sub3A_1229 = arith.subi %get3A_1222, %gather3A_1073 : vector<16xi32>
    %max3A_1230 = arith.constant 0 : i32
    %max3A_1231 = vector.broadcast %max3A_1230 : i32 to vector<16xi32>
    %max3A_1232 = arith.maxsi %sub3A_1229, %max3A_1231 : vector<16xi32>
    %add3A_1233 = arith.addi %max3A_1228, %max3A_1232 : vector<16xi32>
    %min3A_1234 = arith.constant 2047 : i32
    %min3A_1235 = vector.broadcast %min3A_1234 : i32 to vector<16xi32>
    %min3A_1236 = arith.minsi %add3A_1233, %min3A_1235 : vector<16xi32>
    %gather3A_1237 = tpu.vector_load_idx %arg8[%min3A_1236] : memref<2048xi32, #tpu.memory_space<vmem>>[vector<16xi32>], vector<16xi32>,
    %swap3A_1238 = arith.constant 6 : i32
    %swap3A_1239 = arith.index_cast %swap3A_1238 : i32 to index
    %swap3A_1240 = arith.constant 112 : index
    %swap3A_1241 = tpu.vector_load %arg9[%swap3A_1239, %swap3A_1240] {strides = array<i32>} : memref<16x128xi32, #tpu.memory_space<vmem>>, vector<16xi32>,
    tpu.vector_store %arg9[%swap3A_1239, %swap3A_1240], %gather3A_1237 {strides = array<i32>} : memref<16x128xi32, #tpu.memory_space<vmem>>, vector<16xi32>,
    %add3A_1242 = arith.constant 7 : i32
    %add3A_1243 = arith.addi %select_n3A_36, %add3A_1242 : i32
    %broadcast_in_dim3A_1244 = vector.broadcast %add3A_1243 : i32 to vector<16xi32>
    %gather3A_1245 = tpu.vector_load_idx %arg6[%broadcast_in_dim3A_1244] : memref<128xi32, #tpu.memory_space<vmem>>[vector<16xi32>], vector<16xi32>,
    %gather3A_1246 = tpu.vector_load_idx %arg7[%broadcast_in_dim3A_1244] : memref<128xi32, #tpu.memory_space<vmem>>[vector<16xi32>], vector<16xi32>,
    %get3A_1247 = arith.constant 0 : index
    %get3A_1248 = tpu.vector_load %arg6[%get3A_1247] {strides = array<i32>} : memref<128xi32, #tpu.memory_space<vmem>>, vector<16xi32>,
    %get3A_1249 = arith.constant 0 : index
    %get3A_1250 = tpu.vector_load %arg7[%get3A_1249] {strides = array<i32>} : memref<128xi32, #tpu.memory_space<vmem>>, vector<16xi32>,
    %sub3A_1251 = arith.subi %gather3A_1245, %get3A_1250 : vector<16xi32>
    %max3A_1252 = arith.constant 0 : i32
    %max3A_1253 = vector.broadcast %max3A_1252 : i32 to vector<16xi32>
    %max3A_1254 = arith.maxsi %sub3A_1251, %max3A_1253 : vector<16xi32>
    %sub3A_1255 = arith.subi %get3A_1248, %gather3A_1246 : vector<16xi32>
    %max3A_1256 = arith.constant 0 : i32
    %max3A_1257 = vector.broadcast %max3A_1256 : i32 to vector<16xi32>
    %max3A_1258 = arith.maxsi %sub3A_1255, %max3A_1257 : vector<16xi32>
    %add3A_1259 = arith.addi %max3A_1254, %max3A_1258 : vector<16xi32>
    %min3A_1260 = arith.constant 2047 : i32
    %min3A_1261 = vector.broadcast %min3A_1260 : i32 to vector<16xi32>
    %min3A_1262 = arith.minsi %add3A_1259, %min3A_1261 : vector<16xi32>
    %gather3A_1263 = tpu.vector_load_idx %arg8[%min3A_1262] : memref<2048xi32, #tpu.memory_space<vmem>>[vector<16xi32>], vector<16xi32>,
    %swap3A_1264 = arith.constant 7 : i32
    %swap3A_1265 = arith.index_cast %swap3A_1264 : i32 to index
    %swap3A_1266 = arith.constant 0 : index
    %swap3A_1267 = tpu.vector_load %arg9[%swap3A_1265, %swap3A_1266] {strides = array<i32>} : memref<16x128xi32, #tpu.memory_space<vmem>>, vector<16xi32>,
    tpu.vector_store %arg9[%swap3A_1265, %swap3A_1266], %gather3A_1263 {strides = array<i32>} : memref<16x128xi32, #tpu.memory_space<vmem>>, vector<16xi32>,
    %get3A_1268 = arith.constant 16 : index
    %get3A_1269 = tpu.vector_load %arg6[%get3A_1268] {strides = array<i32>} : memref<128xi32, #tpu.memory_space<vmem>>, vector<16xi32>,
    %get3A_1270 = arith.constant 16 : index
    %get3A_1271 = tpu.vector_load %arg7[%get3A_1270] {strides = array<i32>} : memref<128xi32, #tpu.memory_space<vmem>>, vector<16xi32>,
    %sub3A_1272 = arith.subi %gather3A_1245, %get3A_1271 : vector<16xi32>
    %max3A_1273 = arith.constant 0 : i32
    %max3A_1274 = vector.broadcast %max3A_1273 : i32 to vector<16xi32>
    %max3A_1275 = arith.maxsi %sub3A_1272, %max3A_1274 : vector<16xi32>
    %sub3A_1276 = arith.subi %get3A_1269, %gather3A_1246 : vector<16xi32>
    %max3A_1277 = arith.constant 0 : i32
    %max3A_1278 = vector.broadcast %max3A_1277 : i32 to vector<16xi32>
    %max3A_1279 = arith.maxsi %sub3A_1276, %max3A_1278 : vector<16xi32>
    %add3A_1280 = arith.addi %max3A_1275, %max3A_1279 : vector<16xi32>
    %min3A_1281 = arith.constant 2047 : i32
    %min3A_1282 = vector.broadcast %min3A_1281 : i32 to vector<16xi32>
    %min3A_1283 = arith.minsi %add3A_1280, %min3A_1282 : vector<16xi32>
    %gather3A_1284 = tpu.vector_load_idx %arg8[%min3A_1283] : memref<2048xi32, #tpu.memory_space<vmem>>[vector<16xi32>], vector<16xi32>,
    %swap3A_1285 = arith.constant 7 : i32
    %swap3A_1286 = arith.index_cast %swap3A_1285 : i32 to index
    %swap3A_1287 = arith.constant 16 : index
    %swap3A_1288 = tpu.vector_load %arg9[%swap3A_1286, %swap3A_1287] {strides = array<i32>} : memref<16x128xi32, #tpu.memory_space<vmem>>, vector<16xi32>,
    tpu.vector_store %arg9[%swap3A_1286, %swap3A_1287], %gather3A_1284 {strides = array<i32>} : memref<16x128xi32, #tpu.memory_space<vmem>>, vector<16xi32>,
    %get3A_1289 = arith.constant 32 : index
    %get3A_1290 = tpu.vector_load %arg6[%get3A_1289] {strides = array<i32>} : memref<128xi32, #tpu.memory_space<vmem>>, vector<16xi32>,
    %get3A_1291 = arith.constant 32 : index
    %get3A_1292 = tpu.vector_load %arg7[%get3A_1291] {strides = array<i32>} : memref<128xi32, #tpu.memory_space<vmem>>, vector<16xi32>,
    %sub3A_1293 = arith.subi %gather3A_1245, %get3A_1292 : vector<16xi32>
    %max3A_1294 = arith.constant 0 : i32
    %max3A_1295 = vector.broadcast %max3A_1294 : i32 to vector<16xi32>
    %max3A_1296 = arith.maxsi %sub3A_1293, %max3A_1295 : vector<16xi32>
    %sub3A_1297 = arith.subi %get3A_1290, %gather3A_1246 : vector<16xi32>
    %max3A_1298 = arith.constant 0 : i32
    %max3A_1299 = vector.broadcast %max3A_1298 : i32 to vector<16xi32>
    %max3A_1300 = arith.maxsi %sub3A_1297, %max3A_1299 : vector<16xi32>
    %add3A_1301 = arith.addi %max3A_1296, %max3A_1300 : vector<16xi32>
    %min3A_1302 = arith.constant 2047 : i32
    %min3A_1303 = vector.broadcast %min3A_1302 : i32 to vector<16xi32>
    %min3A_1304 = arith.minsi %add3A_1301, %min3A_1303 : vector<16xi32>
    %gather3A_1305 = tpu.vector_load_idx %arg8[%min3A_1304] : memref<2048xi32, #tpu.memory_space<vmem>>[vector<16xi32>], vector<16xi32>,
    %swap3A_1306 = arith.constant 7 : i32
    %swap3A_1307 = arith.index_cast %swap3A_1306 : i32 to index
    %swap3A_1308 = arith.constant 32 : index
    %swap3A_1309 = tpu.vector_load %arg9[%swap3A_1307, %swap3A_1308] {strides = array<i32>} : memref<16x128xi32, #tpu.memory_space<vmem>>, vector<16xi32>,
    tpu.vector_store %arg9[%swap3A_1307, %swap3A_1308], %gather3A_1305 {strides = array<i32>} : memref<16x128xi32, #tpu.memory_space<vmem>>, vector<16xi32>,
    %get3A_1310 = arith.constant 48 : index
    %get3A_1311 = tpu.vector_load %arg6[%get3A_1310] {strides = array<i32>} : memref<128xi32, #tpu.memory_space<vmem>>, vector<16xi32>,
    %get3A_1312 = arith.constant 48 : index
    %get3A_1313 = tpu.vector_load %arg7[%get3A_1312] {strides = array<i32>} : memref<128xi32, #tpu.memory_space<vmem>>, vector<16xi32>,
    %sub3A_1314 = arith.subi %gather3A_1245, %get3A_1313 : vector<16xi32>
    %max3A_1315 = arith.constant 0 : i32
    %max3A_1316 = vector.broadcast %max3A_1315 : i32 to vector<16xi32>
    %max3A_1317 = arith.maxsi %sub3A_1314, %max3A_1316 : vector<16xi32>
    %sub3A_1318 = arith.subi %get3A_1311, %gather3A_1246 : vector<16xi32>
    %max3A_1319 = arith.constant 0 : i32
    %max3A_1320 = vector.broadcast %max3A_1319 : i32 to vector<16xi32>
    %max3A_1321 = arith.maxsi %sub3A_1318, %max3A_1320 : vector<16xi32>
    %add3A_1322 = arith.addi %max3A_1317, %max3A_1321 : vector<16xi32>
    %min3A_1323 = arith.constant 2047 : i32
    %min3A_1324 = vector.broadcast %min3A_1323 : i32 to vector<16xi32>
    %min3A_1325 = arith.minsi %add3A_1322, %min3A_1324 : vector<16xi32>
    %gather3A_1326 = tpu.vector_load_idx %arg8[%min3A_1325] : memref<2048xi32, #tpu.memory_space<vmem>>[vector<16xi32>], vector<16xi32>,
    %swap3A_1327 = arith.constant 7 : i32
    %swap3A_1328 = arith.index_cast %swap3A_1327 : i32 to index
    %swap3A_1329 = arith.constant 48 : index
    %swap3A_1330 = tpu.vector_load %arg9[%swap3A_1328, %swap3A_1329] {strides = array<i32>} : memref<16x128xi32, #tpu.memory_space<vmem>>, vector<16xi32>,
    tpu.vector_store %arg9[%swap3A_1328, %swap3A_1329], %gather3A_1326 {strides = array<i32>} : memref<16x128xi32, #tpu.memory_space<vmem>>, vector<16xi32>,
    %get3A_1331 = arith.constant 64 : index
    %get3A_1332 = tpu.vector_load %arg6[%get3A_1331] {strides = array<i32>} : memref<128xi32, #tpu.memory_space<vmem>>, vector<16xi32>,
    %get3A_1333 = arith.constant 64 : index
    %get3A_1334 = tpu.vector_load %arg7[%get3A_1333] {strides = array<i32>} : memref<128xi32, #tpu.memory_space<vmem>>, vector<16xi32>,
    %sub3A_1335 = arith.subi %gather3A_1245, %get3A_1334 : vector<16xi32>
    %max3A_1336 = arith.constant 0 : i32
    %max3A_1337 = vector.broadcast %max3A_1336 : i32 to vector<16xi32>
    %max3A_1338 = arith.maxsi %sub3A_1335, %max3A_1337 : vector<16xi32>
    %sub3A_1339 = arith.subi %get3A_1332, %gather3A_1246 : vector<16xi32>
    %max3A_1340 = arith.constant 0 : i32
    %max3A_1341 = vector.broadcast %max3A_1340 : i32 to vector<16xi32>
    %max3A_1342 = arith.maxsi %sub3A_1339, %max3A_1341 : vector<16xi32>
    %add3A_1343 = arith.addi %max3A_1338, %max3A_1342 : vector<16xi32>
    %min3A_1344 = arith.constant 2047 : i32
    %min3A_1345 = vector.broadcast %min3A_1344 : i32 to vector<16xi32>
    %min3A_1346 = arith.minsi %add3A_1343, %min3A_1345 : vector<16xi32>
    %gather3A_1347 = tpu.vector_load_idx %arg8[%min3A_1346] : memref<2048xi32, #tpu.memory_space<vmem>>[vector<16xi32>], vector<16xi32>,
    %swap3A_1348 = arith.constant 7 : i32
    %swap3A_1349 = arith.index_cast %swap3A_1348 : i32 to index
    %swap3A_1350 = arith.constant 64 : index
    %swap3A_1351 = tpu.vector_load %arg9[%swap3A_1349, %swap3A_1350] {strides = array<i32>} : memref<16x128xi32, #tpu.memory_space<vmem>>, vector<16xi32>,
    tpu.vector_store %arg9[%swap3A_1349, %swap3A_1350], %gather3A_1347 {strides = array<i32>} : memref<16x128xi32, #tpu.memory_space<vmem>>, vector<16xi32>,
    %get3A_1352 = arith.constant 80 : index
    %get3A_1353 = tpu.vector_load %arg6[%get3A_1352] {strides = array<i32>} : memref<128xi32, #tpu.memory_space<vmem>>, vector<16xi32>,
    %get3A_1354 = arith.constant 80 : index
    %get3A_1355 = tpu.vector_load %arg7[%get3A_1354] {strides = array<i32>} : memref<128xi32, #tpu.memory_space<vmem>>, vector<16xi32>,
    %sub3A_1356 = arith.subi %gather3A_1245, %get3A_1355 : vector<16xi32>
    %max3A_1357 = arith.constant 0 : i32
    %max3A_1358 = vector.broadcast %max3A_1357 : i32 to vector<16xi32>
    %max3A_1359 = arith.maxsi %sub3A_1356, %max3A_1358 : vector<16xi32>
    %sub3A_1360 = arith.subi %get3A_1353, %gather3A_1246 : vector<16xi32>
    %max3A_1361 = arith.constant 0 : i32
    %max3A_1362 = vector.broadcast %max3A_1361 : i32 to vector<16xi32>
    %max3A_1363 = arith.maxsi %sub3A_1360, %max3A_1362 : vector<16xi32>
    %add3A_1364 = arith.addi %max3A_1359, %max3A_1363 : vector<16xi32>
    %min3A_1365 = arith.constant 2047 : i32
    %min3A_1366 = vector.broadcast %min3A_1365 : i32 to vector<16xi32>
    %min3A_1367 = arith.minsi %add3A_1364, %min3A_1366 : vector<16xi32>
    %gather3A_1368 = tpu.vector_load_idx %arg8[%min3A_1367] : memref<2048xi32, #tpu.memory_space<vmem>>[vector<16xi32>], vector<16xi32>,
    %swap3A_1369 = arith.constant 7 : i32
    %swap3A_1370 = arith.index_cast %swap3A_1369 : i32 to index
    %swap3A_1371 = arith.constant 80 : index
    %swap3A_1372 = tpu.vector_load %arg9[%swap3A_1370, %swap3A_1371] {strides = array<i32>} : memref<16x128xi32, #tpu.memory_space<vmem>>, vector<16xi32>,
    tpu.vector_store %arg9[%swap3A_1370, %swap3A_1371], %gather3A_1368 {strides = array<i32>} : memref<16x128xi32, #tpu.memory_space<vmem>>, vector<16xi32>,
    %get3A_1373 = arith.constant 96 : index
    %get3A_1374 = tpu.vector_load %arg6[%get3A_1373] {strides = array<i32>} : memref<128xi32, #tpu.memory_space<vmem>>, vector<16xi32>,
    %get3A_1375 = arith.constant 96 : index
    %get3A_1376 = tpu.vector_load %arg7[%get3A_1375] {strides = array<i32>} : memref<128xi32, #tpu.memory_space<vmem>>, vector<16xi32>,
    %sub3A_1377 = arith.subi %gather3A_1245, %get3A_1376 : vector<16xi32>
    %max3A_1378 = arith.constant 0 : i32
    %max3A_1379 = vector.broadcast %max3A_1378 : i32 to vector<16xi32>
    %max3A_1380 = arith.maxsi %sub3A_1377, %max3A_1379 : vector<16xi32>
    %sub3A_1381 = arith.subi %get3A_1374, %gather3A_1246 : vector<16xi32>
    %max3A_1382 = arith.constant 0 : i32
    %max3A_1383 = vector.broadcast %max3A_1382 : i32 to vector<16xi32>
    %max3A_1384 = arith.maxsi %sub3A_1381, %max3A_1383 : vector<16xi32>
    %add3A_1385 = arith.addi %max3A_1380, %max3A_1384 : vector<16xi32>
    %min3A_1386 = arith.constant 2047 : i32
    %min3A_1387 = vector.broadcast %min3A_1386 : i32 to vector<16xi32>
    %min3A_1388 = arith.minsi %add3A_1385, %min3A_1387 : vector<16xi32>
    %gather3A_1389 = tpu.vector_load_idx %arg8[%min3A_1388] : memref<2048xi32, #tpu.memory_space<vmem>>[vector<16xi32>], vector<16xi32>,
    %swap3A_1390 = arith.constant 7 : i32
    %swap3A_1391 = arith.index_cast %swap3A_1390 : i32 to index
    %swap3A_1392 = arith.constant 96 : index
    %swap3A_1393 = tpu.vector_load %arg9[%swap3A_1391, %swap3A_1392] {strides = array<i32>} : memref<16x128xi32, #tpu.memory_space<vmem>>, vector<16xi32>,
    tpu.vector_store %arg9[%swap3A_1391, %swap3A_1392], %gather3A_1389 {strides = array<i32>} : memref<16x128xi32, #tpu.memory_space<vmem>>, vector<16xi32>,
    %get3A_1394 = arith.constant 112 : index
    %get3A_1395 = tpu.vector_load %arg6[%get3A_1394] {strides = array<i32>} : memref<128xi32, #tpu.memory_space<vmem>>, vector<16xi32>,
    %get3A_1396 = arith.constant 112 : index
    %get3A_1397 = tpu.vector_load %arg7[%get3A_1396] {strides = array<i32>} : memref<128xi32, #tpu.memory_space<vmem>>, vector<16xi32>,
    %sub3A_1398 = arith.subi %gather3A_1245, %get3A_1397 : vector<16xi32>
    %max3A_1399 = arith.constant 0 : i32
    %max3A_1400 = vector.broadcast %max3A_1399 : i32 to vector<16xi32>
    %max3A_1401 = arith.maxsi %sub3A_1398, %max3A_1400 : vector<16xi32>
    %sub3A_1402 = arith.subi %get3A_1395, %gather3A_1246 : vector<16xi32>
    %max3A_1403 = arith.constant 0 : i32
    %max3A_1404 = vector.broadcast %max3A_1403 : i32 to vector<16xi32>
    %max3A_1405 = arith.maxsi %sub3A_1402, %max3A_1404 : vector<16xi32>
    %add3A_1406 = arith.addi %max3A_1401, %max3A_1405 : vector<16xi32>
    %min3A_1407 = arith.constant 2047 : i32
    %min3A_1408 = vector.broadcast %min3A_1407 : i32 to vector<16xi32>
    %min3A_1409 = arith.minsi %add3A_1406, %min3A_1408 : vector<16xi32>
    %gather3A_1410 = tpu.vector_load_idx %arg8[%min3A_1409] : memref<2048xi32, #tpu.memory_space<vmem>>[vector<16xi32>], vector<16xi32>,
    %swap3A_1411 = arith.constant 7 : i32
    %swap3A_1412 = arith.index_cast %swap3A_1411 : i32 to index
    %swap3A_1413 = arith.constant 112 : index
    %swap3A_1414 = tpu.vector_load %arg9[%swap3A_1412, %swap3A_1413] {strides = array<i32>} : memref<16x128xi32, #tpu.memory_space<vmem>>, vector<16xi32>,
    tpu.vector_store %arg9[%swap3A_1412, %swap3A_1413], %gather3A_1410 {strides = array<i32>} : memref<16x128xi32, #tpu.memory_space<vmem>>, vector<16xi32>,
    %add3A_1415 = arith.constant 8 : i32
    %add3A_1416 = arith.addi %select_n3A_36, %add3A_1415 : i32
    %broadcast_in_dim3A_1417 = vector.broadcast %add3A_1416 : i32 to vector<16xi32>
    %gather3A_1418 = tpu.vector_load_idx %arg6[%broadcast_in_dim3A_1417] : memref<128xi32, #tpu.memory_space<vmem>>[vector<16xi32>], vector<16xi32>,
    %gather3A_1419 = tpu.vector_load_idx %arg7[%broadcast_in_dim3A_1417] : memref<128xi32, #tpu.memory_space<vmem>>[vector<16xi32>], vector<16xi32>,
    %get3A_1420 = arith.constant 0 : index
    %get3A_1421 = tpu.vector_load %arg6[%get3A_1420] {strides = array<i32>} : memref<128xi32, #tpu.memory_space<vmem>>, vector<16xi32>,
    %get3A_1422 = arith.constant 0 : index
    %get3A_1423 = tpu.vector_load %arg7[%get3A_1422] {strides = array<i32>} : memref<128xi32, #tpu.memory_space<vmem>>, vector<16xi32>,
    %sub3A_1424 = arith.subi %gather3A_1418, %get3A_1423 : vector<16xi32>
    %max3A_1425 = arith.constant 0 : i32
    %max3A_1426 = vector.broadcast %max3A_1425 : i32 to vector<16xi32>
    %max3A_1427 = arith.maxsi %sub3A_1424, %max3A_1426 : vector<16xi32>
    %sub3A_1428 = arith.subi %get3A_1421, %gather3A_1419 : vector<16xi32>
    %max3A_1429 = arith.constant 0 : i32
    %max3A_1430 = vector.broadcast %max3A_1429 : i32 to vector<16xi32>
    %max3A_1431 = arith.maxsi %sub3A_1428, %max3A_1430 : vector<16xi32>
    %add3A_1432 = arith.addi %max3A_1427, %max3A_1431 : vector<16xi32>
    %min3A_1433 = arith.constant 2047 : i32
    %min3A_1434 = vector.broadcast %min3A_1433 : i32 to vector<16xi32>
    %min3A_1435 = arith.minsi %add3A_1432, %min3A_1434 : vector<16xi32>
    %gather3A_1436 = tpu.vector_load_idx %arg8[%min3A_1435] : memref<2048xi32, #tpu.memory_space<vmem>>[vector<16xi32>], vector<16xi32>,
    %swap3A_1437 = arith.constant 8 : i32
    %swap3A_1438 = arith.index_cast %swap3A_1437 : i32 to index
    %swap3A_1439 = arith.constant 0 : index
    %swap3A_1440 = tpu.vector_load %arg9[%swap3A_1438, %swap3A_1439] {strides = array<i32>} : memref<16x128xi32, #tpu.memory_space<vmem>>, vector<16xi32>,
    tpu.vector_store %arg9[%swap3A_1438, %swap3A_1439], %gather3A_1436 {strides = array<i32>} : memref<16x128xi32, #tpu.memory_space<vmem>>, vector<16xi32>,
    %get3A_1441 = arith.constant 16 : index
    %get3A_1442 = tpu.vector_load %arg6[%get3A_1441] {strides = array<i32>} : memref<128xi32, #tpu.memory_space<vmem>>, vector<16xi32>,
    %get3A_1443 = arith.constant 16 : index
    %get3A_1444 = tpu.vector_load %arg7[%get3A_1443] {strides = array<i32>} : memref<128xi32, #tpu.memory_space<vmem>>, vector<16xi32>,
    %sub3A_1445 = arith.subi %gather3A_1418, %get3A_1444 : vector<16xi32>
    %max3A_1446 = arith.constant 0 : i32
    %max3A_1447 = vector.broadcast %max3A_1446 : i32 to vector<16xi32>
    %max3A_1448 = arith.maxsi %sub3A_1445, %max3A_1447 : vector<16xi32>
    %sub3A_1449 = arith.subi %get3A_1442, %gather3A_1419 : vector<16xi32>
    %max3A_1450 = arith.constant 0 : i32
    %max3A_1451 = vector.broadcast %max3A_1450 : i32 to vector<16xi32>
    %max3A_1452 = arith.maxsi %sub3A_1449, %max3A_1451 : vector<16xi32>
    %add3A_1453 = arith.addi %max3A_1448, %max3A_1452 : vector<16xi32>
    %min3A_1454 = arith.constant 2047 : i32
    %min3A_1455 = vector.broadcast %min3A_1454 : i32 to vector<16xi32>
    %min3A_1456 = arith.minsi %add3A_1453, %min3A_1455 : vector<16xi32>
    %gather3A_1457 = tpu.vector_load_idx %arg8[%min3A_1456] : memref<2048xi32, #tpu.memory_space<vmem>>[vector<16xi32>], vector<16xi32>,
    %swap3A_1458 = arith.constant 8 : i32
    %swap3A_1459 = arith.index_cast %swap3A_1458 : i32 to index
    %swap3A_1460 = arith.constant 16 : index
    %swap3A_1461 = tpu.vector_load %arg9[%swap3A_1459, %swap3A_1460] {strides = array<i32>} : memref<16x128xi32, #tpu.memory_space<vmem>>, vector<16xi32>,
    tpu.vector_store %arg9[%swap3A_1459, %swap3A_1460], %gather3A_1457 {strides = array<i32>} : memref<16x128xi32, #tpu.memory_space<vmem>>, vector<16xi32>,
    %get3A_1462 = arith.constant 32 : index
    %get3A_1463 = tpu.vector_load %arg6[%get3A_1462] {strides = array<i32>} : memref<128xi32, #tpu.memory_space<vmem>>, vector<16xi32>,
    %get3A_1464 = arith.constant 32 : index
    %get3A_1465 = tpu.vector_load %arg7[%get3A_1464] {strides = array<i32>} : memref<128xi32, #tpu.memory_space<vmem>>, vector<16xi32>,
    %sub3A_1466 = arith.subi %gather3A_1418, %get3A_1465 : vector<16xi32>
    %max3A_1467 = arith.constant 0 : i32
    %max3A_1468 = vector.broadcast %max3A_1467 : i32 to vector<16xi32>
    %max3A_1469 = arith.maxsi %sub3A_1466, %max3A_1468 : vector<16xi32>
    %sub3A_1470 = arith.subi %get3A_1463, %gather3A_1419 : vector<16xi32>
    %max3A_1471 = arith.constant 0 : i32
    %max3A_1472 = vector.broadcast %max3A_1471 : i32 to vector<16xi32>
    %max3A_1473 = arith.maxsi %sub3A_1470, %max3A_1472 : vector<16xi32>
    %add3A_1474 = arith.addi %max3A_1469, %max3A_1473 : vector<16xi32>
    %min3A_1475 = arith.constant 2047 : i32
    %min3A_1476 = vector.broadcast %min3A_1475 : i32 to vector<16xi32>
    %min3A_1477 = arith.minsi %add3A_1474, %min3A_1476 : vector<16xi32>
    %gather3A_1478 = tpu.vector_load_idx %arg8[%min3A_1477] : memref<2048xi32, #tpu.memory_space<vmem>>[vector<16xi32>], vector<16xi32>,
    %swap3A_1479 = arith.constant 8 : i32
    %swap3A_1480 = arith.index_cast %swap3A_1479 : i32 to index
    %swap3A_1481 = arith.constant 32 : index
    %swap3A_1482 = tpu.vector_load %arg9[%swap3A_1480, %swap3A_1481] {strides = array<i32>} : memref<16x128xi32, #tpu.memory_space<vmem>>, vector<16xi32>,
    tpu.vector_store %arg9[%swap3A_1480, %swap3A_1481], %gather3A_1478 {strides = array<i32>} : memref<16x128xi32, #tpu.memory_space<vmem>>, vector<16xi32>,
    %get3A_1483 = arith.constant 48 : index
    %get3A_1484 = tpu.vector_load %arg6[%get3A_1483] {strides = array<i32>} : memref<128xi32, #tpu.memory_space<vmem>>, vector<16xi32>,
    %get3A_1485 = arith.constant 48 : index
    %get3A_1486 = tpu.vector_load %arg7[%get3A_1485] {strides = array<i32>} : memref<128xi32, #tpu.memory_space<vmem>>, vector<16xi32>,
    %sub3A_1487 = arith.subi %gather3A_1418, %get3A_1486 : vector<16xi32>
    %max3A_1488 = arith.constant 0 : i32
    %max3A_1489 = vector.broadcast %max3A_1488 : i32 to vector<16xi32>
    %max3A_1490 = arith.maxsi %sub3A_1487, %max3A_1489 : vector<16xi32>
    %sub3A_1491 = arith.subi %get3A_1484, %gather3A_1419 : vector<16xi32>
    %max3A_1492 = arith.constant 0 : i32
    %max3A_1493 = vector.broadcast %max3A_1492 : i32 to vector<16xi32>
    %max3A_1494 = arith.maxsi %sub3A_1491, %max3A_1493 : vector<16xi32>
    %add3A_1495 = arith.addi %max3A_1490, %max3A_1494 : vector<16xi32>
    %min3A_1496 = arith.constant 2047 : i32
    %min3A_1497 = vector.broadcast %min3A_1496 : i32 to vector<16xi32>
    %min3A_1498 = arith.minsi %add3A_1495, %min3A_1497 : vector<16xi32>
    %gather3A_1499 = tpu.vector_load_idx %arg8[%min3A_1498] : memref<2048xi32, #tpu.memory_space<vmem>>[vector<16xi32>], vector<16xi32>,
    %swap3A_1500 = arith.constant 8 : i32
    %swap3A_1501 = arith.index_cast %swap3A_1500 : i32 to index
    %swap3A_1502 = arith.constant 48 : index
    %swap3A_1503 = tpu.vector_load %arg9[%swap3A_1501, %swap3A_1502] {strides = array<i32>} : memref<16x128xi32, #tpu.memory_space<vmem>>, vector<16xi32>,
    tpu.vector_store %arg9[%swap3A_1501, %swap3A_1502], %gather3A_1499 {strides = array<i32>} : memref<16x128xi32, #tpu.memory_space<vmem>>, vector<16xi32>,
    %get3A_1504 = arith.constant 64 : index
    %get3A_1505 = tpu.vector_load %arg6[%get3A_1504] {strides = array<i32>} : memref<128xi32, #tpu.memory_space<vmem>>, vector<16xi32>,
    %get3A_1506 = arith.constant 64 : index
    %get3A_1507 = tpu.vector_load %arg7[%get3A_1506] {strides = array<i32>} : memref<128xi32, #tpu.memory_space<vmem>>, vector<16xi32>,
    %sub3A_1508 = arith.subi %gather3A_1418, %get3A_1507 : vector<16xi32>
    %max3A_1509 = arith.constant 0 : i32
    %max3A_1510 = vector.broadcast %max3A_1509 : i32 to vector<16xi32>
    %max3A_1511 = arith.maxsi %sub3A_1508, %max3A_1510 : vector<16xi32>
    %sub3A_1512 = arith.subi %get3A_1505, %gather3A_1419 : vector<16xi32>
    %max3A_1513 = arith.constant 0 : i32
    %max3A_1514 = vector.broadcast %max3A_1513 : i32 to vector<16xi32>
    %max3A_1515 = arith.maxsi %sub3A_1512, %max3A_1514 : vector<16xi32>
    %add3A_1516 = arith.addi %max3A_1511, %max3A_1515 : vector<16xi32>
    %min3A_1517 = arith.constant 2047 : i32
    %min3A_1518 = vector.broadcast %min3A_1517 : i32 to vector<16xi32>
    %min3A_1519 = arith.minsi %add3A_1516, %min3A_1518 : vector<16xi32>
    %gather3A_1520 = tpu.vector_load_idx %arg8[%min3A_1519] : memref<2048xi32, #tpu.memory_space<vmem>>[vector<16xi32>], vector<16xi32>,
    %swap3A_1521 = arith.constant 8 : i32
    %swap3A_1522 = arith.index_cast %swap3A_1521 : i32 to index
    %swap3A_1523 = arith.constant 64 : index
    %swap3A_1524 = tpu.vector_load %arg9[%swap3A_1522, %swap3A_1523] {strides = array<i32>} : memref<16x128xi32, #tpu.memory_space<vmem>>, vector<16xi32>,
    tpu.vector_store %arg9[%swap3A_1522, %swap3A_1523], %gather3A_1520 {strides = array<i32>} : memref<16x128xi32, #tpu.memory_space<vmem>>, vector<16xi32>,
    %get3A_1525 = arith.constant 80 : index
    %get3A_1526 = tpu.vector_load %arg6[%get3A_1525] {strides = array<i32>} : memref<128xi32, #tpu.memory_space<vmem>>, vector<16xi32>,
    %get3A_1527 = arith.constant 80 : index
    %get3A_1528 = tpu.vector_load %arg7[%get3A_1527] {strides = array<i32>} : memref<128xi32, #tpu.memory_space<vmem>>, vector<16xi32>,
    %sub3A_1529 = arith.subi %gather3A_1418, %get3A_1528 : vector<16xi32>
    %max3A_1530 = arith.constant 0 : i32
    %max3A_1531 = vector.broadcast %max3A_1530 : i32 to vector<16xi32>
    %max3A_1532 = arith.maxsi %sub3A_1529, %max3A_1531 : vector<16xi32>
    %sub3A_1533 = arith.subi %get3A_1526, %gather3A_1419 : vector<16xi32>
    %max3A_1534 = arith.constant 0 : i32
    %max3A_1535 = vector.broadcast %max3A_1534 : i32 to vector<16xi32>
    %max3A_1536 = arith.maxsi %sub3A_1533, %max3A_1535 : vector<16xi32>
    %add3A_1537 = arith.addi %max3A_1532, %max3A_1536 : vector<16xi32>
    %min3A_1538 = arith.constant 2047 : i32
    %min3A_1539 = vector.broadcast %min3A_1538 : i32 to vector<16xi32>
    %min3A_1540 = arith.minsi %add3A_1537, %min3A_1539 : vector<16xi32>
    %gather3A_1541 = tpu.vector_load_idx %arg8[%min3A_1540] : memref<2048xi32, #tpu.memory_space<vmem>>[vector<16xi32>], vector<16xi32>,
    %swap3A_1542 = arith.constant 8 : i32
    %swap3A_1543 = arith.index_cast %swap3A_1542 : i32 to index
    %swap3A_1544 = arith.constant 80 : index
    %swap3A_1545 = tpu.vector_load %arg9[%swap3A_1543, %swap3A_1544] {strides = array<i32>} : memref<16x128xi32, #tpu.memory_space<vmem>>, vector<16xi32>,
    tpu.vector_store %arg9[%swap3A_1543, %swap3A_1544], %gather3A_1541 {strides = array<i32>} : memref<16x128xi32, #tpu.memory_space<vmem>>, vector<16xi32>,
    %get3A_1546 = arith.constant 96 : index
    %get3A_1547 = tpu.vector_load %arg6[%get3A_1546] {strides = array<i32>} : memref<128xi32, #tpu.memory_space<vmem>>, vector<16xi32>,
    %get3A_1548 = arith.constant 96 : index
    %get3A_1549 = tpu.vector_load %arg7[%get3A_1548] {strides = array<i32>} : memref<128xi32, #tpu.memory_space<vmem>>, vector<16xi32>,
    %sub3A_1550 = arith.subi %gather3A_1418, %get3A_1549 : vector<16xi32>
    %max3A_1551 = arith.constant 0 : i32
    %max3A_1552 = vector.broadcast %max3A_1551 : i32 to vector<16xi32>
    %max3A_1553 = arith.maxsi %sub3A_1550, %max3A_1552 : vector<16xi32>
    %sub3A_1554 = arith.subi %get3A_1547, %gather3A_1419 : vector<16xi32>
    %max3A_1555 = arith.constant 0 : i32
    %max3A_1556 = vector.broadcast %max3A_1555 : i32 to vector<16xi32>
    %max3A_1557 = arith.maxsi %sub3A_1554, %max3A_1556 : vector<16xi32>
    %add3A_1558 = arith.addi %max3A_1553, %max3A_1557 : vector<16xi32>
    %min3A_1559 = arith.constant 2047 : i32
    %min3A_1560 = vector.broadcast %min3A_1559 : i32 to vector<16xi32>
    %min3A_1561 = arith.minsi %add3A_1558, %min3A_1560 : vector<16xi32>
    %gather3A_1562 = tpu.vector_load_idx %arg8[%min3A_1561] : memref<2048xi32, #tpu.memory_space<vmem>>[vector<16xi32>], vector<16xi32>,
    %swap3A_1563 = arith.constant 8 : i32
    %swap3A_1564 = arith.index_cast %swap3A_1563 : i32 to index
    %swap3A_1565 = arith.constant 96 : index
    %swap3A_1566 = tpu.vector_load %arg9[%swap3A_1564, %swap3A_1565] {strides = array<i32>} : memref<16x128xi32, #tpu.memory_space<vmem>>, vector<16xi32>,
    tpu.vector_store %arg9[%swap3A_1564, %swap3A_1565], %gather3A_1562 {strides = array<i32>} : memref<16x128xi32, #tpu.memory_space<vmem>>, vector<16xi32>,
    %get3A_1567 = arith.constant 112 : index
    %get3A_1568 = tpu.vector_load %arg6[%get3A_1567] {strides = array<i32>} : memref<128xi32, #tpu.memory_space<vmem>>, vector<16xi32>,
    %get3A_1569 = arith.constant 112 : index
    %get3A_1570 = tpu.vector_load %arg7[%get3A_1569] {strides = array<i32>} : memref<128xi32, #tpu.memory_space<vmem>>, vector<16xi32>,
    %sub3A_1571 = arith.subi %gather3A_1418, %get3A_1570 : vector<16xi32>
    %max3A_1572 = arith.constant 0 : i32
    %max3A_1573 = vector.broadcast %max3A_1572 : i32 to vector<16xi32>
    %max3A_1574 = arith.maxsi %sub3A_1571, %max3A_1573 : vector<16xi32>
    %sub3A_1575 = arith.subi %get3A_1568, %gather3A_1419 : vector<16xi32>
    %max3A_1576 = arith.constant 0 : i32
    %max3A_1577 = vector.broadcast %max3A_1576 : i32 to vector<16xi32>
    %max3A_1578 = arith.maxsi %sub3A_1575, %max3A_1577 : vector<16xi32>
    %add3A_1579 = arith.addi %max3A_1574, %max3A_1578 : vector<16xi32>
    %min3A_1580 = arith.constant 2047 : i32
    %min3A_1581 = vector.broadcast %min3A_1580 : i32 to vector<16xi32>
    %min3A_1582 = arith.minsi %add3A_1579, %min3A_1581 : vector<16xi32>
    %gather3A_1583 = tpu.vector_load_idx %arg8[%min3A_1582] : memref<2048xi32, #tpu.memory_space<vmem>>[vector<16xi32>], vector<16xi32>,
    %swap3A_1584 = arith.constant 8 : i32
    %swap3A_1585 = arith.index_cast %swap3A_1584 : i32 to index
    %swap3A_1586 = arith.constant 112 : index
    %swap3A_1587 = tpu.vector_load %arg9[%swap3A_1585, %swap3A_1586] {strides = array<i32>} : memref<16x128xi32, #tpu.memory_space<vmem>>, vector<16xi32>,
    tpu.vector_store %arg9[%swap3A_1585, %swap3A_1586], %gather3A_1583 {strides = array<i32>} : memref<16x128xi32, #tpu.memory_space<vmem>>, vector<16xi32>,
    %add3A_1588 = arith.constant 9 : i32
    %add3A_1589 = arith.addi %select_n3A_36, %add3A_1588 : i32
    %broadcast_in_dim3A_1590 = vector.broadcast %add3A_1589 : i32 to vector<16xi32>
    %gather3A_1591 = tpu.vector_load_idx %arg6[%broadcast_in_dim3A_1590] : memref<128xi32, #tpu.memory_space<vmem>>[vector<16xi32>], vector<16xi32>,
    %gather3A_1592 = tpu.vector_load_idx %arg7[%broadcast_in_dim3A_1590] : memref<128xi32, #tpu.memory_space<vmem>>[vector<16xi32>], vector<16xi32>,
    %get3A_1593 = arith.constant 0 : index
    %get3A_1594 = tpu.vector_load %arg6[%get3A_1593] {strides = array<i32>} : memref<128xi32, #tpu.memory_space<vmem>>, vector<16xi32>,
    %get3A_1595 = arith.constant 0 : index
    %get3A_1596 = tpu.vector_load %arg7[%get3A_1595] {strides = array<i32>} : memref<128xi32, #tpu.memory_space<vmem>>, vector<16xi32>,
    %sub3A_1597 = arith.subi %gather3A_1591, %get3A_1596 : vector<16xi32>
    %max3A_1598 = arith.constant 0 : i32
    %max3A_1599 = vector.broadcast %max3A_1598 : i32 to vector<16xi32>
    %max3A_1600 = arith.maxsi %sub3A_1597, %max3A_1599 : vector<16xi32>
    %sub3A_1601 = arith.subi %get3A_1594, %gather3A_1592 : vector<16xi32>
    %max3A_1602 = arith.constant 0 : i32
    %max3A_1603 = vector.broadcast %max3A_1602 : i32 to vector<16xi32>
    %max3A_1604 = arith.maxsi %sub3A_1601, %max3A_1603 : vector<16xi32>
    %add3A_1605 = arith.addi %max3A_1600, %max3A_1604 : vector<16xi32>
    %min3A_1606 = arith.constant 2047 : i32
    %min3A_1607 = vector.broadcast %min3A_1606 : i32 to vector<16xi32>
    %min3A_1608 = arith.minsi %add3A_1605, %min3A_1607 : vector<16xi32>
    %gather3A_1609 = tpu.vector_load_idx %arg8[%min3A_1608] : memref<2048xi32, #tpu.memory_space<vmem>>[vector<16xi32>], vector<16xi32>,
    %swap3A_1610 = arith.constant 9 : i32
    %swap3A_1611 = arith.index_cast %swap3A_1610 : i32 to index
    %swap3A_1612 = arith.constant 0 : index
    %swap3A_1613 = tpu.vector_load %arg9[%swap3A_1611, %swap3A_1612] {strides = array<i32>} : memref<16x128xi32, #tpu.memory_space<vmem>>, vector<16xi32>,
    tpu.vector_store %arg9[%swap3A_1611, %swap3A_1612], %gather3A_1609 {strides = array<i32>} : memref<16x128xi32, #tpu.memory_space<vmem>>, vector<16xi32>,
    %get3A_1614 = arith.constant 16 : index
    %get3A_1615 = tpu.vector_load %arg6[%get3A_1614] {strides = array<i32>} : memref<128xi32, #tpu.memory_space<vmem>>, vector<16xi32>,
    %get3A_1616 = arith.constant 16 : index
    %get3A_1617 = tpu.vector_load %arg7[%get3A_1616] {strides = array<i32>} : memref<128xi32, #tpu.memory_space<vmem>>, vector<16xi32>,
    %sub3A_1618 = arith.subi %gather3A_1591, %get3A_1617 : vector<16xi32>
    %max3A_1619 = arith.constant 0 : i32
    %max3A_1620 = vector.broadcast %max3A_1619 : i32 to vector<16xi32>
    %max3A_1621 = arith.maxsi %sub3A_1618, %max3A_1620 : vector<16xi32>
    %sub3A_1622 = arith.subi %get3A_1615, %gather3A_1592 : vector<16xi32>
    %max3A_1623 = arith.constant 0 : i32
    %max3A_1624 = vector.broadcast %max3A_1623 : i32 to vector<16xi32>
    %max3A_1625 = arith.maxsi %sub3A_1622, %max3A_1624 : vector<16xi32>
    %add3A_1626 = arith.addi %max3A_1621, %max3A_1625 : vector<16xi32>
    %min3A_1627 = arith.constant 2047 : i32
    %min3A_1628 = vector.broadcast %min3A_1627 : i32 to vector<16xi32>
    %min3A_1629 = arith.minsi %add3A_1626, %min3A_1628 : vector<16xi32>
    %gather3A_1630 = tpu.vector_load_idx %arg8[%min3A_1629] : memref<2048xi32, #tpu.memory_space<vmem>>[vector<16xi32>], vector<16xi32>,
    %swap3A_1631 = arith.constant 9 : i32
    %swap3A_1632 = arith.index_cast %swap3A_1631 : i32 to index
    %swap3A_1633 = arith.constant 16 : index
    %swap3A_1634 = tpu.vector_load %arg9[%swap3A_1632, %swap3A_1633] {strides = array<i32>} : memref<16x128xi32, #tpu.memory_space<vmem>>, vector<16xi32>,
    tpu.vector_store %arg9[%swap3A_1632, %swap3A_1633], %gather3A_1630 {strides = array<i32>} : memref<16x128xi32, #tpu.memory_space<vmem>>, vector<16xi32>,
    %get3A_1635 = arith.constant 32 : index
    %get3A_1636 = tpu.vector_load %arg6[%get3A_1635] {strides = array<i32>} : memref<128xi32, #tpu.memory_space<vmem>>, vector<16xi32>,
    %get3A_1637 = arith.constant 32 : index
    %get3A_1638 = tpu.vector_load %arg7[%get3A_1637] {strides = array<i32>} : memref<128xi32, #tpu.memory_space<vmem>>, vector<16xi32>,
    %sub3A_1639 = arith.subi %gather3A_1591, %get3A_1638 : vector<16xi32>
    %max3A_1640 = arith.constant 0 : i32
    %max3A_1641 = vector.broadcast %max3A_1640 : i32 to vector<16xi32>
    %max3A_1642 = arith.maxsi %sub3A_1639, %max3A_1641 : vector<16xi32>
    %sub3A_1643 = arith.subi %get3A_1636, %gather3A_1592 : vector<16xi32>
    %max3A_1644 = arith.constant 0 : i32
    %max3A_1645 = vector.broadcast %max3A_1644 : i32 to vector<16xi32>
    %max3A_1646 = arith.maxsi %sub3A_1643, %max3A_1645 : vector<16xi32>
    %add3A_1647 = arith.addi %max3A_1642, %max3A_1646 : vector<16xi32>
    %min3A_1648 = arith.constant 2047 : i32
    %min3A_1649 = vector.broadcast %min3A_1648 : i32 to vector<16xi32>
    %min3A_1650 = arith.minsi %add3A_1647, %min3A_1649 : vector<16xi32>
    %gather3A_1651 = tpu.vector_load_idx %arg8[%min3A_1650] : memref<2048xi32, #tpu.memory_space<vmem>>[vector<16xi32>], vector<16xi32>,
    %swap3A_1652 = arith.constant 9 : i32
    %swap3A_1653 = arith.index_cast %swap3A_1652 : i32 to index
    %swap3A_1654 = arith.constant 32 : index
    %swap3A_1655 = tpu.vector_load %arg9[%swap3A_1653, %swap3A_1654] {strides = array<i32>} : memref<16x128xi32, #tpu.memory_space<vmem>>, vector<16xi32>,
    tpu.vector_store %arg9[%swap3A_1653, %swap3A_1654], %gather3A_1651 {strides = array<i32>} : memref<16x128xi32, #tpu.memory_space<vmem>>, vector<16xi32>,
    %get3A_1656 = arith.constant 48 : index
    %get3A_1657 = tpu.vector_load %arg6[%get3A_1656] {strides = array<i32>} : memref<128xi32, #tpu.memory_space<vmem>>, vector<16xi32>,
    %get3A_1658 = arith.constant 48 : index
    %get3A_1659 = tpu.vector_load %arg7[%get3A_1658] {strides = array<i32>} : memref<128xi32, #tpu.memory_space<vmem>>, vector<16xi32>,
    %sub3A_1660 = arith.subi %gather3A_1591, %get3A_1659 : vector<16xi32>
    %max3A_1661 = arith.constant 0 : i32
    %max3A_1662 = vector.broadcast %max3A_1661 : i32 to vector<16xi32>
    %max3A_1663 = arith.maxsi %sub3A_1660, %max3A_1662 : vector<16xi32>
    %sub3A_1664 = arith.subi %get3A_1657, %gather3A_1592 : vector<16xi32>
    %max3A_1665 = arith.constant 0 : i32
    %max3A_1666 = vector.broadcast %max3A_1665 : i32 to vector<16xi32>
    %max3A_1667 = arith.maxsi %sub3A_1664, %max3A_1666 : vector<16xi32>
    %add3A_1668 = arith.addi %max3A_1663, %max3A_1667 : vector<16xi32>
    %min3A_1669 = arith.constant 2047 : i32
    %min3A_1670 = vector.broadcast %min3A_1669 : i32 to vector<16xi32>
    %min3A_1671 = arith.minsi %add3A_1668, %min3A_1670 : vector<16xi32>
    %gather3A_1672 = tpu.vector_load_idx %arg8[%min3A_1671] : memref<2048xi32, #tpu.memory_space<vmem>>[vector<16xi32>], vector<16xi32>,
    %swap3A_1673 = arith.constant 9 : i32
    %swap3A_1674 = arith.index_cast %swap3A_1673 : i32 to index
    %swap3A_1675 = arith.constant 48 : index
    %swap3A_1676 = tpu.vector_load %arg9[%swap3A_1674, %swap3A_1675] {strides = array<i32>} : memref<16x128xi32, #tpu.memory_space<vmem>>, vector<16xi32>,
    tpu.vector_store %arg9[%swap3A_1674, %swap3A_1675], %gather3A_1672 {strides = array<i32>} : memref<16x128xi32, #tpu.memory_space<vmem>>, vector<16xi32>,
    %get3A_1677 = arith.constant 64 : index
    %get3A_1678 = tpu.vector_load %arg6[%get3A_1677] {strides = array<i32>} : memref<128xi32, #tpu.memory_space<vmem>>, vector<16xi32>,
    %get3A_1679 = arith.constant 64 : index
    %get3A_1680 = tpu.vector_load %arg7[%get3A_1679] {strides = array<i32>} : memref<128xi32, #tpu.memory_space<vmem>>, vector<16xi32>,
    %sub3A_1681 = arith.subi %gather3A_1591, %get3A_1680 : vector<16xi32>
    %max3A_1682 = arith.constant 0 : i32
    %max3A_1683 = vector.broadcast %max3A_1682 : i32 to vector<16xi32>
    %max3A_1684 = arith.maxsi %sub3A_1681, %max3A_1683 : vector<16xi32>
    %sub3A_1685 = arith.subi %get3A_1678, %gather3A_1592 : vector<16xi32>
    %max3A_1686 = arith.constant 0 : i32
    %max3A_1687 = vector.broadcast %max3A_1686 : i32 to vector<16xi32>
    %max3A_1688 = arith.maxsi %sub3A_1685, %max3A_1687 : vector<16xi32>
    %add3A_1689 = arith.addi %max3A_1684, %max3A_1688 : vector<16xi32>
    %min3A_1690 = arith.constant 2047 : i32
    %min3A_1691 = vector.broadcast %min3A_1690 : i32 to vector<16xi32>
    %min3A_1692 = arith.minsi %add3A_1689, %min3A_1691 : vector<16xi32>
    %gather3A_1693 = tpu.vector_load_idx %arg8[%min3A_1692] : memref<2048xi32, #tpu.memory_space<vmem>>[vector<16xi32>], vector<16xi32>,
    %swap3A_1694 = arith.constant 9 : i32
    %swap3A_1695 = arith.index_cast %swap3A_1694 : i32 to index
    %swap3A_1696 = arith.constant 64 : index
    %swap3A_1697 = tpu.vector_load %arg9[%swap3A_1695, %swap3A_1696] {strides = array<i32>} : memref<16x128xi32, #tpu.memory_space<vmem>>, vector<16xi32>,
    tpu.vector_store %arg9[%swap3A_1695, %swap3A_1696], %gather3A_1693 {strides = array<i32>} : memref<16x128xi32, #tpu.memory_space<vmem>>, vector<16xi32>,
    %get3A_1698 = arith.constant 80 : index
    %get3A_1699 = tpu.vector_load %arg6[%get3A_1698] {strides = array<i32>} : memref<128xi32, #tpu.memory_space<vmem>>, vector<16xi32>,
    %get3A_1700 = arith.constant 80 : index
    %get3A_1701 = tpu.vector_load %arg7[%get3A_1700] {strides = array<i32>} : memref<128xi32, #tpu.memory_space<vmem>>, vector<16xi32>,
    %sub3A_1702 = arith.subi %gather3A_1591, %get3A_1701 : vector<16xi32>
    %max3A_1703 = arith.constant 0 : i32
    %max3A_1704 = vector.broadcast %max3A_1703 : i32 to vector<16xi32>
    %max3A_1705 = arith.maxsi %sub3A_1702, %max3A_1704 : vector<16xi32>
    %sub3A_1706 = arith.subi %get3A_1699, %gather3A_1592 : vector<16xi32>
    %max3A_1707 = arith.constant 0 : i32
    %max3A_1708 = vector.broadcast %max3A_1707 : i32 to vector<16xi32>
    %max3A_1709 = arith.maxsi %sub3A_1706, %max3A_1708 : vector<16xi32>
    %add3A_1710 = arith.addi %max3A_1705, %max3A_1709 : vector<16xi32>
    %min3A_1711 = arith.constant 2047 : i32
    %min3A_1712 = vector.broadcast %min3A_1711 : i32 to vector<16xi32>
    %min3A_1713 = arith.minsi %add3A_1710, %min3A_1712 : vector<16xi32>
    %gather3A_1714 = tpu.vector_load_idx %arg8[%min3A_1713] : memref<2048xi32, #tpu.memory_space<vmem>>[vector<16xi32>], vector<16xi32>,
    %swap3A_1715 = arith.constant 9 : i32
    %swap3A_1716 = arith.index_cast %swap3A_1715 : i32 to index
    %swap3A_1717 = arith.constant 80 : index
    %swap3A_1718 = tpu.vector_load %arg9[%swap3A_1716, %swap3A_1717] {strides = array<i32>} : memref<16x128xi32, #tpu.memory_space<vmem>>, vector<16xi32>,
    tpu.vector_store %arg9[%swap3A_1716, %swap3A_1717], %gather3A_1714 {strides = array<i32>} : memref<16x128xi32, #tpu.memory_space<vmem>>, vector<16xi32>,
    %get3A_1719 = arith.constant 96 : index
    %get3A_1720 = tpu.vector_load %arg6[%get3A_1719] {strides = array<i32>} : memref<128xi32, #tpu.memory_space<vmem>>, vector<16xi32>,
    %get3A_1721 = arith.constant 96 : index
    %get3A_1722 = tpu.vector_load %arg7[%get3A_1721] {strides = array<i32>} : memref<128xi32, #tpu.memory_space<vmem>>, vector<16xi32>,
    %sub3A_1723 = arith.subi %gather3A_1591, %get3A_1722 : vector<16xi32>
    %max3A_1724 = arith.constant 0 : i32
    %max3A_1725 = vector.broadcast %max3A_1724 : i32 to vector<16xi32>
    %max3A_1726 = arith.maxsi %sub3A_1723, %max3A_1725 : vector<16xi32>
    %sub3A_1727 = arith.subi %get3A_1720, %gather3A_1592 : vector<16xi32>
    %max3A_1728 = arith.constant 0 : i32
    %max3A_1729 = vector.broadcast %max3A_1728 : i32 to vector<16xi32>
    %max3A_1730 = arith.maxsi %sub3A_1727, %max3A_1729 : vector<16xi32>
    %add3A_1731 = arith.addi %max3A_1726, %max3A_1730 : vector<16xi32>
    %min3A_1732 = arith.constant 2047 : i32
    %min3A_1733 = vector.broadcast %min3A_1732 : i32 to vector<16xi32>
    %min3A_1734 = arith.minsi %add3A_1731, %min3A_1733 : vector<16xi32>
    %gather3A_1735 = tpu.vector_load_idx %arg8[%min3A_1734] : memref<2048xi32, #tpu.memory_space<vmem>>[vector<16xi32>], vector<16xi32>,
    %swap3A_1736 = arith.constant 9 : i32
    %swap3A_1737 = arith.index_cast %swap3A_1736 : i32 to index
    %swap3A_1738 = arith.constant 96 : index
    %swap3A_1739 = tpu.vector_load %arg9[%swap3A_1737, %swap3A_1738] {strides = array<i32>} : memref<16x128xi32, #tpu.memory_space<vmem>>, vector<16xi32>,
    tpu.vector_store %arg9[%swap3A_1737, %swap3A_1738], %gather3A_1735 {strides = array<i32>} : memref<16x128xi32, #tpu.memory_space<vmem>>, vector<16xi32>,
    %get3A_1740 = arith.constant 112 : index
    %get3A_1741 = tpu.vector_load %arg6[%get3A_1740] {strides = array<i32>} : memref<128xi32, #tpu.memory_space<vmem>>, vector<16xi32>,
    %get3A_1742 = arith.constant 112 : index
    %get3A_1743 = tpu.vector_load %arg7[%get3A_1742] {strides = array<i32>} : memref<128xi32, #tpu.memory_space<vmem>>, vector<16xi32>,
    %sub3A_1744 = arith.subi %gather3A_1591, %get3A_1743 : vector<16xi32>
    %max3A_1745 = arith.constant 0 : i32
    %max3A_1746 = vector.broadcast %max3A_1745 : i32 to vector<16xi32>
    %max3A_1747 = arith.maxsi %sub3A_1744, %max3A_1746 : vector<16xi32>
    %sub3A_1748 = arith.subi %get3A_1741, %gather3A_1592 : vector<16xi32>
    %max3A_1749 = arith.constant 0 : i32
    %max3A_1750 = vector.broadcast %max3A_1749 : i32 to vector<16xi32>
    %max3A_1751 = arith.maxsi %sub3A_1748, %max3A_1750 : vector<16xi32>
    %add3A_1752 = arith.addi %max3A_1747, %max3A_1751 : vector<16xi32>
    %min3A_1753 = arith.constant 2047 : i32
    %min3A_1754 = vector.broadcast %min3A_1753 : i32 to vector<16xi32>
    %min3A_1755 = arith.minsi %add3A_1752, %min3A_1754 : vector<16xi32>
    %gather3A_1756 = tpu.vector_load_idx %arg8[%min3A_1755] : memref<2048xi32, #tpu.memory_space<vmem>>[vector<16xi32>], vector<16xi32>,
    %swap3A_1757 = arith.constant 9 : i32
    %swap3A_1758 = arith.index_cast %swap3A_1757 : i32 to index
    %swap3A_1759 = arith.constant 112 : index
    %swap3A_1760 = tpu.vector_load %arg9[%swap3A_1758, %swap3A_1759] {strides = array<i32>} : memref<16x128xi32, #tpu.memory_space<vmem>>, vector<16xi32>,
    tpu.vector_store %arg9[%swap3A_1758, %swap3A_1759], %gather3A_1756 {strides = array<i32>} : memref<16x128xi32, #tpu.memory_space<vmem>>, vector<16xi32>,
    %add3A_1761 = arith.constant 10 : i32
    %add3A_1762 = arith.addi %select_n3A_36, %add3A_1761 : i32
    %broadcast_in_dim3A_1763 = vector.broadcast %add3A_1762 : i32 to vector<16xi32>
    %gather3A_1764 = tpu.vector_load_idx %arg6[%broadcast_in_dim3A_1763] : memref<128xi32, #tpu.memory_space<vmem>>[vector<16xi32>], vector<16xi32>,
    %gather3A_1765 = tpu.vector_load_idx %arg7[%broadcast_in_dim3A_1763] : memref<128xi32, #tpu.memory_space<vmem>>[vector<16xi32>], vector<16xi32>,
    %get3A_1766 = arith.constant 0 : index
    %get3A_1767 = tpu.vector_load %arg6[%get3A_1766] {strides = array<i32>} : memref<128xi32, #tpu.memory_space<vmem>>, vector<16xi32>,
    %get3A_1768 = arith.constant 0 : index
    %get3A_1769 = tpu.vector_load %arg7[%get3A_1768] {strides = array<i32>} : memref<128xi32, #tpu.memory_space<vmem>>, vector<16xi32>,
    %sub3A_1770 = arith.subi %gather3A_1764, %get3A_1769 : vector<16xi32>
    %max3A_1771 = arith.constant 0 : i32
    %max3A_1772 = vector.broadcast %max3A_1771 : i32 to vector<16xi32>
    %max3A_1773 = arith.maxsi %sub3A_1770, %max3A_1772 : vector<16xi32>
    %sub3A_1774 = arith.subi %get3A_1767, %gather3A_1765 : vector<16xi32>
    %max3A_1775 = arith.constant 0 : i32
    %max3A_1776 = vector.broadcast %max3A_1775 : i32 to vector<16xi32>
    %max3A_1777 = arith.maxsi %sub3A_1774, %max3A_1776 : vector<16xi32>
    %add3A_1778 = arith.addi %max3A_1773, %max3A_1777 : vector<16xi32>
    %min3A_1779 = arith.constant 2047 : i32
    %min3A_1780 = vector.broadcast %min3A_1779 : i32 to vector<16xi32>
    %min3A_1781 = arith.minsi %add3A_1778, %min3A_1780 : vector<16xi32>
    %gather3A_1782 = tpu.vector_load_idx %arg8[%min3A_1781] : memref<2048xi32, #tpu.memory_space<vmem>>[vector<16xi32>], vector<16xi32>,
    %swap3A_1783 = arith.constant 10 : i32
    %swap3A_1784 = arith.index_cast %swap3A_1783 : i32 to index
    %swap3A_1785 = arith.constant 0 : index
    %swap3A_1786 = tpu.vector_load %arg9[%swap3A_1784, %swap3A_1785] {strides = array<i32>} : memref<16x128xi32, #tpu.memory_space<vmem>>, vector<16xi32>,
    tpu.vector_store %arg9[%swap3A_1784, %swap3A_1785], %gather3A_1782 {strides = array<i32>} : memref<16x128xi32, #tpu.memory_space<vmem>>, vector<16xi32>,
    %get3A_1787 = arith.constant 16 : index
    %get3A_1788 = tpu.vector_load %arg6[%get3A_1787] {strides = array<i32>} : memref<128xi32, #tpu.memory_space<vmem>>, vector<16xi32>,
    %get3A_1789 = arith.constant 16 : index
    %get3A_1790 = tpu.vector_load %arg7[%get3A_1789] {strides = array<i32>} : memref<128xi32, #tpu.memory_space<vmem>>, vector<16xi32>,
    %sub3A_1791 = arith.subi %gather3A_1764, %get3A_1790 : vector<16xi32>
    %max3A_1792 = arith.constant 0 : i32
    %max3A_1793 = vector.broadcast %max3A_1792 : i32 to vector<16xi32>
    %max3A_1794 = arith.maxsi %sub3A_1791, %max3A_1793 : vector<16xi32>
    %sub3A_1795 = arith.subi %get3A_1788, %gather3A_1765 : vector<16xi32>
    %max3A_1796 = arith.constant 0 : i32
    %max3A_1797 = vector.broadcast %max3A_1796 : i32 to vector<16xi32>
    %max3A_1798 = arith.maxsi %sub3A_1795, %max3A_1797 : vector<16xi32>
    %add3A_1799 = arith.addi %max3A_1794, %max3A_1798 : vector<16xi32>
    %min3A_1800 = arith.constant 2047 : i32
    %min3A_1801 = vector.broadcast %min3A_1800 : i32 to vector<16xi32>
    %min3A_1802 = arith.minsi %add3A_1799, %min3A_1801 : vector<16xi32>
    %gather3A_1803 = tpu.vector_load_idx %arg8[%min3A_1802] : memref<2048xi32, #tpu.memory_space<vmem>>[vector<16xi32>], vector<16xi32>,
    %swap3A_1804 = arith.constant 10 : i32
    %swap3A_1805 = arith.index_cast %swap3A_1804 : i32 to index
    %swap3A_1806 = arith.constant 16 : index
    %swap3A_1807 = tpu.vector_load %arg9[%swap3A_1805, %swap3A_1806] {strides = array<i32>} : memref<16x128xi32, #tpu.memory_space<vmem>>, vector<16xi32>,
    tpu.vector_store %arg9[%swap3A_1805, %swap3A_1806], %gather3A_1803 {strides = array<i32>} : memref<16x128xi32, #tpu.memory_space<vmem>>, vector<16xi32>,
    %get3A_1808 = arith.constant 32 : index
    %get3A_1809 = tpu.vector_load %arg6[%get3A_1808] {strides = array<i32>} : memref<128xi32, #tpu.memory_space<vmem>>, vector<16xi32>,
    %get3A_1810 = arith.constant 32 : index
    %get3A_1811 = tpu.vector_load %arg7[%get3A_1810] {strides = array<i32>} : memref<128xi32, #tpu.memory_space<vmem>>, vector<16xi32>,
    %sub3A_1812 = arith.subi %gather3A_1764, %get3A_1811 : vector<16xi32>
    %max3A_1813 = arith.constant 0 : i32
    %max3A_1814 = vector.broadcast %max3A_1813 : i32 to vector<16xi32>
    %max3A_1815 = arith.maxsi %sub3A_1812, %max3A_1814 : vector<16xi32>
    %sub3A_1816 = arith.subi %get3A_1809, %gather3A_1765 : vector<16xi32>
    %max3A_1817 = arith.constant 0 : i32
    %max3A_1818 = vector.broadcast %max3A_1817 : i32 to vector<16xi32>
    %max3A_1819 = arith.maxsi %sub3A_1816, %max3A_1818 : vector<16xi32>
    %add3A_1820 = arith.addi %max3A_1815, %max3A_1819 : vector<16xi32>
    %min3A_1821 = arith.constant 2047 : i32
    %min3A_1822 = vector.broadcast %min3A_1821 : i32 to vector<16xi32>
    %min3A_1823 = arith.minsi %add3A_1820, %min3A_1822 : vector<16xi32>
    %gather3A_1824 = tpu.vector_load_idx %arg8[%min3A_1823] : memref<2048xi32, #tpu.memory_space<vmem>>[vector<16xi32>], vector<16xi32>,
    %swap3A_1825 = arith.constant 10 : i32
    %swap3A_1826 = arith.index_cast %swap3A_1825 : i32 to index
    %swap3A_1827 = arith.constant 32 : index
    %swap3A_1828 = tpu.vector_load %arg9[%swap3A_1826, %swap3A_1827] {strides = array<i32>} : memref<16x128xi32, #tpu.memory_space<vmem>>, vector<16xi32>,
    tpu.vector_store %arg9[%swap3A_1826, %swap3A_1827], %gather3A_1824 {strides = array<i32>} : memref<16x128xi32, #tpu.memory_space<vmem>>, vector<16xi32>,
    %get3A_1829 = arith.constant 48 : index
    %get3A_1830 = tpu.vector_load %arg6[%get3A_1829] {strides = array<i32>} : memref<128xi32, #tpu.memory_space<vmem>>, vector<16xi32>,
    %get3A_1831 = arith.constant 48 : index
    %get3A_1832 = tpu.vector_load %arg7[%get3A_1831] {strides = array<i32>} : memref<128xi32, #tpu.memory_space<vmem>>, vector<16xi32>,
    %sub3A_1833 = arith.subi %gather3A_1764, %get3A_1832 : vector<16xi32>
    %max3A_1834 = arith.constant 0 : i32
    %max3A_1835 = vector.broadcast %max3A_1834 : i32 to vector<16xi32>
    %max3A_1836 = arith.maxsi %sub3A_1833, %max3A_1835 : vector<16xi32>
    %sub3A_1837 = arith.subi %get3A_1830, %gather3A_1765 : vector<16xi32>
    %max3A_1838 = arith.constant 0 : i32
    %max3A_1839 = vector.broadcast %max3A_1838 : i32 to vector<16xi32>
    %max3A_1840 = arith.maxsi %sub3A_1837, %max3A_1839 : vector<16xi32>
    %add3A_1841 = arith.addi %max3A_1836, %max3A_1840 : vector<16xi32>
    %min3A_1842 = arith.constant 2047 : i32
    %min3A_1843 = vector.broadcast %min3A_1842 : i32 to vector<16xi32>
    %min3A_1844 = arith.minsi %add3A_1841, %min3A_1843 : vector<16xi32>
    %gather3A_1845 = tpu.vector_load_idx %arg8[%min3A_1844] : memref<2048xi32, #tpu.memory_space<vmem>>[vector<16xi32>], vector<16xi32>,
    %swap3A_1846 = arith.constant 10 : i32
    %swap3A_1847 = arith.index_cast %swap3A_1846 : i32 to index
    %swap3A_1848 = arith.constant 48 : index
    %swap3A_1849 = tpu.vector_load %arg9[%swap3A_1847, %swap3A_1848] {strides = array<i32>} : memref<16x128xi32, #tpu.memory_space<vmem>>, vector<16xi32>,
    tpu.vector_store %arg9[%swap3A_1847, %swap3A_1848], %gather3A_1845 {strides = array<i32>} : memref<16x128xi32, #tpu.memory_space<vmem>>, vector<16xi32>,
    %get3A_1850 = arith.constant 64 : index
    %get3A_1851 = tpu.vector_load %arg6[%get3A_1850] {strides = array<i32>} : memref<128xi32, #tpu.memory_space<vmem>>, vector<16xi32>,
    %get3A_1852 = arith.constant 64 : index
    %get3A_1853 = tpu.vector_load %arg7[%get3A_1852] {strides = array<i32>} : memref<128xi32, #tpu.memory_space<vmem>>, vector<16xi32>,
    %sub3A_1854 = arith.subi %gather3A_1764, %get3A_1853 : vector<16xi32>
    %max3A_1855 = arith.constant 0 : i32
    %max3A_1856 = vector.broadcast %max3A_1855 : i32 to vector<16xi32>
    %max3A_1857 = arith.maxsi %sub3A_1854, %max3A_1856 : vector<16xi32>
    %sub3A_1858 = arith.subi %get3A_1851, %gather3A_1765 : vector<16xi32>
    %max3A_1859 = arith.constant 0 : i32
    %max3A_1860 = vector.broadcast %max3A_1859 : i32 to vector<16xi32>
    %max3A_1861 = arith.maxsi %sub3A_1858, %max3A_1860 : vector<16xi32>
    %add3A_1862 = arith.addi %max3A_1857, %max3A_1861 : vector<16xi32>
    %min3A_1863 = arith.constant 2047 : i32
    %min3A_1864 = vector.broadcast %min3A_1863 : i32 to vector<16xi32>
    %min3A_1865 = arith.minsi %add3A_1862, %min3A_1864 : vector<16xi32>
    %gather3A_1866 = tpu.vector_load_idx %arg8[%min3A_1865] : memref<2048xi32, #tpu.memory_space<vmem>>[vector<16xi32>], vector<16xi32>,
    %swap3A_1867 = arith.constant 10 : i32
    %swap3A_1868 = arith.index_cast %swap3A_1867 : i32 to index
    %swap3A_1869 = arith.constant 64 : index
    %swap3A_1870 = tpu.vector_load %arg9[%swap3A_1868, %swap3A_1869] {strides = array<i32>} : memref<16x128xi32, #tpu.memory_space<vmem>>, vector<16xi32>,
    tpu.vector_store %arg9[%swap3A_1868, %swap3A_1869], %gather3A_1866 {strides = array<i32>} : memref<16x128xi32, #tpu.memory_space<vmem>>, vector<16xi32>,
    %get3A_1871 = arith.constant 80 : index
    %get3A_1872 = tpu.vector_load %arg6[%get3A_1871] {strides = array<i32>} : memref<128xi32, #tpu.memory_space<vmem>>, vector<16xi32>,
    %get3A_1873 = arith.constant 80 : index
    %get3A_1874 = tpu.vector_load %arg7[%get3A_1873] {strides = array<i32>} : memref<128xi32, #tpu.memory_space<vmem>>, vector<16xi32>,
    %sub3A_1875 = arith.subi %gather3A_1764, %get3A_1874 : vector<16xi32>
    %max3A_1876 = arith.constant 0 : i32
    %max3A_1877 = vector.broadcast %max3A_1876 : i32 to vector<16xi32>
    %max3A_1878 = arith.maxsi %sub3A_1875, %max3A_1877 : vector<16xi32>
    %sub3A_1879 = arith.subi %get3A_1872, %gather3A_1765 : vector<16xi32>
    %max3A_1880 = arith.constant 0 : i32
    %max3A_1881 = vector.broadcast %max3A_1880 : i32 to vector<16xi32>
    %max3A_1882 = arith.maxsi %sub3A_1879, %max3A_1881 : vector<16xi32>
    %add3A_1883 = arith.addi %max3A_1878, %max3A_1882 : vector<16xi32>
    %min3A_1884 = arith.constant 2047 : i32
    %min3A_1885 = vector.broadcast %min3A_1884 : i32 to vector<16xi32>
    %min3A_1886 = arith.minsi %add3A_1883, %min3A_1885 : vector<16xi32>
    %gather3A_1887 = tpu.vector_load_idx %arg8[%min3A_1886] : memref<2048xi32, #tpu.memory_space<vmem>>[vector<16xi32>], vector<16xi32>,
    %swap3A_1888 = arith.constant 10 : i32
    %swap3A_1889 = arith.index_cast %swap3A_1888 : i32 to index
    %swap3A_1890 = arith.constant 80 : index
    %swap3A_1891 = tpu.vector_load %arg9[%swap3A_1889, %swap3A_1890] {strides = array<i32>} : memref<16x128xi32, #tpu.memory_space<vmem>>, vector<16xi32>,
    tpu.vector_store %arg9[%swap3A_1889, %swap3A_1890], %gather3A_1887 {strides = array<i32>} : memref<16x128xi32, #tpu.memory_space<vmem>>, vector<16xi32>,
    %get3A_1892 = arith.constant 96 : index
    %get3A_1893 = tpu.vector_load %arg6[%get3A_1892] {strides = array<i32>} : memref<128xi32, #tpu.memory_space<vmem>>, vector<16xi32>,
    %get3A_1894 = arith.constant 96 : index
    %get3A_1895 = tpu.vector_load %arg7[%get3A_1894] {strides = array<i32>} : memref<128xi32, #tpu.memory_space<vmem>>, vector<16xi32>,
    %sub3A_1896 = arith.subi %gather3A_1764, %get3A_1895 : vector<16xi32>
    %max3A_1897 = arith.constant 0 : i32
    %max3A_1898 = vector.broadcast %max3A_1897 : i32 to vector<16xi32>
    %max3A_1899 = arith.maxsi %sub3A_1896, %max3A_1898 : vector<16xi32>
    %sub3A_1900 = arith.subi %get3A_1893, %gather3A_1765 : vector<16xi32>
    %max3A_1901 = arith.constant 0 : i32
    %max3A_1902 = vector.broadcast %max3A_1901 : i32 to vector<16xi32>
    %max3A_1903 = arith.maxsi %sub3A_1900, %max3A_1902 : vector<16xi32>
    %add3A_1904 = arith.addi %max3A_1899, %max3A_1903 : vector<16xi32>
    %min3A_1905 = arith.constant 2047 : i32
    %min3A_1906 = vector.broadcast %min3A_1905 : i32 to vector<16xi32>
    %min3A_1907 = arith.minsi %add3A_1904, %min3A_1906 : vector<16xi32>
    %gather3A_1908 = tpu.vector_load_idx %arg8[%min3A_1907] : memref<2048xi32, #tpu.memory_space<vmem>>[vector<16xi32>], vector<16xi32>,
    %swap3A_1909 = arith.constant 10 : i32
    %swap3A_1910 = arith.index_cast %swap3A_1909 : i32 to index
    %swap3A_1911 = arith.constant 96 : index
    %swap3A_1912 = tpu.vector_load %arg9[%swap3A_1910, %swap3A_1911] {strides = array<i32>} : memref<16x128xi32, #tpu.memory_space<vmem>>, vector<16xi32>,
    tpu.vector_store %arg9[%swap3A_1910, %swap3A_1911], %gather3A_1908 {strides = array<i32>} : memref<16x128xi32, #tpu.memory_space<vmem>>, vector<16xi32>,
    %get3A_1913 = arith.constant 112 : index
    %get3A_1914 = tpu.vector_load %arg6[%get3A_1913] {strides = array<i32>} : memref<128xi32, #tpu.memory_space<vmem>>, vector<16xi32>,
    %get3A_1915 = arith.constant 112 : index
    %get3A_1916 = tpu.vector_load %arg7[%get3A_1915] {strides = array<i32>} : memref<128xi32, #tpu.memory_space<vmem>>, vector<16xi32>,
    %sub3A_1917 = arith.subi %gather3A_1764, %get3A_1916 : vector<16xi32>
    %max3A_1918 = arith.constant 0 : i32
    %max3A_1919 = vector.broadcast %max3A_1918 : i32 to vector<16xi32>
    %max3A_1920 = arith.maxsi %sub3A_1917, %max3A_1919 : vector<16xi32>
    %sub3A_1921 = arith.subi %get3A_1914, %gather3A_1765 : vector<16xi32>
    %max3A_1922 = arith.constant 0 : i32
    %max3A_1923 = vector.broadcast %max3A_1922 : i32 to vector<16xi32>
    %max3A_1924 = arith.maxsi %sub3A_1921, %max3A_1923 : vector<16xi32>
    %add3A_1925 = arith.addi %max3A_1920, %max3A_1924 : vector<16xi32>
    %min3A_1926 = arith.constant 2047 : i32
    %min3A_1927 = vector.broadcast %min3A_1926 : i32 to vector<16xi32>
    %min3A_1928 = arith.minsi %add3A_1925, %min3A_1927 : vector<16xi32>
    %gather3A_1929 = tpu.vector_load_idx %arg8[%min3A_1928] : memref<2048xi32, #tpu.memory_space<vmem>>[vector<16xi32>], vector<16xi32>,
    %swap3A_1930 = arith.constant 10 : i32
    %swap3A_1931 = arith.index_cast %swap3A_1930 : i32 to index
    %swap3A_1932 = arith.constant 112 : index
    %swap3A_1933 = tpu.vector_load %arg9[%swap3A_1931, %swap3A_1932] {strides = array<i32>} : memref<16x128xi32, #tpu.memory_space<vmem>>, vector<16xi32>,
    tpu.vector_store %arg9[%swap3A_1931, %swap3A_1932], %gather3A_1929 {strides = array<i32>} : memref<16x128xi32, #tpu.memory_space<vmem>>, vector<16xi32>,
    %add3A_1934 = arith.constant 11 : i32
    %add3A_1935 = arith.addi %select_n3A_36, %add3A_1934 : i32
    %broadcast_in_dim3A_1936 = vector.broadcast %add3A_1935 : i32 to vector<16xi32>
    %gather3A_1937 = tpu.vector_load_idx %arg6[%broadcast_in_dim3A_1936] : memref<128xi32, #tpu.memory_space<vmem>>[vector<16xi32>], vector<16xi32>,
    %gather3A_1938 = tpu.vector_load_idx %arg7[%broadcast_in_dim3A_1936] : memref<128xi32, #tpu.memory_space<vmem>>[vector<16xi32>], vector<16xi32>,
    %get3A_1939 = arith.constant 0 : index
    %get3A_1940 = tpu.vector_load %arg6[%get3A_1939] {strides = array<i32>} : memref<128xi32, #tpu.memory_space<vmem>>, vector<16xi32>,
    %get3A_1941 = arith.constant 0 : index
    %get3A_1942 = tpu.vector_load %arg7[%get3A_1941] {strides = array<i32>} : memref<128xi32, #tpu.memory_space<vmem>>, vector<16xi32>,
    %sub3A_1943 = arith.subi %gather3A_1937, %get3A_1942 : vector<16xi32>
    %max3A_1944 = arith.constant 0 : i32
    %max3A_1945 = vector.broadcast %max3A_1944 : i32 to vector<16xi32>
    %max3A_1946 = arith.maxsi %sub3A_1943, %max3A_1945 : vector<16xi32>
    %sub3A_1947 = arith.subi %get3A_1940, %gather3A_1938 : vector<16xi32>
    %max3A_1948 = arith.constant 0 : i32
    %max3A_1949 = vector.broadcast %max3A_1948 : i32 to vector<16xi32>
    %max3A_1950 = arith.maxsi %sub3A_1947, %max3A_1949 : vector<16xi32>
    %add3A_1951 = arith.addi %max3A_1946, %max3A_1950 : vector<16xi32>
    %min3A_1952 = arith.constant 2047 : i32
    %min3A_1953 = vector.broadcast %min3A_1952 : i32 to vector<16xi32>
    %min3A_1954 = arith.minsi %add3A_1951, %min3A_1953 : vector<16xi32>
    %gather3A_1955 = tpu.vector_load_idx %arg8[%min3A_1954] : memref<2048xi32, #tpu.memory_space<vmem>>[vector<16xi32>], vector<16xi32>,
    %swap3A_1956 = arith.constant 11 : i32
    %swap3A_1957 = arith.index_cast %swap3A_1956 : i32 to index
    %swap3A_1958 = arith.constant 0 : index
    %swap3A_1959 = tpu.vector_load %arg9[%swap3A_1957, %swap3A_1958] {strides = array<i32>} : memref<16x128xi32, #tpu.memory_space<vmem>>, vector<16xi32>,
    tpu.vector_store %arg9[%swap3A_1957, %swap3A_1958], %gather3A_1955 {strides = array<i32>} : memref<16x128xi32, #tpu.memory_space<vmem>>, vector<16xi32>,
    %get3A_1960 = arith.constant 16 : index
    %get3A_1961 = tpu.vector_load %arg6[%get3A_1960] {strides = array<i32>} : memref<128xi32, #tpu.memory_space<vmem>>, vector<16xi32>,
    %get3A_1962 = arith.constant 16 : index
    %get3A_1963 = tpu.vector_load %arg7[%get3A_1962] {strides = array<i32>} : memref<128xi32, #tpu.memory_space<vmem>>, vector<16xi32>,
    %sub3A_1964 = arith.subi %gather3A_1937, %get3A_1963 : vector<16xi32>
    %max3A_1965 = arith.constant 0 : i32
    %max3A_1966 = vector.broadcast %max3A_1965 : i32 to vector<16xi32>
    %max3A_1967 = arith.maxsi %sub3A_1964, %max3A_1966 : vector<16xi32>
    %sub3A_1968 = arith.subi %get3A_1961, %gather3A_1938 : vector<16xi32>
    %max3A_1969 = arith.constant 0 : i32
    %max3A_1970 = vector.broadcast %max3A_1969 : i32 to vector<16xi32>
    %max3A_1971 = arith.maxsi %sub3A_1968, %max3A_1970 : vector<16xi32>
    %add3A_1972 = arith.addi %max3A_1967, %max3A_1971 : vector<16xi32>
    %min3A_1973 = arith.constant 2047 : i32
    %min3A_1974 = vector.broadcast %min3A_1973 : i32 to vector<16xi32>
    %min3A_1975 = arith.minsi %add3A_1972, %min3A_1974 : vector<16xi32>
    %gather3A_1976 = tpu.vector_load_idx %arg8[%min3A_1975] : memref<2048xi32, #tpu.memory_space<vmem>>[vector<16xi32>], vector<16xi32>,
    %swap3A_1977 = arith.constant 11 : i32
    %swap3A_1978 = arith.index_cast %swap3A_1977 : i32 to index
    %swap3A_1979 = arith.constant 16 : index
    %swap3A_1980 = tpu.vector_load %arg9[%swap3A_1978, %swap3A_1979] {strides = array<i32>} : memref<16x128xi32, #tpu.memory_space<vmem>>, vector<16xi32>,
    tpu.vector_store %arg9[%swap3A_1978, %swap3A_1979], %gather3A_1976 {strides = array<i32>} : memref<16x128xi32, #tpu.memory_space<vmem>>, vector<16xi32>,
    %get3A_1981 = arith.constant 32 : index
    %get3A_1982 = tpu.vector_load %arg6[%get3A_1981] {strides = array<i32>} : memref<128xi32, #tpu.memory_space<vmem>>, vector<16xi32>,
    %get3A_1983 = arith.constant 32 : index
    %get3A_1984 = tpu.vector_load %arg7[%get3A_1983] {strides = array<i32>} : memref<128xi32, #tpu.memory_space<vmem>>, vector<16xi32>,
    %sub3A_1985 = arith.subi %gather3A_1937, %get3A_1984 : vector<16xi32>
    %max3A_1986 = arith.constant 0 : i32
    %max3A_1987 = vector.broadcast %max3A_1986 : i32 to vector<16xi32>
    %max3A_1988 = arith.maxsi %sub3A_1985, %max3A_1987 : vector<16xi32>
    %sub3A_1989 = arith.subi %get3A_1982, %gather3A_1938 : vector<16xi32>
    %max3A_1990 = arith.constant 0 : i32
    %max3A_1991 = vector.broadcast %max3A_1990 : i32 to vector<16xi32>
    %max3A_1992 = arith.maxsi %sub3A_1989, %max3A_1991 : vector<16xi32>
    %add3A_1993 = arith.addi %max3A_1988, %max3A_1992 : vector<16xi32>
    %min3A_1994 = arith.constant 2047 : i32
    %min3A_1995 = vector.broadcast %min3A_1994 : i32 to vector<16xi32>
    %min3A_1996 = arith.minsi %add3A_1993, %min3A_1995 : vector<16xi32>
    %gather3A_1997 = tpu.vector_load_idx %arg8[%min3A_1996] : memref<2048xi32, #tpu.memory_space<vmem>>[vector<16xi32>], vector<16xi32>,
    %swap3A_1998 = arith.constant 11 : i32
    %swap3A_1999 = arith.index_cast %swap3A_1998 : i32 to index
    %swap3A_2000 = arith.constant 32 : index
    %swap3A_2001 = tpu.vector_load %arg9[%swap3A_1999, %swap3A_2000] {strides = array<i32>} : memref<16x128xi32, #tpu.memory_space<vmem>>, vector<16xi32>,
    tpu.vector_store %arg9[%swap3A_1999, %swap3A_2000], %gather3A_1997 {strides = array<i32>} : memref<16x128xi32, #tpu.memory_space<vmem>>, vector<16xi32>,
    %get3A_2002 = arith.constant 48 : index
    %get3A_2003 = tpu.vector_load %arg6[%get3A_2002] {strides = array<i32>} : memref<128xi32, #tpu.memory_space<vmem>>, vector<16xi32>,
    %get3A_2004 = arith.constant 48 : index
    %get3A_2005 = tpu.vector_load %arg7[%get3A_2004] {strides = array<i32>} : memref<128xi32, #tpu.memory_space<vmem>>, vector<16xi32>,
    %sub3A_2006 = arith.subi %gather3A_1937, %get3A_2005 : vector<16xi32>
    %max3A_2007 = arith.constant 0 : i32
    %max3A_2008 = vector.broadcast %max3A_2007 : i32 to vector<16xi32>
    %max3A_2009 = arith.maxsi %sub3A_2006, %max3A_2008 : vector<16xi32>
    %sub3A_2010 = arith.subi %get3A_2003, %gather3A_1938 : vector<16xi32>
    %max3A_2011 = arith.constant 0 : i32
    %max3A_2012 = vector.broadcast %max3A_2011 : i32 to vector<16xi32>
    %max3A_2013 = arith.maxsi %sub3A_2010, %max3A_2012 : vector<16xi32>
    %add3A_2014 = arith.addi %max3A_2009, %max3A_2013 : vector<16xi32>
    %min3A_2015 = arith.constant 2047 : i32
    %min3A_2016 = vector.broadcast %min3A_2015 : i32 to vector<16xi32>
    %min3A_2017 = arith.minsi %add3A_2014, %min3A_2016 : vector<16xi32>
    %gather3A_2018 = tpu.vector_load_idx %arg8[%min3A_2017] : memref<2048xi32, #tpu.memory_space<vmem>>[vector<16xi32>], vector<16xi32>,
    %swap3A_2019 = arith.constant 11 : i32
    %swap3A_2020 = arith.index_cast %swap3A_2019 : i32 to index
    %swap3A_2021 = arith.constant 48 : index
    %swap3A_2022 = tpu.vector_load %arg9[%swap3A_2020, %swap3A_2021] {strides = array<i32>} : memref<16x128xi32, #tpu.memory_space<vmem>>, vector<16xi32>,
    tpu.vector_store %arg9[%swap3A_2020, %swap3A_2021], %gather3A_2018 {strides = array<i32>} : memref<16x128xi32, #tpu.memory_space<vmem>>, vector<16xi32>,
    %get3A_2023 = arith.constant 64 : index
    %get3A_2024 = tpu.vector_load %arg6[%get3A_2023] {strides = array<i32>} : memref<128xi32, #tpu.memory_space<vmem>>, vector<16xi32>,
    %get3A_2025 = arith.constant 64 : index
    %get3A_2026 = tpu.vector_load %arg7[%get3A_2025] {strides = array<i32>} : memref<128xi32, #tpu.memory_space<vmem>>, vector<16xi32>,
    %sub3A_2027 = arith.subi %gather3A_1937, %get3A_2026 : vector<16xi32>
    %max3A_2028 = arith.constant 0 : i32
    %max3A_2029 = vector.broadcast %max3A_2028 : i32 to vector<16xi32>
    %max3A_2030 = arith.maxsi %sub3A_2027, %max3A_2029 : vector<16xi32>
    %sub3A_2031 = arith.subi %get3A_2024, %gather3A_1938 : vector<16xi32>
    %max3A_2032 = arith.constant 0 : i32
    %max3A_2033 = vector.broadcast %max3A_2032 : i32 to vector<16xi32>
    %max3A_2034 = arith.maxsi %sub3A_2031, %max3A_2033 : vector<16xi32>
    %add3A_2035 = arith.addi %max3A_2030, %max3A_2034 : vector<16xi32>
    %min3A_2036 = arith.constant 2047 : i32
    %min3A_2037 = vector.broadcast %min3A_2036 : i32 to vector<16xi32>
    %min3A_2038 = arith.minsi %add3A_2035, %min3A_2037 : vector<16xi32>
    %gather3A_2039 = tpu.vector_load_idx %arg8[%min3A_2038] : memref<2048xi32, #tpu.memory_space<vmem>>[vector<16xi32>], vector<16xi32>,
    %swap3A_2040 = arith.constant 11 : i32
    %swap3A_2041 = arith.index_cast %swap3A_2040 : i32 to index
    %swap3A_2042 = arith.constant 64 : index
    %swap3A_2043 = tpu.vector_load %arg9[%swap3A_2041, %swap3A_2042] {strides = array<i32>} : memref<16x128xi32, #tpu.memory_space<vmem>>, vector<16xi32>,
    tpu.vector_store %arg9[%swap3A_2041, %swap3A_2042], %gather3A_2039 {strides = array<i32>} : memref<16x128xi32, #tpu.memory_space<vmem>>, vector<16xi32>,
    %get3A_2044 = arith.constant 80 : index
    %get3A_2045 = tpu.vector_load %arg6[%get3A_2044] {strides = array<i32>} : memref<128xi32, #tpu.memory_space<vmem>>, vector<16xi32>,
    %get3A_2046 = arith.constant 80 : index
    %get3A_2047 = tpu.vector_load %arg7[%get3A_2046] {strides = array<i32>} : memref<128xi32, #tpu.memory_space<vmem>>, vector<16xi32>,
    %sub3A_2048 = arith.subi %gather3A_1937, %get3A_2047 : vector<16xi32>
    %max3A_2049 = arith.constant 0 : i32
    %max3A_2050 = vector.broadcast %max3A_2049 : i32 to vector<16xi32>
    %max3A_2051 = arith.maxsi %sub3A_2048, %max3A_2050 : vector<16xi32>
    %sub3A_2052 = arith.subi %get3A_2045, %gather3A_1938 : vector<16xi32>
    %max3A_2053 = arith.constant 0 : i32
    %max3A_2054 = vector.broadcast %max3A_2053 : i32 to vector<16xi32>
    %max3A_2055 = arith.maxsi %sub3A_2052, %max3A_2054 : vector<16xi32>
    %add3A_2056 = arith.addi %max3A_2051, %max3A_2055 : vector<16xi32>
    %min3A_2057 = arith.constant 2047 : i32
    %min3A_2058 = vector.broadcast %min3A_2057 : i32 to vector<16xi32>
    %min3A_2059 = arith.minsi %add3A_2056, %min3A_2058 : vector<16xi32>
    %gather3A_2060 = tpu.vector_load_idx %arg8[%min3A_2059] : memref<2048xi32, #tpu.memory_space<vmem>>[vector<16xi32>], vector<16xi32>,
    %swap3A_2061 = arith.constant 11 : i32
    %swap3A_2062 = arith.index_cast %swap3A_2061 : i32 to index
    %swap3A_2063 = arith.constant 80 : index
    %swap3A_2064 = tpu.vector_load %arg9[%swap3A_2062, %swap3A_2063] {strides = array<i32>} : memref<16x128xi32, #tpu.memory_space<vmem>>, vector<16xi32>,
    tpu.vector_store %arg9[%swap3A_2062, %swap3A_2063], %gather3A_2060 {strides = array<i32>} : memref<16x128xi32, #tpu.memory_space<vmem>>, vector<16xi32>,
    %get3A_2065 = arith.constant 96 : index
    %get3A_2066 = tpu.vector_load %arg6[%get3A_2065] {strides = array<i32>} : memref<128xi32, #tpu.memory_space<vmem>>, vector<16xi32>,
    %get3A_2067 = arith.constant 96 : index
    %get3A_2068 = tpu.vector_load %arg7[%get3A_2067] {strides = array<i32>} : memref<128xi32, #tpu.memory_space<vmem>>, vector<16xi32>,
    %sub3A_2069 = arith.subi %gather3A_1937, %get3A_2068 : vector<16xi32>
    %max3A_2070 = arith.constant 0 : i32
    %max3A_2071 = vector.broadcast %max3A_2070 : i32 to vector<16xi32>
    %max3A_2072 = arith.maxsi %sub3A_2069, %max3A_2071 : vector<16xi32>
    %sub3A_2073 = arith.subi %get3A_2066, %gather3A_1938 : vector<16xi32>
    %max3A_2074 = arith.constant 0 : i32
    %max3A_2075 = vector.broadcast %max3A_2074 : i32 to vector<16xi32>
    %max3A_2076 = arith.maxsi %sub3A_2073, %max3A_2075 : vector<16xi32>
    %add3A_2077 = arith.addi %max3A_2072, %max3A_2076 : vector<16xi32>
    %min3A_2078 = arith.constant 2047 : i32
    %min3A_2079 = vector.broadcast %min3A_2078 : i32 to vector<16xi32>
    %min3A_2080 = arith.minsi %add3A_2077, %min3A_2079 : vector<16xi32>
    %gather3A_2081 = tpu.vector_load_idx %arg8[%min3A_2080] : memref<2048xi32, #tpu.memory_space<vmem>>[vector<16xi32>], vector<16xi32>,
    %swap3A_2082 = arith.constant 11 : i32
    %swap3A_2083 = arith.index_cast %swap3A_2082 : i32 to index
    %swap3A_2084 = arith.constant 96 : index
    %swap3A_2085 = tpu.vector_load %arg9[%swap3A_2083, %swap3A_2084] {strides = array<i32>} : memref<16x128xi32, #tpu.memory_space<vmem>>, vector<16xi32>,
    tpu.vector_store %arg9[%swap3A_2083, %swap3A_2084], %gather3A_2081 {strides = array<i32>} : memref<16x128xi32, #tpu.memory_space<vmem>>, vector<16xi32>,
    %get3A_2086 = arith.constant 112 : index
    %get3A_2087 = tpu.vector_load %arg6[%get3A_2086] {strides = array<i32>} : memref<128xi32, #tpu.memory_space<vmem>>, vector<16xi32>,
    %get3A_2088 = arith.constant 112 : index
    %get3A_2089 = tpu.vector_load %arg7[%get3A_2088] {strides = array<i32>} : memref<128xi32, #tpu.memory_space<vmem>>, vector<16xi32>,
    %sub3A_2090 = arith.subi %gather3A_1937, %get3A_2089 : vector<16xi32>
    %max3A_2091 = arith.constant 0 : i32
    %max3A_2092 = vector.broadcast %max3A_2091 : i32 to vector<16xi32>
    %max3A_2093 = arith.maxsi %sub3A_2090, %max3A_2092 : vector<16xi32>
    %sub3A_2094 = arith.subi %get3A_2087, %gather3A_1938 : vector<16xi32>
    %max3A_2095 = arith.constant 0 : i32
    %max3A_2096 = vector.broadcast %max3A_2095 : i32 to vector<16xi32>
    %max3A_2097 = arith.maxsi %sub3A_2094, %max3A_2096 : vector<16xi32>
    %add3A_2098 = arith.addi %max3A_2093, %max3A_2097 : vector<16xi32>
    %min3A_2099 = arith.constant 2047 : i32
    %min3A_2100 = vector.broadcast %min3A_2099 : i32 to vector<16xi32>
    %min3A_2101 = arith.minsi %add3A_2098, %min3A_2100 : vector<16xi32>
    %gather3A_2102 = tpu.vector_load_idx %arg8[%min3A_2101] : memref<2048xi32, #tpu.memory_space<vmem>>[vector<16xi32>], vector<16xi32>,
    %swap3A_2103 = arith.constant 11 : i32
    %swap3A_2104 = arith.index_cast %swap3A_2103 : i32 to index
    %swap3A_2105 = arith.constant 112 : index
    %swap3A_2106 = tpu.vector_load %arg9[%swap3A_2104, %swap3A_2105] {strides = array<i32>} : memref<16x128xi32, #tpu.memory_space<vmem>>, vector<16xi32>,
    tpu.vector_store %arg9[%swap3A_2104, %swap3A_2105], %gather3A_2102 {strides = array<i32>} : memref<16x128xi32, #tpu.memory_space<vmem>>, vector<16xi32>,
    %add3A_2107 = arith.constant 12 : i32
    %add3A_2108 = arith.addi %select_n3A_36, %add3A_2107 : i32
    %broadcast_in_dim3A_2109 = vector.broadcast %add3A_2108 : i32 to vector<16xi32>
    %gather3A_2110 = tpu.vector_load_idx %arg6[%broadcast_in_dim3A_2109] : memref<128xi32, #tpu.memory_space<vmem>>[vector<16xi32>], vector<16xi32>,
    %gather3A_2111 = tpu.vector_load_idx %arg7[%broadcast_in_dim3A_2109] : memref<128xi32, #tpu.memory_space<vmem>>[vector<16xi32>], vector<16xi32>,
    %get3A_2112 = arith.constant 0 : index
    %get3A_2113 = tpu.vector_load %arg6[%get3A_2112] {strides = array<i32>} : memref<128xi32, #tpu.memory_space<vmem>>, vector<16xi32>,
    %get3A_2114 = arith.constant 0 : index
    %get3A_2115 = tpu.vector_load %arg7[%get3A_2114] {strides = array<i32>} : memref<128xi32, #tpu.memory_space<vmem>>, vector<16xi32>,
    %sub3A_2116 = arith.subi %gather3A_2110, %get3A_2115 : vector<16xi32>
    %max3A_2117 = arith.constant 0 : i32
    %max3A_2118 = vector.broadcast %max3A_2117 : i32 to vector<16xi32>
    %max3A_2119 = arith.maxsi %sub3A_2116, %max3A_2118 : vector<16xi32>
    %sub3A_2120 = arith.subi %get3A_2113, %gather3A_2111 : vector<16xi32>
    %max3A_2121 = arith.constant 0 : i32
    %max3A_2122 = vector.broadcast %max3A_2121 : i32 to vector<16xi32>
    %max3A_2123 = arith.maxsi %sub3A_2120, %max3A_2122 : vector<16xi32>
    %add3A_2124 = arith.addi %max3A_2119, %max3A_2123 : vector<16xi32>
    %min3A_2125 = arith.constant 2047 : i32
    %min3A_2126 = vector.broadcast %min3A_2125 : i32 to vector<16xi32>
    %min3A_2127 = arith.minsi %add3A_2124, %min3A_2126 : vector<16xi32>
    %gather3A_2128 = tpu.vector_load_idx %arg8[%min3A_2127] : memref<2048xi32, #tpu.memory_space<vmem>>[vector<16xi32>], vector<16xi32>,
    %swap3A_2129 = arith.constant 12 : i32
    %swap3A_2130 = arith.index_cast %swap3A_2129 : i32 to index
    %swap3A_2131 = arith.constant 0 : index
    %swap3A_2132 = tpu.vector_load %arg9[%swap3A_2130, %swap3A_2131] {strides = array<i32>} : memref<16x128xi32, #tpu.memory_space<vmem>>, vector<16xi32>,
    tpu.vector_store %arg9[%swap3A_2130, %swap3A_2131], %gather3A_2128 {strides = array<i32>} : memref<16x128xi32, #tpu.memory_space<vmem>>, vector<16xi32>,
    %get3A_2133 = arith.constant 16 : index
    %get3A_2134 = tpu.vector_load %arg6[%get3A_2133] {strides = array<i32>} : memref<128xi32, #tpu.memory_space<vmem>>, vector<16xi32>,
    %get3A_2135 = arith.constant 16 : index
    %get3A_2136 = tpu.vector_load %arg7[%get3A_2135] {strides = array<i32>} : memref<128xi32, #tpu.memory_space<vmem>>, vector<16xi32>,
    %sub3A_2137 = arith.subi %gather3A_2110, %get3A_2136 : vector<16xi32>
    %max3A_2138 = arith.constant 0 : i32
    %max3A_2139 = vector.broadcast %max3A_2138 : i32 to vector<16xi32>
    %max3A_2140 = arith.maxsi %sub3A_2137, %max3A_2139 : vector<16xi32>
    %sub3A_2141 = arith.subi %get3A_2134, %gather3A_2111 : vector<16xi32>
    %max3A_2142 = arith.constant 0 : i32
    %max3A_2143 = vector.broadcast %max3A_2142 : i32 to vector<16xi32>
    %max3A_2144 = arith.maxsi %sub3A_2141, %max3A_2143 : vector<16xi32>
    %add3A_2145 = arith.addi %max3A_2140, %max3A_2144 : vector<16xi32>
    %min3A_2146 = arith.constant 2047 : i32
    %min3A_2147 = vector.broadcast %min3A_2146 : i32 to vector<16xi32>
    %min3A_2148 = arith.minsi %add3A_2145, %min3A_2147 : vector<16xi32>
    %gather3A_2149 = tpu.vector_load_idx %arg8[%min3A_2148] : memref<2048xi32, #tpu.memory_space<vmem>>[vector<16xi32>], vector<16xi32>,
    %swap3A_2150 = arith.constant 12 : i32
    %swap3A_2151 = arith.index_cast %swap3A_2150 : i32 to index
    %swap3A_2152 = arith.constant 16 : index
    %swap3A_2153 = tpu.vector_load %arg9[%swap3A_2151, %swap3A_2152] {strides = array<i32>} : memref<16x128xi32, #tpu.memory_space<vmem>>, vector<16xi32>,
    tpu.vector_store %arg9[%swap3A_2151, %swap3A_2152], %gather3A_2149 {strides = array<i32>} : memref<16x128xi32, #tpu.memory_space<vmem>>, vector<16xi32>,
    %get3A_2154 = arith.constant 32 : index
    %get3A_2155 = tpu.vector_load %arg6[%get3A_2154] {strides = array<i32>} : memref<128xi32, #tpu.memory_space<vmem>>, vector<16xi32>,
    %get3A_2156 = arith.constant 32 : index
    %get3A_2157 = tpu.vector_load %arg7[%get3A_2156] {strides = array<i32>} : memref<128xi32, #tpu.memory_space<vmem>>, vector<16xi32>,
    %sub3A_2158 = arith.subi %gather3A_2110, %get3A_2157 : vector<16xi32>
    %max3A_2159 = arith.constant 0 : i32
    %max3A_2160 = vector.broadcast %max3A_2159 : i32 to vector<16xi32>
    %max3A_2161 = arith.maxsi %sub3A_2158, %max3A_2160 : vector<16xi32>
    %sub3A_2162 = arith.subi %get3A_2155, %gather3A_2111 : vector<16xi32>
    %max3A_2163 = arith.constant 0 : i32
    %max3A_2164 = vector.broadcast %max3A_2163 : i32 to vector<16xi32>
    %max3A_2165 = arith.maxsi %sub3A_2162, %max3A_2164 : vector<16xi32>
    %add3A_2166 = arith.addi %max3A_2161, %max3A_2165 : vector<16xi32>
    %min3A_2167 = arith.constant 2047 : i32
    %min3A_2168 = vector.broadcast %min3A_2167 : i32 to vector<16xi32>
    %min3A_2169 = arith.minsi %add3A_2166, %min3A_2168 : vector<16xi32>
    %gather3A_2170 = tpu.vector_load_idx %arg8[%min3A_2169] : memref<2048xi32, #tpu.memory_space<vmem>>[vector<16xi32>], vector<16xi32>,
    %swap3A_2171 = arith.constant 12 : i32
    %swap3A_2172 = arith.index_cast %swap3A_2171 : i32 to index
    %swap3A_2173 = arith.constant 32 : index
    %swap3A_2174 = tpu.vector_load %arg9[%swap3A_2172, %swap3A_2173] {strides = array<i32>} : memref<16x128xi32, #tpu.memory_space<vmem>>, vector<16xi32>,
    tpu.vector_store %arg9[%swap3A_2172, %swap3A_2173], %gather3A_2170 {strides = array<i32>} : memref<16x128xi32, #tpu.memory_space<vmem>>, vector<16xi32>,
    %get3A_2175 = arith.constant 48 : index
    %get3A_2176 = tpu.vector_load %arg6[%get3A_2175] {strides = array<i32>} : memref<128xi32, #tpu.memory_space<vmem>>, vector<16xi32>,
    %get3A_2177 = arith.constant 48 : index
    %get3A_2178 = tpu.vector_load %arg7[%get3A_2177] {strides = array<i32>} : memref<128xi32, #tpu.memory_space<vmem>>, vector<16xi32>,
    %sub3A_2179 = arith.subi %gather3A_2110, %get3A_2178 : vector<16xi32>
    %max3A_2180 = arith.constant 0 : i32
    %max3A_2181 = vector.broadcast %max3A_2180 : i32 to vector<16xi32>
    %max3A_2182 = arith.maxsi %sub3A_2179, %max3A_2181 : vector<16xi32>
    %sub3A_2183 = arith.subi %get3A_2176, %gather3A_2111 : vector<16xi32>
    %max3A_2184 = arith.constant 0 : i32
    %max3A_2185 = vector.broadcast %max3A_2184 : i32 to vector<16xi32>
    %max3A_2186 = arith.maxsi %sub3A_2183, %max3A_2185 : vector<16xi32>
    %add3A_2187 = arith.addi %max3A_2182, %max3A_2186 : vector<16xi32>
    %min3A_2188 = arith.constant 2047 : i32
    %min3A_2189 = vector.broadcast %min3A_2188 : i32 to vector<16xi32>
    %min3A_2190 = arith.minsi %add3A_2187, %min3A_2189 : vector<16xi32>
    %gather3A_2191 = tpu.vector_load_idx %arg8[%min3A_2190] : memref<2048xi32, #tpu.memory_space<vmem>>[vector<16xi32>], vector<16xi32>,
    %swap3A_2192 = arith.constant 12 : i32
    %swap3A_2193 = arith.index_cast %swap3A_2192 : i32 to index
    %swap3A_2194 = arith.constant 48 : index
    %swap3A_2195 = tpu.vector_load %arg9[%swap3A_2193, %swap3A_2194] {strides = array<i32>} : memref<16x128xi32, #tpu.memory_space<vmem>>, vector<16xi32>,
    tpu.vector_store %arg9[%swap3A_2193, %swap3A_2194], %gather3A_2191 {strides = array<i32>} : memref<16x128xi32, #tpu.memory_space<vmem>>, vector<16xi32>,
    %get3A_2196 = arith.constant 64 : index
    %get3A_2197 = tpu.vector_load %arg6[%get3A_2196] {strides = array<i32>} : memref<128xi32, #tpu.memory_space<vmem>>, vector<16xi32>,
    %get3A_2198 = arith.constant 64 : index
    %get3A_2199 = tpu.vector_load %arg7[%get3A_2198] {strides = array<i32>} : memref<128xi32, #tpu.memory_space<vmem>>, vector<16xi32>,
    %sub3A_2200 = arith.subi %gather3A_2110, %get3A_2199 : vector<16xi32>
    %max3A_2201 = arith.constant 0 : i32
    %max3A_2202 = vector.broadcast %max3A_2201 : i32 to vector<16xi32>
    %max3A_2203 = arith.maxsi %sub3A_2200, %max3A_2202 : vector<16xi32>
    %sub3A_2204 = arith.subi %get3A_2197, %gather3A_2111 : vector<16xi32>
    %max3A_2205 = arith.constant 0 : i32
    %max3A_2206 = vector.broadcast %max3A_2205 : i32 to vector<16xi32>
    %max3A_2207 = arith.maxsi %sub3A_2204, %max3A_2206 : vector<16xi32>
    %add3A_2208 = arith.addi %max3A_2203, %max3A_2207 : vector<16xi32>
    %min3A_2209 = arith.constant 2047 : i32
    %min3A_2210 = vector.broadcast %min3A_2209 : i32 to vector<16xi32>
    %min3A_2211 = arith.minsi %add3A_2208, %min3A_2210 : vector<16xi32>
    %gather3A_2212 = tpu.vector_load_idx %arg8[%min3A_2211] : memref<2048xi32, #tpu.memory_space<vmem>>[vector<16xi32>], vector<16xi32>,
    %swap3A_2213 = arith.constant 12 : i32
    %swap3A_2214 = arith.index_cast %swap3A_2213 : i32 to index
    %swap3A_2215 = arith.constant 64 : index
    %swap3A_2216 = tpu.vector_load %arg9[%swap3A_2214, %swap3A_2215] {strides = array<i32>} : memref<16x128xi32, #tpu.memory_space<vmem>>, vector<16xi32>,
    tpu.vector_store %arg9[%swap3A_2214, %swap3A_2215], %gather3A_2212 {strides = array<i32>} : memref<16x128xi32, #tpu.memory_space<vmem>>, vector<16xi32>,
    %get3A_2217 = arith.constant 80 : index
    %get3A_2218 = tpu.vector_load %arg6[%get3A_2217] {strides = array<i32>} : memref<128xi32, #tpu.memory_space<vmem>>, vector<16xi32>,
    %get3A_2219 = arith.constant 80 : index
    %get3A_2220 = tpu.vector_load %arg7[%get3A_2219] {strides = array<i32>} : memref<128xi32, #tpu.memory_space<vmem>>, vector<16xi32>,
    %sub3A_2221 = arith.subi %gather3A_2110, %get3A_2220 : vector<16xi32>
    %max3A_2222 = arith.constant 0 : i32
    %max3A_2223 = vector.broadcast %max3A_2222 : i32 to vector<16xi32>
    %max3A_2224 = arith.maxsi %sub3A_2221, %max3A_2223 : vector<16xi32>
    %sub3A_2225 = arith.subi %get3A_2218, %gather3A_2111 : vector<16xi32>
    %max3A_2226 = arith.constant 0 : i32
    %max3A_2227 = vector.broadcast %max3A_2226 : i32 to vector<16xi32>
    %max3A_2228 = arith.maxsi %sub3A_2225, %max3A_2227 : vector<16xi32>
    %add3A_2229 = arith.addi %max3A_2224, %max3A_2228 : vector<16xi32>
    %min3A_2230 = arith.constant 2047 : i32
    %min3A_2231 = vector.broadcast %min3A_2230 : i32 to vector<16xi32>
    %min3A_2232 = arith.minsi %add3A_2229, %min3A_2231 : vector<16xi32>
    %gather3A_2233 = tpu.vector_load_idx %arg8[%min3A_2232] : memref<2048xi32, #tpu.memory_space<vmem>>[vector<16xi32>], vector<16xi32>,
    %swap3A_2234 = arith.constant 12 : i32
    %swap3A_2235 = arith.index_cast %swap3A_2234 : i32 to index
    %swap3A_2236 = arith.constant 80 : index
    %swap3A_2237 = tpu.vector_load %arg9[%swap3A_2235, %swap3A_2236] {strides = array<i32>} : memref<16x128xi32, #tpu.memory_space<vmem>>, vector<16xi32>,
    tpu.vector_store %arg9[%swap3A_2235, %swap3A_2236], %gather3A_2233 {strides = array<i32>} : memref<16x128xi32, #tpu.memory_space<vmem>>, vector<16xi32>,
    %get3A_2238 = arith.constant 96 : index
    %get3A_2239 = tpu.vector_load %arg6[%get3A_2238] {strides = array<i32>} : memref<128xi32, #tpu.memory_space<vmem>>, vector<16xi32>,
    %get3A_2240 = arith.constant 96 : index
    %get3A_2241 = tpu.vector_load %arg7[%get3A_2240] {strides = array<i32>} : memref<128xi32, #tpu.memory_space<vmem>>, vector<16xi32>,
    %sub3A_2242 = arith.subi %gather3A_2110, %get3A_2241 : vector<16xi32>
    %max3A_2243 = arith.constant 0 : i32
    %max3A_2244 = vector.broadcast %max3A_2243 : i32 to vector<16xi32>
    %max3A_2245 = arith.maxsi %sub3A_2242, %max3A_2244 : vector<16xi32>
    %sub3A_2246 = arith.subi %get3A_2239, %gather3A_2111 : vector<16xi32>
    %max3A_2247 = arith.constant 0 : i32
    %max3A_2248 = vector.broadcast %max3A_2247 : i32 to vector<16xi32>
    %max3A_2249 = arith.maxsi %sub3A_2246, %max3A_2248 : vector<16xi32>
    %add3A_2250 = arith.addi %max3A_2245, %max3A_2249 : vector<16xi32>
    %min3A_2251 = arith.constant 2047 : i32
    %min3A_2252 = vector.broadcast %min3A_2251 : i32 to vector<16xi32>
    %min3A_2253 = arith.minsi %add3A_2250, %min3A_2252 : vector<16xi32>
    %gather3A_2254 = tpu.vector_load_idx %arg8[%min3A_2253] : memref<2048xi32, #tpu.memory_space<vmem>>[vector<16xi32>], vector<16xi32>,
    %swap3A_2255 = arith.constant 12 : i32
    %swap3A_2256 = arith.index_cast %swap3A_2255 : i32 to index
    %swap3A_2257 = arith.constant 96 : index
    %swap3A_2258 = tpu.vector_load %arg9[%swap3A_2256, %swap3A_2257] {strides = array<i32>} : memref<16x128xi32, #tpu.memory_space<vmem>>, vector<16xi32>,
    tpu.vector_store %arg9[%swap3A_2256, %swap3A_2257], %gather3A_2254 {strides = array<i32>} : memref<16x128xi32, #tpu.memory_space<vmem>>, vector<16xi32>,
    %get3A_2259 = arith.constant 112 : index
    %get3A_2260 = tpu.vector_load %arg6[%get3A_2259] {strides = array<i32>} : memref<128xi32, #tpu.memory_space<vmem>>, vector<16xi32>,
    %get3A_2261 = arith.constant 112 : index
    %get3A_2262 = tpu.vector_load %arg7[%get3A_2261] {strides = array<i32>} : memref<128xi32, #tpu.memory_space<vmem>>, vector<16xi32>,
    %sub3A_2263 = arith.subi %gather3A_2110, %get3A_2262 : vector<16xi32>
    %max3A_2264 = arith.constant 0 : i32
    %max3A_2265 = vector.broadcast %max3A_2264 : i32 to vector<16xi32>
    %max3A_2266 = arith.maxsi %sub3A_2263, %max3A_2265 : vector<16xi32>
    %sub3A_2267 = arith.subi %get3A_2260, %gather3A_2111 : vector<16xi32>
    %max3A_2268 = arith.constant 0 : i32
    %max3A_2269 = vector.broadcast %max3A_2268 : i32 to vector<16xi32>
    %max3A_2270 = arith.maxsi %sub3A_2267, %max3A_2269 : vector<16xi32>
    %add3A_2271 = arith.addi %max3A_2266, %max3A_2270 : vector<16xi32>
    %min3A_2272 = arith.constant 2047 : i32
    %min3A_2273 = vector.broadcast %min3A_2272 : i32 to vector<16xi32>
    %min3A_2274 = arith.minsi %add3A_2271, %min3A_2273 : vector<16xi32>
    %gather3A_2275 = tpu.vector_load_idx %arg8[%min3A_2274] : memref<2048xi32, #tpu.memory_space<vmem>>[vector<16xi32>], vector<16xi32>,
    %swap3A_2276 = arith.constant 12 : i32
    %swap3A_2277 = arith.index_cast %swap3A_2276 : i32 to index
    %swap3A_2278 = arith.constant 112 : index
    %swap3A_2279 = tpu.vector_load %arg9[%swap3A_2277, %swap3A_2278] {strides = array<i32>} : memref<16x128xi32, #tpu.memory_space<vmem>>, vector<16xi32>,
    tpu.vector_store %arg9[%swap3A_2277, %swap3A_2278], %gather3A_2275 {strides = array<i32>} : memref<16x128xi32, #tpu.memory_space<vmem>>, vector<16xi32>,
    %add3A_2280 = arith.constant 13 : i32
    %add3A_2281 = arith.addi %select_n3A_36, %add3A_2280 : i32
    %broadcast_in_dim3A_2282 = vector.broadcast %add3A_2281 : i32 to vector<16xi32>
    %gather3A_2283 = tpu.vector_load_idx %arg6[%broadcast_in_dim3A_2282] : memref<128xi32, #tpu.memory_space<vmem>>[vector<16xi32>], vector<16xi32>,
    %gather3A_2284 = tpu.vector_load_idx %arg7[%broadcast_in_dim3A_2282] : memref<128xi32, #tpu.memory_space<vmem>>[vector<16xi32>], vector<16xi32>,
    %get3A_2285 = arith.constant 0 : index
    %get3A_2286 = tpu.vector_load %arg6[%get3A_2285] {strides = array<i32>} : memref<128xi32, #tpu.memory_space<vmem>>, vector<16xi32>,
    %get3A_2287 = arith.constant 0 : index
    %get3A_2288 = tpu.vector_load %arg7[%get3A_2287] {strides = array<i32>} : memref<128xi32, #tpu.memory_space<vmem>>, vector<16xi32>,
    %sub3A_2289 = arith.subi %gather3A_2283, %get3A_2288 : vector<16xi32>
    %max3A_2290 = arith.constant 0 : i32
    %max3A_2291 = vector.broadcast %max3A_2290 : i32 to vector<16xi32>
    %max3A_2292 = arith.maxsi %sub3A_2289, %max3A_2291 : vector<16xi32>
    %sub3A_2293 = arith.subi %get3A_2286, %gather3A_2284 : vector<16xi32>
    %max3A_2294 = arith.constant 0 : i32
    %max3A_2295 = vector.broadcast %max3A_2294 : i32 to vector<16xi32>
    %max3A_2296 = arith.maxsi %sub3A_2293, %max3A_2295 : vector<16xi32>
    %add3A_2297 = arith.addi %max3A_2292, %max3A_2296 : vector<16xi32>
    %min3A_2298 = arith.constant 2047 : i32
    %min3A_2299 = vector.broadcast %min3A_2298 : i32 to vector<16xi32>
    %min3A_2300 = arith.minsi %add3A_2297, %min3A_2299 : vector<16xi32>
    %gather3A_2301 = tpu.vector_load_idx %arg8[%min3A_2300] : memref<2048xi32, #tpu.memory_space<vmem>>[vector<16xi32>], vector<16xi32>,
    %swap3A_2302 = arith.constant 13 : i32
    %swap3A_2303 = arith.index_cast %swap3A_2302 : i32 to index
    %swap3A_2304 = arith.constant 0 : index
    %swap3A_2305 = tpu.vector_load %arg9[%swap3A_2303, %swap3A_2304] {strides = array<i32>} : memref<16x128xi32, #tpu.memory_space<vmem>>, vector<16xi32>,
    tpu.vector_store %arg9[%swap3A_2303, %swap3A_2304], %gather3A_2301 {strides = array<i32>} : memref<16x128xi32, #tpu.memory_space<vmem>>, vector<16xi32>,
    %get3A_2306 = arith.constant 16 : index
    %get3A_2307 = tpu.vector_load %arg6[%get3A_2306] {strides = array<i32>} : memref<128xi32, #tpu.memory_space<vmem>>, vector<16xi32>,
    %get3A_2308 = arith.constant 16 : index
    %get3A_2309 = tpu.vector_load %arg7[%get3A_2308] {strides = array<i32>} : memref<128xi32, #tpu.memory_space<vmem>>, vector<16xi32>,
    %sub3A_2310 = arith.subi %gather3A_2283, %get3A_2309 : vector<16xi32>
    %max3A_2311 = arith.constant 0 : i32
    %max3A_2312 = vector.broadcast %max3A_2311 : i32 to vector<16xi32>
    %max3A_2313 = arith.maxsi %sub3A_2310, %max3A_2312 : vector<16xi32>
    %sub3A_2314 = arith.subi %get3A_2307, %gather3A_2284 : vector<16xi32>
    %max3A_2315 = arith.constant 0 : i32
    %max3A_2316 = vector.broadcast %max3A_2315 : i32 to vector<16xi32>
    %max3A_2317 = arith.maxsi %sub3A_2314, %max3A_2316 : vector<16xi32>
    %add3A_2318 = arith.addi %max3A_2313, %max3A_2317 : vector<16xi32>
    %min3A_2319 = arith.constant 2047 : i32
    %min3A_2320 = vector.broadcast %min3A_2319 : i32 to vector<16xi32>
    %min3A_2321 = arith.minsi %add3A_2318, %min3A_2320 : vector<16xi32>
    %gather3A_2322 = tpu.vector_load_idx %arg8[%min3A_2321] : memref<2048xi32, #tpu.memory_space<vmem>>[vector<16xi32>], vector<16xi32>,
    %swap3A_2323 = arith.constant 13 : i32
    %swap3A_2324 = arith.index_cast %swap3A_2323 : i32 to index
    %swap3A_2325 = arith.constant 16 : index
    %swap3A_2326 = tpu.vector_load %arg9[%swap3A_2324, %swap3A_2325] {strides = array<i32>} : memref<16x128xi32, #tpu.memory_space<vmem>>, vector<16xi32>,
    tpu.vector_store %arg9[%swap3A_2324, %swap3A_2325], %gather3A_2322 {strides = array<i32>} : memref<16x128xi32, #tpu.memory_space<vmem>>, vector<16xi32>,
    %get3A_2327 = arith.constant 32 : index
    %get3A_2328 = tpu.vector_load %arg6[%get3A_2327] {strides = array<i32>} : memref<128xi32, #tpu.memory_space<vmem>>, vector<16xi32>,
    %get3A_2329 = arith.constant 32 : index
    %get3A_2330 = tpu.vector_load %arg7[%get3A_2329] {strides = array<i32>} : memref<128xi32, #tpu.memory_space<vmem>>, vector<16xi32>,
    %sub3A_2331 = arith.subi %gather3A_2283, %get3A_2330 : vector<16xi32>
    %max3A_2332 = arith.constant 0 : i32
    %max3A_2333 = vector.broadcast %max3A_2332 : i32 to vector<16xi32>
    %max3A_2334 = arith.maxsi %sub3A_2331, %max3A_2333 : vector<16xi32>
    %sub3A_2335 = arith.subi %get3A_2328, %gather3A_2284 : vector<16xi32>
    %max3A_2336 = arith.constant 0 : i32
    %max3A_2337 = vector.broadcast %max3A_2336 : i32 to vector<16xi32>
    %max3A_2338 = arith.maxsi %sub3A_2335, %max3A_2337 : vector<16xi32>
    %add3A_2339 = arith.addi %max3A_2334, %max3A_2338 : vector<16xi32>
    %min3A_2340 = arith.constant 2047 : i32
    %min3A_2341 = vector.broadcast %min3A_2340 : i32 to vector<16xi32>
    %min3A_2342 = arith.minsi %add3A_2339, %min3A_2341 : vector<16xi32>
    %gather3A_2343 = tpu.vector_load_idx %arg8[%min3A_2342] : memref<2048xi32, #tpu.memory_space<vmem>>[vector<16xi32>], vector<16xi32>,
    %swap3A_2344 = arith.constant 13 : i32
    %swap3A_2345 = arith.index_cast %swap3A_2344 : i32 to index
    %swap3A_2346 = arith.constant 32 : index
    %swap3A_2347 = tpu.vector_load %arg9[%swap3A_2345, %swap3A_2346] {strides = array<i32>} : memref<16x128xi32, #tpu.memory_space<vmem>>, vector<16xi32>,
    tpu.vector_store %arg9[%swap3A_2345, %swap3A_2346], %gather3A_2343 {strides = array<i32>} : memref<16x128xi32, #tpu.memory_space<vmem>>, vector<16xi32>,
    %get3A_2348 = arith.constant 48 : index
    %get3A_2349 = tpu.vector_load %arg6[%get3A_2348] {strides = array<i32>} : memref<128xi32, #tpu.memory_space<vmem>>, vector<16xi32>,
    %get3A_2350 = arith.constant 48 : index
    %get3A_2351 = tpu.vector_load %arg7[%get3A_2350] {strides = array<i32>} : memref<128xi32, #tpu.memory_space<vmem>>, vector<16xi32>,
    %sub3A_2352 = arith.subi %gather3A_2283, %get3A_2351 : vector<16xi32>
    %max3A_2353 = arith.constant 0 : i32
    %max3A_2354 = vector.broadcast %max3A_2353 : i32 to vector<16xi32>
    %max3A_2355 = arith.maxsi %sub3A_2352, %max3A_2354 : vector<16xi32>
    %sub3A_2356 = arith.subi %get3A_2349, %gather3A_2284 : vector<16xi32>
    %max3A_2357 = arith.constant 0 : i32
    %max3A_2358 = vector.broadcast %max3A_2357 : i32 to vector<16xi32>
    %max3A_2359 = arith.maxsi %sub3A_2356, %max3A_2358 : vector<16xi32>
    %add3A_2360 = arith.addi %max3A_2355, %max3A_2359 : vector<16xi32>
    %min3A_2361 = arith.constant 2047 : i32
    %min3A_2362 = vector.broadcast %min3A_2361 : i32 to vector<16xi32>
    %min3A_2363 = arith.minsi %add3A_2360, %min3A_2362 : vector<16xi32>
    %gather3A_2364 = tpu.vector_load_idx %arg8[%min3A_2363] : memref<2048xi32, #tpu.memory_space<vmem>>[vector<16xi32>], vector<16xi32>,
    %swap3A_2365 = arith.constant 13 : i32
    %swap3A_2366 = arith.index_cast %swap3A_2365 : i32 to index
    %swap3A_2367 = arith.constant 48 : index
    %swap3A_2368 = tpu.vector_load %arg9[%swap3A_2366, %swap3A_2367] {strides = array<i32>} : memref<16x128xi32, #tpu.memory_space<vmem>>, vector<16xi32>,
    tpu.vector_store %arg9[%swap3A_2366, %swap3A_2367], %gather3A_2364 {strides = array<i32>} : memref<16x128xi32, #tpu.memory_space<vmem>>, vector<16xi32>,
    %get3A_2369 = arith.constant 64 : index
    %get3A_2370 = tpu.vector_load %arg6[%get3A_2369] {strides = array<i32>} : memref<128xi32, #tpu.memory_space<vmem>>, vector<16xi32>,
    %get3A_2371 = arith.constant 64 : index
    %get3A_2372 = tpu.vector_load %arg7[%get3A_2371] {strides = array<i32>} : memref<128xi32, #tpu.memory_space<vmem>>, vector<16xi32>,
    %sub3A_2373 = arith.subi %gather3A_2283, %get3A_2372 : vector<16xi32>
    %max3A_2374 = arith.constant 0 : i32
    %max3A_2375 = vector.broadcast %max3A_2374 : i32 to vector<16xi32>
    %max3A_2376 = arith.maxsi %sub3A_2373, %max3A_2375 : vector<16xi32>
    %sub3A_2377 = arith.subi %get3A_2370, %gather3A_2284 : vector<16xi32>
    %max3A_2378 = arith.constant 0 : i32
    %max3A_2379 = vector.broadcast %max3A_2378 : i32 to vector<16xi32>
    %max3A_2380 = arith.maxsi %sub3A_2377, %max3A_2379 : vector<16xi32>
    %add3A_2381 = arith.addi %max3A_2376, %max3A_2380 : vector<16xi32>
    %min3A_2382 = arith.constant 2047 : i32
    %min3A_2383 = vector.broadcast %min3A_2382 : i32 to vector<16xi32>
    %min3A_2384 = arith.minsi %add3A_2381, %min3A_2383 : vector<16xi32>
    %gather3A_2385 = tpu.vector_load_idx %arg8[%min3A_2384] : memref<2048xi32, #tpu.memory_space<vmem>>[vector<16xi32>], vector<16xi32>,
    %swap3A_2386 = arith.constant 13 : i32
    %swap3A_2387 = arith.index_cast %swap3A_2386 : i32 to index
    %swap3A_2388 = arith.constant 64 : index
    %swap3A_2389 = tpu.vector_load %arg9[%swap3A_2387, %swap3A_2388] {strides = array<i32>} : memref<16x128xi32, #tpu.memory_space<vmem>>, vector<16xi32>,
    tpu.vector_store %arg9[%swap3A_2387, %swap3A_2388], %gather3A_2385 {strides = array<i32>} : memref<16x128xi32, #tpu.memory_space<vmem>>, vector<16xi32>,
    %get3A_2390 = arith.constant 80 : index
    %get3A_2391 = tpu.vector_load %arg6[%get3A_2390] {strides = array<i32>} : memref<128xi32, #tpu.memory_space<vmem>>, vector<16xi32>,
    %get3A_2392 = arith.constant 80 : index
    %get3A_2393 = tpu.vector_load %arg7[%get3A_2392] {strides = array<i32>} : memref<128xi32, #tpu.memory_space<vmem>>, vector<16xi32>,
    %sub3A_2394 = arith.subi %gather3A_2283, %get3A_2393 : vector<16xi32>
    %max3A_2395 = arith.constant 0 : i32
    %max3A_2396 = vector.broadcast %max3A_2395 : i32 to vector<16xi32>
    %max3A_2397 = arith.maxsi %sub3A_2394, %max3A_2396 : vector<16xi32>
    %sub3A_2398 = arith.subi %get3A_2391, %gather3A_2284 : vector<16xi32>
    %max3A_2399 = arith.constant 0 : i32
    %max3A_2400 = vector.broadcast %max3A_2399 : i32 to vector<16xi32>
    %max3A_2401 = arith.maxsi %sub3A_2398, %max3A_2400 : vector<16xi32>
    %add3A_2402 = arith.addi %max3A_2397, %max3A_2401 : vector<16xi32>
    %min3A_2403 = arith.constant 2047 : i32
    %min3A_2404 = vector.broadcast %min3A_2403 : i32 to vector<16xi32>
    %min3A_2405 = arith.minsi %add3A_2402, %min3A_2404 : vector<16xi32>
    %gather3A_2406 = tpu.vector_load_idx %arg8[%min3A_2405] : memref<2048xi32, #tpu.memory_space<vmem>>[vector<16xi32>], vector<16xi32>,
    %swap3A_2407 = arith.constant 13 : i32
    %swap3A_2408 = arith.index_cast %swap3A_2407 : i32 to index
    %swap3A_2409 = arith.constant 80 : index
    %swap3A_2410 = tpu.vector_load %arg9[%swap3A_2408, %swap3A_2409] {strides = array<i32>} : memref<16x128xi32, #tpu.memory_space<vmem>>, vector<16xi32>,
    tpu.vector_store %arg9[%swap3A_2408, %swap3A_2409], %gather3A_2406 {strides = array<i32>} : memref<16x128xi32, #tpu.memory_space<vmem>>, vector<16xi32>,
    %get3A_2411 = arith.constant 96 : index
    %get3A_2412 = tpu.vector_load %arg6[%get3A_2411] {strides = array<i32>} : memref<128xi32, #tpu.memory_space<vmem>>, vector<16xi32>,
    %get3A_2413 = arith.constant 96 : index
    %get3A_2414 = tpu.vector_load %arg7[%get3A_2413] {strides = array<i32>} : memref<128xi32, #tpu.memory_space<vmem>>, vector<16xi32>,
    %sub3A_2415 = arith.subi %gather3A_2283, %get3A_2414 : vector<16xi32>
    %max3A_2416 = arith.constant 0 : i32
    %max3A_2417 = vector.broadcast %max3A_2416 : i32 to vector<16xi32>
    %max3A_2418 = arith.maxsi %sub3A_2415, %max3A_2417 : vector<16xi32>
    %sub3A_2419 = arith.subi %get3A_2412, %gather3A_2284 : vector<16xi32>
    %max3A_2420 = arith.constant 0 : i32
    %max3A_2421 = vector.broadcast %max3A_2420 : i32 to vector<16xi32>
    %max3A_2422 = arith.maxsi %sub3A_2419, %max3A_2421 : vector<16xi32>
    %add3A_2423 = arith.addi %max3A_2418, %max3A_2422 : vector<16xi32>
    %min3A_2424 = arith.constant 2047 : i32
    %min3A_2425 = vector.broadcast %min3A_2424 : i32 to vector<16xi32>
    %min3A_2426 = arith.minsi %add3A_2423, %min3A_2425 : vector<16xi32>
    %gather3A_2427 = tpu.vector_load_idx %arg8[%min3A_2426] : memref<2048xi32, #tpu.memory_space<vmem>>[vector<16xi32>], vector<16xi32>,
    %swap3A_2428 = arith.constant 13 : i32
    %swap3A_2429 = arith.index_cast %swap3A_2428 : i32 to index
    %swap3A_2430 = arith.constant 96 : index
    %swap3A_2431 = tpu.vector_load %arg9[%swap3A_2429, %swap3A_2430] {strides = array<i32>} : memref<16x128xi32, #tpu.memory_space<vmem>>, vector<16xi32>,
    tpu.vector_store %arg9[%swap3A_2429, %swap3A_2430], %gather3A_2427 {strides = array<i32>} : memref<16x128xi32, #tpu.memory_space<vmem>>, vector<16xi32>,
    %get3A_2432 = arith.constant 112 : index
    %get3A_2433 = tpu.vector_load %arg6[%get3A_2432] {strides = array<i32>} : memref<128xi32, #tpu.memory_space<vmem>>, vector<16xi32>,
    %get3A_2434 = arith.constant 112 : index
    %get3A_2435 = tpu.vector_load %arg7[%get3A_2434] {strides = array<i32>} : memref<128xi32, #tpu.memory_space<vmem>>, vector<16xi32>,
    %sub3A_2436 = arith.subi %gather3A_2283, %get3A_2435 : vector<16xi32>
    %max3A_2437 = arith.constant 0 : i32
    %max3A_2438 = vector.broadcast %max3A_2437 : i32 to vector<16xi32>
    %max3A_2439 = arith.maxsi %sub3A_2436, %max3A_2438 : vector<16xi32>
    %sub3A_2440 = arith.subi %get3A_2433, %gather3A_2284 : vector<16xi32>
    %max3A_2441 = arith.constant 0 : i32
    %max3A_2442 = vector.broadcast %max3A_2441 : i32 to vector<16xi32>
    %max3A_2443 = arith.maxsi %sub3A_2440, %max3A_2442 : vector<16xi32>
    %add3A_2444 = arith.addi %max3A_2439, %max3A_2443 : vector<16xi32>
    %min3A_2445 = arith.constant 2047 : i32
    %min3A_2446 = vector.broadcast %min3A_2445 : i32 to vector<16xi32>
    %min3A_2447 = arith.minsi %add3A_2444, %min3A_2446 : vector<16xi32>
    %gather3A_2448 = tpu.vector_load_idx %arg8[%min3A_2447] : memref<2048xi32, #tpu.memory_space<vmem>>[vector<16xi32>], vector<16xi32>,
    %swap3A_2449 = arith.constant 13 : i32
    %swap3A_2450 = arith.index_cast %swap3A_2449 : i32 to index
    %swap3A_2451 = arith.constant 112 : index
    %swap3A_2452 = tpu.vector_load %arg9[%swap3A_2450, %swap3A_2451] {strides = array<i32>} : memref<16x128xi32, #tpu.memory_space<vmem>>, vector<16xi32>,
    tpu.vector_store %arg9[%swap3A_2450, %swap3A_2451], %gather3A_2448 {strides = array<i32>} : memref<16x128xi32, #tpu.memory_space<vmem>>, vector<16xi32>,
    %add3A_2453 = arith.constant 14 : i32
    %add3A_2454 = arith.addi %select_n3A_36, %add3A_2453 : i32
    %broadcast_in_dim3A_2455 = vector.broadcast %add3A_2454 : i32 to vector<16xi32>
    %gather3A_2456 = tpu.vector_load_idx %arg6[%broadcast_in_dim3A_2455] : memref<128xi32, #tpu.memory_space<vmem>>[vector<16xi32>], vector<16xi32>,
    %gather3A_2457 = tpu.vector_load_idx %arg7[%broadcast_in_dim3A_2455] : memref<128xi32, #tpu.memory_space<vmem>>[vector<16xi32>], vector<16xi32>,
    %get3A_2458 = arith.constant 0 : index
    %get3A_2459 = tpu.vector_load %arg6[%get3A_2458] {strides = array<i32>} : memref<128xi32, #tpu.memory_space<vmem>>, vector<16xi32>,
    %get3A_2460 = arith.constant 0 : index
    %get3A_2461 = tpu.vector_load %arg7[%get3A_2460] {strides = array<i32>} : memref<128xi32, #tpu.memory_space<vmem>>, vector<16xi32>,
    %sub3A_2462 = arith.subi %gather3A_2456, %get3A_2461 : vector<16xi32>
    %max3A_2463 = arith.constant 0 : i32
    %max3A_2464 = vector.broadcast %max3A_2463 : i32 to vector<16xi32>
    %max3A_2465 = arith.maxsi %sub3A_2462, %max3A_2464 : vector<16xi32>
    %sub3A_2466 = arith.subi %get3A_2459, %gather3A_2457 : vector<16xi32>
    %max3A_2467 = arith.constant 0 : i32
    %max3A_2468 = vector.broadcast %max3A_2467 : i32 to vector<16xi32>
    %max3A_2469 = arith.maxsi %sub3A_2466, %max3A_2468 : vector<16xi32>
    %add3A_2470 = arith.addi %max3A_2465, %max3A_2469 : vector<16xi32>
    %min3A_2471 = arith.constant 2047 : i32
    %min3A_2472 = vector.broadcast %min3A_2471 : i32 to vector<16xi32>
    %min3A_2473 = arith.minsi %add3A_2470, %min3A_2472 : vector<16xi32>
    %gather3A_2474 = tpu.vector_load_idx %arg8[%min3A_2473] : memref<2048xi32, #tpu.memory_space<vmem>>[vector<16xi32>], vector<16xi32>,
    %swap3A_2475 = arith.constant 14 : i32
    %swap3A_2476 = arith.index_cast %swap3A_2475 : i32 to index
    %swap3A_2477 = arith.constant 0 : index
    %swap3A_2478 = tpu.vector_load %arg9[%swap3A_2476, %swap3A_2477] {strides = array<i32>} : memref<16x128xi32, #tpu.memory_space<vmem>>, vector<16xi32>,
    tpu.vector_store %arg9[%swap3A_2476, %swap3A_2477], %gather3A_2474 {strides = array<i32>} : memref<16x128xi32, #tpu.memory_space<vmem>>, vector<16xi32>,
    %get3A_2479 = arith.constant 16 : index
    %get3A_2480 = tpu.vector_load %arg6[%get3A_2479] {strides = array<i32>} : memref<128xi32, #tpu.memory_space<vmem>>, vector<16xi32>,
    %get3A_2481 = arith.constant 16 : index
    %get3A_2482 = tpu.vector_load %arg7[%get3A_2481] {strides = array<i32>} : memref<128xi32, #tpu.memory_space<vmem>>, vector<16xi32>,
    %sub3A_2483 = arith.subi %gather3A_2456, %get3A_2482 : vector<16xi32>
    %max3A_2484 = arith.constant 0 : i32
    %max3A_2485 = vector.broadcast %max3A_2484 : i32 to vector<16xi32>
    %max3A_2486 = arith.maxsi %sub3A_2483, %max3A_2485 : vector<16xi32>
    %sub3A_2487 = arith.subi %get3A_2480, %gather3A_2457 : vector<16xi32>
    %max3A_2488 = arith.constant 0 : i32
    %max3A_2489 = vector.broadcast %max3A_2488 : i32 to vector<16xi32>
    %max3A_2490 = arith.maxsi %sub3A_2487, %max3A_2489 : vector<16xi32>
    %add3A_2491 = arith.addi %max3A_2486, %max3A_2490 : vector<16xi32>
    %min3A_2492 = arith.constant 2047 : i32
    %min3A_2493 = vector.broadcast %min3A_2492 : i32 to vector<16xi32>
    %min3A_2494 = arith.minsi %add3A_2491, %min3A_2493 : vector<16xi32>
    %gather3A_2495 = tpu.vector_load_idx %arg8[%min3A_2494] : memref<2048xi32, #tpu.memory_space<vmem>>[vector<16xi32>], vector<16xi32>,
    %swap3A_2496 = arith.constant 14 : i32
    %swap3A_2497 = arith.index_cast %swap3A_2496 : i32 to index
    %swap3A_2498 = arith.constant 16 : index
    %swap3A_2499 = tpu.vector_load %arg9[%swap3A_2497, %swap3A_2498] {strides = array<i32>} : memref<16x128xi32, #tpu.memory_space<vmem>>, vector<16xi32>,
    tpu.vector_store %arg9[%swap3A_2497, %swap3A_2498], %gather3A_2495 {strides = array<i32>} : memref<16x128xi32, #tpu.memory_space<vmem>>, vector<16xi32>,
    %get3A_2500 = arith.constant 32 : index
    %get3A_2501 = tpu.vector_load %arg6[%get3A_2500] {strides = array<i32>} : memref<128xi32, #tpu.memory_space<vmem>>, vector<16xi32>,
    %get3A_2502 = arith.constant 32 : index
    %get3A_2503 = tpu.vector_load %arg7[%get3A_2502] {strides = array<i32>} : memref<128xi32, #tpu.memory_space<vmem>>, vector<16xi32>,
    %sub3A_2504 = arith.subi %gather3A_2456, %get3A_2503 : vector<16xi32>
    %max3A_2505 = arith.constant 0 : i32
    %max3A_2506 = vector.broadcast %max3A_2505 : i32 to vector<16xi32>
    %max3A_2507 = arith.maxsi %sub3A_2504, %max3A_2506 : vector<16xi32>
    %sub3A_2508 = arith.subi %get3A_2501, %gather3A_2457 : vector<16xi32>
    %max3A_2509 = arith.constant 0 : i32
    %max3A_2510 = vector.broadcast %max3A_2509 : i32 to vector<16xi32>
    %max3A_2511 = arith.maxsi %sub3A_2508, %max3A_2510 : vector<16xi32>
    %add3A_2512 = arith.addi %max3A_2507, %max3A_2511 : vector<16xi32>
    %min3A_2513 = arith.constant 2047 : i32
    %min3A_2514 = vector.broadcast %min3A_2513 : i32 to vector<16xi32>
    %min3A_2515 = arith.minsi %add3A_2512, %min3A_2514 : vector<16xi32>
    %gather3A_2516 = tpu.vector_load_idx %arg8[%min3A_2515] : memref<2048xi32, #tpu.memory_space<vmem>>[vector<16xi32>], vector<16xi32>,
    %swap3A_2517 = arith.constant 14 : i32
    %swap3A_2518 = arith.index_cast %swap3A_2517 : i32 to index
    %swap3A_2519 = arith.constant 32 : index
    %swap3A_2520 = tpu.vector_load %arg9[%swap3A_2518, %swap3A_2519] {strides = array<i32>} : memref<16x128xi32, #tpu.memory_space<vmem>>, vector<16xi32>,
    tpu.vector_store %arg9[%swap3A_2518, %swap3A_2519], %gather3A_2516 {strides = array<i32>} : memref<16x128xi32, #tpu.memory_space<vmem>>, vector<16xi32>,
    %get3A_2521 = arith.constant 48 : index
    %get3A_2522 = tpu.vector_load %arg6[%get3A_2521] {strides = array<i32>} : memref<128xi32, #tpu.memory_space<vmem>>, vector<16xi32>,
    %get3A_2523 = arith.constant 48 : index
    %get3A_2524 = tpu.vector_load %arg7[%get3A_2523] {strides = array<i32>} : memref<128xi32, #tpu.memory_space<vmem>>, vector<16xi32>,
    %sub3A_2525 = arith.subi %gather3A_2456, %get3A_2524 : vector<16xi32>
    %max3A_2526 = arith.constant 0 : i32
    %max3A_2527 = vector.broadcast %max3A_2526 : i32 to vector<16xi32>
    %max3A_2528 = arith.maxsi %sub3A_2525, %max3A_2527 : vector<16xi32>
    %sub3A_2529 = arith.subi %get3A_2522, %gather3A_2457 : vector<16xi32>
    %max3A_2530 = arith.constant 0 : i32
    %max3A_2531 = vector.broadcast %max3A_2530 : i32 to vector<16xi32>
    %max3A_2532 = arith.maxsi %sub3A_2529, %max3A_2531 : vector<16xi32>
    %add3A_2533 = arith.addi %max3A_2528, %max3A_2532 : vector<16xi32>
    %min3A_2534 = arith.constant 2047 : i32
    %min3A_2535 = vector.broadcast %min3A_2534 : i32 to vector<16xi32>
    %min3A_2536 = arith.minsi %add3A_2533, %min3A_2535 : vector<16xi32>
    %gather3A_2537 = tpu.vector_load_idx %arg8[%min3A_2536] : memref<2048xi32, #tpu.memory_space<vmem>>[vector<16xi32>], vector<16xi32>,
    %swap3A_2538 = arith.constant 14 : i32
    %swap3A_2539 = arith.index_cast %swap3A_2538 : i32 to index
    %swap3A_2540 = arith.constant 48 : index
    %swap3A_2541 = tpu.vector_load %arg9[%swap3A_2539, %swap3A_2540] {strides = array<i32>} : memref<16x128xi32, #tpu.memory_space<vmem>>, vector<16xi32>,
    tpu.vector_store %arg9[%swap3A_2539, %swap3A_2540], %gather3A_2537 {strides = array<i32>} : memref<16x128xi32, #tpu.memory_space<vmem>>, vector<16xi32>,
    %get3A_2542 = arith.constant 64 : index
    %get3A_2543 = tpu.vector_load %arg6[%get3A_2542] {strides = array<i32>} : memref<128xi32, #tpu.memory_space<vmem>>, vector<16xi32>,
    %get3A_2544 = arith.constant 64 : index
    %get3A_2545 = tpu.vector_load %arg7[%get3A_2544] {strides = array<i32>} : memref<128xi32, #tpu.memory_space<vmem>>, vector<16xi32>,
    %sub3A_2546 = arith.subi %gather3A_2456, %get3A_2545 : vector<16xi32>
    %max3A_2547 = arith.constant 0 : i32
    %max3A_2548 = vector.broadcast %max3A_2547 : i32 to vector<16xi32>
    %max3A_2549 = arith.maxsi %sub3A_2546, %max3A_2548 : vector<16xi32>
    %sub3A_2550 = arith.subi %get3A_2543, %gather3A_2457 : vector<16xi32>
    %max3A_2551 = arith.constant 0 : i32
    %max3A_2552 = vector.broadcast %max3A_2551 : i32 to vector<16xi32>
    %max3A_2553 = arith.maxsi %sub3A_2550, %max3A_2552 : vector<16xi32>
    %add3A_2554 = arith.addi %max3A_2549, %max3A_2553 : vector<16xi32>
    %min3A_2555 = arith.constant 2047 : i32
    %min3A_2556 = vector.broadcast %min3A_2555 : i32 to vector<16xi32>
    %min3A_2557 = arith.minsi %add3A_2554, %min3A_2556 : vector<16xi32>
    %gather3A_2558 = tpu.vector_load_idx %arg8[%min3A_2557] : memref<2048xi32, #tpu.memory_space<vmem>>[vector<16xi32>], vector<16xi32>,
    %swap3A_2559 = arith.constant 14 : i32
    %swap3A_2560 = arith.index_cast %swap3A_2559 : i32 to index
    %swap3A_2561 = arith.constant 64 : index
    %swap3A_2562 = tpu.vector_load %arg9[%swap3A_2560, %swap3A_2561] {strides = array<i32>} : memref<16x128xi32, #tpu.memory_space<vmem>>, vector<16xi32>,
    tpu.vector_store %arg9[%swap3A_2560, %swap3A_2561], %gather3A_2558 {strides = array<i32>} : memref<16x128xi32, #tpu.memory_space<vmem>>, vector<16xi32>,
    %get3A_2563 = arith.constant 80 : index
    %get3A_2564 = tpu.vector_load %arg6[%get3A_2563] {strides = array<i32>} : memref<128xi32, #tpu.memory_space<vmem>>, vector<16xi32>,
    %get3A_2565 = arith.constant 80 : index
    %get3A_2566 = tpu.vector_load %arg7[%get3A_2565] {strides = array<i32>} : memref<128xi32, #tpu.memory_space<vmem>>, vector<16xi32>,
    %sub3A_2567 = arith.subi %gather3A_2456, %get3A_2566 : vector<16xi32>
    %max3A_2568 = arith.constant 0 : i32
    %max3A_2569 = vector.broadcast %max3A_2568 : i32 to vector<16xi32>
    %max3A_2570 = arith.maxsi %sub3A_2567, %max3A_2569 : vector<16xi32>
    %sub3A_2571 = arith.subi %get3A_2564, %gather3A_2457 : vector<16xi32>
    %max3A_2572 = arith.constant 0 : i32
    %max3A_2573 = vector.broadcast %max3A_2572 : i32 to vector<16xi32>
    %max3A_2574 = arith.maxsi %sub3A_2571, %max3A_2573 : vector<16xi32>
    %add3A_2575 = arith.addi %max3A_2570, %max3A_2574 : vector<16xi32>
    %min3A_2576 = arith.constant 2047 : i32
    %min3A_2577 = vector.broadcast %min3A_2576 : i32 to vector<16xi32>
    %min3A_2578 = arith.minsi %add3A_2575, %min3A_2577 : vector<16xi32>
    %gather3A_2579 = tpu.vector_load_idx %arg8[%min3A_2578] : memref<2048xi32, #tpu.memory_space<vmem>>[vector<16xi32>], vector<16xi32>,
    %swap3A_2580 = arith.constant 14 : i32
    %swap3A_2581 = arith.index_cast %swap3A_2580 : i32 to index
    %swap3A_2582 = arith.constant 80 : index
    %swap3A_2583 = tpu.vector_load %arg9[%swap3A_2581, %swap3A_2582] {strides = array<i32>} : memref<16x128xi32, #tpu.memory_space<vmem>>, vector<16xi32>,
    tpu.vector_store %arg9[%swap3A_2581, %swap3A_2582], %gather3A_2579 {strides = array<i32>} : memref<16x128xi32, #tpu.memory_space<vmem>>, vector<16xi32>,
    %get3A_2584 = arith.constant 96 : index
    %get3A_2585 = tpu.vector_load %arg6[%get3A_2584] {strides = array<i32>} : memref<128xi32, #tpu.memory_space<vmem>>, vector<16xi32>,
    %get3A_2586 = arith.constant 96 : index
    %get3A_2587 = tpu.vector_load %arg7[%get3A_2586] {strides = array<i32>} : memref<128xi32, #tpu.memory_space<vmem>>, vector<16xi32>,
    %sub3A_2588 = arith.subi %gather3A_2456, %get3A_2587 : vector<16xi32>
    %max3A_2589 = arith.constant 0 : i32
    %max3A_2590 = vector.broadcast %max3A_2589 : i32 to vector<16xi32>
    %max3A_2591 = arith.maxsi %sub3A_2588, %max3A_2590 : vector<16xi32>
    %sub3A_2592 = arith.subi %get3A_2585, %gather3A_2457 : vector<16xi32>
    %max3A_2593 = arith.constant 0 : i32
    %max3A_2594 = vector.broadcast %max3A_2593 : i32 to vector<16xi32>
    %max3A_2595 = arith.maxsi %sub3A_2592, %max3A_2594 : vector<16xi32>
    %add3A_2596 = arith.addi %max3A_2591, %max3A_2595 : vector<16xi32>
    %min3A_2597 = arith.constant 2047 : i32
    %min3A_2598 = vector.broadcast %min3A_2597 : i32 to vector<16xi32>
    %min3A_2599 = arith.minsi %add3A_2596, %min3A_2598 : vector<16xi32>
    %gather3A_2600 = tpu.vector_load_idx %arg8[%min3A_2599] : memref<2048xi32, #tpu.memory_space<vmem>>[vector<16xi32>], vector<16xi32>,
    %swap3A_2601 = arith.constant 14 : i32
    %swap3A_2602 = arith.index_cast %swap3A_2601 : i32 to index
    %swap3A_2603 = arith.constant 96 : index
    %swap3A_2604 = tpu.vector_load %arg9[%swap3A_2602, %swap3A_2603] {strides = array<i32>} : memref<16x128xi32, #tpu.memory_space<vmem>>, vector<16xi32>,
    tpu.vector_store %arg9[%swap3A_2602, %swap3A_2603], %gather3A_2600 {strides = array<i32>} : memref<16x128xi32, #tpu.memory_space<vmem>>, vector<16xi32>,
    %get3A_2605 = arith.constant 112 : index
    %get3A_2606 = tpu.vector_load %arg6[%get3A_2605] {strides = array<i32>} : memref<128xi32, #tpu.memory_space<vmem>>, vector<16xi32>,
    %get3A_2607 = arith.constant 112 : index
    %get3A_2608 = tpu.vector_load %arg7[%get3A_2607] {strides = array<i32>} : memref<128xi32, #tpu.memory_space<vmem>>, vector<16xi32>,
    %sub3A_2609 = arith.subi %gather3A_2456, %get3A_2608 : vector<16xi32>
    %max3A_2610 = arith.constant 0 : i32
    %max3A_2611 = vector.broadcast %max3A_2610 : i32 to vector<16xi32>
    %max3A_2612 = arith.maxsi %sub3A_2609, %max3A_2611 : vector<16xi32>
    %sub3A_2613 = arith.subi %get3A_2606, %gather3A_2457 : vector<16xi32>
    %max3A_2614 = arith.constant 0 : i32
    %max3A_2615 = vector.broadcast %max3A_2614 : i32 to vector<16xi32>
    %max3A_2616 = arith.maxsi %sub3A_2613, %max3A_2615 : vector<16xi32>
    %add3A_2617 = arith.addi %max3A_2612, %max3A_2616 : vector<16xi32>
    %min3A_2618 = arith.constant 2047 : i32
    %min3A_2619 = vector.broadcast %min3A_2618 : i32 to vector<16xi32>
    %min3A_2620 = arith.minsi %add3A_2617, %min3A_2619 : vector<16xi32>
    %gather3A_2621 = tpu.vector_load_idx %arg8[%min3A_2620] : memref<2048xi32, #tpu.memory_space<vmem>>[vector<16xi32>], vector<16xi32>,
    %swap3A_2622 = arith.constant 14 : i32
    %swap3A_2623 = arith.index_cast %swap3A_2622 : i32 to index
    %swap3A_2624 = arith.constant 112 : index
    %swap3A_2625 = tpu.vector_load %arg9[%swap3A_2623, %swap3A_2624] {strides = array<i32>} : memref<16x128xi32, #tpu.memory_space<vmem>>, vector<16xi32>,
    tpu.vector_store %arg9[%swap3A_2623, %swap3A_2624], %gather3A_2621 {strides = array<i32>} : memref<16x128xi32, #tpu.memory_space<vmem>>, vector<16xi32>,
    %add3A_2626 = arith.constant 15 : i32
    %add3A_2627 = arith.addi %select_n3A_36, %add3A_2626 : i32
    %broadcast_in_dim3A_2628 = vector.broadcast %add3A_2627 : i32 to vector<16xi32>
    %gather3A_2629 = tpu.vector_load_idx %arg6[%broadcast_in_dim3A_2628] : memref<128xi32, #tpu.memory_space<vmem>>[vector<16xi32>], vector<16xi32>,
    %gather3A_2630 = tpu.vector_load_idx %arg7[%broadcast_in_dim3A_2628] : memref<128xi32, #tpu.memory_space<vmem>>[vector<16xi32>], vector<16xi32>,
    %get3A_2631 = arith.constant 0 : index
    %get3A_2632 = tpu.vector_load %arg6[%get3A_2631] {strides = array<i32>} : memref<128xi32, #tpu.memory_space<vmem>>, vector<16xi32>,
    %get3A_2633 = arith.constant 0 : index
    %get3A_2634 = tpu.vector_load %arg7[%get3A_2633] {strides = array<i32>} : memref<128xi32, #tpu.memory_space<vmem>>, vector<16xi32>,
    %sub3A_2635 = arith.subi %gather3A_2629, %get3A_2634 : vector<16xi32>
    %max3A_2636 = arith.constant 0 : i32
    %max3A_2637 = vector.broadcast %max3A_2636 : i32 to vector<16xi32>
    %max3A_2638 = arith.maxsi %sub3A_2635, %max3A_2637 : vector<16xi32>
    %sub3A_2639 = arith.subi %get3A_2632, %gather3A_2630 : vector<16xi32>
    %max3A_2640 = arith.constant 0 : i32
    %max3A_2641 = vector.broadcast %max3A_2640 : i32 to vector<16xi32>
    %max3A_2642 = arith.maxsi %sub3A_2639, %max3A_2641 : vector<16xi32>
    %add3A_2643 = arith.addi %max3A_2638, %max3A_2642 : vector<16xi32>
    %min3A_2644 = arith.constant 2047 : i32
    %min3A_2645 = vector.broadcast %min3A_2644 : i32 to vector<16xi32>
    %min3A_2646 = arith.minsi %add3A_2643, %min3A_2645 : vector<16xi32>
    %gather3A_2647 = tpu.vector_load_idx %arg8[%min3A_2646] : memref<2048xi32, #tpu.memory_space<vmem>>[vector<16xi32>], vector<16xi32>,
    %swap3A_2648 = arith.constant 15 : i32
    %swap3A_2649 = arith.index_cast %swap3A_2648 : i32 to index
    %swap3A_2650 = arith.constant 0 : index
    %swap3A_2651 = tpu.vector_load %arg9[%swap3A_2649, %swap3A_2650] {strides = array<i32>} : memref<16x128xi32, #tpu.memory_space<vmem>>, vector<16xi32>,
    tpu.vector_store %arg9[%swap3A_2649, %swap3A_2650], %gather3A_2647 {strides = array<i32>} : memref<16x128xi32, #tpu.memory_space<vmem>>, vector<16xi32>,
    %get3A_2652 = arith.constant 16 : index
    %get3A_2653 = tpu.vector_load %arg6[%get3A_2652] {strides = array<i32>} : memref<128xi32, #tpu.memory_space<vmem>>, vector<16xi32>,
    %get3A_2654 = arith.constant 16 : index
    %get3A_2655 = tpu.vector_load %arg7[%get3A_2654] {strides = array<i32>} : memref<128xi32, #tpu.memory_space<vmem>>, vector<16xi32>,
    %sub3A_2656 = arith.subi %gather3A_2629, %get3A_2655 : vector<16xi32>
    %max3A_2657 = arith.constant 0 : i32
    %max3A_2658 = vector.broadcast %max3A_2657 : i32 to vector<16xi32>
    %max3A_2659 = arith.maxsi %sub3A_2656, %max3A_2658 : vector<16xi32>
    %sub3A_2660 = arith.subi %get3A_2653, %gather3A_2630 : vector<16xi32>
    %max3A_2661 = arith.constant 0 : i32
    %max3A_2662 = vector.broadcast %max3A_2661 : i32 to vector<16xi32>
    %max3A_2663 = arith.maxsi %sub3A_2660, %max3A_2662 : vector<16xi32>
    %add3A_2664 = arith.addi %max3A_2659, %max3A_2663 : vector<16xi32>
    %min3A_2665 = arith.constant 2047 : i32
    %min3A_2666 = vector.broadcast %min3A_2665 : i32 to vector<16xi32>
    %min3A_2667 = arith.minsi %add3A_2664, %min3A_2666 : vector<16xi32>
    %gather3A_2668 = tpu.vector_load_idx %arg8[%min3A_2667] : memref<2048xi32, #tpu.memory_space<vmem>>[vector<16xi32>], vector<16xi32>,
    %swap3A_2669 = arith.constant 15 : i32
    %swap3A_2670 = arith.index_cast %swap3A_2669 : i32 to index
    %swap3A_2671 = arith.constant 16 : index
    %swap3A_2672 = tpu.vector_load %arg9[%swap3A_2670, %swap3A_2671] {strides = array<i32>} : memref<16x128xi32, #tpu.memory_space<vmem>>, vector<16xi32>,
    tpu.vector_store %arg9[%swap3A_2670, %swap3A_2671], %gather3A_2668 {strides = array<i32>} : memref<16x128xi32, #tpu.memory_space<vmem>>, vector<16xi32>,
    %get3A_2673 = arith.constant 32 : index
    %get3A_2674 = tpu.vector_load %arg6[%get3A_2673] {strides = array<i32>} : memref<128xi32, #tpu.memory_space<vmem>>, vector<16xi32>,
    %get3A_2675 = arith.constant 32 : index
    %get3A_2676 = tpu.vector_load %arg7[%get3A_2675] {strides = array<i32>} : memref<128xi32, #tpu.memory_space<vmem>>, vector<16xi32>,
    %sub3A_2677 = arith.subi %gather3A_2629, %get3A_2676 : vector<16xi32>
    %max3A_2678 = arith.constant 0 : i32
    %max3A_2679 = vector.broadcast %max3A_2678 : i32 to vector<16xi32>
    %max3A_2680 = arith.maxsi %sub3A_2677, %max3A_2679 : vector<16xi32>
    %sub3A_2681 = arith.subi %get3A_2674, %gather3A_2630 : vector<16xi32>
    %max3A_2682 = arith.constant 0 : i32
    %max3A_2683 = vector.broadcast %max3A_2682 : i32 to vector<16xi32>
    %max3A_2684 = arith.maxsi %sub3A_2681, %max3A_2683 : vector<16xi32>
    %add3A_2685 = arith.addi %max3A_2680, %max3A_2684 : vector<16xi32>
    %min3A_2686 = arith.constant 2047 : i32
    %min3A_2687 = vector.broadcast %min3A_2686 : i32 to vector<16xi32>
    %min3A_2688 = arith.minsi %add3A_2685, %min3A_2687 : vector<16xi32>
    %gather3A_2689 = tpu.vector_load_idx %arg8[%min3A_2688] : memref<2048xi32, #tpu.memory_space<vmem>>[vector<16xi32>], vector<16xi32>,
    %swap3A_2690 = arith.constant 15 : i32
    %swap3A_2691 = arith.index_cast %swap3A_2690 : i32 to index
    %swap3A_2692 = arith.constant 32 : index
    %swap3A_2693 = tpu.vector_load %arg9[%swap3A_2691, %swap3A_2692] {strides = array<i32>} : memref<16x128xi32, #tpu.memory_space<vmem>>, vector<16xi32>,
    tpu.vector_store %arg9[%swap3A_2691, %swap3A_2692], %gather3A_2689 {strides = array<i32>} : memref<16x128xi32, #tpu.memory_space<vmem>>, vector<16xi32>,
    %get3A_2694 = arith.constant 48 : index
    %get3A_2695 = tpu.vector_load %arg6[%get3A_2694] {strides = array<i32>} : memref<128xi32, #tpu.memory_space<vmem>>, vector<16xi32>,
    %get3A_2696 = arith.constant 48 : index
    %get3A_2697 = tpu.vector_load %arg7[%get3A_2696] {strides = array<i32>} : memref<128xi32, #tpu.memory_space<vmem>>, vector<16xi32>,
    %sub3A_2698 = arith.subi %gather3A_2629, %get3A_2697 : vector<16xi32>
    %max3A_2699 = arith.constant 0 : i32
    %max3A_2700 = vector.broadcast %max3A_2699 : i32 to vector<16xi32>
    %max3A_2701 = arith.maxsi %sub3A_2698, %max3A_2700 : vector<16xi32>
    %sub3A_2702 = arith.subi %get3A_2695, %gather3A_2630 : vector<16xi32>
    %max3A_2703 = arith.constant 0 : i32
    %max3A_2704 = vector.broadcast %max3A_2703 : i32 to vector<16xi32>
    %max3A_2705 = arith.maxsi %sub3A_2702, %max3A_2704 : vector<16xi32>
    %add3A_2706 = arith.addi %max3A_2701, %max3A_2705 : vector<16xi32>
    %min3A_2707 = arith.constant 2047 : i32
    %min3A_2708 = vector.broadcast %min3A_2707 : i32 to vector<16xi32>
    %min3A_2709 = arith.minsi %add3A_2706, %min3A_2708 : vector<16xi32>
    %gather3A_2710 = tpu.vector_load_idx %arg8[%min3A_2709] : memref<2048xi32, #tpu.memory_space<vmem>>[vector<16xi32>], vector<16xi32>,
    %swap3A_2711 = arith.constant 15 : i32
    %swap3A_2712 = arith.index_cast %swap3A_2711 : i32 to index
    %swap3A_2713 = arith.constant 48 : index
    %swap3A_2714 = tpu.vector_load %arg9[%swap3A_2712, %swap3A_2713] {strides = array<i32>} : memref<16x128xi32, #tpu.memory_space<vmem>>, vector<16xi32>,
    tpu.vector_store %arg9[%swap3A_2712, %swap3A_2713], %gather3A_2710 {strides = array<i32>} : memref<16x128xi32, #tpu.memory_space<vmem>>, vector<16xi32>,
    %get3A_2715 = arith.constant 64 : index
    %get3A_2716 = tpu.vector_load %arg6[%get3A_2715] {strides = array<i32>} : memref<128xi32, #tpu.memory_space<vmem>>, vector<16xi32>,
    %get3A_2717 = arith.constant 64 : index
    %get3A_2718 = tpu.vector_load %arg7[%get3A_2717] {strides = array<i32>} : memref<128xi32, #tpu.memory_space<vmem>>, vector<16xi32>,
    %sub3A_2719 = arith.subi %gather3A_2629, %get3A_2718 : vector<16xi32>
    %max3A_2720 = arith.constant 0 : i32
    %max3A_2721 = vector.broadcast %max3A_2720 : i32 to vector<16xi32>
    %max3A_2722 = arith.maxsi %sub3A_2719, %max3A_2721 : vector<16xi32>
    %sub3A_2723 = arith.subi %get3A_2716, %gather3A_2630 : vector<16xi32>
    %max3A_2724 = arith.constant 0 : i32
    %max3A_2725 = vector.broadcast %max3A_2724 : i32 to vector<16xi32>
    %max3A_2726 = arith.maxsi %sub3A_2723, %max3A_2725 : vector<16xi32>
    %add3A_2727 = arith.addi %max3A_2722, %max3A_2726 : vector<16xi32>
    %min3A_2728 = arith.constant 2047 : i32
    %min3A_2729 = vector.broadcast %min3A_2728 : i32 to vector<16xi32>
    %min3A_2730 = arith.minsi %add3A_2727, %min3A_2729 : vector<16xi32>
    %gather3A_2731 = tpu.vector_load_idx %arg8[%min3A_2730] : memref<2048xi32, #tpu.memory_space<vmem>>[vector<16xi32>], vector<16xi32>,
    %swap3A_2732 = arith.constant 15 : i32
    %swap3A_2733 = arith.index_cast %swap3A_2732 : i32 to index
    %swap3A_2734 = arith.constant 64 : index
    %swap3A_2735 = tpu.vector_load %arg9[%swap3A_2733, %swap3A_2734] {strides = array<i32>} : memref<16x128xi32, #tpu.memory_space<vmem>>, vector<16xi32>,
    tpu.vector_store %arg9[%swap3A_2733, %swap3A_2734], %gather3A_2731 {strides = array<i32>} : memref<16x128xi32, #tpu.memory_space<vmem>>, vector<16xi32>,
    %get3A_2736 = arith.constant 80 : index
    %get3A_2737 = tpu.vector_load %arg6[%get3A_2736] {strides = array<i32>} : memref<128xi32, #tpu.memory_space<vmem>>, vector<16xi32>,
    %get3A_2738 = arith.constant 80 : index
    %get3A_2739 = tpu.vector_load %arg7[%get3A_2738] {strides = array<i32>} : memref<128xi32, #tpu.memory_space<vmem>>, vector<16xi32>,
    %sub3A_2740 = arith.subi %gather3A_2629, %get3A_2739 : vector<16xi32>
    %max3A_2741 = arith.constant 0 : i32
    %max3A_2742 = vector.broadcast %max3A_2741 : i32 to vector<16xi32>
    %max3A_2743 = arith.maxsi %sub3A_2740, %max3A_2742 : vector<16xi32>
    %sub3A_2744 = arith.subi %get3A_2737, %gather3A_2630 : vector<16xi32>
    %max3A_2745 = arith.constant 0 : i32
    %max3A_2746 = vector.broadcast %max3A_2745 : i32 to vector<16xi32>
    %max3A_2747 = arith.maxsi %sub3A_2744, %max3A_2746 : vector<16xi32>
    %add3A_2748 = arith.addi %max3A_2743, %max3A_2747 : vector<16xi32>
    %min3A_2749 = arith.constant 2047 : i32
    %min3A_2750 = vector.broadcast %min3A_2749 : i32 to vector<16xi32>
    %min3A_2751 = arith.minsi %add3A_2748, %min3A_2750 : vector<16xi32>
    %gather3A_2752 = tpu.vector_load_idx %arg8[%min3A_2751] : memref<2048xi32, #tpu.memory_space<vmem>>[vector<16xi32>], vector<16xi32>,
    %swap3A_2753 = arith.constant 15 : i32
    %swap3A_2754 = arith.index_cast %swap3A_2753 : i32 to index
    %swap3A_2755 = arith.constant 80 : index
    %swap3A_2756 = tpu.vector_load %arg9[%swap3A_2754, %swap3A_2755] {strides = array<i32>} : memref<16x128xi32, #tpu.memory_space<vmem>>, vector<16xi32>,
    tpu.vector_store %arg9[%swap3A_2754, %swap3A_2755], %gather3A_2752 {strides = array<i32>} : memref<16x128xi32, #tpu.memory_space<vmem>>, vector<16xi32>,
    %get3A_2757 = arith.constant 96 : index
    %get3A_2758 = tpu.vector_load %arg6[%get3A_2757] {strides = array<i32>} : memref<128xi32, #tpu.memory_space<vmem>>, vector<16xi32>,
    %get3A_2759 = arith.constant 96 : index
    %get3A_2760 = tpu.vector_load %arg7[%get3A_2759] {strides = array<i32>} : memref<128xi32, #tpu.memory_space<vmem>>, vector<16xi32>,
    %sub3A_2761 = arith.subi %gather3A_2629, %get3A_2760 : vector<16xi32>
    %max3A_2762 = arith.constant 0 : i32
    %max3A_2763 = vector.broadcast %max3A_2762 : i32 to vector<16xi32>
    %max3A_2764 = arith.maxsi %sub3A_2761, %max3A_2763 : vector<16xi32>
    %sub3A_2765 = arith.subi %get3A_2758, %gather3A_2630 : vector<16xi32>
    %max3A_2766 = arith.constant 0 : i32
    %max3A_2767 = vector.broadcast %max3A_2766 : i32 to vector<16xi32>
    %max3A_2768 = arith.maxsi %sub3A_2765, %max3A_2767 : vector<16xi32>
    %add3A_2769 = arith.addi %max3A_2764, %max3A_2768 : vector<16xi32>
    %min3A_2770 = arith.constant 2047 : i32
    %min3A_2771 = vector.broadcast %min3A_2770 : i32 to vector<16xi32>
    %min3A_2772 = arith.minsi %add3A_2769, %min3A_2771 : vector<16xi32>
    %gather3A_2773 = tpu.vector_load_idx %arg8[%min3A_2772] : memref<2048xi32, #tpu.memory_space<vmem>>[vector<16xi32>], vector<16xi32>,
    %swap3A_2774 = arith.constant 15 : i32
    %swap3A_2775 = arith.index_cast %swap3A_2774 : i32 to index
    %swap3A_2776 = arith.constant 96 : index
    %swap3A_2777 = tpu.vector_load %arg9[%swap3A_2775, %swap3A_2776] {strides = array<i32>} : memref<16x128xi32, #tpu.memory_space<vmem>>, vector<16xi32>,
    tpu.vector_store %arg9[%swap3A_2775, %swap3A_2776], %gather3A_2773 {strides = array<i32>} : memref<16x128xi32, #tpu.memory_space<vmem>>, vector<16xi32>,
    %get3A_2778 = arith.constant 112 : index
    %get3A_2779 = tpu.vector_load %arg6[%get3A_2778] {strides = array<i32>} : memref<128xi32, #tpu.memory_space<vmem>>, vector<16xi32>,
    %get3A_2780 = arith.constant 112 : index
    %get3A_2781 = tpu.vector_load %arg7[%get3A_2780] {strides = array<i32>} : memref<128xi32, #tpu.memory_space<vmem>>, vector<16xi32>,
    %sub3A_2782 = arith.subi %gather3A_2629, %get3A_2781 : vector<16xi32>
    %max3A_2783 = arith.constant 0 : i32
    %max3A_2784 = vector.broadcast %max3A_2783 : i32 to vector<16xi32>
    %max3A_2785 = arith.maxsi %sub3A_2782, %max3A_2784 : vector<16xi32>
    %sub3A_2786 = arith.subi %get3A_2779, %gather3A_2630 : vector<16xi32>
    %max3A_2787 = arith.constant 0 : i32
    %max3A_2788 = vector.broadcast %max3A_2787 : i32 to vector<16xi32>
    %max3A_2789 = arith.maxsi %sub3A_2786, %max3A_2788 : vector<16xi32>
    %add3A_2790 = arith.addi %max3A_2785, %max3A_2789 : vector<16xi32>
    %min3A_2791 = arith.constant 2047 : i32
    %min3A_2792 = vector.broadcast %min3A_2791 : i32 to vector<16xi32>
    %min3A_2793 = arith.minsi %add3A_2790, %min3A_2792 : vector<16xi32>
    %gather3A_2794 = tpu.vector_load_idx %arg8[%min3A_2793] : memref<2048xi32, #tpu.memory_space<vmem>>[vector<16xi32>], vector<16xi32>,
    %swap3A_2795 = arith.constant 15 : i32
    %swap3A_2796 = arith.index_cast %swap3A_2795 : i32 to index
    %swap3A_2797 = arith.constant 112 : index
    %swap3A_2798 = tpu.vector_load %arg9[%swap3A_2796, %swap3A_2797] {strides = array<i32>} : memref<16x128xi32, #tpu.memory_space<vmem>>, vector<16xi32>,
    tpu.vector_store %arg9[%swap3A_2796, %swap3A_2797], %gather3A_2794 {strides = array<i32>} : memref<16x128xi32, #tpu.memory_space<vmem>>, vector<16xi32>,
    "tpu.region"() ({
      %run_scoped3A = tpu.sem_alloc : memref<!tpu.dma_semaphore, #tpu.memory_space<semaphore_mem>>
      %dma_start3A = arith.constant 0 : i32
      %dma_start3A_2799 = tpu.memref_slice %arg5[%mul3A_2, %dma_start3A] : memref<512x128xi32, #tpu.memory_space<hbm>> -> memref<16x128xi32, #tpu.memory_space<hbm>>
      %dma_start3A_2800 = arith.constant 0 : i32
      %dma_start3A_2801 = tpu.memref_slice %arg5[%mul3A_2, %dma_start3A_2800] : memref<512x128xi32, #tpu.memory_space<hbm>> -> memref<16x128xi32, #tpu.memory_space<hbm>>
      tpu.enqueue_dma source(%arg9 : memref<16x128xi32, #tpu.memory_space<vmem>>) target(%dma_start3A_2801 : memref<16x128xi32, #tpu.memory_space<hbm>>) target_semaphore(%run_scoped3A : memref<!tpu.dma_semaphore, #tpu.memory_space<semaphore_mem>>)
      %dma_wait3A = arith.constant 0 : i32
      %dma_wait3A_2802 = tpu.memref_slice %arg5[%mul3A_2, %dma_wait3A] : memref<512x128xi32, #tpu.memory_space<hbm>> -> memref<16x128xi32, #tpu.memory_space<hbm>>
      %dma_wait3A_2803 = arith.constant 0 : i32
      %dma_wait3A_2804 = tpu.memref_slice %arg5[%mul3A_2, %dma_wait3A_2803] : memref<512x128xi32, #tpu.memory_space<hbm>> -> memref<16x128xi32, #tpu.memory_space<hbm>>
      tpu.wait_dma2 semaphore(%run_scoped3A : memref<!tpu.dma_semaphore, #tpu.memory_space<semaphore_mem>>) src(%arg9 : memref<16x128xi32, #tpu.memory_space<vmem>>) dst(%dma_wait3A_2804 : memref<16x128xi32, #tpu.memory_space<hbm>>)
      tpu.yield
    }) : () -> ()
    return
  }
}

module attributes {stable_mosaic.version = 14 : i64} {
  func.func @body(%arg0: i32, %arg1: memref<1x128x128xf32, #tpu.memory_space<vmem>>, %arg2: memref<16x128xi32, #tpu.memory_space<vmem>>, %arg3: memref<32x64xf32, #tpu.memory_space<vmem>>, %arg4: memref<512x128x448xf32, #tpu.memory_space<any>>, %arg5: memref<8x16x128x448xf32, #tpu.memory_space<vmem>>, %arg6: memref<8x!tpu.dma_semaphore, #tpu.memory_space<semaphore_mem>>) attributes {dimension_semantics = [#tpu.dimension_semantics<arbitrary>], iteration_bounds = array<i64: 32>, scalar_prefetch = 0 : i64, scratch_operands = 2 : i64, tpu.core_type = #tpu.core_type<tc>, window_params = [{transform_indices = @transform_0, window_bounds = array<i64: 1, 128, 128>}, {transform_indices = @transform_1, window_bounds = array<i64: 16, 128>}, {pipeline_mode = #tpu.pipeline_mode<synchronous>, transform_indices = @transform_2, window_bounds = array<i64: 32, 64>}, {}]} {
    %mul3A = arith.constant 16 : i32
    %mul3A_0 = arith.muli %arg0, %mul3A : i32
    %add3A = arith.constant 0 : i32
    %add3A_1 = arith.addi %add3A, %mul3A_0 : i32
    %jit3A = arith.constant 128 : i32
    %eq3A = arith.constant 0 : i32
    %eq3A_2 = arith.cmpi eq, %jit3A, %eq3A : i32
    %jit3A_3 = arith.constant 1 : i32
    %select_n3A = arith.select %eq3A_2, %jit3A_3, %jit3A : i32
    %rem3A = arith.remsi %add3A_1, %select_n3A : i32
    %ne3A = arith.constant 0 : i32
    %ne3A_4 = arith.cmpi ne, %rem3A, %ne3A : i32
    %lt3A = arith.constant 0 : i32
    %lt3A_5 = arith.cmpi slt, %rem3A, %lt3A : i32
    %lt3A_6 = arith.constant 0 : i32
    %lt3A_7 = arith.cmpi slt, %select_n3A, %lt3A_6 : i32
    %ne3A_8 = arith.xori %lt3A_5, %lt3A_7 : i1
    %and3A = arith.andi %ne3A_8, %ne3A_4 : i1
    %add3A_9 = arith.addi %rem3A, %select_n3A : i32
    %select_n3A_10 = arith.select %and3A, %add3A_9, %rem3A : i32
    %rem3A_11 = arith.constant 8 : i32
    %rem3A_12 = arith.remsi %arg0, %rem3A_11 : i32
    %ge3A = arith.constant 8 : i32
    %ge3A_13 = arith.cmpi sge, %arg0, %ge3A : i32
    %convert_element_type3A = arith.extui %ge3A_13 : i1 to i32
    %cond3A = arith.constant 0 : i32
    %cond3A_14 = arith.cmpi ne, %convert_element_type3A, %cond3A : i32
    scf.if %cond3A_14 {
      %sub3A = arith.constant 8 : i32
      %sub3A_86 = arith.subi %arg0, %sub3A : i32
      %mul3A_87 = arith.constant 16 : i32
      %mul3A_88 = arith.muli %sub3A_86, %mul3A_87 : i32
      %dma_wait3A = tpu.memref_slice %arg6[%rem3A_12] : memref<8x!tpu.dma_semaphore, #tpu.memory_space<semaphore_mem>> -> memref<1x!tpu.dma_semaphore, #tpu.memory_space<semaphore_mem>>
      %dma_wait3A_89 = tpu.memref_squeeze %dma_wait3A : memref<1x!tpu.dma_semaphore, #tpu.memory_space<semaphore_mem>> -> memref<!tpu.dma_semaphore, #tpu.memory_space<semaphore_mem>>
      %dma_wait3A_90 = arith.constant 0 : i32
      %dma_wait3A_91 = arith.constant 0 : i32
      %dma_wait3A_92 = tpu.memref_slice %arg4[%mul3A_88, %dma_wait3A_90, %dma_wait3A_91] : memref<512x128x448xf32, #tpu.memory_space<any>> -> memref<16x128x448xf32, #tpu.memory_space<any>>
      %dma_wait3A_93 = arith.constant 0 : i32
      %dma_wait3A_94 = arith.constant 0 : i32
      %dma_wait3A_95 = arith.constant 0 : i32
      %dma_wait3A_96 = tpu.memref_slice %arg5[%rem3A_12, %dma_wait3A_93, %dma_wait3A_94, %dma_wait3A_95] : memref<8x16x128x448xf32, #tpu.memory_space<vmem>> -> memref<1x16x128x448xf32, #tpu.memory_space<vmem>>
      %dma_wait3A_97 = tpu.memref_squeeze %dma_wait3A_96 : memref<1x16x128x448xf32, #tpu.memory_space<vmem>> -> memref<16x128x448xf32, #tpu.memory_space<vmem>>
      tpu.wait_dma2 semaphore(%dma_wait3A_89 : memref<!tpu.dma_semaphore, #tpu.memory_space<semaphore_mem>>) src(%dma_wait3A_97 : memref<16x128x448xf32, #tpu.memory_space<vmem>>) dst(%dma_wait3A_92 : memref<16x128x448xf32, #tpu.memory_space<any>>)
    } else {
    }
    %get3A = arith.constant 0 : index
    %get3A_15 = arith.constant 0 : index
    %get3A_16 = arith.constant 0 : index
    %get3A_17 = vector.load %arg1[%get3A, %get3A_15, %get3A_16] : memref<1x128x128xf32, #tpu.memory_space<vmem>>, vector<1x128x128xf32>
    %get3A_18 = vector.shape_cast %get3A_17 : vector<1x128x128xf32> to vector<128x128xf32>
    %get3A_19 = arith.constant 0 : index
    %get3A_20 = arith.index_cast %select_n3A_10 : i32 to index
    %get3A_21 = arith.constant 0 : index
    %get3A_22 = vector.load %arg1[%get3A_19, %get3A_20, %get3A_21] : memref<1x128x128xf32, #tpu.memory_space<vmem>>, vector<1x16x128xf32>
    %get3A_23 = vector.shape_cast %get3A_22 : vector<1x16x128xf32> to vector<16x128xf32>
    %broadcast_in_dim3A = vector.shape_cast %get3A_23 : vector<16x128xf32> to vector<16x1x128xf32>
    %broadcast_in_dim3A_24 = vector.shape_cast %broadcast_in_dim3A : vector<16x1x128xf32> to vector<16x1x128xf32>
    %broadcast_in_dim3A_25 = vector.broadcast %broadcast_in_dim3A_24 : vector<16x1x128xf32> to vector<16x128x128xf32>
    %broadcast_in_dim3A_26 = vector.shape_cast %get3A_18 : vector<128x128xf32> to vector<1x128x128xf32>
    %broadcast_in_dim3A_27 = vector.shape_cast %broadcast_in_dim3A_26 : vector<1x128x128xf32> to vector<1x128x128xf32>
    %broadcast_in_dim3A_28 = vector.broadcast %broadcast_in_dim3A_27 : vector<1x128x128xf32> to vector<16x128x128xf32>
    %get3A_29 = arith.constant 0 : index
    %get3A_30 = arith.constant 0 : index
    %get3A_31 = vector.load %arg2[%get3A_29, %get3A_30] : memref<16x128xi32, #tpu.memory_space<vmem>>, vector<16x128xi32>
    %iota3A = tpu.iota {dimensions = array<i32: 2>} : vector<16x128x32xi32>
    %broadcast_in_dim3A_32 = vector.shape_cast %get3A_31 : vector<16x128xi32> to vector<16x128x1xi32>
    %eq3A_33 = vector.broadcast %broadcast_in_dim3A_32 : vector<16x128x1xi32> to vector<16x128x32xi32>
    %eq3A_34 = arith.cmpi eq, %eq3A_33, %iota3A : vector<16x128x32xi32>
    %convert_element_type3A_35 = arith.extui %eq3A_34 : vector<16x128x32xi1> to vector<16x128x32xi32>
    %convert_element_type3A_36 = arith.sitofp %convert_element_type3A_35 : vector<16x128x32xi32> to vector<16x128x32xf32>
    %reshape3A = vector.shape_cast %convert_element_type3A_36 : vector<16x128x32xf32> to vector<2048x32xf32>
    %get3A_37 = arith.constant 0 : index
    %get3A_38 = arith.constant 0 : index
    %get3A_39 = vector.load %arg3[%get3A_37, %get3A_38] : memref<32x64xf32, #tpu.memory_space<vmem>>, vector<32x64xf32>
    %dot_general3A = arith.constant dense<0.000000e+00> : vector<2048x64xf32>
    %dot_general3A_40 = tpu.matmul %reshape3A, %get3A_39, %dot_general3A {dimension_numbers = #tpu.dot_dimension_numbers<[1], [0], [0], [1], [0, 0, 1, 1], [], []>, transpose_lhs_hint = false} : vector<2048x32xf32>, vector<32x64xf32>, vector<2048x64xf32> -> vector<2048x64xf32>
    %reshape3A_41 = vector.shape_cast %dot_general3A_40 : vector<2048x64xf32> to vector<16x128x64xf32>
    %swap3A = arith.index_cast %rem3A_12 : i32 to index
    %swap3A_42 = arith.constant 0 : index
    %swap3A_43 = arith.constant 0 : index
    %swap3A_44 = arith.constant 0 : index
    %swap3A_45 = vector.load %arg5[%swap3A, %swap3A_42, %swap3A_43, %swap3A_44] : memref<8x16x128x448xf32, #tpu.memory_space<vmem>>, vector<1x16x128x128xf32>
    %swap3A_46 = vector.shape_cast %swap3A_45 : vector<1x16x128x128xf32> to vector<16x128x128xf32>
    %swap3A_47 = vector.shape_cast %broadcast_in_dim3A_25 : vector<16x128x128xf32> to vector<1x16x128x128xf32>
    tpu.vector_store %arg5[%swap3A, %swap3A_42, %swap3A_43, %swap3A_44], %swap3A_47 {strides = array<i32>} : memref<8x16x128x448xf32, #tpu.memory_space<vmem>>, vector<1x16x128x128xf32>,
    %swap3A_48 = arith.index_cast %rem3A_12 : i32 to index
    %swap3A_49 = arith.constant 0 : index
    %swap3A_50 = arith.constant 0 : index
    %swap3A_51 = arith.constant 128 : index
    %swap3A_52 = vector.load %arg5[%swap3A_48, %swap3A_49, %swap3A_50, %swap3A_51] : memref<8x16x128x448xf32, #tpu.memory_space<vmem>>, vector<1x16x128x128xf32>
    %swap3A_53 = vector.shape_cast %swap3A_52 : vector<1x16x128x128xf32> to vector<16x128x128xf32>
    %swap3A_54 = vector.shape_cast %broadcast_in_dim3A_28 : vector<16x128x128xf32> to vector<1x16x128x128xf32>
    tpu.vector_store %arg5[%swap3A_48, %swap3A_49, %swap3A_50, %swap3A_51], %swap3A_54 {strides = array<i32>} : memref<8x16x128x448xf32, #tpu.memory_space<vmem>>, vector<1x16x128x128xf32>,
    %mul3A_55 = arith.mulf %broadcast_in_dim3A_25, %broadcast_in_dim3A_28 : vector<16x128x128xf32>
    %swap3A_56 = arith.index_cast %rem3A_12 : i32 to index
    %swap3A_57 = arith.constant 0 : index
    %swap3A_58 = arith.constant 0 : index
    %swap3A_59 = arith.constant 256 : index
    %swap3A_60 = vector.load %arg5[%swap3A_56, %swap3A_57, %swap3A_58, %swap3A_59] : memref<8x16x128x448xf32, #tpu.memory_space<vmem>>, vector<1x16x128x128xf32>
    %swap3A_61 = vector.shape_cast %swap3A_60 : vector<1x16x128x128xf32> to vector<16x128x128xf32>
    %swap3A_62 = vector.shape_cast %mul3A_55 : vector<16x128x128xf32> to vector<1x16x128x128xf32>
    tpu.vector_store %arg5[%swap3A_56, %swap3A_57, %swap3A_58, %swap3A_59], %swap3A_62 {strides = array<i32>} : memref<8x16x128x448xf32, #tpu.memory_space<vmem>>, vector<1x16x128x128xf32>,
    %swap3A_63 = arith.index_cast %rem3A_12 : i32 to index
    %swap3A_64 = arith.constant 0 : index
    %swap3A_65 = arith.constant 0 : index
    %swap3A_66 = arith.constant 384 : index
    %swap3A_67 = vector.load %arg5[%swap3A_63, %swap3A_64, %swap3A_65, %swap3A_66] : memref<8x16x128x448xf32, #tpu.memory_space<vmem>>, vector<1x16x128x64xf32>
    %swap3A_68 = vector.shape_cast %swap3A_67 : vector<1x16x128x64xf32> to vector<16x128x64xf32>
    %swap3A_69 = vector.shape_cast %reshape3A_41 : vector<16x128x64xf32> to vector<1x16x128x64xf32>
    tpu.vector_store %arg5[%swap3A_63, %swap3A_64, %swap3A_65, %swap3A_66], %swap3A_69 {strides = array<i32>} : memref<8x16x128x448xf32, #tpu.memory_space<vmem>>, vector<1x16x128x64xf32>,
    %mul3A_70 = arith.constant 16 : i32
    %mul3A_71 = arith.muli %arg0, %mul3A_70 : i32
    %dma_start3A = tpu.memref_slice %arg6[%rem3A_12] : memref<8x!tpu.dma_semaphore, #tpu.memory_space<semaphore_mem>> -> memref<1x!tpu.dma_semaphore, #tpu.memory_space<semaphore_mem>>
    %dma_start3A_72 = tpu.memref_squeeze %dma_start3A : memref<1x!tpu.dma_semaphore, #tpu.memory_space<semaphore_mem>> -> memref<!tpu.dma_semaphore, #tpu.memory_space<semaphore_mem>>
    %dma_start3A_73 = arith.constant 0 : i32
    %dma_start3A_74 = arith.constant 0 : i32
    %dma_start3A_75 = tpu.memref_slice %arg4[%mul3A_71, %dma_start3A_73, %dma_start3A_74] : memref<512x128x448xf32, #tpu.memory_space<any>> -> memref<16x128x448xf32, #tpu.memory_space<any>>
    %dma_start3A_76 = arith.constant 0 : i32
    %dma_start3A_77 = arith.constant 0 : i32
    %dma_start3A_78 = arith.constant 0 : i32
    %dma_start3A_79 = tpu.memref_slice %arg5[%rem3A_12, %dma_start3A_76, %dma_start3A_77, %dma_start3A_78] : memref<8x16x128x448xf32, #tpu.memory_space<vmem>> -> memref<1x16x128x448xf32, #tpu.memory_space<vmem>>
    %dma_start3A_80 = tpu.memref_squeeze %dma_start3A_79 : memref<1x16x128x448xf32, #tpu.memory_space<vmem>> -> memref<16x128x448xf32, #tpu.memory_space<vmem>>
    tpu.enqueue_dma source(%dma_start3A_80 : memref<16x128x448xf32, #tpu.memory_space<vmem>>) target(%dma_start3A_75 : memref<16x128x448xf32, #tpu.memory_space<any>>) target_semaphore(%dma_start3A_72 : memref<!tpu.dma_semaphore, #tpu.memory_space<semaphore_mem>>)
    %eq3A_81 = arith.constant 31 : i32
    %eq3A_82 = arith.cmpi eq, %arg0, %eq3A_81 : i32
    %convert_element_type3A_83 = arith.extui %eq3A_82 : i1 to i32
    %cond3A_84 = arith.constant 0 : i32
    %cond3A_85 = arith.cmpi ne, %convert_element_type3A_83, %cond3A_84 : i32
    scf.if %cond3A_85 {
      %dma_wait3A = arith.constant 0 : i32
      %dma_wait3A_86 = arith.constant 0 : i32
      %dma_wait3A_87 = tpu.memref_slice %arg6[%dma_wait3A_86] : memref<8x!tpu.dma_semaphore, #tpu.memory_space<semaphore_mem>> -> memref<1x!tpu.dma_semaphore, #tpu.memory_space<semaphore_mem>>
      %dma_wait3A_88 = tpu.memref_squeeze %dma_wait3A_87 : memref<1x!tpu.dma_semaphore, #tpu.memory_space<semaphore_mem>> -> memref<!tpu.dma_semaphore, #tpu.memory_space<semaphore_mem>>
      %dma_wait3A_89 = arith.constant 384 : i32
      %dma_wait3A_90 = arith.constant 0 : i32
      %dma_wait3A_91 = arith.constant 0 : i32
      %dma_wait3A_92 = tpu.memref_slice %arg4[%dma_wait3A_89, %dma_wait3A_90, %dma_wait3A_91] : memref<512x128x448xf32, #tpu.memory_space<any>> -> memref<16x128x448xf32, #tpu.memory_space<any>>
      %dma_wait3A_93 = arith.constant 0 : i32
      %dma_wait3A_94 = arith.constant 0 : i32
      %dma_wait3A_95 = arith.constant 0 : i32
      %dma_wait3A_96 = tpu.memref_slice %arg5[%dma_wait3A, %dma_wait3A_93, %dma_wait3A_94, %dma_wait3A_95] : memref<8x16x128x448xf32, #tpu.memory_space<vmem>> -> memref<1x16x128x448xf32, #tpu.memory_space<vmem>>
      %dma_wait3A_97 = tpu.memref_squeeze %dma_wait3A_96 : memref<1x16x128x448xf32, #tpu.memory_space<vmem>> -> memref<16x128x448xf32, #tpu.memory_space<vmem>>
      tpu.wait_dma2 semaphore(%dma_wait3A_88 : memref<!tpu.dma_semaphore, #tpu.memory_space<semaphore_mem>>) src(%dma_wait3A_97 : memref<16x128x448xf32, #tpu.memory_space<vmem>>) dst(%dma_wait3A_92 : memref<16x128x448xf32, #tpu.memory_space<any>>)
      %dma_wait3A_98 = arith.constant 1 : i32
      %dma_wait3A_99 = arith.constant 1 : i32
      %dma_wait3A_100 = tpu.memref_slice %arg6[%dma_wait3A_99] : memref<8x!tpu.dma_semaphore, #tpu.memory_space<semaphore_mem>> -> memref<1x!tpu.dma_semaphore, #tpu.memory_space<semaphore_mem>>
      %dma_wait3A_101 = tpu.memref_squeeze %dma_wait3A_100 : memref<1x!tpu.dma_semaphore, #tpu.memory_space<semaphore_mem>> -> memref<!tpu.dma_semaphore, #tpu.memory_space<semaphore_mem>>
      %dma_wait3A_102 = arith.constant 400 : i32
      %dma_wait3A_103 = arith.constant 0 : i32
      %dma_wait3A_104 = arith.constant 0 : i32
      %dma_wait3A_105 = tpu.memref_slice %arg4[%dma_wait3A_102, %dma_wait3A_103, %dma_wait3A_104] : memref<512x128x448xf32, #tpu.memory_space<any>> -> memref<16x128x448xf32, #tpu.memory_space<any>>
      %dma_wait3A_106 = arith.constant 0 : i32
      %dma_wait3A_107 = arith.constant 0 : i32
      %dma_wait3A_108 = arith.constant 0 : i32
      %dma_wait3A_109 = tpu.memref_slice %arg5[%dma_wait3A_98, %dma_wait3A_106, %dma_wait3A_107, %dma_wait3A_108] : memref<8x16x128x448xf32, #tpu.memory_space<vmem>> -> memref<1x16x128x448xf32, #tpu.memory_space<vmem>>
      %dma_wait3A_110 = tpu.memref_squeeze %dma_wait3A_109 : memref<1x16x128x448xf32, #tpu.memory_space<vmem>> -> memref<16x128x448xf32, #tpu.memory_space<vmem>>
      tpu.wait_dma2 semaphore(%dma_wait3A_101 : memref<!tpu.dma_semaphore, #tpu.memory_space<semaphore_mem>>) src(%dma_wait3A_110 : memref<16x128x448xf32, #tpu.memory_space<vmem>>) dst(%dma_wait3A_105 : memref<16x128x448xf32, #tpu.memory_space<any>>)
      %dma_wait3A_111 = arith.constant 2 : i32
      %dma_wait3A_112 = arith.constant 2 : i32
      %dma_wait3A_113 = tpu.memref_slice %arg6[%dma_wait3A_112] : memref<8x!tpu.dma_semaphore, #tpu.memory_space<semaphore_mem>> -> memref<1x!tpu.dma_semaphore, #tpu.memory_space<semaphore_mem>>
      %dma_wait3A_114 = tpu.memref_squeeze %dma_wait3A_113 : memref<1x!tpu.dma_semaphore, #tpu.memory_space<semaphore_mem>> -> memref<!tpu.dma_semaphore, #tpu.memory_space<semaphore_mem>>
      %dma_wait3A_115 = arith.constant 416 : i32
      %dma_wait3A_116 = arith.constant 0 : i32
      %dma_wait3A_117 = arith.constant 0 : i32
      %dma_wait3A_118 = tpu.memref_slice %arg4[%dma_wait3A_115, %dma_wait3A_116, %dma_wait3A_117] : memref<512x128x448xf32, #tpu.memory_space<any>> -> memref<16x128x448xf32, #tpu.memory_space<any>>
      %dma_wait3A_119 = arith.constant 0 : i32
      %dma_wait3A_120 = arith.constant 0 : i32
      %dma_wait3A_121 = arith.constant 0 : i32
      %dma_wait3A_122 = tpu.memref_slice %arg5[%dma_wait3A_111, %dma_wait3A_119, %dma_wait3A_120, %dma_wait3A_121] : memref<8x16x128x448xf32, #tpu.memory_space<vmem>> -> memref<1x16x128x448xf32, #tpu.memory_space<vmem>>
      %dma_wait3A_123 = tpu.memref_squeeze %dma_wait3A_122 : memref<1x16x128x448xf32, #tpu.memory_space<vmem>> -> memref<16x128x448xf32, #tpu.memory_space<vmem>>
      tpu.wait_dma2 semaphore(%dma_wait3A_114 : memref<!tpu.dma_semaphore, #tpu.memory_space<semaphore_mem>>) src(%dma_wait3A_123 : memref<16x128x448xf32, #tpu.memory_space<vmem>>) dst(%dma_wait3A_118 : memref<16x128x448xf32, #tpu.memory_space<any>>)
      %dma_wait3A_124 = arith.constant 3 : i32
      %dma_wait3A_125 = arith.constant 3 : i32
      %dma_wait3A_126 = tpu.memref_slice %arg6[%dma_wait3A_125] : memref<8x!tpu.dma_semaphore, #tpu.memory_space<semaphore_mem>> -> memref<1x!tpu.dma_semaphore, #tpu.memory_space<semaphore_mem>>
      %dma_wait3A_127 = tpu.memref_squeeze %dma_wait3A_126 : memref<1x!tpu.dma_semaphore, #tpu.memory_space<semaphore_mem>> -> memref<!tpu.dma_semaphore, #tpu.memory_space<semaphore_mem>>
      %dma_wait3A_128 = arith.constant 432 : i32
      %dma_wait3A_129 = arith.constant 0 : i32
      %dma_wait3A_130 = arith.constant 0 : i32
      %dma_wait3A_131 = tpu.memref_slice %arg4[%dma_wait3A_128, %dma_wait3A_129, %dma_wait3A_130] : memref<512x128x448xf32, #tpu.memory_space<any>> -> memref<16x128x448xf32, #tpu.memory_space<any>>
      %dma_wait3A_132 = arith.constant 0 : i32
      %dma_wait3A_133 = arith.constant 0 : i32
      %dma_wait3A_134 = arith.constant 0 : i32
      %dma_wait3A_135 = tpu.memref_slice %arg5[%dma_wait3A_124, %dma_wait3A_132, %dma_wait3A_133, %dma_wait3A_134] : memref<8x16x128x448xf32, #tpu.memory_space<vmem>> -> memref<1x16x128x448xf32, #tpu.memory_space<vmem>>
      %dma_wait3A_136 = tpu.memref_squeeze %dma_wait3A_135 : memref<1x16x128x448xf32, #tpu.memory_space<vmem>> -> memref<16x128x448xf32, #tpu.memory_space<vmem>>
      tpu.wait_dma2 semaphore(%dma_wait3A_127 : memref<!tpu.dma_semaphore, #tpu.memory_space<semaphore_mem>>) src(%dma_wait3A_136 : memref<16x128x448xf32, #tpu.memory_space<vmem>>) dst(%dma_wait3A_131 : memref<16x128x448xf32, #tpu.memory_space<any>>)
      %dma_wait3A_137 = arith.constant 4 : i32
      %dma_wait3A_138 = arith.constant 4 : i32
      %dma_wait3A_139 = tpu.memref_slice %arg6[%dma_wait3A_138] : memref<8x!tpu.dma_semaphore, #tpu.memory_space<semaphore_mem>> -> memref<1x!tpu.dma_semaphore, #tpu.memory_space<semaphore_mem>>
      %dma_wait3A_140 = tpu.memref_squeeze %dma_wait3A_139 : memref<1x!tpu.dma_semaphore, #tpu.memory_space<semaphore_mem>> -> memref<!tpu.dma_semaphore, #tpu.memory_space<semaphore_mem>>
      %dma_wait3A_141 = arith.constant 448 : i32
      %dma_wait3A_142 = arith.constant 0 : i32
      %dma_wait3A_143 = arith.constant 0 : i32
      %dma_wait3A_144 = tpu.memref_slice %arg4[%dma_wait3A_141, %dma_wait3A_142, %dma_wait3A_143] : memref<512x128x448xf32, #tpu.memory_space<any>> -> memref<16x128x448xf32, #tpu.memory_space<any>>
      %dma_wait3A_145 = arith.constant 0 : i32
      %dma_wait3A_146 = arith.constant 0 : i32
      %dma_wait3A_147 = arith.constant 0 : i32
      %dma_wait3A_148 = tpu.memref_slice %arg5[%dma_wait3A_137, %dma_wait3A_145, %dma_wait3A_146, %dma_wait3A_147] : memref<8x16x128x448xf32, #tpu.memory_space<vmem>> -> memref<1x16x128x448xf32, #tpu.memory_space<vmem>>
      %dma_wait3A_149 = tpu.memref_squeeze %dma_wait3A_148 : memref<1x16x128x448xf32, #tpu.memory_space<vmem>> -> memref<16x128x448xf32, #tpu.memory_space<vmem>>
      tpu.wait_dma2 semaphore(%dma_wait3A_140 : memref<!tpu.dma_semaphore, #tpu.memory_space<semaphore_mem>>) src(%dma_wait3A_149 : memref<16x128x448xf32, #tpu.memory_space<vmem>>) dst(%dma_wait3A_144 : memref<16x128x448xf32, #tpu.memory_space<any>>)
      %dma_wait3A_150 = arith.constant 5 : i32
      %dma_wait3A_151 = arith.constant 5 : i32
      %dma_wait3A_152 = tpu.memref_slice %arg6[%dma_wait3A_151] : memref<8x!tpu.dma_semaphore, #tpu.memory_space<semaphore_mem>> -> memref<1x!tpu.dma_semaphore, #tpu.memory_space<semaphore_mem>>
      %dma_wait3A_153 = tpu.memref_squeeze %dma_wait3A_152 : memref<1x!tpu.dma_semaphore, #tpu.memory_space<semaphore_mem>> -> memref<!tpu.dma_semaphore, #tpu.memory_space<semaphore_mem>>
      %dma_wait3A_154 = arith.constant 464 : i32
      %dma_wait3A_155 = arith.constant 0 : i32
      %dma_wait3A_156 = arith.constant 0 : i32
      %dma_wait3A_157 = tpu.memref_slice %arg4[%dma_wait3A_154, %dma_wait3A_155, %dma_wait3A_156] : memref<512x128x448xf32, #tpu.memory_space<any>> -> memref<16x128x448xf32, #tpu.memory_space<any>>
      %dma_wait3A_158 = arith.constant 0 : i32
      %dma_wait3A_159 = arith.constant 0 : i32
      %dma_wait3A_160 = arith.constant 0 : i32
      %dma_wait3A_161 = tpu.memref_slice %arg5[%dma_wait3A_150, %dma_wait3A_158, %dma_wait3A_159, %dma_wait3A_160] : memref<8x16x128x448xf32, #tpu.memory_space<vmem>> -> memref<1x16x128x448xf32, #tpu.memory_space<vmem>>
      %dma_wait3A_162 = tpu.memref_squeeze %dma_wait3A_161 : memref<1x16x128x448xf32, #tpu.memory_space<vmem>> -> memref<16x128x448xf32, #tpu.memory_space<vmem>>
      tpu.wait_dma2 semaphore(%dma_wait3A_153 : memref<!tpu.dma_semaphore, #tpu.memory_space<semaphore_mem>>) src(%dma_wait3A_162 : memref<16x128x448xf32, #tpu.memory_space<vmem>>) dst(%dma_wait3A_157 : memref<16x128x448xf32, #tpu.memory_space<any>>)
      %dma_wait3A_163 = arith.constant 6 : i32
      %dma_wait3A_164 = arith.constant 6 : i32
      %dma_wait3A_165 = tpu.memref_slice %arg6[%dma_wait3A_164] : memref<8x!tpu.dma_semaphore, #tpu.memory_space<semaphore_mem>> -> memref<1x!tpu.dma_semaphore, #tpu.memory_space<semaphore_mem>>
      %dma_wait3A_166 = tpu.memref_squeeze %dma_wait3A_165 : memref<1x!tpu.dma_semaphore, #tpu.memory_space<semaphore_mem>> -> memref<!tpu.dma_semaphore, #tpu.memory_space<semaphore_mem>>
      %dma_wait3A_167 = arith.constant 480 : i32
      %dma_wait3A_168 = arith.constant 0 : i32
      %dma_wait3A_169 = arith.constant 0 : i32
      %dma_wait3A_170 = tpu.memref_slice %arg4[%dma_wait3A_167, %dma_wait3A_168, %dma_wait3A_169] : memref<512x128x448xf32, #tpu.memory_space<any>> -> memref<16x128x448xf32, #tpu.memory_space<any>>
      %dma_wait3A_171 = arith.constant 0 : i32
      %dma_wait3A_172 = arith.constant 0 : i32
      %dma_wait3A_173 = arith.constant 0 : i32
      %dma_wait3A_174 = tpu.memref_slice %arg5[%dma_wait3A_163, %dma_wait3A_171, %dma_wait3A_172, %dma_wait3A_173] : memref<8x16x128x448xf32, #tpu.memory_space<vmem>> -> memref<1x16x128x448xf32, #tpu.memory_space<vmem>>
      %dma_wait3A_175 = tpu.memref_squeeze %dma_wait3A_174 : memref<1x16x128x448xf32, #tpu.memory_space<vmem>> -> memref<16x128x448xf32, #tpu.memory_space<vmem>>
      tpu.wait_dma2 semaphore(%dma_wait3A_166 : memref<!tpu.dma_semaphore, #tpu.memory_space<semaphore_mem>>) src(%dma_wait3A_175 : memref<16x128x448xf32, #tpu.memory_space<vmem>>) dst(%dma_wait3A_170 : memref<16x128x448xf32, #tpu.memory_space<any>>)
      %dma_wait3A_176 = arith.constant 7 : i32
      %dma_wait3A_177 = arith.constant 7 : i32
      %dma_wait3A_178 = tpu.memref_slice %arg6[%dma_wait3A_177] : memref<8x!tpu.dma_semaphore, #tpu.memory_space<semaphore_mem>> -> memref<1x!tpu.dma_semaphore, #tpu.memory_space<semaphore_mem>>
      %dma_wait3A_179 = tpu.memref_squeeze %dma_wait3A_178 : memref<1x!tpu.dma_semaphore, #tpu.memory_space<semaphore_mem>> -> memref<!tpu.dma_semaphore, #tpu.memory_space<semaphore_mem>>
      %dma_wait3A_180 = arith.constant 496 : i32
      %dma_wait3A_181 = arith.constant 0 : i32
      %dma_wait3A_182 = arith.constant 0 : i32
      %dma_wait3A_183 = tpu.memref_slice %arg4[%dma_wait3A_180, %dma_wait3A_181, %dma_wait3A_182] : memref<512x128x448xf32, #tpu.memory_space<any>> -> memref<16x128x448xf32, #tpu.memory_space<any>>
      %dma_wait3A_184 = arith.constant 0 : i32
      %dma_wait3A_185 = arith.constant 0 : i32
      %dma_wait3A_186 = arith.constant 0 : i32
      %dma_wait3A_187 = tpu.memref_slice %arg5[%dma_wait3A_176, %dma_wait3A_184, %dma_wait3A_185, %dma_wait3A_186] : memref<8x16x128x448xf32, #tpu.memory_space<vmem>> -> memref<1x16x128x448xf32, #tpu.memory_space<vmem>>
      %dma_wait3A_188 = tpu.memref_squeeze %dma_wait3A_187 : memref<1x16x128x448xf32, #tpu.memory_space<vmem>> -> memref<16x128x448xf32, #tpu.memory_space<vmem>>
      tpu.wait_dma2 semaphore(%dma_wait3A_179 : memref<!tpu.dma_semaphore, #tpu.memory_space<semaphore_mem>>) src(%dma_wait3A_188 : memref<16x128x448xf32, #tpu.memory_space<vmem>>) dst(%dma_wait3A_183 : memref<16x128x448xf32, #tpu.memory_space<any>>)
    } else {
    }
    return
  }
  func.func @transform_0(%arg0: i32) -> (i32, i32, i32) {
    %mul3A = arith.constant 16 : i32
    %mul3A_0 = arith.muli %arg0, %mul3A : i32
    %add3A = arith.constant 0 : i32
    %add3A_1 = arith.addi %add3A, %mul3A_0 : i32
    %jit3A = arith.constant 128 : i32
    %div3A = arith.divsi %add3A_1, %jit3A : i32
    %sign3A = arith.constant 0 : i32
    %sign3A_2 = arith.cmpi sgt, %add3A_1, %sign3A : i32
    %sign3A_3 = arith.extui %sign3A_2 : i1 to i32
    %sign3A_4 = arith.constant 0 : i32
    %sign3A_5 = arith.cmpi slt, %add3A_1, %sign3A_4 : i32
    %sign3A_6 = arith.extui %sign3A_5 : i1 to i32
    %sign3A_7 = arith.subi %sign3A_3, %sign3A_6 : i32
    %sign3A_8 = arith.constant 0 : i32
    %sign3A_9 = arith.cmpi sgt, %jit3A, %sign3A_8 : i32
    %sign3A_10 = arith.extui %sign3A_9 : i1 to i32
    %sign3A_11 = arith.constant 0 : i32
    %sign3A_12 = arith.cmpi slt, %jit3A, %sign3A_11 : i32
    %sign3A_13 = arith.extui %sign3A_12 : i1 to i32
    %sign3A_14 = arith.subi %sign3A_10, %sign3A_13 : i32
    %ne3A = arith.cmpi ne, %sign3A_7, %sign3A_14 : i32
    %rem3A = arith.remsi %add3A_1, %jit3A : i32
    %ne3A_15 = arith.constant 0 : i32
    %ne3A_16 = arith.cmpi ne, %rem3A, %ne3A_15 : i32
    %and3A = arith.andi %ne3A, %ne3A_16 : i1
    %sub3A = arith.constant 1 : i32
    %sub3A_17 = arith.subi %div3A, %sub3A : i32
    %select_n3A = arith.select %and3A, %sub3A_17, %div3A : i32
    %c0_i32 = arith.constant 0 : i32
    %c0_i32_18 = arith.constant 0 : i32
    %c0_i32_19 = arith.constant 0 : i32
    return %select_n3A, %c0_i32, %c0_i32_18 : i32, i32, i32
  }
  func.func @transform_1(%arg0: i32) -> (i32, i32) {
    %add3A = arith.constant 0 : i32
    %add3A_0 = arith.addi %add3A, %arg0 : i32
    %c0_i32 = arith.constant 0 : i32
    %c0_i32_1 = arith.constant 0 : i32
    return %add3A_0, %c0_i32 : i32, i32
  }
  func.func @transform_2(%arg0: i32) -> (i32, i32) {
    %c0_i32 = arith.constant 0 : i32
    %c0_i32_0 = arith.constant 0 : i32
    %c0_i32_1 = arith.constant 0 : i32
    return %c0_i32, %c0_i32_0 : i32, i32
  }
}

</mosaic_0001>

<sc_bundles>
// kernel: kernel.4.cloned.1.call-start
scs
__scs_entry_jumppad:
0x0: {  	(pc) =	sbr.rel $0x88, $3  }
0x1: {  	(tag) =	ssettag $0x0;
	lr =	simm.s32 $0x1  }
0x2: {  	[smem:$0x3F9D] =	sst lr;
	_ =	strace $0xD0000000  }
0x3: {  	_ = 	snop  }
0x4: {  	_ = 	snop  }
0x5: {  	_ = 	snop  }
0x6: {  	_ = 	snop  }
0x7: {  	_ = 	snop  }
__scs_overlays_trampoline_lowered:
0x8: {  	[smem:$0x3FAC] =	sst s0  }
0x9: {  	[smem:$0x3FAD] =	sst s1  }
0xa: {  	[smem:$0x3FAE] =	sst s2  }
0xb: {  	[smem:$0x3FAF] =	sst s3  }
0xc: {  	[smem:$0x3FB0] =	sst s4  }
0xd: {  	[smem:$0x3FB1] =	sst s5  }
0xe: {  	[smem:$0x3FB2] =	sst s6  }
0xf: {  	[smem:$0x3FB3] =	sst s7  }
0x10: {  	[smem:$0x3FB4] =	sst s8  }
0x11: {  	[smem:$0x3FB5] =	sst s9;
	s0 =	simm.s32 @!p0 $0x0  }
0x12: {  	s1 =	sld [smem:$0x3F9B];
	s0 =	simm.s32 @p0 $0x1  }
0x13: {  	[smem:$0x3FB6] =	sst s0;
	s0 =	simm.s32 @!p1 $0x0  }
0x14: {  	s2 =	sld [smem:$0x3F9A];
	s0 =	simm.s32 @p1 $0x1  }
0x15: {  	[smem:$0x3FB7] =	sst s0;
	s0 =	simm.s32 @!p2 $0x0  }
0x16: {  	s3 =	sld [smem:$0x3FDB];
	s0 =	simm.s32 @p2 $0x1  }
0x17: {  	s4 =	simm.s32 $0x1BF5;
	[smem:$0x3FB9] =	sst s0  }
0x18: {  	s0 =	sld [smem:$0x3F9C];
	_ =	swait.ge [sflag:s4], $0x0  }
0x19: {  	s7 =	sld [smem:$0x3F9D]  }
0x1a: {  	s8 =	sadd.s32 $0xFFFFE003, lr  }
0x1b: {  	s9 =	sadd.s32 $0xFFFFFEF7, lr;
	s5 =	simm.s32 $0xFFFFFFFF;
	p2 =	slt.u32 s8, $0xFFFFF086  }
0x1c: {  	p1 =	slt.u32 s9, $0xF7A;
	s5 =	simm.s32 @!p2 $0x0  }
0x1d: {  	s5 =	simm.s32 @p1 $0x1;
	p0 =	seq.s32 s7, s2  }
0x1e: {  	s7 =	smul.u32 @!p0 $0xF7A, s2;
	p2 =	seq.s32 @!p0 s5, $0x0  }
0x1f: {  	s9 =	smul.u32 $0xF7A, s1;
	s8 =	simm.s32 @!p0 $0x1BF5;
	p2 =	por !p2, p0  }
0x20: {  	[sflag:s8] =	ssyncset.s32 @!p0 $0xFFFFF086;
	s6 =	sadd.s32 @!p0 s3, s7;
	s7 =	simm.s32 @!p0 $0x108  }
0x21: {  	s3 =	sadd.s32 s3, s9;
	s6 =	sadd.s32 @!p0 $0x88, s6;
	s7 =	simm.s32 @p2 $0x1082  }
0x22: {  	[simem:s7], [sflag:s8] =	dma.local @!p0 [hbm:s6], $0xF7A  }
0x23: {  	s9 =	sor.u32 $0xD0000000, s2;
	s6 =	simm.s32 $0x108;
	_ =	swait.ge @!p0 [sflag:s8], $0x0  }
0x24: {  	s3 =	sadd.s32 $0x88, s3;
	s6 =	simm.s32 @!p1 $0x1082;
	[sflag:s4] =	ssyncset.s32 $0xFFFFF086  }
0x25: {  	[simem:s6], [sflag:s4] =	dma.local [hbm:s3], $0xF7A  }
0x26: {  	[smem:$0x3F9D] =	sst s1;
	(tag) =	ssettag s2;
	_ =	strace s9  }
0x27: {  	s1 =	sld [smem:$0x3FAD]  }
0x28: {  	s2 =	sld [smem:$0x3FAE]  }
0x29: {  	s4 =	sld [smem:$0x3FB0]  }
0x2a: {  	p0 =	seq.s32 s5, $0x0;
	s5 =	sld [smem:$0x3FB1]  }
0x2b: {  	s6 =	sld [smem:$0x3FB2]  }
0x2c: {  	s7 =	sld [smem:$0x3FB3]  }
0x2d: {  	s3 =	simm.s32 $0x108;
	s8 =	sld [smem:$0x3FB4]  }
0x2e: {  	s3 =	simm.s32 @!p0 $0x1082;
	s9 =	sld [smem:$0x3FB5]  }
0x2f: {  	lr =	sadd.s32 s0, s3;
	s0 =	sld [smem:$0x3FAC]  }
0x30: {  	s3 =	sld [smem:$0x3FAF]  }
0x31: {  	[smem:$0x3FB8] =	sst s10  }
0x32: {  	s10 =	sld [smem:$0x3FB6];
	_ =	sdelay $0x3  }
0x33: {  	p0 =	seq.s32 s10, $0x1;
	s10 =	sld [smem:$0x3FB8];
	_ =	sdelay $0x3  }
0x34: {  	[smem:$0x3FB8] =	sst s10  }
0x35: {  	s10 =	sld [smem:$0x3FB7];
	_ =	sdelay $0x3  }
0x36: {  	p1 =	seq.s32 s10, $0x1;
	s10 =	sld [smem:$0x3FB8];
	_ =	sdelay $0x3  }
0x37: {  	[smem:$0x3FB8] =	sst s10  }
0x38: {  	s10 =	sld [smem:$0x3FB9]  }
0x39: {  	_ = 	snop;
	(pc) =	sbr.ind lr, $3  }
0x3a: {  	_ = 	snop  }
0x3b: {  	_ = 	snop  }
0x3c: {  	p2 =	seq.s32 s10, $0x1;
	s10 =	sld [smem:$0x3FB8]  }
0x3d: {  	_ =	shalt  }
0x3e: {  	_ =	shalt  }
0x3f: {  	_ =	shalt  }
0x40: {  	_ =	shalt  }
0x41: {  	_ =	shalt  }
0x42: {  	_ =	shalt  }
0x43: {  	_ =	shalt  }
0x44: {  	_ =	shalt  }
0x45: {  	_ =	shalt  }
0x46: {  	_ =	shalt  }
0x47: {  	_ =	shalt  }
0x48: {  	_ =	shalt  }
0x49: {  	_ =	shalt  }
0x4a: {  	_ =	shalt  }
0x4b: {  	_ =	shalt  }
0x4c: {  	_ =	shalt  }
0x4d: {  	_ =	shalt  }
0x4e: {  	_ =	shalt  }
0x4f: {  	_ =	shalt  }
0x50: {  	_ =	shalt  }
0x51: {  	_ =	shalt  }
0x52: {  	_ =	shalt  }
0x53: {  	_ =	shalt  }
0x54: {  	_ =	shalt  }
0x55: {  	_ =	shalt  }
0x56: {  	_ =	shalt  }
0x57: {  	_ =	shalt  }
0x58: {  	_ =	shalt  }
0x59: {  	_ =	shalt  }
0x5a: {  	_ =	shalt  }
0x5b: {  	_ =	shalt  }
0x5c: {  	_ =	shalt  }
0x5d: {  	_ =	shalt  }
0x5e: {  	_ =	shalt  }
0x5f: {  	_ =	shalt  }
0x60: {  	_ =	shalt  }
0x61: {  	_ =	shalt  }
0x62: {  	_ =	shalt  }
0x63: {  	_ =	shalt  }
0x64: {  	_ =	shalt  }
0x65: {  	_ =	shalt  }
0x66: {  	_ =	shalt  }
0x67: {  	_ =	shalt  }
0x68: {  	_ =	shalt  }
0x69: {  	_ =	shalt  }
0x6a: {  	_ =	shalt  }
0x6b: {  	_ =	shalt  }
0x6c: {  	_ =	shalt  }
0x6d: {  	_ =	shalt  }
0x6e: {  	_ =	shalt  }
0x6f: {  	_ =	shalt  }
0x70: {  	_ =	shalt  }
0x71: {  	_ =	shalt  }
0x72: {  	_ =	shalt  }
0x73: {  	_ =	shalt  }
0x74: {  	_ =	shalt  }
0x75: {  	_ =	shalt  }
0x76: {  	_ =	shalt  }
0x77: {  	_ =	shalt  }
0x78: {  	_ =	shalt  }
0x79: {  	_ =	shalt  }
0x7a: {  	_ =	shalt  }
0x7b: {  	_ =	shalt  }
0x7c: {  	_ =	shalt  }
0x7d: {  	_ =	shalt  }
0x7e: {  	_ =	shalt  }
0x7f: {  	_ =	shalt  }
0x80: {  	_ =	shalt  }
0x81: {  	_ =	shalt  }
0x82: {  	_ =	shalt  }
0x83: {  	_ =	shalt  }
0x84: {  	_ =	shalt  }
0x85: {  	_ =	shalt  }
0x86: {  	_ =	shalt  }
0x87: {  	_ =	shalt  }
.Lfunc_end0:
.L_simem_size_0:
called_computation.1_lowered:
.L_overlay_start_0:
0x88: {  	s2 =	sld [smem:$0x3FD9]  }
0x89: {  	s3 =	sld [smem:$0x3FFE];
	_ =	sdelay $0x1  }
0x8a: {  	s1 =	srdreg.scid  }
0x8b: {  	s0 =	sand.u32 $0x1, s1  }
0x8c: {  	s17 =	sshll.u32 s0, $0xA;
	s2 =	sadd.s32 s3, s2  }
0x8d: {  	s2 =	sadd.s32 s2, s17  }
0x8e: {  	[smem:$0x3FC4] =	sst s2  }
0x8f: {  	_ = 	snop  }
0x90: {  	s2 =	sld [smem:$0x3FC8]  }
0x91: {  	s18 =	sld [smem:$0x3FC7]  }
0x92: {  	s4 =	sld [smem:$0x3FD0];
	(tm) =	ssettm $0x1  }
0x93: {  	s5 =	sld [smem:$0x3FFB];
	_ =	sdelay $0x3  }
0x94: {  	_ =	strace s5  }
0x95: {  	s5 =	sld [smem:$0x3FFC];
	_ =	sdelay $0x3  }
0x96: {  	_ =	strace s5  }
0x97: {  	s5 =	sld [smem:$0x3FFD];
	_ =	sdelay $0x3  }
0x98: {  	_ =	strace s5  }
0x99: {  	_ =	strace $0x8FFFFFFF  }
0x9a: {  	s19 =	sld [smem:$0x3FDB];
	_ =	sdelay $0x1  }
0x9b: {  	s6 =	simm.s32 $_scs_section_size  }
0x9c: {  	s7 =	simm.s32 $_size__tile_overlayer_lowered;
	s8 =	simm.s32 $_tile_overlayer_lowered  }
0x9d: {  	s22 =	simm.s32 $0x1BFF;
	s21 =	sshll.u32 s8, $0x1;
	s5 =	sadd.s32 s6, s19  }
0x9e: {  	s9 =	simm.s32 $0x0;
	s20 =	sshll.u32 s7, $0x1;
	s7 =	sadd.s32 s21, s5  }
0x9f: {  	[timem:s9], [sflag:s22] =	dma.local [hbm:s7], s20  }
0xa0: {  	_ =	swait.ge [sflag:s22], s20  }
0xa1: {  	s6 =	ssub.s32 $0x0, s20;
	[sflag:s22] =	ssyncset.done $0x0  }
0xa2: {  	[sflag:s22] =	ssyncadd.s32 s6;
	_ =	sdelay $0x1  }
0xa3: {  	s23 =	simm.s32 $0x1B8B  }
0xa4: {  	_ =	swait.ge [sflag:s23], $0x1  }
0xa5: {  	[sflag:s23] =	ssyncset.done $0x0  }
0xa6: {  	s25 =	simm.s32 $0x1B8E;
	s24 =	sld [smem:$0x3FFE];
	[sflag:s23] =	ssyncadd.s32 $0xFFFFFFFF  }
0xa7: {  	s26 =	simm.s32 $execute0_lowered;
	[smem:$0x3FD2] =	sst s25  }
0xa8: {  	s7 =	sshll.u32 s26, $0x1;
	_ =	strace $0x80000046;
	[dreg:$0x1] =	wrdreg $0xFFFFFFFF  }
0xa9: {  	s28 =	simm.s32 $_size_execute0_lowered;
	s5 =	sadd.s32 s5, s7;
	[dreg:$0x0] =	wrdreg $0x0  }
0xaa: {  	s7 =	sshll.u32 s28, $0x1;
	[dreg:$0x2] =	wrdreg s5  }
0xab: {  	[dreg:$0x3] =	wrdreg s7  }
0xac: {  	[dreg:$0x4] =	wrdreg $0xC0  }
0xad: {  	_ =	task [dreg:s9], $0x5FFFF  }
0xae: {  	[dreg:$0x1] =	wrdreg $0xFFFFFFFF  }
0xaf: {  	[dreg:$0x0] =	wrdreg $0x60  }
0xb0: {  	[dreg:$0x2] =	wrdreg s2  }
0xb1: {  	[dreg:$0x3] =	wrdreg s18  }
0xb2: {  	[dreg:$0x4] =	wrdreg s24  }
0xb3: {  	[dreg:$0x5] =	wrdreg s4  }
0xb4: {  	[dreg:$0x6] =	wrdreg $0x9  }
0xb5: {  	_ =	task.clear_ibuf [dreg:s9], $0x7FFFF;
	_ =	strace $0x90000046  }
0xb6: {  	s29 =	simm.s32 $0x9;
	_ =	strace $0x80000048  }
0xb7: {  	_ =	swait.ge [sflag:s29], $0x1  }
0xb8: {  	[sflag:s29] =	ssyncadd.s32 $0xFFFFFFFF  }
0xb9: {  	_ =	strace $0x90000048  }
0xba: {  	_ =	sfence  }
0xbb: {  	s30 =	sld [smem:$0x0];
	_ =	sdelay $0x2  }
0xbc: {  	s31 =	sshll.u32 s1, $0xD;
	s1 =	sshrl.u32 s1, $0x2  }
0xbd: {  	s3 =	sand.u32 $0x4000, s31;
	s1 =	sadd.s32 s1, s30  }
0xbe: {  	s0 =	sor.u32 s3, s0;
	s1 =	sshll.u32 s1, $0x11  }
0xbf: {  	s0 =	sor.u32 s1, s0  }
0xc0: {  	s0 =	sadd.s32 $0x8F2B, s0  }
0xc1: {  	[sflag:s0] =	ssyncadd.remote.s32 $0x1  }
0xc2: {  	_ =	sfence.sel $0xFFFF  }
0xc3: {  	[dreg:$0x0] =	wrdreg $0xFFFFFFFF;
	(pc) =	sbr.abs _section_cstart, $3  }
0xc4: {  	[dreg:$0x1] =	wrdreg $0xFFFFFFFF  }
0xc5: {  	_ =	task.clear_ibuf [dreg:s9], $0x2FFFF;
	_ =	strace $0x9FFFFFFF  }
0xc6: {  	(tm) =	ssettm $0x7FFFFFFF  }
0xc7: {  	_ =	shalt  }
tec
execute0_lowered:
.L_overlay_start_1:
0x0: {  	(tag) =	ssettag $0x1  }
0x1: {  	s4 =	rddreg [dreg:$0x0]  }
0x2: {  	s5 =	rddreg [dreg:$0x1]  }
0x3: {  	s2 =	rddreg [dreg:$0x2]  }
0x4: {  	s6 =	rddreg [dreg:$0x3]  }
0x5: {  	s0 =	rddreg [dreg:$0x4];
	s1 =	simm.s32 $0x0  }
0x6: {  	s7 =	srdreg.scid;
	[smem:$0x7FF] =	sst s1;
	s3 =	sadd.s32 $0xE00, s2  }
0x7: {  	s2 =	stileid.u32;
	s7 =	sand.u32 $0x1, s7;
	_ =	strace $0x80000047  }
0x8: {  	s8 =	ssub.s32 $0x2, s7;
	s9 =	sshll.u32 s2, $0x5;
	s7 =	sshll.u32 s7, $0x4  }
0x9: {  	s20 =	sshll.u32 s2, $0x2;
	s10 =	sshrl.u32 s8, $0x1;
	s7 =	sor.u32 s7, s9  }
0xa: {  	s9 =	sand.u32 $0x30, s20;
	s8 =	ssub.s32 s8, s10;
	s21 =	sand.u32 $0x70, s7  }
0xb: {  	s4 =	sadd.s32 s4, s9;
	s5 =	sadd.s32 s5, s9;
	s7 =	sshll.u32 s7, $0x4  }
0xc: {  	s9 =	simm.s32 $0x80;
	s22 =	sor.u32 $0x1, s21;
	s11 =	sor.u32 $0x2, s21  }
0xd: {  	s12 =	sor.u32 $0x3, s21;
	s13 =	sor.u32 $0x4, s21;
	s23 =	sor.u32 $0x5, s21;
	v8 =	vmov s21  }
0xe: {  	s14 =	sor.u32 $0x6, s21;
	s15 =	sor.u32 $0x7, s21;
	s24 =	sor.u32 $0x8, s21;
	v0 =	vmov s22;
	v1 =	vmov s11;
	v2 =	vmov s12  }
0xf: {  	s25 =	sor.u32 $0x9, s21;
	s26 =	sor.u32 $0xA, s21;
	s28 =	sor.u32 $0xB, s21;
	v3 =	vmov s13;
	v4 =	vmov s23;
	v5 =	vmov s14  }
0x10: {  	s29 =	sor.u32 $0xC, s21;
	s30 =	sor.u32 $0xD, s21;
	s31 =	sor.u32 $0xE, s21;
	v6 =	vmov s15;
	v7 =	vmov s24;
	v9 =	vmov s25  }
0x11: {  	s10 =	sor.u32 $0xF, s21;
	s6 =	sadd.s32 s6, s7;
	s7 =	smax.u32 s8, $0x1;
	v10 =	vmov s26;
	v11 =	vmov s28;
	v12 =	vmov s29  }
0x12: {  	s8 =	simm.s32 $0x1;
	v13 =	vmov s30;
	v14 =	vmov s31;
	v15 =	vmov s10;
	s10 =	simm.s32 $0x100;
	s11 =	simm.s32 $0x900  }
.LBB2_1:
0x13: {  	[tilespmem:s1], [sflag:$0x1] =	stream.linear.gather [hbm4b:s4+s1], $0x80, $0x38;
	[tilespmem:$0x1100] =	vst v63  }
0x14: {  	_ =	swait.ge [sflag:s8], $0x80  }
0x15: {  	[sflag:s8] =	ssyncset.done $0x0  }
0x16: {  	[sflag:s8] =	ssyncadd.s32 $0xFFFFFF80  }
0x17: {  	[tilespmem:s9], [sflag:$0x1] =	stream.linear.gather [hbm4b:s5+s1], $0x80, $0x38;
	[tilespmem:$0x1100] =	vst v63  }
0x18: {  	_ =	swait.ge [sflag:s8], $0x80  }
0x19: {  	[sflag:s8] =	ssyncset.done $0x0  }
0x1a: {  	[sflag:s8] =	ssyncadd.s32 $0xFFFFFF80  }
0x1b: {  	[tilespmem:s10], [sflag:$0x1] =	stream.linear.gather [hbm4b:s3+s1], $0x800, $0x38;
	[tilespmem:$0x1100] =	vst v63  }
0x1c: {  	_ =	swait.ge [sflag:s8], $0x800  }
0x1d: {  	[sflag:s8] =	ssyncset.done $0x0  }
0x1e: {  	[sflag:s8] =	ssyncadd.s32 $0xFFFFF800  }
0x1f: {  	v16 =	vld.idx.msk [tilespmem:v8+s1+$0x0], $0xffff  }
0x20: {  	v17 =	vld.idx.msk [tilespmem:v8+s9+$0x0], $0xffff  }
0x21: {  	v18 =	vld [tilespmem:$0x0]  }
0x22: {  	v19 =	vld [tilespmem:$0x80];
	_ =	sdelay $0x4  }
0x23: {  	v20 =	vld [tilespmem:$0x10];
	v19 =	vsub.s32 v16, v19;
	v18 =	vsub.s32 v18, v17  }
0x24: {  	v21 =	vld [tilespmem:$0x90];
	vm0 =	vgt.s32 v19, $0x0;
	vm1 =	vgt.s32 v18, $0x0  }
0x25: {  	v19 =	vnsel vm0, $0x0, v19;
	v18 =	vnsel vm1, $0x0, v18  }
0x26: {  	v18 =	vadd.s32 v18, v19  }
0x27: {  	vm6 =	vlt.s32 v18, $0x7FF  }
0x28: {  	v18 =	vnsel vm6, $0x7FF, v18  }
0x29: {  	v26 =	vld [tilespmem:$0x20];
	v25 =	vsub.s32 v16, v21;
	v20 =	vsub.s32 v20, v17  }
0x2a: {  	v22 =	vld [tilespmem:$0xA0];
	vm7 =	vgt.s32 v25, $0x0;
	vm8 =	vgt.s32 v20, $0x0  }
0x2b: {  	v20 =	vnsel vm8, $0x0, v20;
	v19 =	vnsel vm7, $0x0, v25  }
0x2c: {  	v19 =	vadd.s32 v20, v19  }
0x2d: {  	vm9 =	vlt.s32 v19, $0x7FF;
	v18 =	vld.idx.msk [tilespmem:v18+s10+$0x0], $0xffff  }
0x2e: {  	v19 =	vnsel vm9, $0x7FF, v19  }
0x2f: {  	v28 =	vld [tilespmem:$0x30];
	v27 =	vsub.s32 v16, v22;
	v21 =	vsub.s32 v26, v17  }
0x30: {  	v23 =	vld [tilespmem:$0xB0];
	vm10 =	vgt.s32 v27, $0x0;
	vm11 =	vgt.s32 v21, $0x0  }
0x31: {  	v21 =	vnsel vm11, $0x0, v21;
	v20 =	vnsel vm10, $0x0, v27  }
0x32: {  	v29 =	vadd.s32 v21, v20;
	[tilespmem:$0x900] =	vst v18  }
0x33: {  	vm12 =	vlt.s32 v29, $0x7FF;
	v19 =	vld.idx.msk [tilespmem:v19+s10+$0x0], $0xffff  }
0x34: {  	v18 =	vnsel vm12, $0x7FF, v29  }
0x35: {  	v32 =	vld [tilespmem:$0x40];
	v30 =	vsub.s32 v16, v23;
	v31 =	vsub.s32 v28, v17  }
0x36: {  	v33 =	vld [tilespmem:$0xC0];
	vm13 =	vgt.s32 v30, $0x0;
	vm14 =	vgt.s32 v31, $0x0  }
0x37: {  	v20 =	vnsel vm13, $0x0, v30;
	v21 =	vnsel vm14, $0x0, v31  }
0x38: {  	v34 =	vadd.s32 v21, v20;
	[tilespmem:$0x910] =	vst v19  }
0x39: {  	vm15 =	vlt.s32 v34, $0x7FF;
	v18 =	vld.idx.msk [tilespmem:v18+s10+$0x0], $0xffff  }
0x3a: {  	v19 =	vnsel vm15, $0x7FF, v34  }
0x3b: {  	v37 =	vld [tilespmem:$0x50];
	v35 =	vsub.s32 v16, v33;
	v36 =	vsub.s32 v32, v17  }
0x3c: {  	v38 =	vld [tilespmem:$0xD0];
	vm4 =	vgt.s32 v35, $0x0;
	vm5 =	vgt.s32 v36, $0x0  }
0x3d: {  	v20 =	vnsel vm4, $0x0, v35;
	v21 =	vnsel vm5, $0x0, v36  }
0x3e: {  	v39 =	vadd.s32 v21, v20;
	[tilespmem:$0x920] =	vst v18  }
0x3f: {  	vm6 =	vlt.s32 v39, $0x7FF;
	v19 =	vld.idx.msk [tilespmem:v19+s10+$0x0], $0xffff  }
0x40: {  	v18 =	vnsel vm6, $0x7FF, v39  }
0x41: {  	v42 =	vld [tilespmem:$0x60];
	v40 =	vsub.s32 v16, v38;
	v41 =	vsub.s32 v37, v17  }
0x42: {  	v43 =	vld [tilespmem:$0xE0];
	vm8 =	vgt.s32 v41, $0x0;
	vm7 =	vgt.s32 v40, $0x0  }
0x43: {  	v20 =	vnsel vm7, $0x0, v40;
	v21 =	vnsel vm8, $0x0, v41  }
0x44: {  	v44 =	vadd.s32 v21, v20;
	[tilespmem:$0x930] =	vst v19  }
0x45: {  	vm9 =	vlt.s32 v44, $0x7FF;
	v18 =	vld.idx.msk [tilespmem:v18+s10+$0x0], $0xffff  }
0x46: {  	v19 =	vnsel vm9, $0x7FF, v44  }
0x47: {  	v47 =	vld [tilespmem:$0x70];
	v45 =	vsub.s32 v16, v43;
	v46 =	vsub.s32 v42, v17  }
0x48: {  	v48 =	vld [tilespmem:$0xF0];
	vm11 =	vgt.s32 v46, $0x0;
	vm10 =	vgt.s32 v45, $0x0  }
0x49: {  	v20 =	vnsel vm10, $0x0, v45;
	v21 =	vnsel vm11, $0x0, v46  }
0x4a: {  	v49 =	vadd.s32 v21, v20;
	[tilespmem:$0x940] =	vst v18  }
0x4b: {  	vm12 =	vlt.s32 v49, $0x7FF;
	v19 =	vld.idx.msk [tilespmem:v19+s10+$0x0], $0xffff  }
0x4c: {  	v18 =	vnsel vm12, $0x7FF, v49  }
0x4d: {  	v16 =	vsub.s32 v16, v48;
	v17 =	vsub.s32 v47, v17  }
0x4e: {  	vm13 =	vgt.s32 v16, $0x0;
	vm14 =	vgt.s32 v17, $0x0  }
0x4f: {  	v16 =	vnsel vm13, $0x0, v16;
	v17 =	vnsel vm14, $0x0, v17  }
0x50: {  	v16 =	vadd.s32 v17, v16;
	[tilespmem:$0x950] =	vst v19  }
0x51: {  	vm15 =	vlt.s32 v16, $0x7FF;
	v17 =	vld.idx.msk [tilespmem:v18+s10+$0x0], $0xffff  }
0x52: {  	v16 =	vnsel vm15, $0x7FF, v16;
	_ =	sdelay $0x3  }
0x53: {  	[tilespmem:$0x960] =	vst v17  }
0x54: {  	v16 =	vld.idx.msk [tilespmem:v16+s10+$0x0], $0xffff;
	_ =	sdelay $0x3  }
0x55: {  	v50 =	vld [tilespmem:$0x0]  }
0x56: {  	v51 =	vld [tilespmem:$0x80];
	[tilespmem:$0x970] =	vst v16  }
0x57: {  	v16 =	vld.idx.msk [tilespmem:v0+s1+$0x0], $0xffff  }
0x58: {  	v17 =	vld.idx.msk [tilespmem:v0+s9+$0x0], $0xffff;
	_ =	sdelay $0x4  }
0x59: {  	v52 =	vld [tilespmem:$0x10];
	v19 =	vsub.s32 v16, v51;
	v18 =	vsub.s32 v50, v17  }
0x5a: {  	v53 =	vld [tilespmem:$0x90];
	vm4 =	vgt.s32 v19, $0x0;
	vm5 =	vgt.s32 v18, $0x0  }
0x5b: {  	v19 =	vnsel vm4, $0x0, v19;
	v18 =	vnsel vm5, $0x0, v18  }
0x5c: {  	v18 =	vadd.s32 v18, v19  }
0x5d: {  	vm6 =	vlt.s32 v18, $0x7FF  }
0x5e: {  	v18 =	vnsel vm6, $0x7FF, v18  }
0x5f: {  	v55 =	vld [tilespmem:$0x20];
	v54 =	vsub.s32 v16, v53;
	v20 =	vsub.s32 v52, v17  }
0x60: {  	v56 =	vld [tilespmem:$0xA0];
	vm7 =	vgt.s32 v54, $0x0;
	vm8 =	vgt.s32 v20, $0x0  }
0x61: {  	v20 =	vnsel vm8, $0x0, v20;
	v19 =	vnsel vm7, $0x0, v54  }
0x62: {  	v19 =	vadd.s32 v20, v19  }
0x63: {  	vm9 =	vlt.s32 v19, $0x7FF;
	v18 =	vld.idx.msk [tilespmem:v18+s10+$0x0], $0xffff  }
0x64: {  	v19 =	vnsel vm9, $0x7FF, v19  }
0x65: {  	v57 =	vsub.s32 v16, v56;
	v21 =	vsub.s32 v55, v17  }
0x66: {  	vm10 =	vgt.s32 v57, $0x0;
	vm11 =	vgt.s32 v21, $0x0  }
0x67: {  	v21 =	vnsel vm11, $0x0, v21;
	v20 =	vnsel vm10, $0x0, v57  }
0x68: {  	v58 =	vadd.s32 v21, v20;
	[tilespmem:$0x980] =	vst v18  }
0x69: {  	vm12 =	vlt.s32 v58, $0x7FF;
	v19 =	vld.idx.msk [tilespmem:v19+s10+$0x0], $0xffff  }
0x6a: {  	v18 =	vnsel vm12, $0x7FF, v58;
	_ =	sdelay $0x3  }
0x6b: {  	[tilespmem:$0x990] =	vst v19  }
0x6c: {  	v18 =	vld.idx.msk [tilespmem:v18+s10+$0x0], $0xffff;
	_ =	sdelay $0x4  }
0x6d: {  	[tilespmem:$0x9A0] =	vst v18  }
0x6e: {  	v18 =	vld [tilespmem:$0x30]  }
0x6f: {  	v59 =	vld [tilespmem:$0xB0];
	_ =	sdelay $0x4  }
0x70: {  	v60 =	vld [tilespmem:$0x40];
	v19 =	vsub.s32 v16, v59;
	v18 =	vsub.s32 v18, v17  }
0x71: {  	v61 =	vld [tilespmem:$0xC0];
	vm13 =	vgt.s32 v19, $0x0;
	vm14 =	vgt.s32 v18, $0x0  }
0x72: {  	v19 =	vnsel vm13, $0x0, v19;
	v18 =	vnsel vm14, $0x0, v18  }
0x73: {  	v18 =	vadd.s32 v18, v19  }
0x74: {  	vm15 =	vlt.s32 v18, $0x7FF  }
0x75: {  	v18 =	vnsel vm15, $0x7FF, v18  }
0x76: {  	v63 =	vld [tilespmem:$0x50];
	v62 =	vsub.s32 v16, v61;
	v20 =	vsub.s32 v60, v17  }
0x77: {  	v24 =	vld [tilespmem:$0xD0];
	vm4 =	vgt.s32 v62, $0x0;
	vm5 =	vgt.s32 v20, $0x0  }
0x78: {  	v20 =	vnsel vm5, $0x0, v20;
	v19 =	vnsel vm4, $0x0, v62  }
0x79: {  	v19 =	vadd.s32 v20, v19  }
0x7a: {  	vm6 =	vlt.s32 v19, $0x7FF;
	v18 =	vld.idx.msk [tilespmem:v18+s10+$0x0], $0xffff  }
0x7b: {  	v19 =	vnsel vm6, $0x7FF, v19  }
0x7c: {  	v26 =	vld [tilespmem:$0x60];
	v25 =	vsub.s32 v16, v24;
	v21 =	vsub.s32 v63, v17  }
0x7d: {  	v27 =	vld [tilespmem:$0xE0];
	vm7 =	vgt.s32 v25, $0x0;
	vm8 =	vgt.s32 v21, $0x0  }
0x7e: {  	v21 =	vnsel vm8, $0x0, v21;
	v20 =	vnsel vm7, $0x0, v25  }
0x7f: {  	v28 =	vadd.s32 v21, v20;
	[tilespmem:$0x9B0] =	vst v18  }
0x80: {  	vm9 =	vlt.s32 v28, $0x7FF;
	v19 =	vld.idx.msk [tilespmem:v19+s10+$0x0], $0xffff  }
0x81: {  	v18 =	vnsel vm9, $0x7FF, v28  }
0x82: {  	v31 =	vld [tilespmem:$0x70];
	v29 =	vsub.s32 v16, v27;
	v30 =	vsub.s32 v26, v17  }
0x83: {  	v32 =	vld [tilespmem:$0xF0];
	vm10 =	vgt.s32 v29, $0x0;
	vm11 =	vgt.s32 v30, $0x0  }
0x84: {  	v20 =	vnsel vm10, $0x0, v29;
	v21 =	vnsel vm11, $0x0, v30  }
0x85: {  	v33 =	vadd.s32 v21, v20;
	[tilespmem:$0x9C0] =	vst v19  }
0x86: {  	vm12 =	vlt.s32 v33, $0x7FF;
	v18 =	vld.idx.msk [tilespmem:v18+s10+$0x0], $0xffff  }
0x87: {  	v19 =	vnsel vm12, $0x7FF, v33  }
0x88: {  	v16 =	vsub.s32 v16, v32;
	v17 =	vsub.s32 v31, v17  }
0x89: {  	vm13 =	vgt.s32 v16, $0x0;
	vm14 =	vgt.s32 v17, $0x0  }
0x8a: {  	v16 =	vnsel vm13, $0x0, v16;
	v17 =	vnsel vm14, $0x0, v17  }
0x8b: {  	v16 =	vadd.s32 v17, v16;
	[tilespmem:$0x9D0] =	vst v18  }
0x8c: {  	vm15 =	vlt.s32 v16, $0x7FF;
	v17 =	vld.idx.msk [tilespmem:v19+s10+$0x0], $0xffff  }
0x8d: {  	v16 =	vnsel vm15, $0x7FF, v16;
	_ =	sdelay $0x3  }
0x8e: {  	[tilespmem:$0x9E0] =	vst v17  }
0x8f: {  	v16 =	vld.idx.msk [tilespmem:v16+s10+$0x0], $0xffff;
	_ =	sdelay $0x3  }
0x90: {  	v34 =	vld [tilespmem:$0x0]  }
0x91: {  	v35 =	vld [tilespmem:$0x80];
	[tilespmem:$0x9F0] =	vst v16  }
0x92: {  	v16 =	vld.idx.msk [tilespmem:v1+s1+$0x0], $0xffff  }
0x93: {  	v17 =	vld.idx.msk [tilespmem:v1+s9+$0x0], $0xffff;
	_ =	sdelay $0x4  }
0x94: {  	v36 =	vld [tilespmem:$0x10];
	v19 =	vsub.s32 v16, v35;
	v18 =	vsub.s32 v34, v17  }
0x95: {  	v37 =	vld [tilespmem:$0x90];
	vm4 =	vgt.s32 v19, $0x0;
	vm5 =	vgt.s32 v18, $0x0  }
0x96: {  	v19 =	vnsel vm4, $0x0, v19;
	v18 =	vnsel vm5, $0x0, v18  }
0x97: {  	v18 =	vadd.s32 v18, v19  }
0x98: {  	vm6 =	vlt.s32 v18, $0x7FF  }
0x99: {  	v18 =	vnsel vm6, $0x7FF, v18  }
0x9a: {  	v39 =	vld [tilespmem:$0x20];
	v38 =	vsub.s32 v16, v37;
	v20 =	vsub.s32 v36, v17  }
0x9b: {  	v40 =	vld [tilespmem:$0xA0];
	vm7 =	vgt.s32 v38, $0x0;
	vm8 =	vgt.s32 v20, $0x0  }
0x9c: {  	v20 =	vnsel vm8, $0x0, v20;
	v19 =	vnsel vm7, $0x0, v38  }
0x9d: {  	v19 =	vadd.s32 v20, v19  }
0x9e: {  	vm9 =	vlt.s32 v19, $0x7FF;
	v18 =	vld.idx.msk [tilespmem:v18+s10+$0x0], $0xffff  }
0x9f: {  	v19 =	vnsel vm9, $0x7FF, v19  }
0xa0: {  	v42 =	vld [tilespmem:$0x30];
	v41 =	vsub.s32 v16, v40;
	v21 =	vsub.s32 v39, v17  }
0xa1: {  	v43 =	vld [tilespmem:$0xB0];
	vm10 =	vgt.s32 v41, $0x0;
	vm11 =	vgt.s32 v21, $0x0  }
0xa2: {  	v21 =	vnsel vm11, $0x0, v21;
	v20 =	vnsel vm10, $0x0, v41  }
0xa3: {  	v44 =	vadd.s32 v21, v20;
	[tilespmem:$0xA00] =	vst v18  }
0xa4: {  	vm12 =	vlt.s32 v44, $0x7FF;
	v19 =	vld.idx.msk [tilespmem:v19+s10+$0x0], $0xffff  }
0xa5: {  	v18 =	vnsel vm12, $0x7FF, v44  }
0xa6: {  	v47 =	vld [tilespmem:$0x40];
	v45 =	vsub.s32 v16, v43;
	v46 =	vsub.s32 v42, v17  }
0xa7: {  	v48 =	vld [tilespmem:$0xC0];
	vm13 =	vgt.s32 v45, $0x0;
	vm14 =	vgt.s32 v46, $0x0  }
0xa8: {  	v20 =	vnsel vm13, $0x0, v45;
	v21 =	vnsel vm14, $0x0, v46  }
0xa9: {  	v49 =	vadd.s32 v21, v20;
	[tilespmem:$0xA10] =	vst v19  }
0xaa: {  	vm15 =	vlt.s32 v49, $0x7FF;
	v18 =	vld.idx.msk [tilespmem:v18+s10+$0x0], $0xffff  }
0xab: {  	v19 =	vnsel vm15, $0x7FF, v49  }
0xac: {  	v52 =	vld [tilespmem:$0x50];
	v50 =	vsub.s32 v16, v48;
	v51 =	vsub.s32 v47, v17  }
0xad: {  	v53 =	vld [tilespmem:$0xD0];
	vm4 =	vgt.s32 v50, $0x0;
	vm5 =	vgt.s32 v51, $0x0  }
0xae: {  	v20 =	vnsel vm4, $0x0, v50;
	v21 =	vnsel vm5, $0x0, v51  }
0xaf: {  	v54 =	vadd.s32 v21, v20;
	[tilespmem:$0xA20] =	vst v18  }
0xb0: {  	vm6 =	vlt.s32 v54, $0x7FF;
	v19 =	vld.idx.msk [tilespmem:v19+s10+$0x0], $0xffff  }
0xb1: {  	v18 =	vnsel vm6, $0x7FF, v54  }
0xb2: {  	v57 =	vld [tilespmem:$0x60];
	v55 =	vsub.s32 v16, v53;
	v56 =	vsub.s32 v52, v17  }
0xb3: {  	v58 =	vld [tilespmem:$0xE0];
	vm8 =	vgt.s32 v56, $0x0;
	vm7 =	vgt.s32 v55, $0x0  }
0xb4: {  	v20 =	vnsel vm7, $0x0, v55;
	v21 =	vnsel vm8, $0x0, v56  }
0xb5: {  	v59 =	vadd.s32 v21, v20;
	[tilespmem:$0xA30] =	vst v19  }
0xb6: {  	vm9 =	vlt.s32 v59, $0x7FF;
	v18 =	vld.idx.msk [tilespmem:v18+s10+$0x0], $0xffff  }
0xb7: {  	v19 =	vnsel vm9, $0x7FF, v59  }
0xb8: {  	v63 =	vld [tilespmem:$0xF0];
	v60 =	vsub.s32 v16, v58;
	v61 =	vsub.s32 v57, v17  }
0xb9: {  	v62 =	vld [tilespmem:$0x70];
	vm11 =	vgt.s32 v61, $0x0;
	vm10 =	vgt.s32 v60, $0x0  }
0xba: {  	v20 =	vnsel vm10, $0x0, v60;
	v21 =	vnsel vm11, $0x0, v61  }
0xbb: {  	v21 =	vadd.s32 v21, v20;
	[tilespmem:$0xA40] =	vst v18  }
0xbc: {  	vm12 =	vlt.s32 v21, $0x7FF;
	v19 =	vld.idx.msk [tilespmem:v19+s10+$0x0], $0xffff  }
0xbd: {  	v18 =	vnsel vm12, $0x7FF, v21  }
0xbe: {  	v16 =	vsub.s32 v16, v63;
	v17 =	vsub.s32 v62, v17  }
0xbf: {  	vm13 =	vgt.s32 v16, $0x0;
	vm14 =	vgt.s32 v17, $0x0  }
0xc0: {  	v16 =	vnsel vm13, $0x0, v16;
	v17 =	vnsel vm14, $0x0, v17  }
0xc1: {  	v16 =	vadd.s32 v17, v16;
	[tilespmem:$0xA50] =	vst v19  }
0xc2: {  	vm15 =	vlt.s32 v16, $0x7FF;
	v17 =	vld.idx.msk [tilespmem:v18+s10+$0x0], $0xffff  }
0xc3: {  	v16 =	vnsel vm15, $0x7FF, v16;
	_ =	sdelay $0x3  }
0xc4: {  	[tilespmem:$0xA60] =	vst v17  }
0xc5: {  	v16 =	vld.idx.msk [tilespmem:v16+s10+$0x0], $0xffff;
	_ =	sdelay $0x3  }
0xc6: {  	v23 =	vld [tilespmem:$0x0]  }
0xc7: {  	v24 =	vld [tilespmem:$0x80];
	[tilespmem:$0xA70] =	vst v16  }
0xc8: {  	v16 =	vld.idx.msk [tilespmem:v2+s1+$0x0], $0xffff  }
0xc9: {  	v17 =	vld.idx.msk [tilespmem:v2+s9+$0x0], $0xffff;
	_ =	sdelay $0x4  }
0xca: {  	v26 =	vld [tilespmem:$0x90];
	v19 =	vsub.s32 v16, v24;
	v18 =	vsub.s32 v23, v17  }
0xcb: {  	v25 =	vld [tilespmem:$0x10];
	vm4 =	vgt.s32 v19, $0x0;
	vm5 =	vgt.s32 v18, $0x0  }
0xcc: {  	v19 =	vnsel vm4, $0x0, v19;
	v18 =	vnsel vm5, $0x0, v18  }
0xcd: {  	v18 =	vadd.s32 v18, v19  }
0xce: {  	vm6 =	vlt.s32 v18, $0x7FF  }
0xcf: {  	v18 =	vnsel vm6, $0x7FF, v18  }
0xd0: {  	v29 =	vld [tilespmem:$0xA0];
	v27 =	vsub.s32 v16, v26;
	v20 =	vsub.s32 v25, v17  }
0xd1: {  	v28 =	vld [tilespmem:$0x20];
	vm7 =	vgt.s32 v27, $0x0;
	vm8 =	vgt.s32 v20, $0x0  }
0xd2: {  	v20 =	vnsel vm8, $0x0, v20;
	v19 =	vnsel vm7, $0x0, v27  }
0xd3: {  	v19 =	vadd.s32 v20, v19  }
0xd4: {  	vm9 =	vlt.s32 v19, $0x7FF;
	v18 =	vld.idx.msk [tilespmem:v18+s10+$0x0], $0xffff  }
0xd5: {  	v19 =	vnsel vm9, $0x7FF, v19  }
0xd6: {  	v31 =	vld [tilespmem:$0x30];
	v30 =	vsub.s32 v16, v29;
	v21 =	vsub.s32 v28, v17  }
0xd7: {  	v32 =	vld [tilespmem:$0xB0];
	vm10 =	vgt.s32 v30, $0x0;
	vm11 =	vgt.s32 v21, $0x0  }
0xd8: {  	v21 =	vnsel vm11, $0x0, v21;
	v20 =	vnsel vm10, $0x0, v30  }
0xd9: {  	v33 =	vadd.s32 v21, v20;
	[tilespmem:$0xA80] =	vst v18  }
0xda: {  	vm12 =	vlt.s32 v33, $0x7FF;
	v19 =	vld.idx.msk [tilespmem:v19+s10+$0x0], $0xffff  }
0xdb: {  	v18 =	vnsel vm12, $0x7FF, v33  }
0xdc: {  	v36 =	vld [tilespmem:$0x40];
	v34 =	vsub.s32 v16, v32;
	v35 =	vsub.s32 v31, v17  }
0xdd: {  	v37 =	vld [tilespmem:$0xC0];
	vm13 =	vgt.s32 v34, $0x0;
	vm14 =	vgt.s32 v35, $0x0  }
0xde: {  	v20 =	vnsel vm13, $0x0, v34;
	v21 =	vnsel vm14, $0x0, v35  }
0xdf: {  	v38 =	vadd.s32 v21, v20;
	[tilespmem:$0xA90] =	vst v19  }
0xe0: {  	vm15 =	vlt.s32 v38, $0x7FF;
	v18 =	vld.idx.msk [tilespmem:v18+s10+$0x0], $0xffff  }
0xe1: {  	v19 =	vnsel vm15, $0x7FF, v38  }
0xe2: {  	v42 =	vld [tilespmem:$0xD0];
	v39 =	vsub.s32 v16, v37;
	v40 =	vsub.s32 v36, v17  }
0xe3: {  	v41 =	vld [tilespmem:$0x50];
	vm4 =	vgt.s32 v39, $0x0;
	vm5 =	vgt.s32 v40, $0x0  }
0xe4: {  	v20 =	vnsel vm4, $0x0, v39;
	v21 =	vnsel vm5, $0x0, v40  }
0xe5: {  	v43 =	vadd.s32 v21, v20;
	[tilespmem:$0xAA0] =	vst v18  }
0xe6: {  	vm6 =	vlt.s32 v43, $0x7FF;
	v19 =	vld.idx.msk [tilespmem:v19+s10+$0x0], $0xffff  }
0xe7: {  	v18 =	vnsel vm6, $0x7FF, v43  }
0xe8: {  	v47 =	vld [tilespmem:$0xE0];
	v44 =	vsub.s32 v16, v42;
	v45 =	vsub.s32 v41, v17  }
0xe9: {  	v46 =	vld [tilespmem:$0x60];
	vm8 =	vgt.s32 v45, $0x0;
	vm7 =	vgt.s32 v44, $0x0  }
0xea: {  	v20 =	vnsel vm7, $0x0, v44;
	v21 =	vnsel vm8, $0x0, v45  }
0xeb: {  	v48 =	vadd.s32 v21, v20;
	[tilespmem:$0xAB0] =	vst v19  }
0xec: {  	vm9 =	vlt.s32 v48, $0x7FF;
	v18 =	vld.idx.msk [tilespmem:v18+s10+$0x0], $0xffff  }
0xed: {  	v19 =	vnsel vm9, $0x7FF, v48  }
0xee: {  	v52 =	vld [tilespmem:$0xF0];
	v49 =	vsub.s32 v16, v47;
	v50 =	vsub.s32 v46, v17  }
0xef: {  	v51 =	vld [tilespmem:$0x70];
	vm11 =	vgt.s32 v50, $0x0;
	vm10 =	vgt.s32 v49, $0x0  }
0xf0: {  	v20 =	vnsel vm10, $0x0, v49;
	v21 =	vnsel vm11, $0x0, v50  }
0xf1: {  	v53 =	vadd.s32 v21, v20;
	[tilespmem:$0xAC0] =	vst v18  }
0xf2: {  	vm12 =	vlt.s32 v53, $0x7FF;
	v19 =	vld.idx.msk [tilespmem:v19+s10+$0x0], $0xffff  }
0xf3: {  	v18 =	vnsel vm12, $0x7FF, v53  }
0xf4: {  	v16 =	vsub.s32 v16, v52;
	v17 =	vsub.s32 v51, v17  }
0xf5: {  	vm13 =	vgt.s32 v16, $0x0;
	vm14 =	vgt.s32 v17, $0x0  }
0xf6: {  	v16 =	vnsel vm13, $0x0, v16;
	v17 =	vnsel vm14, $0x0, v17  }
0xf7: {  	v16 =	vadd.s32 v17, v16;
	[tilespmem:$0xAD0] =	vst v19  }
0xf8: {  	vm15 =	vlt.s32 v16, $0x7FF;
	v17 =	vld.idx.msk [tilespmem:v18+s10+$0x0], $0xffff  }
0xf9: {  	v16 =	vnsel vm15, $0x7FF, v16;
	_ =	sdelay $0x3  }
0xfa: {  	[tilespmem:$0xAE0] =	vst v17  }
0xfb: {  	v16 =	vld.idx.msk [tilespmem:v16+s10+$0x0], $0xffff;
	_ =	sdelay $0x3  }
0xfc: {  	v55 =	vld [tilespmem:$0x80]  }
0xfd: {  	v54 =	vld [tilespmem:$0x0];
	[tilespmem:$0xAF0] =	vst v16  }
0xfe: {  	v16 =	vld.idx.msk [tilespmem:v3+s1+$0x0], $0xffff  }
0xff: {  	v17 =	vld.idx.msk [tilespmem:v3+s9+$0x0], $0xffff;
	_ =	sdelay $0x4  }
0x100: {  	v57 =	vld [tilespmem:$0x90];
	v19 =	vsub.s32 v16, v55;
	v18 =	vsub.s32 v54, v17  }
0x101: {  	v56 =	vld [tilespmem:$0x10];
	vm4 =	vgt.s32 v19, $0x0;
	vm5 =	vgt.s32 v18, $0x0  }
0x102: {  	v19 =	vnsel vm4, $0x0, v19;
	v18 =	vnsel vm5, $0x0, v18  }
0x103: {  	v18 =	vadd.s32 v18, v19  }
0x104: {  	vm6 =	vlt.s32 v18, $0x7FF  }
0x105: {  	v18 =	vnsel vm6, $0x7FF, v18  }
0x106: {  	v60 =	vld [tilespmem:$0xA0];
	v58 =	vsub.s32 v16, v57;
	v20 =	vsub.s32 v56, v17  }
0x107: {  	v59 =	vld [tilespmem:$0x20];
	vm7 =	vgt.s32 v58, $0x0;
	vm8 =	vgt.s32 v20, $0x0  }
0x108: {  	v20 =	vnsel vm8, $0x0, v20;
	v19 =	vnsel vm7, $0x0, v58  }
0x109: {  	v19 =	vadd.s32 v20, v19  }
0x10a: {  	vm9 =	vlt.s32 v19, $0x7FF;
	v18 =	vld.idx.msk [tilespmem:v18+s10+$0x0], $0xffff  }
0x10b: {  	v19 =	vnsel vm9, $0x7FF, v19  }
0x10c: {  	v62 =	vld [tilespmem:$0x30];
	v61 =	vsub.s32 v16, v60;
	v21 =	vsub.s32 v59, v17  }
0x10d: {  	v63 =	vld [tilespmem:$0xB0];
	vm10 =	vgt.s32 v61, $0x0;
	vm11 =	vgt.s32 v21, $0x0  }
0x10e: {  	v21 =	vnsel vm11, $0x0, v21;
	v20 =	vnsel vm10, $0x0, v61  }
0x10f: {  	v24 =	vadd.s32 v21, v20;
	[tilespmem:$0xB00] =	vst v18  }
0x110: {  	vm12 =	vlt.s32 v24, $0x7FF;
	v19 =	vld.idx.msk [tilespmem:v19+s10+$0x0], $0xffff  }
0x111: {  	v18 =	vnsel vm12, $0x7FF, v24  }
0x112: {  	v28 =	vld [tilespmem:$0xC0];
	v25 =	vsub.s32 v16, v63;
	v26 =	vsub.s32 v62, v17  }
0x113: {  	v27 =	vld [tilespmem:$0x40];
	vm13 =	vgt.s32 v25, $0x0;
	vm14 =	vgt.s32 v26, $0x0  }
0x114: {  	v20 =	vnsel vm13, $0x0, v25;
	v21 =	vnsel vm14, $0x0, v26  }
0x115: {  	v29 =	vadd.s32 v21, v20;
	[tilespmem:$0xB10] =	vst v19  }
0x116: {  	vm15 =	vlt.s32 v29, $0x7FF;
	v18 =	vld.idx.msk [tilespmem:v18+s10+$0x0], $0xffff  }
0x117: {  	v19 =	vnsel vm15, $0x7FF, v29  }
0x118: {  	v32 =	vld [tilespmem:$0x50];
	v30 =	vsub.s32 v16, v28;
	v31 =	vsub.s32 v27, v17  }
0x119: {  	v33 =	vld [tilespmem:$0xD0];
	vm4 =	vgt.s32 v30, $0x0;
	vm5 =	vgt.s32 v31, $0x0  }
0x11a: {  	v20 =	vnsel vm4, $0x0, v30;
	v21 =	vnsel vm5, $0x0, v31  }
0x11b: {  	v34 =	vadd.s32 v21, v20;
	[tilespmem:$0xB20] =	vst v18  }
0x11c: {  	vm6 =	vlt.s32 v34, $0x7FF;
	v19 =	vld.idx.msk [tilespmem:v19+s10+$0x0], $0xffff  }
0x11d: {  	v18 =	vnsel vm6, $0x7FF, v34  }
0x11e: {  	v37 =	vld [tilespmem:$0x60];
	v35 =	vsub.s32 v16, v33;
	v36 =	vsub.s32 v32, v17  }
0x11f: {  	v38 =	vld [tilespmem:$0xE0];
	vm8 =	vgt.s32 v36, $0x0;
	vm7 =	vgt.s32 v35, $0x0  }
0x120: {  	v20 =	vnsel vm7, $0x0, v35;
	v21 =	vnsel vm8, $0x0, v36  }
0x121: {  	v39 =	vadd.s32 v21, v20;
	[tilespmem:$0xB30] =	vst v19  }
0x122: {  	vm9 =	vlt.s32 v39, $0x7FF;
	v18 =	vld.idx.msk [tilespmem:v18+s10+$0x0], $0xffff  }
0x123: {  	v19 =	vnsel vm9, $0x7FF, v39  }
0x124: {  	v42 =	vld [tilespmem:$0x70];
	v40 =	vsub.s32 v16, v38;
	v41 =	vsub.s32 v37, v17  }
0x125: {  	v43 =	vld [tilespmem:$0xF0];
	vm11 =	vgt.s32 v41, $0x0;
	vm10 =	vgt.s32 v40, $0x0  }
0x126: {  	v20 =	vnsel vm10, $0x0, v40;
	v21 =	vnsel vm11, $0x0, v41  }
0x127: {  	v44 =	vadd.s32 v21, v20;
	[tilespmem:$0xB40] =	vst v18  }
0x128: {  	vm12 =	vlt.s32 v44, $0x7FF;
	v19 =	vld.idx.msk [tilespmem:v19+s10+$0x0], $0xffff  }
0x129: {  	v18 =	vnsel vm12, $0x7FF, v44  }
0x12a: {  	v16 =	vsub.s32 v16, v43;
	v17 =	vsub.s32 v42, v17  }
0x12b: {  	vm13 =	vgt.s32 v16, $0x0;
	vm14 =	vgt.s32 v17, $0x0  }
0x12c: {  	v16 =	vnsel vm13, $0x0, v16;
	v17 =	vnsel vm14, $0x0, v17  }
0x12d: {  	v16 =	vadd.s32 v17, v16;
	[tilespmem:$0xB50] =	vst v19  }
0x12e: {  	vm15 =	vlt.s32 v16, $0x7FF;
	v17 =	vld.idx.msk [tilespmem:v18+s10+$0x0], $0xffff  }
0x12f: {  	v16 =	vnsel vm15, $0x7FF, v16;
	_ =	sdelay $0x3  }
0x130: {  	[tilespmem:$0xB60] =	vst v17  }
0x131: {  	v16 =	vld.idx.msk [tilespmem:v16+s10+$0x0], $0xffff;
	_ =	sdelay $0x3  }
0x132: {  	v46 =	vld [tilespmem:$0x80]  }
0x133: {  	v45 =	vld [tilespmem:$0x0];
	[tilespmem:$0xB70] =	vst v16  }
0x134: {  	v16 =	vld.idx.msk [tilespmem:v4+s1+$0x0], $0xffff  }
0x135: {  	v17 =	vld.idx.msk [tilespmem:v4+s9+$0x0], $0xffff;
	_ =	sdelay $0x4  }
0x136: {  	v47 =	vld [tilespmem:$0x10];
	v19 =	vsub.s32 v16, v46;
	v18 =	vsub.s32 v45, v17  }
0x137: {  	v48 =	vld [tilespmem:$0x90];
	vm4 =	vgt.s32 v19, $0x0;
	vm5 =	vgt.s32 v18, $0x0  }
0x138: {  	v19 =	vnsel vm4, $0x0, v19;
	v18 =	vnsel vm5, $0x0, v18  }
0x139: {  	v18 =	vadd.s32 v18, v19  }
0x13a: {  	vm6 =	vlt.s32 v18, $0x7FF  }
0x13b: {  	v18 =	vnsel vm6, $0x7FF, v18  }
0x13c: {  	v51 =	vld [tilespmem:$0xA0];
	v49 =	vsub.s32 v16, v48;
	v20 =	vsub.s32 v47, v17  }
0x13d: {  	v50 =	vld [tilespmem:$0x20];
	vm7 =	vgt.s32 v49, $0x0;
	vm8 =	vgt.s32 v20, $0x0  }
0x13e: {  	v20 =	vnsel vm8, $0x0, v20;
	v19 =	vnsel vm7, $0x0, v49  }
0x13f: {  	v19 =	vadd.s32 v20, v19  }
0x140: {  	vm9 =	vlt.s32 v19, $0x7FF;
	v18 =	vld.idx.msk [tilespmem:v18+s10+$0x0], $0xffff  }
0x141: {  	v19 =	vnsel vm9, $0x7FF, v19  }
0x142: {  	v53 =	vld [tilespmem:$0x30];
	v52 =	vsub.s32 v16, v51;
	v21 =	vsub.s32 v50, v17  }
0x143: {  	v54 =	vld [tilespmem:$0xB0];
	vm10 =	vgt.s32 v52, $0x0;
	vm11 =	vgt.s32 v21, $0x0  }
0x144: {  	v21 =	vnsel vm11, $0x0, v21;
	v20 =	vnsel vm10, $0x0, v52  }
0x145: {  	v55 =	vadd.s32 v21, v20;
	[tilespmem:$0xB80] =	vst v18  }
0x146: {  	vm12 =	vlt.s32 v55, $0x7FF;
	v19 =	vld.idx.msk [tilespmem:v19+s10+$0x0], $0xffff  }
0x147: {  	v18 =	vnsel vm12, $0x7FF, v55  }
0x148: {  	v59 =	vld [tilespmem:$0xC0];
	v56 =	vsub.s32 v16, v54;
	v57 =	vsub.s32 v53, v17  }
0x149: {  	v58 =	vld [tilespmem:$0x40];
	vm13 =	vgt.s32 v56, $0x0;
	vm14 =	vgt.s32 v57, $0x0  }
0x14a: {  	v20 =	vnsel vm13, $0x0, v56;
	v21 =	vnsel vm14, $0x0, v57  }
0x14b: {  	v60 =	vadd.s32 v21, v20;
	[tilespmem:$0xB90] =	vst v19  }
0x14c: {  	vm15 =	vlt.s32 v60, $0x7FF;
	v18 =	vld.idx.msk [tilespmem:v18+s10+$0x0], $0xffff  }
0x14d: {  	v19 =	vnsel vm15, $0x7FF, v60  }
0x14e: {  	v63 =	vld [tilespmem:$0x50];
	v61 =	vsub.s32 v16, v59;
	v62 =	vsub.s32 v58, v17  }
0x14f: {  	v24 =	vld [tilespmem:$0xD0];
	vm4 =	vgt.s32 v61, $0x0;
	vm5 =	vgt.s32 v62, $0x0  }
0x150: {  	v20 =	vnsel vm4, $0x0, v61;
	v21 =	vnsel vm5, $0x0, v62  }
0x151: {  	v25 =	vadd.s32 v21, v20;
	[tilespmem:$0xBA0] =	vst v18  }
0x152: {  	vm6 =	vlt.s32 v25, $0x7FF;
	v19 =	vld.idx.msk [tilespmem:v19+s10+$0x0], $0xffff  }
0x153: {  	v18 =	vnsel vm6, $0x7FF, v25  }
0x154: {  	v28 =	vld [tilespmem:$0x60];
	v26 =	vsub.s32 v16, v24;
	v27 =	vsub.s32 v63, v17  }
0x155: {  	v29 =	vld [tilespmem:$0xE0];
	vm8 =	vgt.s32 v27, $0x0;
	vm7 =	vgt.s32 v26, $0x0  }
0x156: {  	v20 =	vnsel vm7, $0x0, v26;
	v21 =	vnsel vm8, $0x0, v27  }
0x157: {  	v30 =	vadd.s32 v21, v20;
	[tilespmem:$0xBB0] =	vst v19  }
0x158: {  	vm9 =	vlt.s32 v30, $0x7FF;
	v18 =	vld.idx.msk [tilespmem:v18+s10+$0x0], $0xffff  }
0x159: {  	v19 =	vnsel vm9, $0x7FF, v30  }
0x15a: {  	v33 =	vld [tilespmem:$0x70];
	v31 =	vsub.s32 v16, v29;
	v32 =	vsub.s32 v28, v17  }
0x15b: {  	v34 =	vld [tilespmem:$0xF0];
	vm11 =	vgt.s32 v32, $0x0;
	vm10 =	vgt.s32 v31, $0x0  }
0x15c: {  	v20 =	vnsel vm10, $0x0, v31;
	v21 =	vnsel vm11, $0x0, v32  }
0x15d: {  	v35 =	vadd.s32 v21, v20;
	[tilespmem:$0xBC0] =	vst v18  }
0x15e: {  	vm12 =	vlt.s32 v35, $0x7FF;
	v19 =	vld.idx.msk [tilespmem:v19+s10+$0x0], $0xffff  }
0x15f: {  	v18 =	vnsel vm12, $0x7FF, v35  }
0x160: {  	v16 =	vsub.s32 v16, v34;
	v17 =	vsub.s32 v33, v17  }
0x161: {  	vm13 =	vgt.s32 v16, $0x0;
	vm14 =	vgt.s32 v17, $0x0  }
0x162: {  	v16 =	vnsel vm13, $0x0, v16;
	v17 =	vnsel vm14, $0x0, v17  }
0x163: {  	v16 =	vadd.s32 v17, v16;
	[tilespmem:$0xBD0] =	vst v19  }
0x164: {  	vm15 =	vlt.s32 v16, $0x7FF;
	v17 =	vld.idx.msk [tilespmem:v18+s10+$0x0], $0xffff  }
0x165: {  	v16 =	vnsel vm15, $0x7FF, v16;
	_ =	sdelay $0x3  }
0x166: {  	[tilespmem:$0xBE0] =	vst v17  }
0x167: {  	v16 =	vld.idx.msk [tilespmem:v16+s10+$0x0], $0xffff;
	_ =	sdelay $0x3  }
0x168: {  	v37 =	vld [tilespmem:$0x80]  }
0x169: {  	v36 =	vld [tilespmem:$0x0];
	[tilespmem:$0xBF0] =	vst v16  }
0x16a: {  	v16 =	vld.idx.msk [tilespmem:v5+s1+$0x0], $0xffff  }
0x16b: {  	v17 =	vld.idx.msk [tilespmem:v5+s9+$0x0], $0xffff;
	_ =	sdelay $0x4  }
0x16c: {  	v38 =	vld [tilespmem:$0x10];
	v19 =	vsub.s32 v16, v37;
	v18 =	vsub.s32 v36, v17  }
0x16d: {  	v39 =	vld [tilespmem:$0x90];
	vm4 =	vgt.s32 v19, $0x0;
	vm5 =	vgt.s32 v18, $0x0  }
0x16e: {  	v19 =	vnsel vm4, $0x0, v19;
	v18 =	vnsel vm5, $0x0, v18  }
0x16f: {  	v18 =	vadd.s32 v18, v19  }
0x170: {  	vm6 =	vlt.s32 v18, $0x7FF  }
0x171: {  	v18 =	vnsel vm6, $0x7FF, v18  }
0x172: {  	v42 =	vld [tilespmem:$0xA0];
	v40 =	vsub.s32 v16, v39;
	v20 =	vsub.s32 v38, v17  }
0x173: {  	v41 =	vld [tilespmem:$0x20];
	vm7 =	vgt.s32 v40, $0x0;
	vm8 =	vgt.s32 v20, $0x0  }
0x174: {  	v20 =	vnsel vm8, $0x0, v20;
	v19 =	vnsel vm7, $0x0, v40  }
0x175: {  	v19 =	vadd.s32 v20, v19  }
0x176: {  	vm9 =	vlt.s32 v19, $0x7FF;
	v18 =	vld.idx.msk [tilespmem:v18+s10+$0x0], $0xffff  }
0x177: {  	v19 =	vnsel vm9, $0x7FF, v19  }
0x178: {  	v44 =	vld [tilespmem:$0x30];
	v43 =	vsub.s32 v16, v42;
	v21 =	vsub.s32 v41, v17  }
0x179: {  	v45 =	vld [tilespmem:$0xB0];
	vm10 =	vgt.s32 v43, $0x0;
	vm11 =	vgt.s32 v21, $0x0  }
0x17a: {  	v21 =	vnsel vm11, $0x0, v21;
	v20 =	vnsel vm10, $0x0, v43  }
0x17b: {  	v46 =	vadd.s32 v21, v20;
	[tilespmem:$0xC00] =	vst v18  }
0x17c: {  	vm12 =	vlt.s32 v46, $0x7FF;
	v19 =	vld.idx.msk [tilespmem:v19+s10+$0x0], $0xffff  }
0x17d: {  	v18 =	vnsel vm12, $0x7FF, v46  }
0x17e: {  	v50 =	vld [tilespmem:$0xC0];
	v47 =	vsub.s32 v16, v45;
	v48 =	vsub.s32 v44, v17  }
0x17f: {  	v49 =	vld [tilespmem:$0x40];
	vm13 =	vgt.s32 v47, $0x0;
	vm14 =	vgt.s32 v48, $0x0  }
0x180: {  	v20 =	vnsel vm13, $0x0, v47;
	v21 =	vnsel vm14, $0x0, v48  }
0x181: {  	v51 =	vadd.s32 v21, v20;
	[tilespmem:$0xC10] =	vst v19  }
0x182: {  	vm15 =	vlt.s32 v51, $0x7FF;
	v18 =	vld.idx.msk [tilespmem:v18+s10+$0x0], $0xffff  }
0x183: {  	v19 =	vnsel vm15, $0x7FF, v51  }
0x184: {  	v54 =	vld [tilespmem:$0x50];
	v52 =	vsub.s32 v16, v50;
	v53 =	vsub.s32 v49, v17  }
0x185: {  	v55 =	vld [tilespmem:$0xD0];
	vm4 =	vgt.s32 v52, $0x0;
	vm5 =	vgt.s32 v53, $0x0  }
0x186: {  	v20 =	vnsel vm4, $0x0, v52;
	v21 =	vnsel vm5, $0x0, v53  }
0x187: {  	v56 =	vadd.s32 v21, v20;
	[tilespmem:$0xC20] =	vst v18  }
0x188: {  	vm6 =	vlt.s32 v56, $0x7FF;
	v19 =	vld.idx.msk [tilespmem:v19+s10+$0x0], $0xffff  }
0x189: {  	v18 =	vnsel vm6, $0x7FF, v56  }
0x18a: {  	v59 =	vld [tilespmem:$0x60];
	v57 =	vsub.s32 v16, v55;
	v58 =	vsub.s32 v54, v17  }
0x18b: {  	v60 =	vld [tilespmem:$0xE0];
	vm8 =	vgt.s32 v58, $0x0;
	vm7 =	vgt.s32 v57, $0x0  }
0x18c: {  	v20 =	vnsel vm7, $0x0, v57;
	v21 =	vnsel vm8, $0x0, v58  }
0x18d: {  	v61 =	vadd.s32 v21, v20;
	[tilespmem:$0xC30] =	vst v19  }
0x18e: {  	vm9 =	vlt.s32 v61, $0x7FF;
	v18 =	vld.idx.msk [tilespmem:v18+s10+$0x0], $0xffff  }
0x18f: {  	v19 =	vnsel vm9, $0x7FF, v61  }
0x190: {  	v24 =	vld [tilespmem:$0x70];
	v62 =	vsub.s32 v16, v60;
	v63 =	vsub.s32 v59, v17  }
0x191: {  	v25 =	vld [tilespmem:$0xF0];
	vm11 =	vgt.s32 v63, $0x0;
	vm10 =	vgt.s32 v62, $0x0  }
0x192: {  	v20 =	vnsel vm10, $0x0, v62;
	v21 =	vnsel vm11, $0x0, v63  }
0x193: {  	v26 =	vadd.s32 v21, v20;
	[tilespmem:$0xC40] =	vst v18  }
0x194: {  	vm12 =	vlt.s32 v26, $0x7FF;
	v19 =	vld.idx.msk [tilespmem:v19+s10+$0x0], $0xffff  }
0x195: {  	v18 =	vnsel vm12, $0x7FF, v26  }
0x196: {  	v16 =	vsub.s32 v16, v25;
	v17 =	vsub.s32 v24, v17  }
0x197: {  	vm13 =	vgt.s32 v16, $0x0;
	vm14 =	vgt.s32 v17, $0x0  }
0x198: {  	v16 =	vnsel vm13, $0x0, v16;
	v17 =	vnsel vm14, $0x0, v17  }
0x199: {  	v16 =	vadd.s32 v17, v16;
	[tilespmem:$0xC50] =	vst v19  }
0x19a: {  	vm15 =	vlt.s32 v16, $0x7FF;
	v17 =	vld.idx.msk [tilespmem:v18+s10+$0x0], $0xffff  }
0x19b: {  	v16 =	vnsel vm15, $0x7FF, v16;
	_ =	sdelay $0x3  }
0x19c: {  	[tilespmem:$0xC60] =	vst v17  }
0x19d: {  	v16 =	vld.idx.msk [tilespmem:v16+s10+$0x0], $0xffff;
	_ =	sdelay $0x3  }
0x19e: {  	v28 =	vld [tilespmem:$0x80]  }
0x19f: {  	v27 =	vld [tilespmem:$0x0];
	[tilespmem:$0xC70] =	vst v16  }
0x1a0: {  	v16 =	vld.idx.msk [tilespmem:v6+s1+$0x0], $0xffff  }
0x1a1: {  	v17 =	vld.idx.msk [tilespmem:v6+s9+$0x0], $0xffff;
	_ =	sdelay $0x4  }
0x1a2: {  	v29 =	vld [tilespmem:$0x10];
	v19 =	vsub.s32 v16, v28;
	v18 =	vsub.s32 v27, v17  }
0x1a3: {  	v30 =	vld [tilespmem:$0x90];
	vm4 =	vgt.s32 v19, $0x0;
	vm5 =	vgt.s32 v18, $0x0  }
0x1a4: {  	v19 =	vnsel vm4, $0x0, v19;
	v18 =	vnsel vm5, $0x0, v18  }
0x1a5: {  	v18 =	vadd.s32 v18, v19  }
0x1a6: {  	vm6 =	vlt.s32 v18, $0x7FF  }
0x1a7: {  	v18 =	vnsel vm6, $0x7FF, v18  }
0x1a8: {  	v33 =	vld [tilespmem:$0xA0];
	v31 =	vsub.s32 v16, v30;
	v20 =	vsub.s32 v29, v17  }
0x1a9: {  	v32 =	vld [tilespmem:$0x20];
	vm7 =	vgt.s32 v31, $0x0;
	vm8 =	vgt.s32 v20, $0x0  }
0x1aa: {  	v20 =	vnsel vm8, $0x0, v20;
	v19 =	vnsel vm7, $0x0, v31  }
0x1ab: {  	v19 =	vadd.s32 v20, v19  }
0x1ac: {  	vm9 =	vlt.s32 v19, $0x7FF;
	v18 =	vld.idx.msk [tilespmem:v18+s10+$0x0], $0xffff  }
0x1ad: {  	v19 =	vnsel vm9, $0x7FF, v19  }
0x1ae: {  	v35 =	vld [tilespmem:$0x30];
	v34 =	vsub.s32 v16, v33;
	v21 =	vsub.s32 v32, v17  }
0x1af: {  	v36 =	vld [tilespmem:$0xB0];
	vm10 =	vgt.s32 v34, $0x0;
	vm11 =	vgt.s32 v21, $0x0  }
0x1b0: {  	v21 =	vnsel vm11, $0x0, v21;
	v20 =	vnsel vm10, $0x0, v34  }
0x1b1: {  	v37 =	vadd.s32 v21, v20;
	[tilespmem:$0xC80] =	vst v18  }
0x1b2: {  	vm12 =	vlt.s32 v37, $0x7FF;
	v19 =	vld.idx.msk [tilespmem:v19+s10+$0x0], $0xffff  }
0x1b3: {  	v18 =	vnsel vm12, $0x7FF, v37  }
0x1b4: {  	v41 =	vld [tilespmem:$0xC0];
	v38 =	vsub.s32 v16, v36;
	v39 =	vsub.s32 v35, v17  }
0x1b5: {  	v40 =	vld [tilespmem:$0x40];
	vm13 =	vgt.s32 v38, $0x0;
	vm14 =	vgt.s32 v39, $0x0  }
0x1b6: {  	v20 =	vnsel vm13, $0x0, v38;
	v21 =	vnsel vm14, $0x0, v39  }
0x1b7: {  	v42 =	vadd.s32 v21, v20;
	[tilespmem:$0xC90] =	vst v19  }
0x1b8: {  	vm15 =	vlt.s32 v42, $0x7FF;
	v18 =	vld.idx.msk [tilespmem:v18+s10+$0x0], $0xffff  }
0x1b9: {  	v19 =	vnsel vm15, $0x7FF, v42  }
0x1ba: {  	v45 =	vld [tilespmem:$0x50];
	v43 =	vsub.s32 v16, v41;
	v44 =	vsub.s32 v40, v17  }
0x1bb: {  	v46 =	vld [tilespmem:$0xD0];
	vm4 =	vgt.s32 v43, $0x0;
	vm5 =	vgt.s32 v44, $0x0  }
0x1bc: {  	v20 =	vnsel vm4, $0x0, v43;
	v21 =	vnsel vm5, $0x0, v44  }
0x1bd: {  	v47 =	vadd.s32 v21, v20;
	[tilespmem:$0xCA0] =	vst v18  }
0x1be: {  	vm6 =	vlt.s32 v47, $0x7FF;
	v19 =	vld.idx.msk [tilespmem:v19+s10+$0x0], $0xffff  }
0x1bf: {  	v18 =	vnsel vm6, $0x7FF, v47  }
0x1c0: {  	v50 =	vld [tilespmem:$0x60];
	v48 =	vsub.s32 v16, v46;
	v49 =	vsub.s32 v45, v17  }
0x1c1: {  	v51 =	vld [tilespmem:$0xE0];
	vm8 =	vgt.s32 v49, $0x0;
	vm7 =	vgt.s32 v48, $0x0  }
0x1c2: {  	v20 =	vnsel vm7, $0x0, v48;
	v21 =	vnsel vm8, $0x0, v49  }
0x1c3: {  	v52 =	vadd.s32 v21, v20;
	[tilespmem:$0xCB0] =	vst v19  }
0x1c4: {  	vm9 =	vlt.s32 v52, $0x7FF;
	v18 =	vld.idx.msk [tilespmem:v18+s10+$0x0], $0xffff  }
0x1c5: {  	v19 =	vnsel vm9, $0x7FF, v52  }
0x1c6: {  	v55 =	vld [tilespmem:$0x70];
	v53 =	vsub.s32 v16, v51;
	v54 =	vsub.s32 v50, v17  }
0x1c7: {  	v56 =	vld [tilespmem:$0xF0];
	vm11 =	vgt.s32 v54, $0x0;
	vm10 =	vgt.s32 v53, $0x0  }
0x1c8: {  	v20 =	vnsel vm10, $0x0, v53;
	v21 =	vnsel vm11, $0x0, v54  }
0x1c9: {  	v57 =	vadd.s32 v21, v20;
	[tilespmem:$0xCC0] =	vst v18  }
0x1ca: {  	vm12 =	vlt.s32 v57, $0x7FF;
	v19 =	vld.idx.msk [tilespmem:v19+s10+$0x0], $0xffff  }
0x1cb: {  	v18 =	vnsel vm12, $0x7FF, v57  }
0x1cc: {  	v16 =	vsub.s32 v16, v56;
	v17 =	vsub.s32 v55, v17  }
0x1cd: {  	vm13 =	vgt.s32 v16, $0x0;
	vm14 =	vgt.s32 v17, $0x0  }
0x1ce: {  	v16 =	vnsel vm13, $0x0, v16;
	v17 =	vnsel vm14, $0x0, v17  }
0x1cf: {  	v16 =	vadd.s32 v17, v16;
	[tilespmem:$0xCD0] =	vst v19  }
0x1d0: {  	vm15 =	vlt.s32 v16, $0x7FF;
	v17 =	vld.idx.msk [tilespmem:v18+s10+$0x0], $0xffff  }
0x1d1: {  	v16 =	vnsel vm15, $0x7FF, v16;
	_ =	sdelay $0x3  }
0x1d2: {  	[tilespmem:$0xCE0] =	vst v17  }
0x1d3: {  	v16 =	vld.idx.msk [tilespmem:v16+s10+$0x0], $0xffff;
	_ =	sdelay $0x3  }
0x1d4: {  	v59 =	vld [tilespmem:$0x80]  }
0x1d5: {  	v58 =	vld [tilespmem:$0x0];
	[tilespmem:$0xCF0] =	vst v16  }
0x1d6: {  	v16 =	vld.idx.msk [tilespmem:v7+s1+$0x0], $0xffff  }
0x1d7: {  	v17 =	vld.idx.msk [tilespmem:v7+s9+$0x0], $0xffff;
	_ =	sdelay $0x4  }
0x1d8: {  	v60 =	vld [tilespmem:$0x10];
	v19 =	vsub.s32 v16, v59;
	v18 =	vsub.s32 v58, v17  }
0x1d9: {  	v61 =	vld [tilespmem:$0x90];
	vm4 =	vgt.s32 v19, $0x0;
	vm5 =	vgt.s32 v18, $0x0  }
0x1da: {  	v19 =	vnsel vm4, $0x0, v19;
	v18 =	vnsel vm5, $0x0, v18  }
0x1db: {  	v18 =	vadd.s32 v18, v19  }
0x1dc: {  	vm6 =	vlt.s32 v18, $0x7FF  }
0x1dd: {  	v18 =	vnsel vm6, $0x7FF, v18  }
0x1de: {  	v24 =	vld [tilespmem:$0xA0];
	v62 =	vsub.s32 v16, v61;
	v20 =	vsub.s32 v60, v17  }
0x1df: {  	v63 =	vld [tilespmem:$0x20];
	vm7 =	vgt.s32 v62, $0x0;
	vm8 =	vgt.s32 v20, $0x0  }
0x1e0: {  	v20 =	vnsel vm8, $0x0, v20;
	v19 =	vnsel vm7, $0x0, v62  }
0x1e1: {  	v19 =	vadd.s32 v20, v19  }
0x1e2: {  	vm9 =	vlt.s32 v19, $0x7FF;
	v18 =	vld.idx.msk [tilespmem:v18+s10+$0x0], $0xffff  }
0x1e3: {  	v19 =	vnsel vm9, $0x7FF, v19  }
0x1e4: {  	v26 =	vld [tilespmem:$0x30];
	v25 =	vsub.s32 v16, v24;
	v21 =	vsub.s32 v63, v17  }
0x1e5: {  	v27 =	vld [tilespmem:$0xB0];
	vm10 =	vgt.s32 v25, $0x0;
	vm11 =	vgt.s32 v21, $0x0  }
0x1e6: {  	v21 =	vnsel vm11, $0x0, v21;
	v20 =	vnsel vm10, $0x0, v25  }
0x1e7: {  	v28 =	vadd.s32 v21, v20;
	[tilespmem:$0xD00] =	vst v18  }
0x1e8: {  	vm12 =	vlt.s32 v28, $0x7FF;
	v19 =	vld.idx.msk [tilespmem:v19+s10+$0x0], $0xffff  }
0x1e9: {  	v18 =	vnsel vm12, $0x7FF, v28  }
0x1ea: {  	v32 =	vld [tilespmem:$0xC0];
	v29 =	vsub.s32 v16, v27;
	v30 =	vsub.s32 v26, v17  }
0x1eb: {  	v31 =	vld [tilespmem:$0x40];
	vm13 =	vgt.s32 v29, $0x0;
	vm14 =	vgt.s32 v30, $0x0  }
0x1ec: {  	v20 =	vnsel vm13, $0x0, v29;
	v21 =	vnsel vm14, $0x0, v30  }
0x1ed: {  	v33 =	vadd.s32 v21, v20;
	[tilespmem:$0xD10] =	vst v19  }
0x1ee: {  	vm15 =	vlt.s32 v33, $0x7FF;
	v18 =	vld.idx.msk [tilespmem:v18+s10+$0x0], $0xffff  }
0x1ef: {  	v19 =	vnsel vm15, $0x7FF, v33  }
0x1f0: {  	v36 =	vld [tilespmem:$0x50];
	v34 =	vsub.s32 v16, v32;
	v35 =	vsub.s32 v31, v17  }
0x1f1: {  	v37 =	vld [tilespmem:$0xD0];
	vm4 =	vgt.s32 v34, $0x0;
	vm5 =	vgt.s32 v35, $0x0  }
0x1f2: {  	v20 =	vnsel vm4, $0x0, v34;
	v21 =	vnsel vm5, $0x0, v35  }
0x1f3: {  	v38 =	vadd.s32 v21, v20;
	[tilespmem:$0xD20] =	vst v18  }
0x1f4: {  	vm6 =	vlt.s32 v38, $0x7FF;
	v19 =	vld.idx.msk [tilespmem:v19+s10+$0x0], $0xffff  }
0x1f5: {  	v18 =	vnsel vm6, $0x7FF, v38  }
0x1f6: {  	v41 =	vld [tilespmem:$0x60];
	v39 =	vsub.s32 v16, v37;
	v40 =	vsub.s32 v36, v17  }
0x1f7: {  	v42 =	vld [tilespmem:$0xE0];
	vm8 =	vgt.s32 v40, $0x0;
	vm7 =	vgt.s32 v39, $0x0  }
0x1f8: {  	v20 =	vnsel vm7, $0x0, v39;
	v21 =	vnsel vm8, $0x0, v40  }
0x1f9: {  	v43 =	vadd.s32 v21, v20;
	[tilespmem:$0xD30] =	vst v19  }
0x1fa: {  	vm9 =	vlt.s32 v43, $0x7FF;
	v18 =	vld.idx.msk [tilespmem:v18+s10+$0x0], $0xffff  }
0x1fb: {  	v19 =	vnsel vm9, $0x7FF, v43  }
0x1fc: {  	v46 =	vld [tilespmem:$0x70];
	v44 =	vsub.s32 v16, v42;
	v45 =	vsub.s32 v41, v17  }
0x1fd: {  	v47 =	vld [tilespmem:$0xF0];
	vm11 =	vgt.s32 v45, $0x0;
	vm10 =	vgt.s32 v44, $0x0  }
0x1fe: {  	v20 =	vnsel vm10, $0x0, v44;
	v21 =	vnsel vm11, $0x0, v45  }
0x1ff: {  	v48 =	vadd.s32 v21, v20;
	[tilespmem:$0xD40] =	vst v18  }
0x200: {  	vm12 =	vlt.s32 v48, $0x7FF;
	v19 =	vld.idx.msk [tilespmem:v19+s10+$0x0], $0xffff  }
0x201: {  	v18 =	vnsel vm12, $0x7FF, v48  }
0x202: {  	v16 =	vsub.s32 v16, v47;
	v17 =	vsub.s32 v46, v17  }
0x203: {  	vm13 =	vgt.s32 v16, $0x0;
	vm14 =	vgt.s32 v17, $0x0  }
0x204: {  	v16 =	vnsel vm13, $0x0, v16;
	v17 =	vnsel vm14, $0x0, v17  }
0x205: {  	v16 =	vadd.s32 v17, v16;
	[tilespmem:$0xD50] =	vst v19  }
0x206: {  	vm15 =	vlt.s32 v16, $0x7FF;
	v17 =	vld.idx.msk [tilespmem:v18+s10+$0x0], $0xffff  }
0x207: {  	v16 =	vnsel vm15, $0x7FF, v16;
	_ =	sdelay $0x3  }
0x208: {  	[tilespmem:$0xD60] =	vst v17  }
0x209: {  	v16 =	vld.idx.msk [tilespmem:v16+s10+$0x0], $0xffff;
	_ =	sdelay $0x3  }
0x20a: {  	v50 =	vld [tilespmem:$0x80]  }
0x20b: {  	v49 =	vld [tilespmem:$0x0];
	[tilespmem:$0xD70] =	vst v16  }
0x20c: {  	v16 =	vld.idx.msk [tilespmem:v9+s1+$0x0], $0xffff  }
0x20d: {  	v17 =	vld.idx.msk [tilespmem:v9+s9+$0x0], $0xffff;
	_ =	sdelay $0x4  }
0x20e: {  	v51 =	vld [tilespmem:$0x10];
	v19 =	vsub.s32 v16, v50;
	v18 =	vsub.s32 v49, v17  }
0x20f: {  	v52 =	vld [tilespmem:$0x90];
	vm4 =	vgt.s32 v19, $0x0;
	vm5 =	vgt.s32 v18, $0x0  }
0x210: {  	v19 =	vnsel vm4, $0x0, v19;
	v18 =	vnsel vm5, $0x0, v18  }
0x211: {  	v18 =	vadd.s32 v18, v19  }
0x212: {  	vm6 =	vlt.s32 v18, $0x7FF  }
0x213: {  	v18 =	vnsel vm6, $0x7FF, v18  }
0x214: {  	v55 =	vld [tilespmem:$0xA0];
	v53 =	vsub.s32 v16, v52;
	v20 =	vsub.s32 v51, v17  }
0x215: {  	v54 =	vld [tilespmem:$0x20];
	vm7 =	vgt.s32 v53, $0x0;
	vm8 =	vgt.s32 v20, $0x0  }
0x216: {  	v20 =	vnsel vm8, $0x0, v20;
	v19 =	vnsel vm7, $0x0, v53  }
0x217: {  	v19 =	vadd.s32 v20, v19  }
0x218: {  	vm9 =	vlt.s32 v19, $0x7FF;
	v18 =	vld.idx.msk [tilespmem:v18+s10+$0x0], $0xffff  }
0x219: {  	v19 =	vnsel vm9, $0x7FF, v19  }
0x21a: {  	v57 =	vld [tilespmem:$0x30];
	v56 =	vsub.s32 v16, v55;
	v21 =	vsub.s32 v54, v17  }
0x21b: {  	v58 =	vld [tilespmem:$0xB0];
	vm10 =	vgt.s32 v56, $0x0;
	vm11 =	vgt.s32 v21, $0x0  }
0x21c: {  	v21 =	vnsel vm11, $0x0, v21;
	v20 =	vnsel vm10, $0x0, v56  }
0x21d: {  	v59 =	vadd.s32 v21, v20;
	[tilespmem:$0xD80] =	vst v18  }
0x21e: {  	vm12 =	vlt.s32 v59, $0x7FF;
	v19 =	vld.idx.msk [tilespmem:v19+s10+$0x0], $0xffff  }
0x21f: {  	v18 =	vnsel vm12, $0x7FF, v59  }
0x220: {  	v63 =	vld [tilespmem:$0xC0];
	v60 =	vsub.s32 v16, v58;
	v61 =	vsub.s32 v57, v17  }
0x221: {  	v62 =	vld [tilespmem:$0x40];
	vm13 =	vgt.s32 v60, $0x0;
	vm14 =	vgt.s32 v61, $0x0  }
0x222: {  	v20 =	vnsel vm13, $0x0, v60;
	v21 =	vnsel vm14, $0x0, v61  }
0x223: {  	v21 =	vadd.s32 v21, v20;
	[tilespmem:$0xD90] =	vst v19  }
0x224: {  	vm15 =	vlt.s32 v21, $0x7FF;
	v18 =	vld.idx.msk [tilespmem:v18+s10+$0x0], $0xffff  }
0x225: {  	v19 =	vnsel vm15, $0x7FF, v21  }
0x226: {  	v26 =	vld [tilespmem:$0x50];
	v24 =	vsub.s32 v16, v63;
	v25 =	vsub.s32 v62, v17  }
0x227: {  	v27 =	vld [tilespmem:$0xD0];
	vm4 =	vgt.s32 v24, $0x0;
	vm5 =	vgt.s32 v25, $0x0  }
0x228: {  	v20 =	vnsel vm4, $0x0, v24;
	v21 =	vnsel vm5, $0x0, v25  }
0x229: {  	v28 =	vadd.s32 v21, v20;
	[tilespmem:$0xDA0] =	vst v18  }
0x22a: {  	vm6 =	vlt.s32 v28, $0x7FF;
	v19 =	vld.idx.msk [tilespmem:v19+s10+$0x0], $0xffff  }
0x22b: {  	v18 =	vnsel vm6, $0x7FF, v28  }
0x22c: {  	v31 =	vld [tilespmem:$0x60];
	v29 =	vsub.s32 v16, v27;
	v30 =	vsub.s32 v26, v17  }
0x22d: {  	v32 =	vld [tilespmem:$0xE0];
	vm8 =	vgt.s32 v30, $0x0;
	vm7 =	vgt.s32 v29, $0x0  }
0x22e: {  	v20 =	vnsel vm7, $0x0, v29;
	v21 =	vnsel vm8, $0x0, v30  }
0x22f: {  	v33 =	vadd.s32 v21, v20;
	[tilespmem:$0xDB0] =	vst v19  }
0x230: {  	vm9 =	vlt.s32 v33, $0x7FF;
	v18 =	vld.idx.msk [tilespmem:v18+s10+$0x0], $0xffff  }
0x231: {  	v19 =	vnsel vm9, $0x7FF, v33  }
0x232: {  	v36 =	vld [tilespmem:$0x70];
	v34 =	vsub.s32 v16, v32;
	v35 =	vsub.s32 v31, v17  }
0x233: {  	v37 =	vld [tilespmem:$0xF0];
	vm11 =	vgt.s32 v35, $0x0;
	vm10 =	vgt.s32 v34, $0x0  }
0x234: {  	v20 =	vnsel vm10, $0x0, v34;
	v21 =	vnsel vm11, $0x0, v35  }
0x235: {  	v38 =	vadd.s32 v21, v20;
	[tilespmem:$0xDC0] =	vst v18  }
0x236: {  	vm12 =	vlt.s32 v38, $0x7FF;
	v19 =	vld.idx.msk [tilespmem:v19+s10+$0x0], $0xffff  }
0x237: {  	v18 =	vnsel vm12, $0x7FF, v38  }
0x238: {  	v16 =	vsub.s32 v16, v37;
	v17 =	vsub.s32 v36, v17  }
0x239: {  	vm13 =	vgt.s32 v16, $0x0;
	vm14 =	vgt.s32 v17, $0x0  }
0x23a: {  	v16 =	vnsel vm13, $0x0, v16;
	v17 =	vnsel vm14, $0x0, v17  }
0x23b: {  	v16 =	vadd.s32 v17, v16;
	[tilespmem:$0xDD0] =	vst v19  }
0x23c: {  	vm15 =	vlt.s32 v16, $0x7FF;
	v17 =	vld.idx.msk [tilespmem:v18+s10+$0x0], $0xffff  }
0x23d: {  	v16 =	vnsel vm15, $0x7FF, v16;
	_ =	sdelay $0x3  }
0x23e: {  	[tilespmem:$0xDE0] =	vst v17  }
0x23f: {  	v16 =	vld.idx.msk [tilespmem:v16+s10+$0x0], $0xffff;
	_ =	sdelay $0x3  }
0x240: {  	v39 =	vld [tilespmem:$0x0]  }
0x241: {  	v40 =	vld [tilespmem:$0x80];
	[tilespmem:$0xDF0] =	vst v16  }
0x242: {  	v16 =	vld.idx.msk [tilespmem:v10+s1+$0x0], $0xffff  }
0x243: {  	v17 =	vld.idx.msk [tilespmem:v10+s9+$0x0], $0xffff;
	_ =	sdelay $0x4  }
0x244: {  	v41 =	vld [tilespmem:$0x10];
	v19 =	vsub.s32 v16, v40;
	v18 =	vsub.s32 v39, v17  }
0x245: {  	v42 =	vld [tilespmem:$0x90];
	vm4 =	vgt.s32 v19, $0x0;
	vm5 =	vgt.s32 v18, $0x0  }
0x246: {  	v19 =	vnsel vm4, $0x0, v19;
	v18 =	vnsel vm5, $0x0, v18  }
0x247: {  	v18 =	vadd.s32 v18, v19  }
0x248: {  	vm6 =	vlt.s32 v18, $0x7FF  }
0x249: {  	v18 =	vnsel vm6, $0x7FF, v18  }
0x24a: {  	v44 =	vld [tilespmem:$0x20];
	v43 =	vsub.s32 v16, v42;
	v20 =	vsub.s32 v41, v17  }
0x24b: {  	v45 =	vld [tilespmem:$0xA0];
	vm7 =	vgt.s32 v43, $0x0;
	vm8 =	vgt.s32 v20, $0x0  }
0x24c: {  	v20 =	vnsel vm8, $0x0, v20;
	v19 =	vnsel vm7, $0x0, v43  }
0x24d: {  	v19 =	vadd.s32 v20, v19  }
0x24e: {  	vm9 =	vlt.s32 v19, $0x7FF;
	v18 =	vld.idx.msk [tilespmem:v18+s10+$0x0], $0xffff  }
0x24f: {  	v19 =	vnsel vm9, $0x7FF, v19  }
0x250: {  	v47 =	vld [tilespmem:$0x30];
	v46 =	vsub.s32 v16, v45;
	v21 =	vsub.s32 v44, v17  }
0x251: {  	v48 =	vld [tilespmem:$0xB0];
	vm10 =	vgt.s32 v46, $0x0;
	vm11 =	vgt.s32 v21, $0x0  }
0x252: {  	v21 =	vnsel vm11, $0x0, v21;
	v20 =	vnsel vm10, $0x0, v46  }
0x253: {  	v49 =	vadd.s32 v21, v20;
	[tilespmem:$0xE00] =	vst v18  }
0x254: {  	vm12 =	vlt.s32 v49, $0x7FF;
	v19 =	vld.idx.msk [tilespmem:v19+s10+$0x0], $0xffff  }
0x255: {  	v18 =	vnsel vm12, $0x7FF, v49  }
0x256: {  	v52 =	vld [tilespmem:$0x40];
	v50 =	vsub.s32 v16, v48;
	v51 =	vsub.s32 v47, v17  }
0x257: {  	v53 =	vld [tilespmem:$0xC0];
	vm13 =	vgt.s32 v50, $0x0;
	vm14 =	vgt.s32 v51, $0x0  }
0x258: {  	v20 =	vnsel vm13, $0x0, v50;
	v21 =	vnsel vm14, $0x0, v51  }
0x259: {  	v54 =	vadd.s32 v21, v20;
	[tilespmem:$0xE10] =	vst v19  }
0x25a: {  	vm15 =	vlt.s32 v54, $0x7FF;
	v18 =	vld.idx.msk [tilespmem:v18+s10+$0x0], $0xffff  }
0x25b: {  	v19 =	vnsel vm15, $0x7FF, v54  }
0x25c: {  	v57 =	vld [tilespmem:$0x50];
	v55 =	vsub.s32 v16, v53;
	v56 =	vsub.s32 v52, v17  }
0x25d: {  	v58 =	vld [tilespmem:$0xD0];
	vm4 =	vgt.s32 v55, $0x0;
	vm5 =	vgt.s32 v56, $0x0  }
0x25e: {  	v20 =	vnsel vm4, $0x0, v55;
	v21 =	vnsel vm5, $0x0, v56  }
0x25f: {  	v59 =	vadd.s32 v21, v20;
	[tilespmem:$0xE20] =	vst v18  }
0x260: {  	vm6 =	vlt.s32 v59, $0x7FF;
	v19 =	vld.idx.msk [tilespmem:v19+s10+$0x0], $0xffff  }
0x261: {  	v18 =	vnsel vm6, $0x7FF, v59  }
0x262: {  	v62 =	vld [tilespmem:$0x60];
	v60 =	vsub.s32 v16, v58;
	v61 =	vsub.s32 v57, v17  }
0x263: {  	v63 =	vld [tilespmem:$0xE0];
	vm8 =	vgt.s32 v61, $0x0;
	vm7 =	vgt.s32 v60, $0x0  }
0x264: {  	v20 =	vnsel vm7, $0x0, v60;
	v21 =	vnsel vm8, $0x0, v61  }
0x265: {  	v21 =	vadd.s32 v21, v20;
	[tilespmem:$0xE30] =	vst v19  }
0x266: {  	vm9 =	vlt.s32 v21, $0x7FF;
	v18 =	vld.idx.msk [tilespmem:v18+s10+$0x0], $0xffff  }
0x267: {  	v19 =	vnsel vm9, $0x7FF, v21  }
0x268: {  	v26 =	vld [tilespmem:$0x70];
	v24 =	vsub.s32 v16, v63;
	v25 =	vsub.s32 v62, v17  }
0x269: {  	v27 =	vld [tilespmem:$0xF0];
	vm11 =	vgt.s32 v25, $0x0;
	vm10 =	vgt.s32 v24, $0x0  }
0x26a: {  	v20 =	vnsel vm10, $0x0, v24;
	v21 =	vnsel vm11, $0x0, v25  }
0x26b: {  	v28 =	vadd.s32 v21, v20;
	[tilespmem:$0xE40] =	vst v18  }
0x26c: {  	vm12 =	vlt.s32 v28, $0x7FF;
	v19 =	vld.idx.msk [tilespmem:v19+s10+$0x0], $0xffff  }
0x26d: {  	v18 =	vnsel vm12, $0x7FF, v28  }
0x26e: {  	v16 =	vsub.s32 v16, v27;
	v17 =	vsub.s32 v26, v17  }
0x26f: {  	vm13 =	vgt.s32 v16, $0x0;
	vm14 =	vgt.s32 v17, $0x0  }
0x270: {  	v16 =	vnsel vm13, $0x0, v16;
	v17 =	vnsel vm14, $0x0, v17  }
0x271: {  	v16 =	vadd.s32 v17, v16;
	[tilespmem:$0xE50] =	vst v19  }
0x272: {  	vm15 =	vlt.s32 v16, $0x7FF;
	v17 =	vld.idx.msk [tilespmem:v18+s10+$0x0], $0xffff  }
0x273: {  	v16 =	vnsel vm15, $0x7FF, v16;
	_ =	sdelay $0x3  }
0x274: {  	[tilespmem:$0xE60] =	vst v17  }
0x275: {  	v16 =	vld.idx.msk [tilespmem:v16+s10+$0x0], $0xffff;
	_ =	sdelay $0x3  }
0x276: {  	v29 =	vld [tilespmem:$0x0]  }
0x277: {  	v30 =	vld [tilespmem:$0x80];
	[tilespmem:$0xE70] =	vst v16  }
0x278: {  	v16 =	vld.idx.msk [tilespmem:v11+s1+$0x0], $0xffff  }
0x279: {  	v17 =	vld.idx.msk [tilespmem:v11+s9+$0x0], $0xffff;
	_ =	sdelay $0x4  }
0x27a: {  	v31 =	vld [tilespmem:$0x10];
	v19 =	vsub.s32 v16, v30;
	v18 =	vsub.s32 v29, v17  }
0x27b: {  	v32 =	vld [tilespmem:$0x90];
	vm4 =	vgt.s32 v19, $0x0;
	vm5 =	vgt.s32 v18, $0x0  }
0x27c: {  	v19 =	vnsel vm4, $0x0, v19;
	v18 =	vnsel vm5, $0x0, v18  }
0x27d: {  	v18 =	vadd.s32 v18, v19  }
0x27e: {  	vm6 =	vlt.s32 v18, $0x7FF  }
0x27f: {  	v18 =	vnsel vm6, $0x7FF, v18  }
0x280: {  	v34 =	vld [tilespmem:$0x20];
	v33 =	vsub.s32 v16, v32;
	v20 =	vsub.s32 v31, v17  }
0x281: {  	v35 =	vld [tilespmem:$0xA0];
	vm7 =	vgt.s32 v33, $0x0;
	vm8 =	vgt.s32 v20, $0x0  }
0x282: {  	v20 =	vnsel vm8, $0x0, v20;
	v19 =	vnsel vm7, $0x0, v33  }
0x283: {  	v19 =	vadd.s32 v20, v19  }
0x284: {  	vm9 =	vlt.s32 v19, $0x7FF;
	v18 =	vld.idx.msk [tilespmem:v18+s10+$0x0], $0xffff  }
0x285: {  	v19 =	vnsel vm9, $0x7FF, v19  }
0x286: {  	v37 =	vld [tilespmem:$0x30];
	v36 =	vsub.s32 v16, v35;
	v21 =	vsub.s32 v34, v17  }
0x287: {  	v38 =	vld [tilespmem:$0xB0];
	vm10 =	vgt.s32 v36, $0x0;
	vm11 =	vgt.s32 v21, $0x0  }
0x288: {  	v21 =	vnsel vm11, $0x0, v21;
	v20 =	vnsel vm10, $0x0, v36  }
0x289: {  	v39 =	vadd.s32 v21, v20;
	[tilespmem:$0xE80] =	vst v18  }
0x28a: {  	vm12 =	vlt.s32 v39, $0x7FF;
	v19 =	vld.idx.msk [tilespmem:v19+s10+$0x0], $0xffff  }
0x28b: {  	v18 =	vnsel vm12, $0x7FF, v39  }
0x28c: {  	v42 =	vld [tilespmem:$0x40];
	v40 =	vsub.s32 v16, v38;
	v41 =	vsub.s32 v37, v17  }
0x28d: {  	v43 =	vld [tilespmem:$0xC0];
	vm13 =	vgt.s32 v40, $0x0;
	vm14 =	vgt.s32 v41, $0x0  }
0x28e: {  	v20 =	vnsel vm13, $0x0, v40;
	v21 =	vnsel vm14, $0x0, v41  }
0x28f: {  	v44 =	vadd.s32 v21, v20;
	[tilespmem:$0xE90] =	vst v19  }
0x290: {  	vm15 =	vlt.s32 v44, $0x7FF;
	v18 =	vld.idx.msk [tilespmem:v18+s10+$0x0], $0xffff  }
0x291: {  	v19 =	vnsel vm15, $0x7FF, v44  }
0x292: {  	v47 =	vld [tilespmem:$0x50];
	v45 =	vsub.s32 v16, v43;
	v46 =	vsub.s32 v42, v17  }
0x293: {  	v48 =	vld [tilespmem:$0xD0];
	vm4 =	vgt.s32 v45, $0x0;
	vm5 =	vgt.s32 v46, $0x0  }
0x294: {  	v20 =	vnsel vm4, $0x0, v45;
	v21 =	vnsel vm5, $0x0, v46  }
0x295: {  	v49 =	vadd.s32 v21, v20;
	[tilespmem:$0xEA0] =	vst v18  }
0x296: {  	vm6 =	vlt.s32 v49, $0x7FF;
	v19 =	vld.idx.msk [tilespmem:v19+s10+$0x0], $0xffff  }
0x297: {  	v18 =	vnsel vm6, $0x7FF, v49  }
0x298: {  	v52 =	vld [tilespmem:$0x60];
	v50 =	vsub.s32 v16, v48;
	v51 =	vsub.s32 v47, v17  }
0x299: {  	v53 =	vld [tilespmem:$0xE0];
	vm8 =	vgt.s32 v51, $0x0;
	vm7 =	vgt.s32 v50, $0x0  }
0x29a: {  	v20 =	vnsel vm7, $0x0, v50;
	v21 =	vnsel vm8, $0x0, v51  }
0x29b: {  	v54 =	vadd.s32 v21, v20;
	[tilespmem:$0xEB0] =	vst v19  }
0x29c: {  	vm9 =	vlt.s32 v54, $0x7FF;
	v18 =	vld.idx.msk [tilespmem:v18+s10+$0x0], $0xffff  }
0x29d: {  	v19 =	vnsel vm9, $0x7FF, v54  }
0x29e: {  	v57 =	vld [tilespmem:$0x70];
	v55 =	vsub.s32 v16, v53;
	v56 =	vsub.s32 v52, v17  }
0x29f: {  	v58 =	vld [tilespmem:$0xF0];
	vm11 =	vgt.s32 v56, $0x0;
	vm10 =	vgt.s32 v55, $0x0  }
0x2a0: {  	v20 =	vnsel vm10, $0x0, v55;
	v21 =	vnsel vm11, $0x0, v56  }
0x2a1: {  	v59 =	vadd.s32 v21, v20;
	[tilespmem:$0xEC0] =	vst v18  }
0x2a2: {  	vm12 =	vlt.s32 v59, $0x7FF;
	v19 =	vld.idx.msk [tilespmem:v19+s10+$0x0], $0xffff  }
0x2a3: {  	v18 =	vnsel vm12, $0x7FF, v59  }
0x2a4: {  	v16 =	vsub.s32 v16, v58;
	v17 =	vsub.s32 v57, v17  }
0x2a5: {  	vm13 =	vgt.s32 v16, $0x0;
	vm14 =	vgt.s32 v17, $0x0  }
0x2a6: {  	v16 =	vnsel vm13, $0x0, v16;
	v17 =	vnsel vm14, $0x0, v17  }
0x2a7: {  	v16 =	vadd.s32 v17, v16;
	[tilespmem:$0xED0] =	vst v19  }
0x2a8: {  	vm15 =	vlt.s32 v16, $0x7FF;
	v17 =	vld.idx.msk [tilespmem:v18+s10+$0x0], $0xffff  }
0x2a9: {  	v16 =	vnsel vm15, $0x7FF, v16;
	_ =	sdelay $0x3  }
0x2aa: {  	[tilespmem:$0xEE0] =	vst v17  }
0x2ab: {  	v16 =	vld.idx.msk [tilespmem:v16+s10+$0x0], $0xffff;
	_ =	sdelay $0x3  }
0x2ac: {  	v60 =	vld [tilespmem:$0x0]  }
0x2ad: {  	v61 =	vld [tilespmem:$0x80];
	[tilespmem:$0xEF0] =	vst v16  }
0x2ae: {  	v16 =	vld.idx.msk [tilespmem:v12+s1+$0x0], $0xffff  }
0x2af: {  	v17 =	vld.idx.msk [tilespmem:v12+s9+$0x0], $0xffff;
	_ =	sdelay $0x4  }
0x2b0: {  	v62 =	vld [tilespmem:$0x10];
	v19 =	vsub.s32 v16, v61;
	v18 =	vsub.s32 v60, v17  }
0x2b1: {  	v63 =	vld [tilespmem:$0x90];
	vm4 =	vgt.s32 v19, $0x0;
	vm5 =	vgt.s32 v18, $0x0  }
0x2b2: {  	v19 =	vnsel vm4, $0x0, v19;
	v18 =	vnsel vm5, $0x0, v18  }
0x2b3: {  	v18 =	vadd.s32 v18, v19  }
0x2b4: {  	vm6 =	vlt.s32 v18, $0x7FF  }
0x2b5: {  	v18 =	vnsel vm6, $0x7FF, v18  }
0x2b6: {  	v26 =	vld [tilespmem:$0xA0];
	v24 =	vsub.s32 v16, v63;
	v20 =	vsub.s32 v62, v17  }
0x2b7: {  	v25 =	vld [tilespmem:$0x20];
	vm7 =	vgt.s32 v24, $0x0;
	vm8 =	vgt.s32 v20, $0x0  }
0x2b8: {  	v20 =	vnsel vm8, $0x0, v20;
	v19 =	vnsel vm7, $0x0, v24  }
0x2b9: {  	v19 =	vadd.s32 v20, v19  }
0x2ba: {  	vm9 =	vlt.s32 v19, $0x7FF;
	v18 =	vld.idx.msk [tilespmem:v18+s10+$0x0], $0xffff  }
0x2bb: {  	v19 =	vnsel vm9, $0x7FF, v19  }
0x2bc: {  	v28 =	vld [tilespmem:$0x30];
	v27 =	vsub.s32 v16, v26;
	v21 =	vsub.s32 v25, v17  }
0x2bd: {  	v29 =	vld [tilespmem:$0xB0];
	vm10 =	vgt.s32 v27, $0x0;
	vm11 =	vgt.s32 v21, $0x0  }
0x2be: {  	v21 =	vnsel vm11, $0x0, v21;
	v20 =	vnsel vm10, $0x0, v27  }
0x2bf: {  	v30 =	vadd.s32 v21, v20;
	[tilespmem:$0xF00] =	vst v18  }
0x2c0: {  	vm12 =	vlt.s32 v30, $0x7FF;
	v19 =	vld.idx.msk [tilespmem:v19+s10+$0x0], $0xffff  }
0x2c1: {  	v18 =	vnsel vm12, $0x7FF, v30  }
0x2c2: {  	v34 =	vld [tilespmem:$0xC0];
	v31 =	vsub.s32 v16, v29;
	v32 =	vsub.s32 v28, v17  }
0x2c3: {  	v33 =	vld [tilespmem:$0x40];
	vm13 =	vgt.s32 v31, $0x0;
	vm14 =	vgt.s32 v32, $0x0  }
0x2c4: {  	v20 =	vnsel vm13, $0x0, v31;
	v21 =	vnsel vm14, $0x0, v32  }
0x2c5: {  	v35 =	vadd.s32 v21, v20;
	[tilespmem:$0xF10] =	vst v19  }
0x2c6: {  	vm15 =	vlt.s32 v35, $0x7FF;
	v18 =	vld.idx.msk [tilespmem:v18+s10+$0x0], $0xffff  }
0x2c7: {  	v19 =	vnsel vm15, $0x7FF, v35  }
0x2c8: {  	v38 =	vld [tilespmem:$0x50];
	v36 =	vsub.s32 v16, v34;
	v37 =	vsub.s32 v33, v17  }
0x2c9: {  	v39 =	vld [tilespmem:$0xD0];
	vm4 =	vgt.s32 v36, $0x0;
	vm5 =	vgt.s32 v37, $0x0  }
0x2ca: {  	v20 =	vnsel vm4, $0x0, v36;
	v21 =	vnsel vm5, $0x0, v37  }
0x2cb: {  	v40 =	vadd.s32 v21, v20;
	[tilespmem:$0xF20] =	vst v18  }
0x2cc: {  	vm6 =	vlt.s32 v40, $0x7FF;
	v19 =	vld.idx.msk [tilespmem:v19+s10+$0x0], $0xffff  }
0x2cd: {  	v18 =	vnsel vm6, $0x7FF, v40  }
0x2ce: {  	v43 =	vld [tilespmem:$0x60];
	v41 =	vsub.s32 v16, v39;
	v42 =	vsub.s32 v38, v17  }
0x2cf: {  	v44 =	vld [tilespmem:$0xE0];
	vm8 =	vgt.s32 v42, $0x0;
	vm7 =	vgt.s32 v41, $0x0  }
0x2d0: {  	v20 =	vnsel vm7, $0x0, v41;
	v21 =	vnsel vm8, $0x0, v42  }
0x2d1: {  	v45 =	vadd.s32 v21, v20;
	[tilespmem:$0xF30] =	vst v19  }
0x2d2: {  	vm9 =	vlt.s32 v45, $0x7FF;
	v18 =	vld.idx.msk [tilespmem:v18+s10+$0x0], $0xffff  }
0x2d3: {  	v19 =	vnsel vm9, $0x7FF, v45  }
0x2d4: {  	v48 =	vld [tilespmem:$0x70];
	v46 =	vsub.s32 v16, v44;
	v47 =	vsub.s32 v43, v17  }
0x2d5: {  	v49 =	vld [tilespmem:$0xF0];
	vm11 =	vgt.s32 v47, $0x0;
	vm10 =	vgt.s32 v46, $0x0  }
0x2d6: {  	v20 =	vnsel vm10, $0x0, v46;
	v21 =	vnsel vm11, $0x0, v47  }
0x2d7: {  	v50 =	vadd.s32 v21, v20;
	[tilespmem:$0xF40] =	vst v18  }
0x2d8: {  	vm12 =	vlt.s32 v50, $0x7FF;
	v19 =	vld.idx.msk [tilespmem:v19+s10+$0x0], $0xffff  }
0x2d9: {  	v18 =	vnsel vm12, $0x7FF, v50  }
0x2da: {  	v16 =	vsub.s32 v16, v49;
	v17 =	vsub.s32 v48, v17  }
0x2db: {  	vm13 =	vgt.s32 v16, $0x0;
	vm14 =	vgt.s32 v17, $0x0  }
0x2dc: {  	v16 =	vnsel vm13, $0x0, v16;
	v17 =	vnsel vm14, $0x0, v17  }
0x2dd: {  	v16 =	vadd.s32 v17, v16;
	[tilespmem:$0xF50] =	vst v19  }
0x2de: {  	vm15 =	vlt.s32 v16, $0x7FF;
	v17 =	vld.idx.msk [tilespmem:v18+s10+$0x0], $0xffff  }
0x2df: {  	v16 =	vnsel vm15, $0x7FF, v16;
	_ =	sdelay $0x3  }
0x2e0: {  	[tilespmem:$0xF60] =	vst v17  }
0x2e1: {  	v16 =	vld.idx.msk [tilespmem:v16+s10+$0x0], $0xffff;
	_ =	sdelay $0x3  }
0x2e2: {  	v52 =	vld [tilespmem:$0x80]  }
0x2e3: {  	v51 =	vld [tilespmem:$0x0];
	[tilespmem:$0xF70] =	vst v16  }
0x2e4: {  	v16 =	vld.idx.msk [tilespmem:v13+s1+$0x0], $0xffff  }
0x2e5: {  	v17 =	vld.idx.msk [tilespmem:v13+s9+$0x0], $0xffff;
	_ =	sdelay $0x4  }
0x2e6: {  	v53 =	vld [tilespmem:$0x10];
	v19 =	vsub.s32 v16, v52;
	v18 =	vsub.s32 v51, v17  }
0x2e7: {  	v54 =	vld [tilespmem:$0x90];
	vm4 =	vgt.s32 v19, $0x0;
	vm5 =	vgt.s32 v18, $0x0  }
0x2e8: {  	v19 =	vnsel vm4, $0x0, v19;
	v18 =	vnsel vm5, $0x0, v18  }
0x2e9: {  	v18 =	vadd.s32 v18, v19  }
0x2ea: {  	vm6 =	vlt.s32 v18, $0x7FF  }
0x2eb: {  	v18 =	vnsel vm6, $0x7FF, v18  }
0x2ec: {  	v57 =	vld [tilespmem:$0xA0];
	v55 =	vsub.s32 v16, v54;
	v20 =	vsub.s32 v53, v17  }
0x2ed: {  	v56 =	vld [tilespmem:$0x20];
	vm7 =	vgt.s32 v55, $0x0;
	vm8 =	vgt.s32 v20, $0x0  }
0x2ee: {  	v20 =	vnsel vm8, $0x0, v20;
	v19 =	vnsel vm7, $0x0, v55  }
0x2ef: {  	v19 =	vadd.s32 v20, v19  }
0x2f0: {  	vm9 =	vlt.s32 v19, $0x7FF;
	v18 =	vld.idx.msk [tilespmem:v18+s10+$0x0], $0xffff  }
0x2f1: {  	v19 =	vnsel vm9, $0x7FF, v19  }
0x2f2: {  	v59 =	vld [tilespmem:$0x30];
	v58 =	vsub.s32 v16, v57;
	v21 =	vsub.s32 v56, v17  }
0x2f3: {  	v60 =	vld [tilespmem:$0xB0];
	vm10 =	vgt.s32 v58, $0x0;
	vm11 =	vgt.s32 v21, $0x0  }
0x2f4: {  	v21 =	vnsel vm11, $0x0, v21;
	v20 =	vnsel vm10, $0x0, v58  }
0x2f5: {  	v61 =	vadd.s32 v21, v20;
	[tilespmem:$0xF80] =	vst v18  }
0x2f6: {  	vm12 =	vlt.s32 v61, $0x7FF;
	v19 =	vld.idx.msk [tilespmem:v19+s10+$0x0], $0xffff  }
0x2f7: {  	v18 =	vnsel vm12, $0x7FF, v61  }
0x2f8: {  	v25 =	vld [tilespmem:$0xC0];
	v62 =	vsub.s32 v16, v60;
	v63 =	vsub.s32 v59, v17  }
0x2f9: {  	v24 =	vld [tilespmem:$0x40];
	vm13 =	vgt.s32 v62, $0x0;
	vm14 =	vgt.s32 v63, $0x0  }
0x2fa: {  	v20 =	vnsel vm13, $0x0, v62;
	v21 =	vnsel vm14, $0x0, v63  }
0x2fb: {  	v26 =	vadd.s32 v21, v20;
	[tilespmem:$0xF90] =	vst v19  }
0x2fc: {  	vm15 =	vlt.s32 v26, $0x7FF;
	v18 =	vld.idx.msk [tilespmem:v18+s10+$0x0], $0xffff  }
0x2fd: {  	v19 =	vnsel vm15, $0x7FF, v26  }
0x2fe: {  	v29 =	vld [tilespmem:$0x50];
	v27 =	vsub.s32 v16, v25;
	v28 =	vsub.s32 v24, v17  }
0x2ff: {  	v30 =	vld [tilespmem:$0xD0];
	vm4 =	vgt.s32 v27, $0x0;
	vm5 =	vgt.s32 v28, $0x0  }
0x300: {  	v20 =	vnsel vm4, $0x0, v27;
	v21 =	vnsel vm5, $0x0, v28  }
0x301: {  	v31 =	vadd.s32 v21, v20;
	[tilespmem:$0xFA0] =	vst v18  }
0x302: {  	vm6 =	vlt.s32 v31, $0x7FF;
	v19 =	vld.idx.msk [tilespmem:v19+s10+$0x0], $0xffff  }
0x303: {  	v18 =	vnsel vm6, $0x7FF, v31  }
0x304: {  	v34 =	vld [tilespmem:$0x60];
	v32 =	vsub.s32 v16, v30;
	v33 =	vsub.s32 v29, v17  }
0x305: {  	v35 =	vld [tilespmem:$0xE0];
	vm8 =	vgt.s32 v33, $0x0;
	vm7 =	vgt.s32 v32, $0x0  }
0x306: {  	v20 =	vnsel vm7, $0x0, v32;
	v21 =	vnsel vm8, $0x0, v33  }
0x307: {  	v36 =	vadd.s32 v21, v20;
	[tilespmem:$0xFB0] =	vst v19  }
0x308: {  	vm9 =	vlt.s32 v36, $0x7FF;
	v18 =	vld.idx.msk [tilespmem:v18+s10+$0x0], $0xffff  }
0x309: {  	v19 =	vnsel vm9, $0x7FF, v36  }
0x30a: {  	v39 =	vld [tilespmem:$0x70];
	v37 =	vsub.s32 v16, v35;
	v38 =	vsub.s32 v34, v17  }
0x30b: {  	v40 =	vld [tilespmem:$0xF0];
	vm11 =	vgt.s32 v38, $0x0;
	vm10 =	vgt.s32 v37, $0x0  }
0x30c: {  	v20 =	vnsel vm10, $0x0, v37;
	v21 =	vnsel vm11, $0x0, v38  }
0x30d: {  	v41 =	vadd.s32 v21, v20;
	[tilespmem:$0xFC0] =	vst v18  }
0x30e: {  	vm12 =	vlt.s32 v41, $0x7FF;
	v19 =	vld.idx.msk [tilespmem:v19+s10+$0x0], $0xffff  }
0x30f: {  	v18 =	vnsel vm12, $0x7FF, v41  }
0x310: {  	v16 =	vsub.s32 v16, v40;
	v17 =	vsub.s32 v39, v17  }
0x311: {  	vm13 =	vgt.s32 v16, $0x0;
	vm14 =	vgt.s32 v17, $0x0  }
0x312: {  	v16 =	vnsel vm13, $0x0, v16;
	v17 =	vnsel vm14, $0x0, v17  }
0x313: {  	v16 =	vadd.s32 v17, v16;
	[tilespmem:$0xFD0] =	vst v19  }
0x314: {  	vm15 =	vlt.s32 v16, $0x7FF;
	v17 =	vld.idx.msk [tilespmem:v18+s10+$0x0], $0xffff  }
0x315: {  	v16 =	vnsel vm15, $0x7FF, v16;
	_ =	sdelay $0x3  }
0x316: {  	[tilespmem:$0xFE0] =	vst v17  }
0x317: {  	v16 =	vld.idx.msk [tilespmem:v16+s10+$0x0], $0xffff;
	_ =	sdelay $0x3  }
0x318: {  	v43 =	vld [tilespmem:$0x80]  }
0x319: {  	v42 =	vld [tilespmem:$0x0];
	[tilespmem:$0xFF0] =	vst v16  }
0x31a: {  	v16 =	vld.idx.msk [tilespmem:v14+s1+$0x0], $0xffff  }
0x31b: {  	v17 =	vld.idx.msk [tilespmem:v14+s9+$0x0], $0xffff;
	_ =	sdelay $0x4  }
0x31c: {  	v44 =	vld [tilespmem:$0x10];
	v19 =	vsub.s32 v16, v43;
	v18 =	vsub.s32 v42, v17  }
0x31d: {  	v45 =	vld [tilespmem:$0x90];
	vm4 =	vgt.s32 v19, $0x0;
	vm5 =	vgt.s32 v18, $0x0  }
0x31e: {  	v19 =	vnsel vm4, $0x0, v19;
	v18 =	vnsel vm5, $0x0, v18  }
0x31f: {  	v18 =	vadd.s32 v18, v19  }
0x320: {  	vm6 =	vlt.s32 v18, $0x7FF  }
0x321: {  	v18 =	vnsel vm6, $0x7FF, v18  }
0x322: {  	v48 =	vld [tilespmem:$0xA0];
	v46 =	vsub.s32 v16, v45;
	v20 =	vsub.s32 v44, v17  }
0x323: {  	v47 =	vld [tilespmem:$0x20];
	vm7 =	vgt.s32 v46, $0x0;
	vm8 =	vgt.s32 v20, $0x0  }
0x324: {  	v20 =	vnsel vm8, $0x0, v20;
	v19 =	vnsel vm7, $0x0, v46  }
0x325: {  	v19 =	vadd.s32 v20, v19  }
0x326: {  	vm9 =	vlt.s32 v19, $0x7FF;
	v18 =	vld.idx.msk [tilespmem:v18+s10+$0x0], $0xffff  }
0x327: {  	v19 =	vnsel vm9, $0x7FF, v19  }
0x328: {  	v50 =	vld [tilespmem:$0x30];
	v49 =	vsub.s32 v16, v48;
	v21 =	vsub.s32 v47, v17  }
0x329: {  	v51 =	vld [tilespmem:$0xB0];
	vm10 =	vgt.s32 v49, $0x0;
	vm11 =	vgt.s32 v21, $0x0  }
0x32a: {  	v21 =	vnsel vm11, $0x0, v21;
	v20 =	vnsel vm10, $0x0, v49  }
0x32b: {  	v52 =	vadd.s32 v21, v20;
	[tilespmem:$0x1000] =	vst v18  }
0x32c: {  	vm12 =	vlt.s32 v52, $0x7FF;
	v19 =	vld.idx.msk [tilespmem:v19+s10+$0x0], $0xffff  }
0x32d: {  	v18 =	vnsel vm12, $0x7FF, v52  }
0x32e: {  	v56 =	vld [tilespmem:$0xC0];
	v53 =	vsub.s32 v16, v51;
	v54 =	vsub.s32 v50, v17  }
0x32f: {  	v55 =	vld [tilespmem:$0x40];
	vm13 =	vgt.s32 v53, $0x0;
	vm14 =	vgt.s32 v54, $0x0  }
0x330: {  	v20 =	vnsel vm13, $0x0, v53;
	v21 =	vnsel vm14, $0x0, v54  }
0x331: {  	v57 =	vadd.s32 v21, v20;
	[tilespmem:$0x1010] =	vst v19  }
0x332: {  	vm15 =	vlt.s32 v57, $0x7FF;
	v18 =	vld.idx.msk [tilespmem:v18+s10+$0x0], $0xffff  }
0x333: {  	v19 =	vnsel vm15, $0x7FF, v57  }
0x334: {  	v60 =	vld [tilespmem:$0x50];
	v58 =	vsub.s32 v16, v56;
	v59 =	vsub.s32 v55, v17  }
0x335: {  	v61 =	vld [tilespmem:$0xD0];
	vm4 =	vgt.s32 v58, $0x0;
	vm5 =	vgt.s32 v59, $0x0  }
0x336: {  	v20 =	vnsel vm4, $0x0, v58;
	v21 =	vnsel vm5, $0x0, v59  }
0x337: {  	v62 =	vadd.s32 v21, v20;
	[tilespmem:$0x1020] =	vst v18  }
0x338: {  	vm6 =	vlt.s32 v62, $0x7FF;
	v19 =	vld.idx.msk [tilespmem:v19+s10+$0x0], $0xffff  }
0x339: {  	v18 =	vnsel vm6, $0x7FF, v62  }
0x33a: {  	v25 =	vld [tilespmem:$0x60];
	v63 =	vsub.s32 v16, v61;
	v24 =	vsub.s32 v60, v17  }
0x33b: {  	v26 =	vld [tilespmem:$0xE0];
	vm8 =	vgt.s32 v24, $0x0;
	vm7 =	vgt.s32 v63, $0x0  }
0x33c: {  	v20 =	vnsel vm7, $0x0, v63;
	v21 =	vnsel vm8, $0x0, v24  }
0x33d: {  	v27 =	vadd.s32 v21, v20;
	[tilespmem:$0x1030] =	vst v19  }
0x33e: {  	vm9 =	vlt.s32 v27, $0x7FF;
	v18 =	vld.idx.msk [tilespmem:v18+s10+$0x0], $0xffff  }
0x33f: {  	v19 =	vnsel vm9, $0x7FF, v27  }
0x340: {  	v30 =	vld [tilespmem:$0x70];
	v28 =	vsub.s32 v16, v26;
	v29 =	vsub.s32 v25, v17  }
0x341: {  	v31 =	vld [tilespmem:$0xF0];
	vm11 =	vgt.s32 v29, $0x0;
	vm10 =	vgt.s32 v28, $0x0  }
0x342: {  	v20 =	vnsel vm10, $0x0, v28;
	v21 =	vnsel vm11, $0x0, v29  }
0x343: {  	v32 =	vadd.s32 v21, v20;
	[tilespmem:$0x1040] =	vst v18  }
0x344: {  	vm12 =	vlt.s32 v32, $0x7FF;
	v19 =	vld.idx.msk [tilespmem:v19+s10+$0x0], $0xffff  }
0x345: {  	v18 =	vnsel vm12, $0x7FF, v32  }
0x346: {  	v16 =	vsub.s32 v16, v31;
	v17 =	vsub.s32 v30, v17  }
0x347: {  	vm13 =	vgt.s32 v16, $0x0;
	vm14 =	vgt.s32 v17, $0x0  }
0x348: {  	v16 =	vnsel vm13, $0x0, v16;
	v17 =	vnsel vm14, $0x0, v17  }
0x349: {  	v16 =	vadd.s32 v17, v16;
	[tilespmem:$0x1050] =	vst v19  }
0x34a: {  	vm15 =	vlt.s32 v16, $0x7FF;
	v17 =	vld.idx.msk [tilespmem:v18+s10+$0x0], $0xffff  }
0x34b: {  	v16 =	vnsel vm15, $0x7FF, v16;
	_ =	sdelay $0x3  }
0x34c: {  	[tilespmem:$0x1060] =	vst v17  }
0x34d: {  	v16 =	vld.idx.msk [tilespmem:v16+s10+$0x0], $0xffff;
	_ =	sdelay $0x3  }
0x34e: {  	v34 =	vld [tilespmem:$0x80]  }
0x34f: {  	v33 =	vld [tilespmem:$0x0];
	[tilespmem:$0x1070] =	vst v16  }
0x350: {  	v16 =	vld.idx.msk [tilespmem:v15+s1+$0x0], $0xffff  }
0x351: {  	v17 =	vld.idx.msk [tilespmem:v15+s9+$0x0], $0xffff;
	_ =	sdelay $0x4  }
0x352: {  	v35 =	vld [tilespmem:$0x10];
	v19 =	vsub.s32 v16, v34;
	v18 =	vsub.s32 v33, v17  }
0x353: {  	v36 =	vld [tilespmem:$0x90];
	vm4 =	vgt.s32 v19, $0x0;
	vm5 =	vgt.s32 v18, $0x0  }
0x354: {  	v19 =	vnsel vm4, $0x0, v19;
	v18 =	vnsel vm5, $0x0, v18  }
0x355: {  	v18 =	vadd.s32 v18, v19  }
0x356: {  	vm6 =	vlt.s32 v18, $0x7FF  }
0x357: {  	v18 =	vnsel vm6, $0x7FF, v18  }
0x358: {  	v39 =	vld [tilespmem:$0xA0];
	v37 =	vsub.s32 v16, v36;
	v20 =	vsub.s32 v35, v17  }
0x359: {  	v38 =	vld [tilespmem:$0x20];
	vm7 =	vgt.s32 v37, $0x0;
	vm8 =	vgt.s32 v20, $0x0  }
0x35a: {  	v20 =	vnsel vm8, $0x0, v20;
	v19 =	vnsel vm7, $0x0, v37  }
0x35b: {  	v19 =	vadd.s32 v20, v19  }
0x35c: {  	vm9 =	vlt.s32 v19, $0x7FF;
	v18 =	vld.idx.msk [tilespmem:v18+s10+$0x0], $0xffff  }
0x35d: {  	v19 =	vnsel vm9, $0x7FF, v19  }
0x35e: {  	v41 =	vld [tilespmem:$0x30];
	v40 =	vsub.s32 v16, v39;
	v21 =	vsub.s32 v38, v17  }
0x35f: {  	v42 =	vld [tilespmem:$0xB0];
	vm10 =	vgt.s32 v40, $0x0;
	vm11 =	vgt.s32 v21, $0x0  }
0x360: {  	v21 =	vnsel vm11, $0x0, v21;
	v20 =	vnsel vm10, $0x0, v40  }
0x361: {  	v43 =	vadd.s32 v21, v20;
	[tilespmem:$0x1080] =	vst v18  }
0x362: {  	vm12 =	vlt.s32 v43, $0x7FF;
	v19 =	vld.idx.msk [tilespmem:v19+s10+$0x0], $0xffff  }
0x363: {  	v18 =	vnsel vm12, $0x7FF, v43  }
0x364: {  	v47 =	vld [tilespmem:$0xC0];
	v44 =	vsub.s32 v16, v42;
	v45 =	vsub.s32 v41, v17  }
0x365: {  	v46 =	vld [tilespmem:$0x40];
	vm13 =	vgt.s32 v44, $0x0;
	vm14 =	vgt.s32 v45, $0x0  }
0x366: {  	v20 =	vnsel vm13, $0x0, v44;
	v21 =	vnsel vm14, $0x0, v45  }
0x367: {  	v48 =	vadd.s32 v21, v20;
	[tilespmem:$0x1090] =	vst v19  }
0x368: {  	vm15 =	vlt.s32 v48, $0x7FF;
	v18 =	vld.idx.msk [tilespmem:v18+s10+$0x0], $0xffff  }
0x369: {  	v19 =	vnsel vm15, $0x7FF, v48  }
0x36a: {  	v51 =	vld [tilespmem:$0x50];
	v49 =	vsub.s32 v16, v47;
	v50 =	vsub.s32 v46, v17  }
0x36b: {  	v52 =	vld [tilespmem:$0xD0];
	vm4 =	vgt.s32 v49, $0x0;
	vm5 =	vgt.s32 v50, $0x0  }
0x36c: {  	v20 =	vnsel vm4, $0x0, v49;
	v21 =	vnsel vm5, $0x0, v50  }
0x36d: {  	v53 =	vadd.s32 v21, v20;
	[tilespmem:$0x10A0] =	vst v18  }
0x36e: {  	vm6 =	vlt.s32 v53, $0x7FF;
	v19 =	vld.idx.msk [tilespmem:v19+s10+$0x0], $0xffff  }
0x36f: {  	v18 =	vnsel vm6, $0x7FF, v53  }
0x370: {  	v56 =	vld [tilespmem:$0x60];
	v54 =	vsub.s32 v16, v52;
	v55 =	vsub.s32 v51, v17  }
0x371: {  	v57 =	vld [tilespmem:$0xE0];
	vm8 =	vgt.s32 v55, $0x0;
	vm7 =	vgt.s32 v54, $0x0  }
0x372: {  	v20 =	vnsel vm7, $0x0, v54;
	v21 =	vnsel vm8, $0x0, v55  }
0x373: {  	v58 =	vadd.s32 v21, v20;
	[tilespmem:$0x10B0] =	vst v19  }
0x374: {  	vm9 =	vlt.s32 v58, $0x7FF;
	v18 =	vld.idx.msk [tilespmem:v18+s10+$0x0], $0xffff  }
0x375: {  	v19 =	vnsel vm9, $0x7FF, v58  }
0x376: {  	v61 =	vld [tilespmem:$0x70];
	v59 =	vsub.s32 v16, v57;
	v60 =	vsub.s32 v56, v17  }
0x377: {  	v62 =	vld [tilespmem:$0xF0];
	vm11 =	vgt.s32 v60, $0x0;
	vm10 =	vgt.s32 v59, $0x0  }
0x378: {  	v20 =	vnsel vm10, $0x0, v59;
	v21 =	vnsel vm11, $0x0, v60  }
0x379: {  	v63 =	vadd.s32 v21, v20;
	[tilespmem:$0x10C0] =	vst v18  }
0x37a: {  	vm12 =	vlt.s32 v63, $0x7FF;
	v19 =	vld.idx.msk [tilespmem:v19+s10+$0x0], $0xffff  }
0x37b: {  	v18 =	vnsel vm12, $0x7FF, v63  }
0x37c: {  	v16 =	vsub.s32 v16, v62;
	v17 =	vsub.s32 v61, v17  }
0x37d: {  	vm13 =	vgt.s32 v16, $0x0;
	vm14 =	vgt.s32 v17, $0x0  }
0x37e: {  	v16 =	vnsel vm13, $0x0, v16;
	v17 =	vnsel vm14, $0x0, v17  }
0x37f: {  	v16 =	vadd.s32 v17, v16;
	[tilespmem:$0x10D0] =	vst v19  }
0x380: {  	vm15 =	vlt.s32 v16, $0x7FF;
	v17 =	vld.idx.msk [tilespmem:v18+s10+$0x0], $0xffff  }
0x381: {  	v16 =	vnsel vm15, $0x7FF, v16;
	_ =	sdelay $0x3  }
0x382: {  	[tilespmem:$0x10E0] =	vst v17  }
0x383: {  	v16 =	vld.idx.msk [tilespmem:v16+s10+$0x0], $0xffff;
	_ =	sdelay $0x3  }
0x384: {  	p0 =	sne.s32 s7, $0x1  }
.Ltmp0:
0x385: {  	[tilespmem:$0x10F0] =	vst v16;
	(pc) =	sbr.rel @p0 .LBB2_1-.Ltmp0, $4  }
0x386: {  	[hbm4b:s6+s1] =	stream.linear.scatter [tilespmem:s11], [sflag:$0x1], $0x800, $0x38;
	[tilespmem:$0x1100] =	vst v63  }
0x387: {  	_ =	swait.ge [sflag:s8], $0x800  }
0x388: {  	[sflag:s8] =	ssyncset.done $0x0  }
0x389: {  	s7 =	sadd.s32 $0xFFFFFFFF, s7;
	[sflag:s8] =	ssyncadd.s32 $0xFFFFF800  }
0x38a: {  	_ =	sfence.sel $0x180000  }
0x38b: {  	[bflag:$0x0] =	sbarrier.arrive $0xFFFF  }
0x38c: {  	p0 =	sne.s32 s2, $0x0;
	_ =	strace $0x90000047  }
0x38d: {  	s0 =	sadd.s32 @!p0 $0x100000, s0;
	[bflag:$0x2] =	sbarrier.arrive $0xFFFF  }
0x38e: {  	[sflag:s0] =	ssyncadd.tile.s32 @!p0 $0x1;
	_ =	shalt  }
.Lfunc_end2:
_tile_overlayer_lowered:
.L_overlay_start_2:
0x38f: {  	(tag) =	ssettag $0x2  }
0x390: {  	s0 =	rddreg [dreg:$0x0];
	s2 =	stileid.u32  }
0x391: {  	s1 =	rddreg [dreg:$0x1];
	p0 =	sne.s32 s2, $0x0  }
0x392: {  	s3 =	rddreg [dreg:$0x2];
	[bflag:$0x3] =	sbarrier.arrive $0xFFFF;
	s2 =	simm.s32 @!p0 $0x1C01  }
0x393: {  	[timem:s3], [sflag:s2] =	dma.local @!p0 [hbm:s0], s1  }
0x394: {  	s0 =	simm.s32 @!p0 $0x1  }
0x395: {  	_ =	swait.ge @!p0 [sflag:s0], s1  }
0x396: {  	s1 =	ssub.s32 @!p0 $0x0, s1;
	[sflag:s0] =	ssyncset.done @!p0 $0x0  }
0x397: {  	[sflag:s0] =	ssyncadd.s32 @!p0 s1  }
0x398: {  	[bflag:$0x3] =	sbarrier.arrive $0xFFFF  }
0x399: {  	_ =	shalt  }

// kernel: sparse-core-data-format-call.cloned.1.call-start
scs
called_computation_lowered:
.L_overlay_start_0:
0x0: {  	s2 =	sld [smem:$0x3FD9]  }
0x1: {  	s3 =	sld [smem:$0x3FFE];
	_ =	sdelay $0x1  }
0x2: {  	s1 =	srdreg.scid  }
0x3: {  	s0 =	sand.u32 $0x1, s1  }
0x4: {  	s18 =	sshll.u32 s0, $0xA;
	s2 =	sadd.s32 s3, s2  }
0x5: {  	s2 =	sadd.s32 s2, s18  }
0x6: {  	[smem:$0x3FC4] =	sst s2  }
0x7: {  	_ = 	snop  }
0x8: {  	s2 =	sld [smem:$0x3FD0];
	(tm) =	ssettm $0x1  }
0x9: {  	s19 =	sld [smem:$0x3FFB];
	_ =	sdelay $0x3  }
0xa: {  	_ =	strace s19  }
0xb: {  	s3 =	sld [smem:$0x3FFC];
	_ =	sdelay $0x3  }
0xc: {  	_ =	strace s3  }
0xd: {  	s3 =	sld [smem:$0x3FFD];
	_ =	sdelay $0x3  }
0xe: {  	_ =	strace s3  }
0xf: {  	_ =	strace $0x8FFFFFFF  }
0x10: {  	s20 =	sld [smem:$0x3FDB];
	_ =	sdelay $0x1  }
0x11: {  	s4 =	simm.s32 $_scs_section_size  }
0x12: {  	s5 =	simm.s32 $_size__tile_overlayer_lowered;
	s6 =	simm.s32 $_tile_overlayer_lowered  }
0x13: {  	s23 =	simm.s32 $0x1BFF;
	s22 =	sshll.u32 s6, $0x1;
	s3 =	sadd.s32 s4, s20  }
0x14: {  	s7 =	simm.s32 $0x0;
	s21 =	sshll.u32 s5, $0x1;
	s5 =	sadd.s32 s22, s3  }
0x15: {  	[timem:s7], [sflag:s23] =	dma.local [hbm:s5], s21  }
0x16: {  	_ =	swait.ge [sflag:s23], s21  }
0x17: {  	s4 =	ssub.s32 $0x0, s21;
	[sflag:s23] =	ssyncset.done $0x0  }
0x18: {  	[sflag:s23] =	ssyncadd.s32 s4;
	_ =	sdelay $0x1  }
0x19: {  	s24 =	simm.s32 $0x1B8B  }
0x1a: {  	_ =	swait.ge [sflag:s24], $0x1  }
0x1b: {  	[sflag:s24] =	ssyncset.done $0x0  }
0x1c: {  	s26 =	simm.s32 $0x1B8E;
	s25 =	sld [smem:$0x3FFE];
	[sflag:s24] =	ssyncadd.s32 $0xFFFFFFFF  }
0x1d: {  	s27 =	simm.s32 $execute0_lowered;
	[smem:$0x3FD2] =	sst s26  }
0x1e: {  	s5 =	sshll.u32 s27, $0x1;
	_ =	strace $0x80000049;
	[dreg:$0x1] =	wrdreg $0xFFFFFFFF  }
0x1f: {  	s28 =	simm.s32 $_size_execute0_lowered;
	s3 =	sadd.s32 s3, s5;
	[dreg:$0x0] =	wrdreg $0x0  }
0x20: {  	s5 =	sshll.u32 s28, $0x1;
	[dreg:$0x2] =	wrdreg s3  }
0x21: {  	[dreg:$0x3] =	wrdreg s5  }
0x22: {  	[dreg:$0x4] =	wrdreg $0xC0  }
0x23: {  	_ =	task [dreg:s7], $0x5FFFF  }
0x24: {  	[dreg:$0x1] =	wrdreg $0xFFFFFFFF  }
0x25: {  	[dreg:$0x0] =	wrdreg $0x60  }
0x26: {  	[dreg:$0x2] =	wrdreg s25  }
0x27: {  	[dreg:$0x3] =	wrdreg s2  }
0x28: {  	[dreg:$0x4] =	wrdreg $0x9  }
0x29: {  	_ =	task.clear_ibuf [dreg:s7], $0x5FFFF;
	_ =	strace $0x90000049  }
0x2a: {  	s29 =	simm.s32 $0x9;
	_ =	strace $0x8000004B  }
0x2b: {  	_ =	swait.ge [sflag:s29], $0x1  }
0x2c: {  	[sflag:s29] =	ssyncadd.s32 $0xFFFFFFFF  }
0x2d: {  	_ =	strace $0x9000004B  }
0x2e: {  	_ =	sfence  }
0x2f: {  	s30 =	sld [smem:$0x0];
	_ =	sdelay $0x2  }
0x30: {  	s31 =	sshll.u32 s1, $0xD;
	s1 =	sshrl.u32 s1, $0x2  }
0x31: {  	s3 =	sand.u32 $0x4000, s31;
	s1 =	sadd.s32 s1, s30  }
0x32: {  	s0 =	sor.u32 s3, s0;
	s1 =	sshll.u32 s1, $0x11  }
0x33: {  	s0 =	sor.u32 s1, s0  }
0x34: {  	s0 =	sadd.s32 $0x8F2B, s0  }
0x35: {  	[sflag:s0] =	ssyncadd.remote.s32 $0x1  }
0x36: {  	_ =	sfence.sel $0xFFFF  }
0x37: {  	[dreg:$0x0] =	wrdreg $0xFFFFFFFF;
	(pc) =	sbr.abs _section_cstart, $3  }
0x38: {  	[dreg:$0x1] =	wrdreg $0xFFFFFFFF  }
0x39: {  	_ =	task.clear_ibuf [dreg:s7], $0x2FFFF;
	_ =	strace $0x9FFFFFFF  }
0x3a: {  	(tm) =	ssettm $0x7FFFFFFF  }
0x3b: {  	_ =	shalt  }
tec
execute0_lowered:
.L_overlay_start_1:
0x0: {  	(tag) =	ssettag $0x1  }
0x1: {  	s1 =	rddreg [dreg:$0x0]  }
0x2: {  	s2 =	rddreg [dreg:$0x1]  }
0x3: {  	s0 =	rddreg [dreg:$0x2];
	s4 =	srdreg.scid  }
0x4: {  	_ =	strace $0x8000004A;
	s7 =	simm.s32 $0x2;
	s17 =	simm.s32 $0x0  }
0x5: {  	p0 =	por $0x0, $0x0;
	s16 =	simm.s32 $0x0;
	s18 =	simm.s32 $0x0  }
0x6: {  	s19 =	simm.s32 $0x0;
	s8 =	simm.s32 $0x0;
	s10 =	simm.s32 $0x0  }
0x7: {  	s11 =	simm.s32 $0x0;
	s12 =	simm.s32 $0x0;
	s13 =	simm.s32 $0x0  }
.Ltmp0:
0x8: {  	s3 =	sadd.s32 $0xE00, s1;
	s4 =	sshll.u32 s4, $0x4;
	(pc) =	sbr.rel .LBB1_1-.Ltmp0, $4  }
0x9: {  	s1 =	stileid.u32;
	s5 =	sand.u32 $0x10, s4;
	s4 =	simm.s32 $0x1  }
0xa: {  	s9 =	simm.s32 $0x0;
	s6 =	sor.u32 s1, s5;
	[sflag:s4] =	ssyncpa.u1 $0x0  }
0xb: {  	s5 =	sand.u32 $0x3, s1;
	s6 =	sshrl.u32 s6, $0x2;
	[sflag:s7] =	ssyncpa.u1 $0x0  }
0xc: {  	s7 =	simm.s32 $0x0;
	s15 =	smov.u32 s5;
	s14 =	smov.u32 s6  }
.LBB1_5:
0xd: {  	p1 =	slt.u32 s9, $0x2;
	s20 =	smov.u32 s19  }
0xe: {  	s22 =	smov.u32 s14;
	s23 =	smov.u32 s15;
	s9 =	sadd.s32 $0x1, s9  }
0xf: {  	p2 =	sgt.s32 @!p1 s19, $0x3;
	s21 =	sshra.s32 @!p1 s19, $0x1F;
	p3 =	sgt.s32 @!p1 s17, $0x140  }
0x10: {  	p2 =	por !p2, p1;
	s19 =	sand.u32 @!p1 s21, s19;
	s21 =	sshra.s32 @!p1 s18, $0x1F  }
0x11: {  	p3 =	por !p3, p1;
	s20 =	simm.s32 @p2 $0x3;
	p2 =	sgt.s32 @!p1 s18, $0x7F  }
0x12: {  	s19 =	ssub.s32 @!p1 s20, s19;
	p2 =	por !p2, p1;
	s20 =	smov.u32 s18  }
0x13: {  	s18 =	sand.u32 @!p1 s21, s18;
	s21 =	sadd.s32 @!p1 $0xFFFFFFFD, s19;
	s20 =	simm.s32 @p2 $0x7F  }
0x14: {  	s19 =	ssub.s32 @!p1 $0x4, s19;
	p2 =	sgt.s32 @!p1 s21, $0x0;
	s18 =	ssub.s32 @!p1 s20, s18  }
0x15: {  	s21 =	sshra.s32 @!p1 s17, $0x1F;
	p2 =	por !p2, p1;
	s20 =	sadd.s32 @!p1 $0xFFFFFF81, s18  }
0x16: {  	s18 =	ssub.s32 @!p1 $0x80, s18;
	s19 =	simm.s32 @!p2 $0x0;
	p2 =	sgt.s32 @!p1 s20, $0x0  }
0x17: {  	s20 =	smov.u32 s17;
	s17 =	sand.u32 @!p1 s21, s17;
	p2 =	por !p2, p1  }
0x18: {  	s21 =	smov.u32 s13;
	s20 =	simm.s32 @p3 $0x140;
	s18 =	simm.s32 @!p2 $0x0  }
0x19: {  	s17 =	ssub.s32 @!p1 s20, s17;
	s20 =	ssub.s32 @!p1 $0x0, s16;
	s18 =	smul.u32 @!p1 s19, s18  }
0x1a: {  	s19 =	sadd.s32 @!p1 $0xFFFFFEC0, s17;
	s16 =	smin.u32 @!p1 s16, s20;
	s17 =	ssub.s32 @!p1 $0x1C0, s17  }
0x1b: {  	s20 =	sadd.s32 $0x80, s12;
	p2 =	sgt.s32 @!p1 s19, $0x7F;
	p3 =	sgt.s32 @!p1 s16, $0x7F  }
0x1c: {  	s16 =	ssub.s32 @!p1 $0x80, s16;
	s19 =	sadd.s32 $0x80, s13;
	p3 =	por !p3, p1  }
0x1d: {  	p2 =	por !p2, p1;
	s16 =	simm.s32 @!p3 $0x0;
	p3 =	sgt.s32 s20, $0x1BF  }
0x1e: {  	p0 =	por !p0, !p0;
	s17 =	simm.s32 @!p2 $0x0;
	s21 =	smov.u32 @p3 s19  }
0x1f: {  	s16 =	smul.u32 @!p1 s16, s18;
	s18 =	sadd.s32 $0x8, s14;
	p2 =	sgt.s32 s21, $0x7F  }
0x20: {  	s24 =	simm.s32 @!p1 $0x2;
	s20 =	simm.s32 @p3 $0x0;
	s22 =	smov.u32 @p2 s18  }
0x21: {  	s16 =	smul.u32 @!p1 s17, s16;
	s17 =	sadd.s32 $0x4, s15;
	p3 =	sgt.s32 s22, $0x7F  }
0x22: {  	s19 =	smov.u32 s11;
	s11 =	smov.u32 s15;
	s23 =	smov.u32 @p3 s17  }
0x23: {  	s21 =	simm.s32 @p2 $0x0;
	s18 =	smov.u32 s10;
	p2 =	sgt.s32 s23, $0x3  }
0x24: {  	s10 =	smov.u32 s14;
	s23 =	smov.u32 @p2 s5;
	p2 =	sne.s32 s9, $0x42  }
.Ltmp1:
0x25: {  	s16 =	sand.u32 @!p1 $0x3FFFFFFF, s16;
	s22 =	smov.u32 @p3 s6;
	(pc) =	sbr.rel @!p2 .LBB1_6-.Ltmp1, $4  }
0x26: {  	s17 =	smov.u32 s7;
	s7 =	smov.u32 s12;
	s12 =	smov.u32 s20  }
0x27: {  	_ =	swait.ge @!p1 [sflag:s24], s16;
	s25 =	ssub.s32 @!p1 $0x0, s16;
	s16 =	smov.u32 s8  }
0x28: {  	s8 =	smov.u32 s13;
	s13 =	smov.u32 s21;
	[sflag:s24] =	ssyncset.done @!p1 $0x0  }
0x29: {  	s14 =	smov.u32 s22;
	[sflag:s24] =	ssyncadd.s32 @!p1 s25;
	s15 =	smov.u32 s23  }
.LBB1_1:
0x2a: {  	p1 =	sgt.u32 s9, $0x3F  }
0x2b: {  	s20 =	sxor.u32 @!p1 $0xFFFFFFFF, s9;
	s21 =	sand.u32 @!p1 $0x78, s12;
	s22 =	sshll.u32 @!p1 s13, $0x9  }
0x2c: {  	s23 =	sshll.u32 @!p1 s12, $0x3;
	s24 =	sshll.u32 @!p1 s13, $0x7;
	s20 =	sshll.u32 @!p1 s20, $0xE  }
0x2d: {  	s22 =	sand.u32 @!p1 $0xF000, s22;
	s23 =	sand.u32 @!p1 $0xFC00, s23;
	s20 =	sand.u32 @!p1 $0x4000, s20  }
0x2e: {  	s22 =	sadd.s32 @!p1 s22, s23;
	s23 =	sand.u32 @!p1 $0x200, s24;
	s24 =	sand.u32 @!p1 $0x180, s24  }
0x2f: {  	s22 =	sor.u32 @!p1 s23, s22;
	s21 =	sor.u32 @!p1 s21, s24;
	s23 =	sshll.u32 @!p1 s15, $0x14  }
0x30: {  	s24 =	sshll.u32 @!p1 s14, $0xD;
	s22 =	sshrl.u32 @!p1 s22, $0x3;
	s23 =	sadd.s32 @!p1 s3, s23  }
0x31: {  	s21 =	sshrl.u32 @!p1 s21, $0x3;
	s23 =	sadd.s32 @!p1 s24, s23;
	s24 =	sand.u32 @!p1 $0x7, s12  }
0x32: {  	s22 =	sand.u32 @!p1 $0x1FC0, s22;
	s21 =	sadd.s32 @!p1 s21, s23;
	s23 =	sshll.u32 @!p1 s24, $0x12  }
0x33: {  	s21 =	sadd.s32 @!p1 s22, s21;
	s22 =	sor.u32 @!p1 $0x400, s23;
	s23 =	simm.s32 @!p1 $0x1000  }
0x34: {  	[tilespmem:s20], [sflag:$0x1] =	stream.strided.gather @!p1 [hbm4b:s21+s22], $0x4000, s23, s22, $0x38;
	[tilespmem:$0x10100] =	vst v63  }
0x35: {  	p1 =	seq.s32 s9, $0x0  }
0x36: {  	p2 =	seq.s32 @!p1 s9, $0x41  }
0x37: {  	p1 =	por p1, p2  }
.Ltmp2:
0x38: {  	_ = 	snop;
	(pc) =	sbr.rel @p1 .LBB1_5-.Ltmp2, $1  }
0x39: {  	_ =	sdelay $0x3  }
0x3a: {  	s20 =	simm.s32 $0x1  }
0x3b: {  	_ =	swait.ge [sflag:s4], $0x4000;
	s20 =	simm.s32 @!p0 $0x0  }
0x3c: {  	[sflag:s4] =	ssyncset.done $0x0;
	s21 =	sshll.u32 s20, $0xE  }
0x3d: {  	[sflag:s4] =	ssyncadd.s32 $0xFFFFC000;
	s21 =	sor.u32 $0x40, s21  }
0x3e: {  	s20 =	smul.u32 $0x10200, s20;
	v0 =	vld [tilespmem:s21+$0x30]  }
0x3f: {  	v1 =	vld [tilespmem:s21+$0xFFFFFFD0]  }
0x40: {  	s20 =	sshrl.u32 s20, $0x2;
	v5 =	vld [tilespmem:s21+$0xFFFFFFE0]  }
0x41: {  	v6 =	vld [tilespmem:s21+$0xFFFFFFF0];
	s23 =	sor.u32 $0x8000, s20  }
0x42: {  	s31 =	sand.u32 $0x1, s9;
	v4 =	vld [tilespmem:s21+$0x0];
	s22 =	sadd.s32 $0x0, s23  }
0x43: {  	v3 =	vld [tilespmem:s21+$0x10];
	s20 =	smul.u32 $0x10200, s31;
	[tilespmem:s22+$0x3870 ss:$0x81] =	vst.msk $0xffff, v0  }
0x44: {  	v2 =	vld [tilespmem:s21+$0x20];
	[tilespmem:s22+$0x810 ss:$0x81] =	vst.msk $0xffff, v1  }
0x45: {  	s20 =	sshrl.u32 s20, $0x2;
	v0 =	vld [tilespmem:s21+$0xFFFFFFC0];
	[tilespmem:s22+$0x1020 ss:$0x81] =	vst.msk $0xffff, v5;
	s21 =	sadd.s32 $0x80, s21  }
0x46: {  	s24 =	simm.s32 $0x4;
	s25 =	simm.s32 $0x8;
	s20 =	sor.u32 $0x8000, s20;
	[tilespmem:s22+$0x1830 ss:$0x81] =	vst.msk $0xffff, v6;
	v1 =	vld [tilespmem:s21+$0x30]  }
.LBB1_3:
0x47: {  	p1 =	sne.s32 s25, $0x1FC;
	v5 =	vld [tilespmem:s21+$0xFFFFFFD0];
	[tilespmem:s22+$0x2040 ss:$0x81] =	vst.msk $0xffff, v4  }
0x48: {  	v6 =	vld [tilespmem:s21+$0xFFFFFFE0];
	[tilespmem:s22+$0x2850 ss:$0x81] =	vst.msk $0xffff, v3  }
0x49: {  	s26 =	sshra.s32 s24, $0x2;
	s24 =	smov.u32 s25;
	v7 =	vld [tilespmem:s21+$0xFFFFFFF0];
	[tilespmem:s22+$0x3060 ss:$0x81] =	vst.msk $0xffff, v2  }
.Ltmp3:
0x4a: {  	v4 =	vld [tilespmem:s21+$0x0];
	[tilespmem:s22+$0x0 ss:$0x81] =	vst.msk $0xffff, v0;
	s22 =	sadd.s32 s26, s23;
	(pc) =	sbr.rel @p1 .LBB1_3-.Ltmp3, $4  }
0x4b: {  	v3 =	vld [tilespmem:s21+$0x10];
	[tilespmem:s22+$0x3870 ss:$0x81] =	vst.msk $0xffff, v1  }
0x4c: {  	[tilespmem:s22+$0x810 ss:$0x81] =	vst.msk $0xffff, v5;
	v2 =	vld [tilespmem:s21+$0x20]  }
0x4d: {  	v0 =	vld [tilespmem:s21+$0xFFFFFFC0];
	[tilespmem:s22+$0x1020 ss:$0x81] =	vst.msk $0xffff, v6;
	s21 =	sadd.s32 $0x80, s21  }
0x4e: {  	s25 =	sadd.s32 $0x4, s25;
	v1 =	vld [tilespmem:s21+$0x30];
	[tilespmem:s22+$0x1830 ss:$0x81] =	vst.msk $0xffff, v7  }
0x4f: {  	s25 =	sshll.u32 s7, $0x7;
	s26 =	sshll.u32 s8, $0x3  }
0x50: {  	p1 =	sgt.s32 s11, $0x3;
	s28 =	sshra.s32 s11, $0x1F;
	s30 =	sshra.s32 s10, $0x1F  }
0x51: {  	s24 =	sshra.s32 s24, $0x2;
	s27 =	sand.u32 $0xFFFFFC00, s25;
	s26 =	sand.u32 $0xFFFFFC00, s26  }
0x52: {  	s25 =	sand.u32 $0x380, s25;
	s29 =	sand.u32 s28, s11;
	s28 =	sand.u32 s30, s10  }
0x53: {  	s23 =	sadd.s32 s24, s23;
	s26 =	sadd.s32 s26, s27;
	s27 =	smov.u32 s11  }
0x54: {  	s25 =	sor.u32 s25, s26;
	s27 =	simm.s32 @!p1 $0x3;
	p1 =	sgt.s32 s10, $0x7F  }
0x55: {  	s26 =	ssub.s32 s27, s29;
	s27 =	smov.u32 s10;
	s25 =	sshrl.u32 s25, $0x7  }
0x56: {  	s27 =	simm.s32 @!p1 $0x7F;
	s31 =	sadd.s32 $0xFFFFFFFD, s26;
	s26 =	ssub.s32 $0x4, s26  }
0x57: {  	s30 =	smulhi.u32 $0x2492493, s25;
	s27 =	ssub.s32 s27, s28;
	p1 =	sgt.s32 s31, $0x0  }
0x58: {  	s31 =	ssub.s32 $0x0, s8;
	s29 =	sadd.s32 $0xFFFFFF81, s27;
	s26 =	simm.s32 @p1 $0x0  }
0x59: {  	v5 =	vld [tilespmem:s21+$0xFFFFFFD0];
	[tilespmem:s22+$0x2040 ss:$0x81] =	vst.msk $0xffff, v4;
	s27 =	ssub.s32 $0x80, s27;
	s24 =	sshrl.u32 s30, $0x2;
	s28 =	smin.u32 s8, s31  }
0x5a: {  	v58 =	vld [tilespmem:s21+$0xFFFFFFE0];
	[tilespmem:s22+$0x2850 ss:$0x81] =	vst.msk $0xffff, v3;
	s31 =	smul.u32 $0xE0000, s11;
	p1 =	sgt.s32 s29, $0x0;
	s29 =	sshra.s32 s7, $0x1F  }
0x5b: {  	v59 =	vld [tilespmem:s21+$0xFFFFFFF0];
	[tilespmem:s22+$0x3060 ss:$0x81] =	vst.msk $0xffff, v2;
	s24 =	smul.u32 $0x1C0, s24;
	s27 =	simm.s32 @p1 $0x0;
	p1 =	sgt.s32 s7, $0x140  }
0x5c: {  	v60 =	vld [tilespmem:s21+$0x0];
	[tilespmem:s22+$0x0 ss:$0x81] =	vst.msk $0xffff, v0;
	s22 =	sand.u32 s29, s7;
	s26 =	smul.u32 s26, s27;
	s27 =	smov.u32 s7  }
0x5d: {  	v61 =	vld [tilespmem:s21+$0x10];
	[tilespmem:s23+$0x3870 ss:$0x81] =	vst.msk $0xffff, v1;
	s27 =	simm.s32 @!p1 $0x140;
	p1 =	sgt.s32 s28, $0x7F;
	s28 =	ssub.s32 $0x80, s28  }
0x5e: {  	v62 =	vld [tilespmem:s21+$0x20];
	[tilespmem:s23+$0x810 ss:$0x81] =	vst.msk $0xffff, v5;
	s29 =	sshrl.u32 s8, $0x3;
	s28 =	simm.s32 @p1 $0x0;
	s22 =	ssub.s32 s27, s22  }
0x5f: {  	v63 =	vld [tilespmem:s21+$0xFFFFFFC0];
	[tilespmem:s23+$0x1020 ss:$0x81] =	vst.msk $0xffff, v58;
	s21 =	ssub.s32 s25, s24;
	s26 =	smul.u32 s28, s26;
	s30 =	sadd.s32 $0xFFFFFEC0, s22  }
0x60: {  	[tilespmem:s23+$0x1830 ss:$0x81] =	vst.msk $0xffff, v59;
	s22 =	ssub.s32 $0x1C0, s22;
	s28 =	smul.u32 $0x1C00, s10;
	p1 =	sgt.s32 s30, $0x7F  }
.Ltmp4:
0x61: {  	[tilespmem:s23+$0x2040 ss:$0x81] =	vst.msk $0xffff, v60;
	s25 =	sadd.s32 s2, s31;
	s22 =	simm.s32 @p1 $0x0;
	(pc) =	sbr.rel .LBB1_5-.Ltmp4, $4  }
0x62: {  	[tilespmem:s23+$0x2850 ss:$0x81] =	vst.msk $0xffff, v61;
	s30 =	sand.u32 $0xF, s29;
	s24 =	sadd.s32 s28, s25;
	s22 =	smul.u32 s22, s26  }
0x63: {  	[tilespmem:s23+$0x3060 ss:$0x81] =	vst.msk $0xffff, v62;
	s21 =	sshll.u32 s21, $0x4;
	s24 =	sadd.s32 s30, s24  }
0x64: {  	[tilespmem:s23+$0x0 ss:$0x81] =	vst.msk $0xffff, v63;
	s31 =	sand.u32 $0x7, s8;
	s21 =	sadd.s32 s21, s24;
	s22 =	sand.u32 $0x3FFFFFFF, s22  }
0x65: {  	[hbm4b:s21+s31] =	stream.linear.scatter [tilespmem:s20], [sflag:$0x2], s22, $0x20;
	[tilespmem:$0x10100] =	vst v63  }
.LBB1_6:
0x66: {  	_ =	sfence.sel $0x180000  }
0x67: {  	s2 =	simm.s32 $0x1;
	[bflag:$0x0] =	sbarrier.arrive $0xFFFF  }
0x68: {  	s31 =	simm.s32 $0x2;
	[sflag:s2] =	ssyncpa.u1 $0x1  }
0x69: {  	[sflag:s31] =	ssyncpa.u1 $0x1  }
0x6a: {  	p0 =	sne.s32 s1, $0x0;
	_ =	strace $0x9000004A  }
0x6b: {  	s0 =	sadd.s32 @!p0 $0x100000, s0;
	[bflag:$0x2] =	sbarrier.arrive $0xFFFF  }
0x6c: {  	[sflag:s0] =	ssyncadd.tile.s32 @!p0 $0x1;
	_ =	shalt  }
.Lfunc_end1:
_tile_overlayer_lowered:
.L_overlay_start_2:
0x6d: {  	(tag) =	ssettag $0x2  }
0x6e: {  	s0 =	rddreg [dreg:$0x0];
	s2 =	stileid.u32  }
0x6f: {  	s1 =	rddreg [dreg:$0x1];
	p0 =	sne.s32 s2, $0x0  }
0x70: {  	s3 =	rddreg [dreg:$0x2];
	[bflag:$0x3] =	sbarrier.arrive $0xFFFF;
	s2 =	simm.s32 @!p0 $0x1C01  }
0x71: {  	[timem:s3], [sflag:s2] =	dma.local @!p0 [hbm:s0], s1  }
0x72: {  	s0 =	simm.s32 @!p0 $0x1  }
0x73: {  	_ =	swait.ge @!p0 [sflag:s0], s1  }
0x74: {  	s1 =	ssub.s32 @!p0 $0x0, s1;
	[sflag:s0] =	ssyncset.done @!p0 $0x0  }
0x75: {  	[sflag:s0] =	ssyncadd.s32 @!p0 s1  }
0x76: {  	[bflag:$0x3] =	sbarrier.arrive $0xFFFF  }
0x77: {  	_ =	shalt  }

</sc_bundles>
